<compile_context>
chip_gen: v7x
topology: tpu7x:2x2x1
jax: 0.10.2.dev20260603
libtpu: 0.0.44.dev20260713+nightly
codegen_flags: <defaults>
</compile_context>

<pallas_src>
import functools

import jax
import jax.numpy as jnp
from jax import lax
from jax.experimental import pallas as pl
from jax.experimental.pallas import tpu as pltpu
from jax.experimental.pallas import tpu_sc as plsc

_BN = 512
_NW = 32
_L = 16


def _top3_body(q_ref, rt_ref, idx_ref, dst_ref):
    q = q_ref[...]
    rt = rt_ref[...]
    bn = q.shape[0]
    m = rt.shape[1]
    q2 = jnp.sum(q * q, axis=1, keepdims=True)
    r2 = jnp.sum(rt * rt, axis=0, keepdims=True)
    qr = jax.lax.dot_general(q, rt, (((1,), (0,)), ((), ())),
                             preferred_element_type=jnp.float32)
    d2 = q2 + r2 - 2.0 * qr
    dist = jnp.sqrt(jnp.maximum(d2, 1e-12))
    iota = jax.lax.broadcasted_iota(jnp.int32, (bn, m), 1).astype(jnp.float32)
    m_f = jnp.float32(m)
    cur = dist
    idx_cols = []
    dst_cols = []
    for r in range(3):
        dmin = jnp.min(cur, axis=1, keepdims=True)
        hit = cur == dmin
        idx = jnp.min(jnp.where(hit, iota, m_f), axis=1, keepdims=True)
        idx_cols.append(idx)
        dst_cols.append(dmin)
        if r < 2:
            sel = iota == idx
            cur = jnp.where(sel, jnp.float32(jnp.inf), cur)
    idx_ref[...] = jnp.concatenate(idx_cols, axis=1).astype(jnp.int32)
    dst_ref[...] = jnp.concatenate(dst_cols, axis=1)


def _tc_top3(query_points, ref_points):
    n = query_points.shape[0]
    m = ref_points.shape[0]
    rt = ref_points.T
    return pl.pallas_call(
        _top3_body,
        grid=(n // _BN,),
        in_specs=[
            pl.BlockSpec((_BN, 3), lambda i: (i, 0)),
            pl.BlockSpec((3, m), lambda i: (0, 0)),
        ],
        out_specs=[
            pl.BlockSpec((_BN, 3), lambda i: (i, 0)),
            pl.BlockSpec((_BN, 3), lambda i: (i, 0)),
        ],
        out_shape=[
            jax.ShapeDtypeStruct((n, 3), jnp.int32),
            jax.ShapeDtypeStruct((n, 3), jnp.float32),
        ],
    )(query_points, rt)


def _sc_combine(flow_flat, idxs, dsts):
    n = idxs[0].shape[0]
    per_w = n // _NW
    nc = 2

    @functools.partial(
        pl.kernel,
        mesh=plsc.VectorSubcoreMesh(core_axis_name="c", subcore_axis_name="s"),
        compiler_params=pltpu.CompilerParams(needs_layout_passes=False),
        out_type=[jax.ShapeDtypeStruct((n,), jnp.float32)] * 3,
        scratch_types=(
            [pltpu.VMEM((flow_flat.shape[0],), jnp.float32)]
            + [pltpu.VMEM((per_w,), jnp.int32)] * 3
            + [pltpu.VMEM((per_w,), jnp.float32)] * 6
        ),
    )
    def sc_kernel(flow_hbm, i0_h, i1_h, i2_h, d0_h, d1_h, d2_h,
                  o0_h, o1_h, o2_h,
                  table_v, i0_v, i1_v, i2_v, d0_v, d1_v, d2_v,
                  o0_v, o1_v, o2_v):
        wid = lax.axis_index("s") * nc + lax.axis_index("c")
        base = wid * per_w
        iv_refs = (i0_v, i1_v, i2_v)
        dv_refs = (d0_v, d1_v, d2_v)
        ov_refs = (o0_v, o1_v, o2_v)
        pltpu.sync_copy(flow_hbm, table_v)
        for h, v in zip((i0_h, i1_h, i2_h, d0_h, d1_h, d2_h), iv_refs + dv_refs):
            pltpu.sync_copy(h.at[pl.ds(base, per_w)], v)
        for t in range(per_w // _L):
            s = t * _L
            iv = [r[pl.ds(s, _L)] for r in iv_refs]
            dv = [r[pl.ds(s, _L)] for r in dv_refs]
            w = [1.0 / (d + 1e-8) for d in dv]
            inv = 1.0 / (w[0] + w[1] + w[2])
            for c in range(3):
                acc = jnp.zeros((_L,), jnp.float32)
                for j in range(3):
                    g = plsc.load_gather(table_v, [iv[j] * 3 + c])
                    acc = acc + w[j] * g
                ov_refs[c][pl.ds(s, _L)] = acc * inv
        for v, h in zip(ov_refs, (o0_h, o1_h, o2_h)):
            pltpu.sync_copy(v, h.at[pl.ds(base, per_w)])

    return sc_kernel(flow_flat, *idxs, *dsts)


def kernel(query_points, ref_points, ref_flow, k):
    del k
    knn_idx, knn_dst = _tc_top3(query_points, ref_points)
    o0, o1, o2 = _sc_combine(
        ref_flow.reshape(-1),
        tuple(knn_idx[:, j] for j in range(3)),
        tuple(knn_dst[:, j] for j in range(3)),
    )
    return jnp.stack([o0, o1, o2], axis=1)

# --- scband reference (transcript-rebuilt; emitter-appended) ---
"""Pipeline reference for scband-acc-flow-16836271800625 (READ-ONLY COPY).

The authoritative reference and input builder live on the scoring server;
editing this copy changes nothing except your own understanding.
"""

import jax, jax.numpy as jnp
import numpy as np

N = 16384
M = 8192


def setup_inputs(seed: int = 0) -> dict:
    key = jax.random.key(seed)
    k1, k2, k3 = jax.random.split(key, 3)
    query_points = jax.random.normal(k1, (N, 3), dtype=jnp.float32)
    ref_points = jax.random.normal(k2, (M, 3), dtype=jnp.float32)
    ref_flow = jax.random.normal(k3, (M, 3), dtype=jnp.float32)
    return {
        'query_points': query_points,
        'ref_points': ref_points,
        'ref_flow': ref_flow,
        'k': 3,
    }


def _cdist(a, b):
    # Euclidean pairwise distances, matching torch.cdist(a, b)
    a2 = jnp.sum(a * a, axis=1, keepdims=True)            # [N, 1]
    b2 = jnp.sum(b * b, axis=1, keepdims=True).T          # [1, M]
    d2 = a2 + b2 - 2.0 * (a @ b.T)
    d2 = jnp.maximum(d2, 1e-12)
    return jnp.sqrt(d2)


def reference(query_points, ref_points, ref_flow, k):
    # knn_interpolate_flow (pure-pytorch branch), faithful translation
    k_static = query_points.shape[1]
    dist = _cdist(query_points, ref_points)               # [N, M]
    dist = dist + jnp.asarray(k - k, dtype=dist.dtype)
    neg_knn_dist, knn_idx = jax.lax.top_k(-dist, k_static)  # smallest-k
    knn_dist = -neg_knn_dist                              # [N, k]
    weights = 1.0 / (knn_dist + 1e-08)
    weights = weights / jnp.sum(weights, axis=1, keepdims=True)
    knn_flow = ref_flow[knn_idx]                          # [N, k, 3] gather
    interpolated_flow = jnp.sum(weights[..., None] * knn_flow, axis=1)
    return interpolated_flow

if __name__ == "__main__":
    import jax
    _d = setup_inputs()
    print(jax.jit(kernel)(*tuple(_d.values())))

</pallas_src>

<mosaic_0001>
#map = affine_map<(d0, d1) -> (0)>
module attributes {stable_mosaic.version = 14 : i64} {
  func.func @sc_kernel(%arg0: i32, %arg1: i32, %arg2: memref<24576xf32, #tpu.memory_space<hbm>>, %arg3: memref<16384xi32, #tpu.memory_space<hbm>>, %arg4: memref<16384xi32, #tpu.memory_space<hbm>>, %arg5: memref<16384xi32, #tpu.memory_space<hbm>>, %arg6: memref<16384xf32, #tpu.memory_space<hbm>>, %arg7: memref<16384xf32, #tpu.memory_space<hbm>>, %arg8: memref<16384xf32, #tpu.memory_space<hbm>>, %arg9: memref<16384xf32, #tpu.memory_space<hbm>>, %arg10: memref<16384xf32, #tpu.memory_space<hbm>>, %arg11: memref<16384xf32, #tpu.memory_space<hbm>>, %arg12: memref<24576xf32, #tpu.memory_space<vmem>>, %arg13: memref<512xi32, #tpu.memory_space<vmem>>, %arg14: memref<512xi32, #tpu.memory_space<vmem>>, %arg15: memref<512xi32, #tpu.memory_space<vmem>>, %arg16: memref<512xf32, #tpu.memory_space<vmem>>, %arg17: memref<512xf32, #tpu.memory_space<vmem>>, %arg18: memref<512xf32, #tpu.memory_space<vmem>>, %arg19: memref<512xf32, #tpu.memory_space<vmem>>, %arg20: memref<512xf32, #tpu.memory_space<vmem>>, %arg21: memref<512xf32, #tpu.memory_space<vmem>>) attributes {dimension_semantics = [#tpu.dimension_semantics<core_parallel>, #tpu.dimension_semantics<subcore_parallel>], iteration_bounds = array<i64: 2, 16>, scalar_prefetch = 0 : i64, scratch_operands = 10 : i64, tpu.core_type = #tpu.core_type<sc_vector_subcore>, window_params = [{transform_indices = #map}, {transform_indices = #map}, {transform_indices = #map}, {transform_indices = #map}, {transform_indices = #map}, {transform_indices = #map}, {transform_indices = #map}, {transform_indices = #map}, {transform_indices = #map}, {transform_indices = #map}]} {
    %mul3A = arith.constant 2 : i32
    %mul3A_0 = arith.muli %arg1, %mul3A : i32
    %add3A = arith.addi %mul3A_0, %arg0 : i32
    %mul3A_1 = arith.constant 512 : i32
    %mul3A_2 = arith.muli %add3A, %mul3A_1 : i32
    "tpu.region"() ({
      %run_scoped3A = tpu.sem_alloc : memref<!tpu.dma_semaphore, #tpu.memory_space<semaphore_mem>>
      tpu.enqueue_dma source(%arg2 : memref<24576xf32, #tpu.memory_space<hbm>>) target(%arg12 : memref<24576xf32, #tpu.memory_space<vmem>>) target_semaphore(%run_scoped3A : memref<!tpu.dma_semaphore, #tpu.memory_space<semaphore_mem>>)
      tpu.wait_dma2 semaphore(%run_scoped3A : memref<!tpu.dma_semaphore, #tpu.memory_space<semaphore_mem>>) src(%arg2 : memref<24576xf32, #tpu.memory_space<hbm>>) dst(%arg12 : memref<24576xf32, #tpu.memory_space<vmem>>)
      tpu.yield
    }) : () -> ()
    "tpu.region"() ({
      %run_scoped3A = tpu.sem_alloc : memref<!tpu.dma_semaphore, #tpu.memory_space<semaphore_mem>>
      %dma_start3A = tpu.memref_slice %arg3[%mul3A_2] : memref<16384xi32, #tpu.memory_space<hbm>> -> memref<512xi32, #tpu.memory_space<hbm>>
      %dma_start3A_4190 = tpu.memref_slice %arg3[%mul3A_2] : memref<16384xi32, #tpu.memory_space<hbm>> -> memref<512xi32, #tpu.memory_space<hbm>>
      tpu.enqueue_dma source(%dma_start3A_4190 : memref<512xi32, #tpu.memory_space<hbm>>) target(%arg13 : memref<512xi32, #tpu.memory_space<vmem>>) target_semaphore(%run_scoped3A : memref<!tpu.dma_semaphore, #tpu.memory_space<semaphore_mem>>)
      %dma_wait3A = tpu.memref_slice %arg3[%mul3A_2] : memref<16384xi32, #tpu.memory_space<hbm>> -> memref<512xi32, #tpu.memory_space<hbm>>
      %dma_wait3A_4191 = tpu.memref_slice %arg3[%mul3A_2] : memref<16384xi32, #tpu.memory_space<hbm>> -> memref<512xi32, #tpu.memory_space<hbm>>
      tpu.wait_dma2 semaphore(%run_scoped3A : memref<!tpu.dma_semaphore, #tpu.memory_space<semaphore_mem>>) src(%dma_wait3A_4191 : memref<512xi32, #tpu.memory_space<hbm>>) dst(%arg13 : memref<512xi32, #tpu.memory_space<vmem>>)
      tpu.yield
    }) : () -> ()
    "tpu.region"() ({
      %run_scoped3A = tpu.sem_alloc : memref<!tpu.dma_semaphore, #tpu.memory_space<semaphore_mem>>
      %dma_start3A = tpu.memref_slice %arg4[%mul3A_2] : memref<16384xi32, #tpu.memory_space<hbm>> -> memref<512xi32, #tpu.memory_space<hbm>>
      %dma_start3A_4190 = tpu.memref_slice %arg4[%mul3A_2] : memref<16384xi32, #tpu.memory_space<hbm>> -> memref<512xi32, #tpu.memory_space<hbm>>
      tpu.enqueue_dma source(%dma_start3A_4190 : memref<512xi32, #tpu.memory_space<hbm>>) target(%arg14 : memref<512xi32, #tpu.memory_space<vmem>>) target_semaphore(%run_scoped3A : memref<!tpu.dma_semaphore, #tpu.memory_space<semaphore_mem>>)
      %dma_wait3A = tpu.memref_slice %arg4[%mul3A_2] : memref<16384xi32, #tpu.memory_space<hbm>> -> memref<512xi32, #tpu.memory_space<hbm>>
      %dma_wait3A_4191 = tpu.memref_slice %arg4[%mul3A_2] : memref<16384xi32, #tpu.memory_space<hbm>> -> memref<512xi32, #tpu.memory_space<hbm>>
      tpu.wait_dma2 semaphore(%run_scoped3A : memref<!tpu.dma_semaphore, #tpu.memory_space<semaphore_mem>>) src(%dma_wait3A_4191 : memref<512xi32, #tpu.memory_space<hbm>>) dst(%arg14 : memref<512xi32, #tpu.memory_space<vmem>>)
      tpu.yield
    }) : () -> ()
    "tpu.region"() ({
      %run_scoped3A = tpu.sem_alloc : memref<!tpu.dma_semaphore, #tpu.memory_space<semaphore_mem>>
      %dma_start3A = tpu.memref_slice %arg5[%mul3A_2] : memref<16384xi32, #tpu.memory_space<hbm>> -> memref<512xi32, #tpu.memory_space<hbm>>
      %dma_start3A_4190 = tpu.memref_slice %arg5[%mul3A_2] : memref<16384xi32, #tpu.memory_space<hbm>> -> memref<512xi32, #tpu.memory_space<hbm>>
      tpu.enqueue_dma source(%dma_start3A_4190 : memref<512xi32, #tpu.memory_space<hbm>>) target(%arg15 : memref<512xi32, #tpu.memory_space<vmem>>) target_semaphore(%run_scoped3A : memref<!tpu.dma_semaphore, #tpu.memory_space<semaphore_mem>>)
      %dma_wait3A = tpu.memref_slice %arg5[%mul3A_2] : memref<16384xi32, #tpu.memory_space<hbm>> -> memref<512xi32, #tpu.memory_space<hbm>>
      %dma_wait3A_4191 = tpu.memref_slice %arg5[%mul3A_2] : memref<16384xi32, #tpu.memory_space<hbm>> -> memref<512xi32, #tpu.memory_space<hbm>>
      tpu.wait_dma2 semaphore(%run_scoped3A : memref<!tpu.dma_semaphore, #tpu.memory_space<semaphore_mem>>) src(%dma_wait3A_4191 : memref<512xi32, #tpu.memory_space<hbm>>) dst(%arg15 : memref<512xi32, #tpu.memory_space<vmem>>)
      tpu.yield
    }) : () -> ()
    "tpu.region"() ({
      %run_scoped3A = tpu.sem_alloc : memref<!tpu.dma_semaphore, #tpu.memory_space<semaphore_mem>>
      %dma_start3A = tpu.memref_slice %arg6[%mul3A_2] : memref<16384xf32, #tpu.memory_space<hbm>> -> memref<512xf32, #tpu.memory_space<hbm>>
      %dma_start3A_4190 = tpu.memref_slice %arg6[%mul3A_2] : memref<16384xf32, #tpu.memory_space<hbm>> -> memref<512xf32, #tpu.memory_space<hbm>>
      tpu.enqueue_dma source(%dma_start3A_4190 : memref<512xf32, #tpu.memory_space<hbm>>) target(%arg16 : memref<512xf32, #tpu.memory_space<vmem>>) target_semaphore(%run_scoped3A : memref<!tpu.dma_semaphore, #tpu.memory_space<semaphore_mem>>)
      %dma_wait3A = tpu.memref_slice %arg6[%mul3A_2] : memref<16384xf32, #tpu.memory_space<hbm>> -> memref<512xf32, #tpu.memory_space<hbm>>
      %dma_wait3A_4191 = tpu.memref_slice %arg6[%mul3A_2] : memref<16384xf32, #tpu.memory_space<hbm>> -> memref<512xf32, #tpu.memory_space<hbm>>
      tpu.wait_dma2 semaphore(%run_scoped3A : memref<!tpu.dma_semaphore, #tpu.memory_space<semaphore_mem>>) src(%dma_wait3A_4191 : memref<512xf32, #tpu.memory_space<hbm>>) dst(%arg16 : memref<512xf32, #tpu.memory_space<vmem>>)
      tpu.yield
    }) : () -> ()
    "tpu.region"() ({
      %run_scoped3A = tpu.sem_alloc : memref<!tpu.dma_semaphore, #tpu.memory_space<semaphore_mem>>
      %dma_start3A = tpu.memref_slice %arg7[%mul3A_2] : memref<16384xf32, #tpu.memory_space<hbm>> -> memref<512xf32, #tpu.memory_space<hbm>>
      %dma_start3A_4190 = tpu.memref_slice %arg7[%mul3A_2] : memref<16384xf32, #tpu.memory_space<hbm>> -> memref<512xf32, #tpu.memory_space<hbm>>
      tpu.enqueue_dma source(%dma_start3A_4190 : memref<512xf32, #tpu.memory_space<hbm>>) target(%arg17 : memref<512xf32, #tpu.memory_space<vmem>>) target_semaphore(%run_scoped3A : memref<!tpu.dma_semaphore, #tpu.memory_space<semaphore_mem>>)
      %dma_wait3A = tpu.memref_slice %arg7[%mul3A_2] : memref<16384xf32, #tpu.memory_space<hbm>> -> memref<512xf32, #tpu.memory_space<hbm>>
      %dma_wait3A_4191 = tpu.memref_slice %arg7[%mul3A_2] : memref<16384xf32, #tpu.memory_space<hbm>> -> memref<512xf32, #tpu.memory_space<hbm>>
      tpu.wait_dma2 semaphore(%run_scoped3A : memref<!tpu.dma_semaphore, #tpu.memory_space<semaphore_mem>>) src(%dma_wait3A_4191 : memref<512xf32, #tpu.memory_space<hbm>>) dst(%arg17 : memref<512xf32, #tpu.memory_space<vmem>>)
      tpu.yield
    }) : () -> ()
    "tpu.region"() ({
      %run_scoped3A = tpu.sem_alloc : memref<!tpu.dma_semaphore, #tpu.memory_space<semaphore_mem>>
      %dma_start3A = tpu.memref_slice %arg8[%mul3A_2] : memref<16384xf32, #tpu.memory_space<hbm>> -> memref<512xf32, #tpu.memory_space<hbm>>
      %dma_start3A_4190 = tpu.memref_slice %arg8[%mul3A_2] : memref<16384xf32, #tpu.memory_space<hbm>> -> memref<512xf32, #tpu.memory_space<hbm>>
      tpu.enqueue_dma source(%dma_start3A_4190 : memref<512xf32, #tpu.memory_space<hbm>>) target(%arg18 : memref<512xf32, #tpu.memory_space<vmem>>) target_semaphore(%run_scoped3A : memref<!tpu.dma_semaphore, #tpu.memory_space<semaphore_mem>>)
      %dma_wait3A = tpu.memref_slice %arg8[%mul3A_2] : memref<16384xf32, #tpu.memory_space<hbm>> -> memref<512xf32, #tpu.memory_space<hbm>>
      %dma_wait3A_4191 = tpu.memref_slice %arg8[%mul3A_2] : memref<16384xf32, #tpu.memory_space<hbm>> -> memref<512xf32, #tpu.memory_space<hbm>>
      tpu.wait_dma2 semaphore(%run_scoped3A : memref<!tpu.dma_semaphore, #tpu.memory_space<semaphore_mem>>) src(%dma_wait3A_4191 : memref<512xf32, #tpu.memory_space<hbm>>) dst(%arg18 : memref<512xf32, #tpu.memory_space<vmem>>)
      tpu.yield
    }) : () -> ()
    %get3A = arith.constant 0 : index
    %get3A_3 = tpu.vector_load %arg13[%get3A] {strides = array<i32>} : memref<512xi32, #tpu.memory_space<vmem>>, vector<16xi32>,
    %get3A_4 = arith.constant 0 : index
    %get3A_5 = tpu.vector_load %arg14[%get3A_4] {strides = array<i32>} : memref<512xi32, #tpu.memory_space<vmem>>, vector<16xi32>,
    %get3A_6 = arith.constant 0 : index
    %get3A_7 = tpu.vector_load %arg15[%get3A_6] {strides = array<i32>} : memref<512xi32, #tpu.memory_space<vmem>>, vector<16xi32>,
    %get3A_8 = arith.constant 0 : index
    %get3A_9 = tpu.vector_load %arg16[%get3A_8] {strides = array<i32>} : memref<512xf32, #tpu.memory_space<vmem>>, vector<16xf32>,
    %get3A_10 = arith.constant 0 : index
    %get3A_11 = tpu.vector_load %arg17[%get3A_10] {strides = array<i32>} : memref<512xf32, #tpu.memory_space<vmem>>, vector<16xf32>,
    %get3A_12 = arith.constant 0 : index
    %get3A_13 = tpu.vector_load %arg18[%get3A_12] {strides = array<i32>} : memref<512xf32, #tpu.memory_space<vmem>>, vector<16xf32>,
    %add3A_14 = arith.constant 9.99999993E-9 : f32
    %add3A_15 = vector.broadcast %add3A_14 : f32 to vector<16xf32>
    %add3A_16 = arith.addf %get3A_9, %add3A_15 : vector<16xf32>
    %div3A = arith.constant 1.000000e+00 : f32
    %div3A_17 = vector.broadcast %div3A : f32 to vector<16xf32>
    %div3A_18 = arith.divf %div3A_17, %add3A_16 : vector<16xf32>
    %add3A_19 = arith.constant 9.99999993E-9 : f32
    %add3A_20 = vector.broadcast %add3A_19 : f32 to vector<16xf32>
    %add3A_21 = arith.addf %get3A_11, %add3A_20 : vector<16xf32>
    %div3A_22 = arith.constant 1.000000e+00 : f32
    %div3A_23 = vector.broadcast %div3A_22 : f32 to vector<16xf32>
    %div3A_24 = arith.divf %div3A_23, %add3A_21 : vector<16xf32>
    %add3A_25 = arith.constant 9.99999993E-9 : f32
    %add3A_26 = vector.broadcast %add3A_25 : f32 to vector<16xf32>
    %add3A_27 = arith.addf %get3A_13, %add3A_26 : vector<16xf32>
    %div3A_28 = arith.constant 1.000000e+00 : f32
    %div3A_29 = vector.broadcast %div3A_28 : f32 to vector<16xf32>
    %div3A_30 = arith.divf %div3A_29, %add3A_27 : vector<16xf32>
    %add3A_31 = arith.addf %div3A_18, %div3A_24 : vector<16xf32>
    %add3A_32 = arith.addf %add3A_31, %div3A_30 : vector<16xf32>
    %div3A_33 = arith.constant 1.000000e+00 : f32
    %div3A_34 = vector.broadcast %div3A_33 : f32 to vector<16xf32>
    %div3A_35 = arith.divf %div3A_34, %add3A_32 : vector<16xf32>
    %broadcast_in_dim3A = arith.constant 0.000000e+00 : f32
    %broadcast_in_dim3A_36 = vector.broadcast %broadcast_in_dim3A : f32 to vector<16xf32>
    %mul3A_37 = arith.constant 3 : i32
    %mul3A_38 = vector.broadcast %mul3A_37 : i32 to vector<16xi32>
    %mul3A_39 = arith.muli %get3A_3, %mul3A_38 : vector<16xi32>
    %add3A_40 = arith.constant 0 : i32
    %add3A_41 = vector.broadcast %add3A_40 : i32 to vector<16xi32>
    %add3A_42 = arith.addi %mul3A_39, %add3A_41 : vector<16xi32>
    %gather3A = tpu.vector_load_idx %arg12[%add3A_42] : memref<24576xf32, #tpu.memory_space<vmem>>[vector<16xi32>], vector<16xf32>,
    %mul3A_43 = arith.mulf %div3A_18, %gather3A : vector<16xf32>
    %add3A_44 = arith.addf %broadcast_in_dim3A_36, %mul3A_43 : vector<16xf32>
    %mul3A_45 = arith.constant 3 : i32
    %mul3A_46 = vector.broadcast %mul3A_45 : i32 to vector<16xi32>
    %mul3A_47 = arith.muli %get3A_5, %mul3A_46 : vector<16xi32>
    %add3A_48 = arith.constant 0 : i32
    %add3A_49 = vector.broadcast %add3A_48 : i32 to vector<16xi32>
    %add3A_50 = arith.addi %mul3A_47, %add3A_49 : vector<16xi32>
    %gather3A_51 = tpu.vector_load_idx %arg12[%add3A_50] : memref<24576xf32, #tpu.memory_space<vmem>>[vector<16xi32>], vector<16xf32>,
    %mul3A_52 = arith.mulf %div3A_24, %gather3A_51 : vector<16xf32>
    %add3A_53 = arith.addf %add3A_44, %mul3A_52 : vector<16xf32>
    %mul3A_54 = arith.constant 3 : i32
    %mul3A_55 = vector.broadcast %mul3A_54 : i32 to vector<16xi32>
    %mul3A_56 = arith.muli %get3A_7, %mul3A_55 : vector<16xi32>
    %add3A_57 = arith.constant 0 : i32
    %add3A_58 = vector.broadcast %add3A_57 : i32 to vector<16xi32>
    %add3A_59 = arith.addi %mul3A_56, %add3A_58 : vector<16xi32>
    %gather3A_60 = tpu.vector_load_idx %arg12[%add3A_59] : memref<24576xf32, #tpu.memory_space<vmem>>[vector<16xi32>], vector<16xf32>,
    %mul3A_61 = arith.mulf %div3A_30, %gather3A_60 : vector<16xf32>
    %add3A_62 = arith.addf %add3A_53, %mul3A_61 : vector<16xf32>
    %mul3A_63 = arith.mulf %add3A_62, %div3A_35 : vector<16xf32>
    %swap3A = arith.constant 0 : index
    %swap3A_64 = tpu.vector_load %arg19[%swap3A] {strides = array<i32>} : memref<512xf32, #tpu.memory_space<vmem>>, vector<16xf32>,
    tpu.vector_store %arg19[%swap3A], %mul3A_63 {strides = array<i32>} : memref<512xf32, #tpu.memory_space<vmem>>, vector<16xf32>,
    %broadcast_in_dim3A_65 = arith.constant 0.000000e+00 : f32
    %broadcast_in_dim3A_66 = vector.broadcast %broadcast_in_dim3A_65 : f32 to vector<16xf32>
    %mul3A_67 = arith.constant 3 : i32
    %mul3A_68 = vector.broadcast %mul3A_67 : i32 to vector<16xi32>
    %mul3A_69 = arith.muli %get3A_3, %mul3A_68 : vector<16xi32>
    %add3A_70 = arith.constant 1 : i32
    %add3A_71 = vector.broadcast %add3A_70 : i32 to vector<16xi32>
    %add3A_72 = arith.addi %mul3A_69, %add3A_71 : vector<16xi32>
    %gather3A_73 = tpu.vector_load_idx %arg12[%add3A_72] : memref<24576xf32, #tpu.memory_space<vmem>>[vector<16xi32>], vector<16xf32>,
    %mul3A_74 = arith.mulf %div3A_18, %gather3A_73 : vector<16xf32>
    %add3A_75 = arith.addf %broadcast_in_dim3A_66, %mul3A_74 : vector<16xf32>
    %mul3A_76 = arith.constant 3 : i32
    %mul3A_77 = vector.broadcast %mul3A_76 : i32 to vector<16xi32>
    %mul3A_78 = arith.muli %get3A_5, %mul3A_77 : vector<16xi32>
    %add3A_79 = arith.constant 1 : i32
    %add3A_80 = vector.broadcast %add3A_79 : i32 to vector<16xi32>
    %add3A_81 = arith.addi %mul3A_78, %add3A_80 : vector<16xi32>
    %gather3A_82 = tpu.vector_load_idx %arg12[%add3A_81] : memref<24576xf32, #tpu.memory_space<vmem>>[vector<16xi32>], vector<16xf32>,
    %mul3A_83 = arith.mulf %div3A_24, %gather3A_82 : vector<16xf32>
    %add3A_84 = arith.addf %add3A_75, %mul3A_83 : vector<16xf32>
    %mul3A_85 = arith.constant 3 : i32
    %mul3A_86 = vector.broadcast %mul3A_85 : i32 to vector<16xi32>
    %mul3A_87 = arith.muli %get3A_7, %mul3A_86 : vector<16xi32>
    %add3A_88 = arith.constant 1 : i32
    %add3A_89 = vector.broadcast %add3A_88 : i32 to vector<16xi32>
    %add3A_90 = arith.addi %mul3A_87, %add3A_89 : vector<16xi32>
    %gather3A_91 = tpu.vector_load_idx %arg12[%add3A_90] : memref<24576xf32, #tpu.memory_space<vmem>>[vector<16xi32>], vector<16xf32>,
    %mul3A_92 = arith.mulf %div3A_30, %gather3A_91 : vector<16xf32>
    %add3A_93 = arith.addf %add3A_84, %mul3A_92 : vector<16xf32>
    %mul3A_94 = arith.mulf %add3A_93, %div3A_35 : vector<16xf32>
    %swap3A_95 = arith.constant 0 : index
    %swap3A_96 = tpu.vector_load %arg20[%swap3A_95] {strides = array<i32>} : memref<512xf32, #tpu.memory_space<vmem>>, vector<16xf32>,
    tpu.vector_store %arg20[%swap3A_95], %mul3A_94 {strides = array<i32>} : memref<512xf32, #tpu.memory_space<vmem>>, vector<16xf32>,
    %broadcast_in_dim3A_97 = arith.constant 0.000000e+00 : f32
    %broadcast_in_dim3A_98 = vector.broadcast %broadcast_in_dim3A_97 : f32 to vector<16xf32>
    %mul3A_99 = arith.constant 3 : i32
    %mul3A_100 = vector.broadcast %mul3A_99 : i32 to vector<16xi32>
    %mul3A_101 = arith.muli %get3A_3, %mul3A_100 : vector<16xi32>
    %add3A_102 = arith.constant 2 : i32
    %add3A_103 = vector.broadcast %add3A_102 : i32 to vector<16xi32>
    %add3A_104 = arith.addi %mul3A_101, %add3A_103 : vector<16xi32>
    %gather3A_105 = tpu.vector_load_idx %arg12[%add3A_104] : memref<24576xf32, #tpu.memory_space<vmem>>[vector<16xi32>], vector<16xf32>,
    %mul3A_106 = arith.mulf %div3A_18, %gather3A_105 : vector<16xf32>
    %add3A_107 = arith.addf %broadcast_in_dim3A_98, %mul3A_106 : vector<16xf32>
    %mul3A_108 = arith.constant 3 : i32
    %mul3A_109 = vector.broadcast %mul3A_108 : i32 to vector<16xi32>
    %mul3A_110 = arith.muli %get3A_5, %mul3A_109 : vector<16xi32>
    %add3A_111 = arith.constant 2 : i32
    %add3A_112 = vector.broadcast %add3A_111 : i32 to vector<16xi32>
    %add3A_113 = arith.addi %mul3A_110, %add3A_112 : vector<16xi32>
    %gather3A_114 = tpu.vector_load_idx %arg12[%add3A_113] : memref<24576xf32, #tpu.memory_space<vmem>>[vector<16xi32>], vector<16xf32>,
    %mul3A_115 = arith.mulf %div3A_24, %gather3A_114 : vector<16xf32>
    %add3A_116 = arith.addf %add3A_107, %mul3A_115 : vector<16xf32>
    %mul3A_117 = arith.constant 3 : i32
    %mul3A_118 = vector.broadcast %mul3A_117 : i32 to vector<16xi32>
    %mul3A_119 = arith.muli %get3A_7, %mul3A_118 : vector<16xi32>
    %add3A_120 = arith.constant 2 : i32
    %add3A_121 = vector.broadcast %add3A_120 : i32 to vector<16xi32>
    %add3A_122 = arith.addi %mul3A_119, %add3A_121 : vector<16xi32>
    %gather3A_123 = tpu.vector_load_idx %arg12[%add3A_122] : memref<24576xf32, #tpu.memory_space<vmem>>[vector<16xi32>], vector<16xf32>,
    %mul3A_124 = arith.mulf %div3A_30, %gather3A_123 : vector<16xf32>
    %add3A_125 = arith.addf %add3A_116, %mul3A_124 : vector<16xf32>
    %mul3A_126 = arith.mulf %add3A_125, %div3A_35 : vector<16xf32>
    %swap3A_127 = arith.constant 0 : index
    %swap3A_128 = tpu.vector_load %arg21[%swap3A_127] {strides = array<i32>} : memref<512xf32, #tpu.memory_space<vmem>>, vector<16xf32>,
    tpu.vector_store %arg21[%swap3A_127], %mul3A_126 {strides = array<i32>} : memref<512xf32, #tpu.memory_space<vmem>>, vector<16xf32>,
    %get3A_129 = arith.constant 16 : index
    %get3A_130 = tpu.vector_load %arg13[%get3A_129] {strides = array<i32>} : memref<512xi32, #tpu.memory_space<vmem>>, vector<16xi32>,
    %get3A_131 = arith.constant 16 : index
    %get3A_132 = tpu.vector_load %arg14[%get3A_131] {strides = array<i32>} : memref<512xi32, #tpu.memory_space<vmem>>, vector<16xi32>,
    %get3A_133 = arith.constant 16 : index
    %get3A_134 = tpu.vector_load %arg15[%get3A_133] {strides = array<i32>} : memref<512xi32, #tpu.memory_space<vmem>>, vector<16xi32>,
    %get3A_135 = arith.constant 16 : index
    %get3A_136 = tpu.vector_load %arg16[%get3A_135] {strides = array<i32>} : memref<512xf32, #tpu.memory_space<vmem>>, vector<16xf32>,
    %get3A_137 = arith.constant 16 : index
    %get3A_138 = tpu.vector_load %arg17[%get3A_137] {strides = array<i32>} : memref<512xf32, #tpu.memory_space<vmem>>, vector<16xf32>,
    %get3A_139 = arith.constant 16 : index
    %get3A_140 = tpu.vector_load %arg18[%get3A_139] {strides = array<i32>} : memref<512xf32, #tpu.memory_space<vmem>>, vector<16xf32>,
    %add3A_141 = arith.constant 9.99999993E-9 : f32
    %add3A_142 = vector.broadcast %add3A_141 : f32 to vector<16xf32>
    %add3A_143 = arith.addf %get3A_136, %add3A_142 : vector<16xf32>
    %div3A_144 = arith.constant 1.000000e+00 : f32
    %div3A_145 = vector.broadcast %div3A_144 : f32 to vector<16xf32>
    %div3A_146 = arith.divf %div3A_145, %add3A_143 : vector<16xf32>
    %add3A_147 = arith.constant 9.99999993E-9 : f32
    %add3A_148 = vector.broadcast %add3A_147 : f32 to vector<16xf32>
    %add3A_149 = arith.addf %get3A_138, %add3A_148 : vector<16xf32>
    %div3A_150 = arith.constant 1.000000e+00 : f32
    %div3A_151 = vector.broadcast %div3A_150 : f32 to vector<16xf32>
    %div3A_152 = arith.divf %div3A_151, %add3A_149 : vector<16xf32>
    %add3A_153 = arith.constant 9.99999993E-9 : f32
    %add3A_154 = vector.broadcast %add3A_153 : f32 to vector<16xf32>
    %add3A_155 = arith.addf %get3A_140, %add3A_154 : vector<16xf32>
    %div3A_156 = arith.constant 1.000000e+00 : f32
    %div3A_157 = vector.broadcast %div3A_156 : f32 to vector<16xf32>
    %div3A_158 = arith.divf %div3A_157, %add3A_155 : vector<16xf32>
    %add3A_159 = arith.addf %div3A_146, %div3A_152 : vector<16xf32>
    %add3A_160 = arith.addf %add3A_159, %div3A_158 : vector<16xf32>
    %div3A_161 = arith.constant 1.000000e+00 : f32
    %div3A_162 = vector.broadcast %div3A_161 : f32 to vector<16xf32>
    %div3A_163 = arith.divf %div3A_162, %add3A_160 : vector<16xf32>
    %broadcast_in_dim3A_164 = arith.constant 0.000000e+00 : f32
    %broadcast_in_dim3A_165 = vector.broadcast %broadcast_in_dim3A_164 : f32 to vector<16xf32>
    %mul3A_166 = arith.constant 3 : i32
    %mul3A_167 = vector.broadcast %mul3A_166 : i32 to vector<16xi32>
    %mul3A_168 = arith.muli %get3A_130, %mul3A_167 : vector<16xi32>
    %add3A_169 = arith.constant 0 : i32
    %add3A_170 = vector.broadcast %add3A_169 : i32 to vector<16xi32>
    %add3A_171 = arith.addi %mul3A_168, %add3A_170 : vector<16xi32>
    %gather3A_172 = tpu.vector_load_idx %arg12[%add3A_171] : memref<24576xf32, #tpu.memory_space<vmem>>[vector<16xi32>], vector<16xf32>,
    %mul3A_173 = arith.mulf %div3A_146, %gather3A_172 : vector<16xf32>
    %add3A_174 = arith.addf %broadcast_in_dim3A_165, %mul3A_173 : vector<16xf32>
    %mul3A_175 = arith.constant 3 : i32
    %mul3A_176 = vector.broadcast %mul3A_175 : i32 to vector<16xi32>
    %mul3A_177 = arith.muli %get3A_132, %mul3A_176 : vector<16xi32>
    %add3A_178 = arith.constant 0 : i32
    %add3A_179 = vector.broadcast %add3A_178 : i32 to vector<16xi32>
    %add3A_180 = arith.addi %mul3A_177, %add3A_179 : vector<16xi32>
    %gather3A_181 = tpu.vector_load_idx %arg12[%add3A_180] : memref<24576xf32, #tpu.memory_space<vmem>>[vector<16xi32>], vector<16xf32>,
    %mul3A_182 = arith.mulf %div3A_152, %gather3A_181 : vector<16xf32>
    %add3A_183 = arith.addf %add3A_174, %mul3A_182 : vector<16xf32>
    %mul3A_184 = arith.constant 3 : i32
    %mul3A_185 = vector.broadcast %mul3A_184 : i32 to vector<16xi32>
    %mul3A_186 = arith.muli %get3A_134, %mul3A_185 : vector<16xi32>
    %add3A_187 = arith.constant 0 : i32
    %add3A_188 = vector.broadcast %add3A_187 : i32 to vector<16xi32>
    %add3A_189 = arith.addi %mul3A_186, %add3A_188 : vector<16xi32>
    %gather3A_190 = tpu.vector_load_idx %arg12[%add3A_189] : memref<24576xf32, #tpu.memory_space<vmem>>[vector<16xi32>], vector<16xf32>,
    %mul3A_191 = arith.mulf %div3A_158, %gather3A_190 : vector<16xf32>
    %add3A_192 = arith.addf %add3A_183, %mul3A_191 : vector<16xf32>
    %mul3A_193 = arith.mulf %add3A_192, %div3A_163 : vector<16xf32>
    %swap3A_194 = arith.constant 16 : index
    %swap3A_195 = tpu.vector_load %arg19[%swap3A_194] {strides = array<i32>} : memref<512xf32, #tpu.memory_space<vmem>>, vector<16xf32>,
    tpu.vector_store %arg19[%swap3A_194], %mul3A_193 {strides = array<i32>} : memref<512xf32, #tpu.memory_space<vmem>>, vector<16xf32>,
    %broadcast_in_dim3A_196 = arith.constant 0.000000e+00 : f32
    %broadcast_in_dim3A_197 = vector.broadcast %broadcast_in_dim3A_196 : f32 to vector<16xf32>
    %mul3A_198 = arith.constant 3 : i32
    %mul3A_199 = vector.broadcast %mul3A_198 : i32 to vector<16xi32>
    %mul3A_200 = arith.muli %get3A_130, %mul3A_199 : vector<16xi32>
    %add3A_201 = arith.constant 1 : i32
    %add3A_202 = vector.broadcast %add3A_201 : i32 to vector<16xi32>
    %add3A_203 = arith.addi %mul3A_200, %add3A_202 : vector<16xi32>
    %gather3A_204 = tpu.vector_load_idx %arg12[%add3A_203] : memref<24576xf32, #tpu.memory_space<vmem>>[vector<16xi32>], vector<16xf32>,
    %mul3A_205 = arith.mulf %div3A_146, %gather3A_204 : vector<16xf32>
    %add3A_206 = arith.addf %broadcast_in_dim3A_197, %mul3A_205 : vector<16xf32>
    %mul3A_207 = arith.constant 3 : i32
    %mul3A_208 = vector.broadcast %mul3A_207 : i32 to vector<16xi32>
    %mul3A_209 = arith.muli %get3A_132, %mul3A_208 : vector<16xi32>
    %add3A_210 = arith.constant 1 : i32
    %add3A_211 = vector.broadcast %add3A_210 : i32 to vector<16xi32>
    %add3A_212 = arith.addi %mul3A_209, %add3A_211 : vector<16xi32>
    %gather3A_213 = tpu.vector_load_idx %arg12[%add3A_212] : memref<24576xf32, #tpu.memory_space<vmem>>[vector<16xi32>], vector<16xf32>,
    %mul3A_214 = arith.mulf %div3A_152, %gather3A_213 : vector<16xf32>
    %add3A_215 = arith.addf %add3A_206, %mul3A_214 : vector<16xf32>
    %mul3A_216 = arith.constant 3 : i32
    %mul3A_217 = vector.broadcast %mul3A_216 : i32 to vector<16xi32>
    %mul3A_218 = arith.muli %get3A_134, %mul3A_217 : vector<16xi32>
    %add3A_219 = arith.constant 1 : i32
    %add3A_220 = vector.broadcast %add3A_219 : i32 to vector<16xi32>
    %add3A_221 = arith.addi %mul3A_218, %add3A_220 : vector<16xi32>
    %gather3A_222 = tpu.vector_load_idx %arg12[%add3A_221] : memref<24576xf32, #tpu.memory_space<vmem>>[vector<16xi32>], vector<16xf32>,
    %mul3A_223 = arith.mulf %div3A_158, %gather3A_222 : vector<16xf32>
    %add3A_224 = arith.addf %add3A_215, %mul3A_223 : vector<16xf32>
    %mul3A_225 = arith.mulf %add3A_224, %div3A_163 : vector<16xf32>
    %swap3A_226 = arith.constant 16 : index
    %swap3A_227 = tpu.vector_load %arg20[%swap3A_226] {strides = array<i32>} : memref<512xf32, #tpu.memory_space<vmem>>, vector<16xf32>,
    tpu.vector_store %arg20[%swap3A_226], %mul3A_225 {strides = array<i32>} : memref<512xf32, #tpu.memory_space<vmem>>, vector<16xf32>,
    %broadcast_in_dim3A_228 = arith.constant 0.000000e+00 : f32
    %broadcast_in_dim3A_229 = vector.broadcast %broadcast_in_dim3A_228 : f32 to vector<16xf32>
    %mul3A_230 = arith.constant 3 : i32
    %mul3A_231 = vector.broadcast %mul3A_230 : i32 to vector<16xi32>
    %mul3A_232 = arith.muli %get3A_130, %mul3A_231 : vector<16xi32>
    %add3A_233 = arith.constant 2 : i32
    %add3A_234 = vector.broadcast %add3A_233 : i32 to vector<16xi32>
    %add3A_235 = arith.addi %mul3A_232, %add3A_234 : vector<16xi32>
    %gather3A_236 = tpu.vector_load_idx %arg12[%add3A_235] : memref<24576xf32, #tpu.memory_space<vmem>>[vector<16xi32>], vector<16xf32>,
    %mul3A_237 = arith.mulf %div3A_146, %gather3A_236 : vector<16xf32>
    %add3A_238 = arith.addf %broadcast_in_dim3A_229, %mul3A_237 : vector<16xf32>
    %mul3A_239 = arith.constant 3 : i32
    %mul3A_240 = vector.broadcast %mul3A_239 : i32 to vector<16xi32>
    %mul3A_241 = arith.muli %get3A_132, %mul3A_240 : vector<16xi32>
    %add3A_242 = arith.constant 2 : i32
    %add3A_243 = vector.broadcast %add3A_242 : i32 to vector<16xi32>
    %add3A_244 = arith.addi %mul3A_241, %add3A_243 : vector<16xi32>
    %gather3A_245 = tpu.vector_load_idx %arg12[%add3A_244] : memref<24576xf32, #tpu.memory_space<vmem>>[vector<16xi32>], vector<16xf32>,
    %mul3A_246 = arith.mulf %div3A_152, %gather3A_245 : vector<16xf32>
    %add3A_247 = arith.addf %add3A_238, %mul3A_246 : vector<16xf32>
    %mul3A_248 = arith.constant 3 : i32
    %mul3A_249 = vector.broadcast %mul3A_248 : i32 to vector<16xi32>
    %mul3A_250 = arith.muli %get3A_134, %mul3A_249 : vector<16xi32>
    %add3A_251 = arith.constant 2 : i32
    %add3A_252 = vector.broadcast %add3A_251 : i32 to vector<16xi32>
    %add3A_253 = arith.addi %mul3A_250, %add3A_252 : vector<16xi32>
    %gather3A_254 = tpu.vector_load_idx %arg12[%add3A_253] : memref<24576xf32, #tpu.memory_space<vmem>>[vector<16xi32>], vector<16xf32>,
    %mul3A_255 = arith.mulf %div3A_158, %gather3A_254 : vector<16xf32>
    %add3A_256 = arith.addf %add3A_247, %mul3A_255 : vector<16xf32>
    %mul3A_257 = arith.mulf %add3A_256, %div3A_163 : vector<16xf32>
    %swap3A_258 = arith.constant 16 : index
    %swap3A_259 = tpu.vector_load %arg21[%swap3A_258] {strides = array<i32>} : memref<512xf32, #tpu.memory_space<vmem>>, vector<16xf32>,
    tpu.vector_store %arg21[%swap3A_258], %mul3A_257 {strides = array<i32>} : memref<512xf32, #tpu.memory_space<vmem>>, vector<16xf32>,
    %get3A_260 = arith.constant 32 : index
    %get3A_261 = tpu.vector_load %arg13[%get3A_260] {strides = array<i32>} : memref<512xi32, #tpu.memory_space<vmem>>, vector<16xi32>,
    %get3A_262 = arith.constant 32 : index
    %get3A_263 = tpu.vector_load %arg14[%get3A_262] {strides = array<i32>} : memref<512xi32, #tpu.memory_space<vmem>>, vector<16xi32>,
    %get3A_264 = arith.constant 32 : index
    %get3A_265 = tpu.vector_load %arg15[%get3A_264] {strides = array<i32>} : memref<512xi32, #tpu.memory_space<vmem>>, vector<16xi32>,
    %get3A_266 = arith.constant 32 : index
    %get3A_267 = tpu.vector_load %arg16[%get3A_266] {strides = array<i32>} : memref<512xf32, #tpu.memory_space<vmem>>, vector<16xf32>,
    %get3A_268 = arith.constant 32 : index
    %get3A_269 = tpu.vector_load %arg17[%get3A_268] {strides = array<i32>} : memref<512xf32, #tpu.memory_space<vmem>>, vector<16xf32>,
    %get3A_270 = arith.constant 32 : index
    %get3A_271 = tpu.vector_load %arg18[%get3A_270] {strides = array<i32>} : memref<512xf32, #tpu.memory_space<vmem>>, vector<16xf32>,
    %add3A_272 = arith.constant 9.99999993E-9 : f32
    %add3A_273 = vector.broadcast %add3A_272 : f32 to vector<16xf32>
    %add3A_274 = arith.addf %get3A_267, %add3A_273 : vector<16xf32>
    %div3A_275 = arith.constant 1.000000e+00 : f32
    %div3A_276 = vector.broadcast %div3A_275 : f32 to vector<16xf32>
    %div3A_277 = arith.divf %div3A_276, %add3A_274 : vector<16xf32>
    %add3A_278 = arith.constant 9.99999993E-9 : f32
    %add3A_279 = vector.broadcast %add3A_278 : f32 to vector<16xf32>
    %add3A_280 = arith.addf %get3A_269, %add3A_279 : vector<16xf32>
    %div3A_281 = arith.constant 1.000000e+00 : f32
    %div3A_282 = vector.broadcast %div3A_281 : f32 to vector<16xf32>
    %div3A_283 = arith.divf %div3A_282, %add3A_280 : vector<16xf32>
    %add3A_284 = arith.constant 9.99999993E-9 : f32
    %add3A_285 = vector.broadcast %add3A_284 : f32 to vector<16xf32>
    %add3A_286 = arith.addf %get3A_271, %add3A_285 : vector<16xf32>
    %div3A_287 = arith.constant 1.000000e+00 : f32
    %div3A_288 = vector.broadcast %div3A_287 : f32 to vector<16xf32>
    %div3A_289 = arith.divf %div3A_288, %add3A_286 : vector<16xf32>
    %add3A_290 = arith.addf %div3A_277, %div3A_283 : vector<16xf32>
    %add3A_291 = arith.addf %add3A_290, %div3A_289 : vector<16xf32>
    %div3A_292 = arith.constant 1.000000e+00 : f32
    %div3A_293 = vector.broadcast %div3A_292 : f32 to vector<16xf32>
    %div3A_294 = arith.divf %div3A_293, %add3A_291 : vector<16xf32>
    %broadcast_in_dim3A_295 = arith.constant 0.000000e+00 : f32
    %broadcast_in_dim3A_296 = vector.broadcast %broadcast_in_dim3A_295 : f32 to vector<16xf32>
    %mul3A_297 = arith.constant 3 : i32
    %mul3A_298 = vector.broadcast %mul3A_297 : i32 to vector<16xi32>
    %mul3A_299 = arith.muli %get3A_261, %mul3A_298 : vector<16xi32>
    %add3A_300 = arith.constant 0 : i32
    %add3A_301 = vector.broadcast %add3A_300 : i32 to vector<16xi32>
    %add3A_302 = arith.addi %mul3A_299, %add3A_301 : vector<16xi32>
    %gather3A_303 = tpu.vector_load_idx %arg12[%add3A_302] : memref<24576xf32, #tpu.memory_space<vmem>>[vector<16xi32>], vector<16xf32>,
    %mul3A_304 = arith.mulf %div3A_277, %gather3A_303 : vector<16xf32>
    %add3A_305 = arith.addf %broadcast_in_dim3A_296, %mul3A_304 : vector<16xf32>
    %mul3A_306 = arith.constant 3 : i32
    %mul3A_307 = vector.broadcast %mul3A_306 : i32 to vector<16xi32>
    %mul3A_308 = arith.muli %get3A_263, %mul3A_307 : vector<16xi32>
    %add3A_309 = arith.constant 0 : i32
    %add3A_310 = vector.broadcast %add3A_309 : i32 to vector<16xi32>
    %add3A_311 = arith.addi %mul3A_308, %add3A_310 : vector<16xi32>
    %gather3A_312 = tpu.vector_load_idx %arg12[%add3A_311] : memref<24576xf32, #tpu.memory_space<vmem>>[vector<16xi32>], vector<16xf32>,
    %mul3A_313 = arith.mulf %div3A_283, %gather3A_312 : vector<16xf32>
    %add3A_314 = arith.addf %add3A_305, %mul3A_313 : vector<16xf32>
    %mul3A_315 = arith.constant 3 : i32
    %mul3A_316 = vector.broadcast %mul3A_315 : i32 to vector<16xi32>
    %mul3A_317 = arith.muli %get3A_265, %mul3A_316 : vector<16xi32>
    %add3A_318 = arith.constant 0 : i32
    %add3A_319 = vector.broadcast %add3A_318 : i32 to vector<16xi32>
    %add3A_320 = arith.addi %mul3A_317, %add3A_319 : vector<16xi32>
    %gather3A_321 = tpu.vector_load_idx %arg12[%add3A_320] : memref<24576xf32, #tpu.memory_space<vmem>>[vector<16xi32>], vector<16xf32>,
    %mul3A_322 = arith.mulf %div3A_289, %gather3A_321 : vector<16xf32>
    %add3A_323 = arith.addf %add3A_314, %mul3A_322 : vector<16xf32>
    %mul3A_324 = arith.mulf %add3A_323, %div3A_294 : vector<16xf32>
    %swap3A_325 = arith.constant 32 : index
    %swap3A_326 = tpu.vector_load %arg19[%swap3A_325] {strides = array<i32>} : memref<512xf32, #tpu.memory_space<vmem>>, vector<16xf32>,
    tpu.vector_store %arg19[%swap3A_325], %mul3A_324 {strides = array<i32>} : memref<512xf32, #tpu.memory_space<vmem>>, vector<16xf32>,
    %broadcast_in_dim3A_327 = arith.constant 0.000000e+00 : f32
    %broadcast_in_dim3A_328 = vector.broadcast %broadcast_in_dim3A_327 : f32 to vector<16xf32>
    %mul3A_329 = arith.constant 3 : i32
    %mul3A_330 = vector.broadcast %mul3A_329 : i32 to vector<16xi32>
    %mul3A_331 = arith.muli %get3A_261, %mul3A_330 : vector<16xi32>
    %add3A_332 = arith.constant 1 : i32
    %add3A_333 = vector.broadcast %add3A_332 : i32 to vector<16xi32>
    %add3A_334 = arith.addi %mul3A_331, %add3A_333 : vector<16xi32>
    %gather3A_335 = tpu.vector_load_idx %arg12[%add3A_334] : memref<24576xf32, #tpu.memory_space<vmem>>[vector<16xi32>], vector<16xf32>,
    %mul3A_336 = arith.mulf %div3A_277, %gather3A_335 : vector<16xf32>
    %add3A_337 = arith.addf %broadcast_in_dim3A_328, %mul3A_336 : vector<16xf32>
    %mul3A_338 = arith.constant 3 : i32
    %mul3A_339 = vector.broadcast %mul3A_338 : i32 to vector<16xi32>
    %mul3A_340 = arith.muli %get3A_263, %mul3A_339 : vector<16xi32>
    %add3A_341 = arith.constant 1 : i32
    %add3A_342 = vector.broadcast %add3A_341 : i32 to vector<16xi32>
    %add3A_343 = arith.addi %mul3A_340, %add3A_342 : vector<16xi32>
    %gather3A_344 = tpu.vector_load_idx %arg12[%add3A_343] : memref<24576xf32, #tpu.memory_space<vmem>>[vector<16xi32>], vector<16xf32>,
    %mul3A_345 = arith.mulf %div3A_283, %gather3A_344 : vector<16xf32>
    %add3A_346 = arith.addf %add3A_337, %mul3A_345 : vector<16xf32>
    %mul3A_347 = arith.constant 3 : i32
    %mul3A_348 = vector.broadcast %mul3A_347 : i32 to vector<16xi32>
    %mul3A_349 = arith.muli %get3A_265, %mul3A_348 : vector<16xi32>
    %add3A_350 = arith.constant 1 : i32
    %add3A_351 = vector.broadcast %add3A_350 : i32 to vector<16xi32>
    %add3A_352 = arith.addi %mul3A_349, %add3A_351 : vector<16xi32>
    %gather3A_353 = tpu.vector_load_idx %arg12[%add3A_352] : memref<24576xf32, #tpu.memory_space<vmem>>[vector<16xi32>], vector<16xf32>,
    %mul3A_354 = arith.mulf %div3A_289, %gather3A_353 : vector<16xf32>
    %add3A_355 = arith.addf %add3A_346, %mul3A_354 : vector<16xf32>
    %mul3A_356 = arith.mulf %add3A_355, %div3A_294 : vector<16xf32>
    %swap3A_357 = arith.constant 32 : index
    %swap3A_358 = tpu.vector_load %arg20[%swap3A_357] {strides = array<i32>} : memref<512xf32, #tpu.memory_space<vmem>>, vector<16xf32>,
    tpu.vector_store %arg20[%swap3A_357], %mul3A_356 {strides = array<i32>} : memref<512xf32, #tpu.memory_space<vmem>>, vector<16xf32>,
    %broadcast_in_dim3A_359 = arith.constant 0.000000e+00 : f32
    %broadcast_in_dim3A_360 = vector.broadcast %broadcast_in_dim3A_359 : f32 to vector<16xf32>
    %mul3A_361 = arith.constant 3 : i32
    %mul3A_362 = vector.broadcast %mul3A_361 : i32 to vector<16xi32>
    %mul3A_363 = arith.muli %get3A_261, %mul3A_362 : vector<16xi32>
    %add3A_364 = arith.constant 2 : i32
    %add3A_365 = vector.broadcast %add3A_364 : i32 to vector<16xi32>
    %add3A_366 = arith.addi %mul3A_363, %add3A_365 : vector<16xi32>
    %gather3A_367 = tpu.vector_load_idx %arg12[%add3A_366] : memref<24576xf32, #tpu.memory_space<vmem>>[vector<16xi32>], vector<16xf32>,
    %mul3A_368 = arith.mulf %div3A_277, %gather3A_367 : vector<16xf32>
    %add3A_369 = arith.addf %broadcast_in_dim3A_360, %mul3A_368 : vector<16xf32>
    %mul3A_370 = arith.constant 3 : i32
    %mul3A_371 = vector.broadcast %mul3A_370 : i32 to vector<16xi32>
    %mul3A_372 = arith.muli %get3A_263, %mul3A_371 : vector<16xi32>
    %add3A_373 = arith.constant 2 : i32
    %add3A_374 = vector.broadcast %add3A_373 : i32 to vector<16xi32>
    %add3A_375 = arith.addi %mul3A_372, %add3A_374 : vector<16xi32>
    %gather3A_376 = tpu.vector_load_idx %arg12[%add3A_375] : memref<24576xf32, #tpu.memory_space<vmem>>[vector<16xi32>], vector<16xf32>,
    %mul3A_377 = arith.mulf %div3A_283, %gather3A_376 : vector<16xf32>
    %add3A_378 = arith.addf %add3A_369, %mul3A_377 : vector<16xf32>
    %mul3A_379 = arith.constant 3 : i32
    %mul3A_380 = vector.broadcast %mul3A_379 : i32 to vector<16xi32>
    %mul3A_381 = arith.muli %get3A_265, %mul3A_380 : vector<16xi32>
    %add3A_382 = arith.constant 2 : i32
    %add3A_383 = vector.broadcast %add3A_382 : i32 to vector<16xi32>
    %add3A_384 = arith.addi %mul3A_381, %add3A_383 : vector<16xi32>
    %gather3A_385 = tpu.vector_load_idx %arg12[%add3A_384] : memref<24576xf32, #tpu.memory_space<vmem>>[vector<16xi32>], vector<16xf32>,
    %mul3A_386 = arith.mulf %div3A_289, %gather3A_385 : vector<16xf32>
    %add3A_387 = arith.addf %add3A_378, %mul3A_386 : vector<16xf32>
    %mul3A_388 = arith.mulf %add3A_387, %div3A_294 : vector<16xf32>
    %swap3A_389 = arith.constant 32 : index
    %swap3A_390 = tpu.vector_load %arg21[%swap3A_389] {strides = array<i32>} : memref<512xf32, #tpu.memory_space<vmem>>, vector<16xf32>,
    tpu.vector_store %arg21[%swap3A_389], %mul3A_388 {strides = array<i32>} : memref<512xf32, #tpu.memory_space<vmem>>, vector<16xf32>,
    %get3A_391 = arith.constant 48 : index
    %get3A_392 = tpu.vector_load %arg13[%get3A_391] {strides = array<i32>} : memref<512xi32, #tpu.memory_space<vmem>>, vector<16xi32>,
    %get3A_393 = arith.constant 48 : index
    %get3A_394 = tpu.vector_load %arg14[%get3A_393] {strides = array<i32>} : memref<512xi32, #tpu.memory_space<vmem>>, vector<16xi32>,
    %get3A_395 = arith.constant 48 : index
    %get3A_396 = tpu.vector_load %arg15[%get3A_395] {strides = array<i32>} : memref<512xi32, #tpu.memory_space<vmem>>, vector<16xi32>,
    %get3A_397 = arith.constant 48 : index
    %get3A_398 = tpu.vector_load %arg16[%get3A_397] {strides = array<i32>} : memref<512xf32, #tpu.memory_space<vmem>>, vector<16xf32>,
    %get3A_399 = arith.constant 48 : index
    %get3A_400 = tpu.vector_load %arg17[%get3A_399] {strides = array<i32>} : memref<512xf32, #tpu.memory_space<vmem>>, vector<16xf32>,
    %get3A_401 = arith.constant 48 : index
    %get3A_402 = tpu.vector_load %arg18[%get3A_401] {strides = array<i32>} : memref<512xf32, #tpu.memory_space<vmem>>, vector<16xf32>,
    %add3A_403 = arith.constant 9.99999993E-9 : f32
    %add3A_404 = vector.broadcast %add3A_403 : f32 to vector<16xf32>
    %add3A_405 = arith.addf %get3A_398, %add3A_404 : vector<16xf32>
    %div3A_406 = arith.constant 1.000000e+00 : f32
    %div3A_407 = vector.broadcast %div3A_406 : f32 to vector<16xf32>
    %div3A_408 = arith.divf %div3A_407, %add3A_405 : vector<16xf32>
    %add3A_409 = arith.constant 9.99999993E-9 : f32
    %add3A_410 = vector.broadcast %add3A_409 : f32 to vector<16xf32>
    %add3A_411 = arith.addf %get3A_400, %add3A_410 : vector<16xf32>
    %div3A_412 = arith.constant 1.000000e+00 : f32
    %div3A_413 = vector.broadcast %div3A_412 : f32 to vector<16xf32>
    %div3A_414 = arith.divf %div3A_413, %add3A_411 : vector<16xf32>
    %add3A_415 = arith.constant 9.99999993E-9 : f32
    %add3A_416 = vector.broadcast %add3A_415 : f32 to vector<16xf32>
    %add3A_417 = arith.addf %get3A_402, %add3A_416 : vector<16xf32>
    %div3A_418 = arith.constant 1.000000e+00 : f32
    %div3A_419 = vector.broadcast %div3A_418 : f32 to vector<16xf32>
    %div3A_420 = arith.divf %div3A_419, %add3A_417 : vector<16xf32>
    %add3A_421 = arith.addf %div3A_408, %div3A_414 : vector<16xf32>
    %add3A_422 = arith.addf %add3A_421, %div3A_420 : vector<16xf32>
    %div3A_423 = arith.constant 1.000000e+00 : f32
    %div3A_424 = vector.broadcast %div3A_423 : f32 to vector<16xf32>
    %div3A_425 = arith.divf %div3A_424, %add3A_422 : vector<16xf32>
    %broadcast_in_dim3A_426 = arith.constant 0.000000e+00 : f32
    %broadcast_in_dim3A_427 = vector.broadcast %broadcast_in_dim3A_426 : f32 to vector<16xf32>
    %mul3A_428 = arith.constant 3 : i32
    %mul3A_429 = vector.broadcast %mul3A_428 : i32 to vector<16xi32>
    %mul3A_430 = arith.muli %get3A_392, %mul3A_429 : vector<16xi32>
    %add3A_431 = arith.constant 0 : i32
    %add3A_432 = vector.broadcast %add3A_431 : i32 to vector<16xi32>
    %add3A_433 = arith.addi %mul3A_430, %add3A_432 : vector<16xi32>
    %gather3A_434 = tpu.vector_load_idx %arg12[%add3A_433] : memref<24576xf32, #tpu.memory_space<vmem>>[vector<16xi32>], vector<16xf32>,
    %mul3A_435 = arith.mulf %div3A_408, %gather3A_434 : vector<16xf32>
    %add3A_436 = arith.addf %broadcast_in_dim3A_427, %mul3A_435 : vector<16xf32>
    %mul3A_437 = arith.constant 3 : i32
    %mul3A_438 = vector.broadcast %mul3A_437 : i32 to vector<16xi32>
    %mul3A_439 = arith.muli %get3A_394, %mul3A_438 : vector<16xi32>
    %add3A_440 = arith.constant 0 : i32
    %add3A_441 = vector.broadcast %add3A_440 : i32 to vector<16xi32>
    %add3A_442 = arith.addi %mul3A_439, %add3A_441 : vector<16xi32>
    %gather3A_443 = tpu.vector_load_idx %arg12[%add3A_442] : memref<24576xf32, #tpu.memory_space<vmem>>[vector<16xi32>], vector<16xf32>,
    %mul3A_444 = arith.mulf %div3A_414, %gather3A_443 : vector<16xf32>
    %add3A_445 = arith.addf %add3A_436, %mul3A_444 : vector<16xf32>
    %mul3A_446 = arith.constant 3 : i32
    %mul3A_447 = vector.broadcast %mul3A_446 : i32 to vector<16xi32>
    %mul3A_448 = arith.muli %get3A_396, %mul3A_447 : vector<16xi32>
    %add3A_449 = arith.constant 0 : i32
    %add3A_450 = vector.broadcast %add3A_449 : i32 to vector<16xi32>
    %add3A_451 = arith.addi %mul3A_448, %add3A_450 : vector<16xi32>
    %gather3A_452 = tpu.vector_load_idx %arg12[%add3A_451] : memref<24576xf32, #tpu.memory_space<vmem>>[vector<16xi32>], vector<16xf32>,
    %mul3A_453 = arith.mulf %div3A_420, %gather3A_452 : vector<16xf32>
    %add3A_454 = arith.addf %add3A_445, %mul3A_453 : vector<16xf32>
    %mul3A_455 = arith.mulf %add3A_454, %div3A_425 : vector<16xf32>
    %swap3A_456 = arith.constant 48 : index
    %swap3A_457 = tpu.vector_load %arg19[%swap3A_456] {strides = array<i32>} : memref<512xf32, #tpu.memory_space<vmem>>, vector<16xf32>,
    tpu.vector_store %arg19[%swap3A_456], %mul3A_455 {strides = array<i32>} : memref<512xf32, #tpu.memory_space<vmem>>, vector<16xf32>,
    %broadcast_in_dim3A_458 = arith.constant 0.000000e+00 : f32
    %broadcast_in_dim3A_459 = vector.broadcast %broadcast_in_dim3A_458 : f32 to vector<16xf32>
    %mul3A_460 = arith.constant 3 : i32
    %mul3A_461 = vector.broadcast %mul3A_460 : i32 to vector<16xi32>
    %mul3A_462 = arith.muli %get3A_392, %mul3A_461 : vector<16xi32>
    %add3A_463 = arith.constant 1 : i32
    %add3A_464 = vector.broadcast %add3A_463 : i32 to vector<16xi32>
    %add3A_465 = arith.addi %mul3A_462, %add3A_464 : vector<16xi32>
    %gather3A_466 = tpu.vector_load_idx %arg12[%add3A_465] : memref<24576xf32, #tpu.memory_space<vmem>>[vector<16xi32>], vector<16xf32>,
    %mul3A_467 = arith.mulf %div3A_408, %gather3A_466 : vector<16xf32>
    %add3A_468 = arith.addf %broadcast_in_dim3A_459, %mul3A_467 : vector<16xf32>
    %mul3A_469 = arith.constant 3 : i32
    %mul3A_470 = vector.broadcast %mul3A_469 : i32 to vector<16xi32>
    %mul3A_471 = arith.muli %get3A_394, %mul3A_470 : vector<16xi32>
    %add3A_472 = arith.constant 1 : i32
    %add3A_473 = vector.broadcast %add3A_472 : i32 to vector<16xi32>
    %add3A_474 = arith.addi %mul3A_471, %add3A_473 : vector<16xi32>
    %gather3A_475 = tpu.vector_load_idx %arg12[%add3A_474] : memref<24576xf32, #tpu.memory_space<vmem>>[vector<16xi32>], vector<16xf32>,
    %mul3A_476 = arith.mulf %div3A_414, %gather3A_475 : vector<16xf32>
    %add3A_477 = arith.addf %add3A_468, %mul3A_476 : vector<16xf32>
    %mul3A_478 = arith.constant 3 : i32
    %mul3A_479 = vector.broadcast %mul3A_478 : i32 to vector<16xi32>
    %mul3A_480 = arith.muli %get3A_396, %mul3A_479 : vector<16xi32>
    %add3A_481 = arith.constant 1 : i32
    %add3A_482 = vector.broadcast %add3A_481 : i32 to vector<16xi32>
    %add3A_483 = arith.addi %mul3A_480, %add3A_482 : vector<16xi32>
    %gather3A_484 = tpu.vector_load_idx %arg12[%add3A_483] : memref<24576xf32, #tpu.memory_space<vmem>>[vector<16xi32>], vector<16xf32>,
    %mul3A_485 = arith.mulf %div3A_420, %gather3A_484 : vector<16xf32>
    %add3A_486 = arith.addf %add3A_477, %mul3A_485 : vector<16xf32>
    %mul3A_487 = arith.mulf %add3A_486, %div3A_425 : vector<16xf32>
    %swap3A_488 = arith.constant 48 : index
    %swap3A_489 = tpu.vector_load %arg20[%swap3A_488] {strides = array<i32>} : memref<512xf32, #tpu.memory_space<vmem>>, vector<16xf32>,
    tpu.vector_store %arg20[%swap3A_488], %mul3A_487 {strides = array<i32>} : memref<512xf32, #tpu.memory_space<vmem>>, vector<16xf32>,
    %broadcast_in_dim3A_490 = arith.constant 0.000000e+00 : f32
    %broadcast_in_dim3A_491 = vector.broadcast %broadcast_in_dim3A_490 : f32 to vector<16xf32>
    %mul3A_492 = arith.constant 3 : i32
    %mul3A_493 = vector.broadcast %mul3A_492 : i32 to vector<16xi32>
    %mul3A_494 = arith.muli %get3A_392, %mul3A_493 : vector<16xi32>
    %add3A_495 = arith.constant 2 : i32
    %add3A_496 = vector.broadcast %add3A_495 : i32 to vector<16xi32>
    %add3A_497 = arith.addi %mul3A_494, %add3A_496 : vector<16xi32>
    %gather3A_498 = tpu.vector_load_idx %arg12[%add3A_497] : memref<24576xf32, #tpu.memory_space<vmem>>[vector<16xi32>], vector<16xf32>,
    %mul3A_499 = arith.mulf %div3A_408, %gather3A_498 : vector<16xf32>
    %add3A_500 = arith.addf %broadcast_in_dim3A_491, %mul3A_499 : vector<16xf32>
    %mul3A_501 = arith.constant 3 : i32
    %mul3A_502 = vector.broadcast %mul3A_501 : i32 to vector<16xi32>
    %mul3A_503 = arith.muli %get3A_394, %mul3A_502 : vector<16xi32>
    %add3A_504 = arith.constant 2 : i32
    %add3A_505 = vector.broadcast %add3A_504 : i32 to vector<16xi32>
    %add3A_506 = arith.addi %mul3A_503, %add3A_505 : vector<16xi32>
    %gather3A_507 = tpu.vector_load_idx %arg12[%add3A_506] : memref<24576xf32, #tpu.memory_space<vmem>>[vector<16xi32>], vector<16xf32>,
    %mul3A_508 = arith.mulf %div3A_414, %gather3A_507 : vector<16xf32>
    %add3A_509 = arith.addf %add3A_500, %mul3A_508 : vector<16xf32>
    %mul3A_510 = arith.constant 3 : i32
    %mul3A_511 = vector.broadcast %mul3A_510 : i32 to vector<16xi32>
    %mul3A_512 = arith.muli %get3A_396, %mul3A_511 : vector<16xi32>
    %add3A_513 = arith.constant 2 : i32
    %add3A_514 = vector.broadcast %add3A_513 : i32 to vector<16xi32>
    %add3A_515 = arith.addi %mul3A_512, %add3A_514 : vector<16xi32>
    %gather3A_516 = tpu.vector_load_idx %arg12[%add3A_515] : memref<24576xf32, #tpu.memory_space<vmem>>[vector<16xi32>], vector<16xf32>,
    %mul3A_517 = arith.mulf %div3A_420, %gather3A_516 : vector<16xf32>
    %add3A_518 = arith.addf %add3A_509, %mul3A_517 : vector<16xf32>
    %mul3A_519 = arith.mulf %add3A_518, %div3A_425 : vector<16xf32>
    %swap3A_520 = arith.constant 48 : index
    %swap3A_521 = tpu.vector_load %arg21[%swap3A_520] {strides = array<i32>} : memref<512xf32, #tpu.memory_space<vmem>>, vector<16xf32>,
    tpu.vector_store %arg21[%swap3A_520], %mul3A_519 {strides = array<i32>} : memref<512xf32, #tpu.memory_space<vmem>>, vector<16xf32>,
    %get3A_522 = arith.constant 64 : index
    %get3A_523 = tpu.vector_load %arg13[%get3A_522] {strides = array<i32>} : memref<512xi32, #tpu.memory_space<vmem>>, vector<16xi32>,
    %get3A_524 = arith.constant 64 : index
    %get3A_525 = tpu.vector_load %arg14[%get3A_524] {strides = array<i32>} : memref<512xi32, #tpu.memory_space<vmem>>, vector<16xi32>,
    %get3A_526 = arith.constant 64 : index
    %get3A_527 = tpu.vector_load %arg15[%get3A_526] {strides = array<i32>} : memref<512xi32, #tpu.memory_space<vmem>>, vector<16xi32>,
    %get3A_528 = arith.constant 64 : index
    %get3A_529 = tpu.vector_load %arg16[%get3A_528] {strides = array<i32>} : memref<512xf32, #tpu.memory_space<vmem>>, vector<16xf32>,
    %get3A_530 = arith.constant 64 : index
    %get3A_531 = tpu.vector_load %arg17[%get3A_530] {strides = array<i32>} : memref<512xf32, #tpu.memory_space<vmem>>, vector<16xf32>,
    %get3A_532 = arith.constant 64 : index
    %get3A_533 = tpu.vector_load %arg18[%get3A_532] {strides = array<i32>} : memref<512xf32, #tpu.memory_space<vmem>>, vector<16xf32>,
    %add3A_534 = arith.constant 9.99999993E-9 : f32
    %add3A_535 = vector.broadcast %add3A_534 : f32 to vector<16xf32>
    %add3A_536 = arith.addf %get3A_529, %add3A_535 : vector<16xf32>
    %div3A_537 = arith.constant 1.000000e+00 : f32
    %div3A_538 = vector.broadcast %div3A_537 : f32 to vector<16xf32>
    %div3A_539 = arith.divf %div3A_538, %add3A_536 : vector<16xf32>
    %add3A_540 = arith.constant 9.99999993E-9 : f32
    %add3A_541 = vector.broadcast %add3A_540 : f32 to vector<16xf32>
    %add3A_542 = arith.addf %get3A_531, %add3A_541 : vector<16xf32>
    %div3A_543 = arith.constant 1.000000e+00 : f32
    %div3A_544 = vector.broadcast %div3A_543 : f32 to vector<16xf32>
    %div3A_545 = arith.divf %div3A_544, %add3A_542 : vector<16xf32>
    %add3A_546 = arith.constant 9.99999993E-9 : f32
    %add3A_547 = vector.broadcast %add3A_546 : f32 to vector<16xf32>
    %add3A_548 = arith.addf %get3A_533, %add3A_547 : vector<16xf32>
    %div3A_549 = arith.constant 1.000000e+00 : f32
    %div3A_550 = vector.broadcast %div3A_549 : f32 to vector<16xf32>
    %div3A_551 = arith.divf %div3A_550, %add3A_548 : vector<16xf32>
    %add3A_552 = arith.addf %div3A_539, %div3A_545 : vector<16xf32>
    %add3A_553 = arith.addf %add3A_552, %div3A_551 : vector<16xf32>
    %div3A_554 = arith.constant 1.000000e+00 : f32
    %div3A_555 = vector.broadcast %div3A_554 : f32 to vector<16xf32>
    %div3A_556 = arith.divf %div3A_555, %add3A_553 : vector<16xf32>
    %broadcast_in_dim3A_557 = arith.constant 0.000000e+00 : f32
    %broadcast_in_dim3A_558 = vector.broadcast %broadcast_in_dim3A_557 : f32 to vector<16xf32>
    %mul3A_559 = arith.constant 3 : i32
    %mul3A_560 = vector.broadcast %mul3A_559 : i32 to vector<16xi32>
    %mul3A_561 = arith.muli %get3A_523, %mul3A_560 : vector<16xi32>
    %add3A_562 = arith.constant 0 : i32
    %add3A_563 = vector.broadcast %add3A_562 : i32 to vector<16xi32>
    %add3A_564 = arith.addi %mul3A_561, %add3A_563 : vector<16xi32>
    %gather3A_565 = tpu.vector_load_idx %arg12[%add3A_564] : memref<24576xf32, #tpu.memory_space<vmem>>[vector<16xi32>], vector<16xf32>,
    %mul3A_566 = arith.mulf %div3A_539, %gather3A_565 : vector<16xf32>
    %add3A_567 = arith.addf %broadcast_in_dim3A_558, %mul3A_566 : vector<16xf32>
    %mul3A_568 = arith.constant 3 : i32
    %mul3A_569 = vector.broadcast %mul3A_568 : i32 to vector<16xi32>
    %mul3A_570 = arith.muli %get3A_525, %mul3A_569 : vector<16xi32>
    %add3A_571 = arith.constant 0 : i32
    %add3A_572 = vector.broadcast %add3A_571 : i32 to vector<16xi32>
    %add3A_573 = arith.addi %mul3A_570, %add3A_572 : vector<16xi32>
    %gather3A_574 = tpu.vector_load_idx %arg12[%add3A_573] : memref<24576xf32, #tpu.memory_space<vmem>>[vector<16xi32>], vector<16xf32>,
    %mul3A_575 = arith.mulf %div3A_545, %gather3A_574 : vector<16xf32>
    %add3A_576 = arith.addf %add3A_567, %mul3A_575 : vector<16xf32>
    %mul3A_577 = arith.constant 3 : i32
    %mul3A_578 = vector.broadcast %mul3A_577 : i32 to vector<16xi32>
    %mul3A_579 = arith.muli %get3A_527, %mul3A_578 : vector<16xi32>
    %add3A_580 = arith.constant 0 : i32
    %add3A_581 = vector.broadcast %add3A_580 : i32 to vector<16xi32>
    %add3A_582 = arith.addi %mul3A_579, %add3A_581 : vector<16xi32>
    %gather3A_583 = tpu.vector_load_idx %arg12[%add3A_582] : memref<24576xf32, #tpu.memory_space<vmem>>[vector<16xi32>], vector<16xf32>,
    %mul3A_584 = arith.mulf %div3A_551, %gather3A_583 : vector<16xf32>
    %add3A_585 = arith.addf %add3A_576, %mul3A_584 : vector<16xf32>
    %mul3A_586 = arith.mulf %add3A_585, %div3A_556 : vector<16xf32>
    %swap3A_587 = arith.constant 64 : index
    %swap3A_588 = tpu.vector_load %arg19[%swap3A_587] {strides = array<i32>} : memref<512xf32, #tpu.memory_space<vmem>>, vector<16xf32>,
    tpu.vector_store %arg19[%swap3A_587], %mul3A_586 {strides = array<i32>} : memref<512xf32, #tpu.memory_space<vmem>>, vector<16xf32>,
    %broadcast_in_dim3A_589 = arith.constant 0.000000e+00 : f32
    %broadcast_in_dim3A_590 = vector.broadcast %broadcast_in_dim3A_589 : f32 to vector<16xf32>
    %mul3A_591 = arith.constant 3 : i32
    %mul3A_592 = vector.broadcast %mul3A_591 : i32 to vector<16xi32>
    %mul3A_593 = arith.muli %get3A_523, %mul3A_592 : vector<16xi32>
    %add3A_594 = arith.constant 1 : i32
    %add3A_595 = vector.broadcast %add3A_594 : i32 to vector<16xi32>
    %add3A_596 = arith.addi %mul3A_593, %add3A_595 : vector<16xi32>
    %gather3A_597 = tpu.vector_load_idx %arg12[%add3A_596] : memref<24576xf32, #tpu.memory_space<vmem>>[vector<16xi32>], vector<16xf32>,
    %mul3A_598 = arith.mulf %div3A_539, %gather3A_597 : vector<16xf32>
    %add3A_599 = arith.addf %broadcast_in_dim3A_590, %mul3A_598 : vector<16xf32>
    %mul3A_600 = arith.constant 3 : i32
    %mul3A_601 = vector.broadcast %mul3A_600 : i32 to vector<16xi32>
    %mul3A_602 = arith.muli %get3A_525, %mul3A_601 : vector<16xi32>
    %add3A_603 = arith.constant 1 : i32
    %add3A_604 = vector.broadcast %add3A_603 : i32 to vector<16xi32>
    %add3A_605 = arith.addi %mul3A_602, %add3A_604 : vector<16xi32>
    %gather3A_606 = tpu.vector_load_idx %arg12[%add3A_605] : memref<24576xf32, #tpu.memory_space<vmem>>[vector<16xi32>], vector<16xf32>,
    %mul3A_607 = arith.mulf %div3A_545, %gather3A_606 : vector<16xf32>
    %add3A_608 = arith.addf %add3A_599, %mul3A_607 : vector<16xf32>
    %mul3A_609 = arith.constant 3 : i32
    %mul3A_610 = vector.broadcast %mul3A_609 : i32 to vector<16xi32>
    %mul3A_611 = arith.muli %get3A_527, %mul3A_610 : vector<16xi32>
    %add3A_612 = arith.constant 1 : i32
    %add3A_613 = vector.broadcast %add3A_612 : i32 to vector<16xi32>
    %add3A_614 = arith.addi %mul3A_611, %add3A_613 : vector<16xi32>
    %gather3A_615 = tpu.vector_load_idx %arg12[%add3A_614] : memref<24576xf32, #tpu.memory_space<vmem>>[vector<16xi32>], vector<16xf32>,
    %mul3A_616 = arith.mulf %div3A_551, %gather3A_615 : vector<16xf32>
    %add3A_617 = arith.addf %add3A_608, %mul3A_616 : vector<16xf32>
    %mul3A_618 = arith.mulf %add3A_617, %div3A_556 : vector<16xf32>
    %swap3A_619 = arith.constant 64 : index
    %swap3A_620 = tpu.vector_load %arg20[%swap3A_619] {strides = array<i32>} : memref<512xf32, #tpu.memory_space<vmem>>, vector<16xf32>,
    tpu.vector_store %arg20[%swap3A_619], %mul3A_618 {strides = array<i32>} : memref<512xf32, #tpu.memory_space<vmem>>, vector<16xf32>,
    %broadcast_in_dim3A_621 = arith.constant 0.000000e+00 : f32
    %broadcast_in_dim3A_622 = vector.broadcast %broadcast_in_dim3A_621 : f32 to vector<16xf32>
    %mul3A_623 = arith.constant 3 : i32
    %mul3A_624 = vector.broadcast %mul3A_623 : i32 to vector<16xi32>
    %mul3A_625 = arith.muli %get3A_523, %mul3A_624 : vector<16xi32>
    %add3A_626 = arith.constant 2 : i32
    %add3A_627 = vector.broadcast %add3A_626 : i32 to vector<16xi32>
    %add3A_628 = arith.addi %mul3A_625, %add3A_627 : vector<16xi32>
    %gather3A_629 = tpu.vector_load_idx %arg12[%add3A_628] : memref<24576xf32, #tpu.memory_space<vmem>>[vector<16xi32>], vector<16xf32>,
    %mul3A_630 = arith.mulf %div3A_539, %gather3A_629 : vector<16xf32>
    %add3A_631 = arith.addf %broadcast_in_dim3A_622, %mul3A_630 : vector<16xf32>
    %mul3A_632 = arith.constant 3 : i32
    %mul3A_633 = vector.broadcast %mul3A_632 : i32 to vector<16xi32>
    %mul3A_634 = arith.muli %get3A_525, %mul3A_633 : vector<16xi32>
    %add3A_635 = arith.constant 2 : i32
    %add3A_636 = vector.broadcast %add3A_635 : i32 to vector<16xi32>
    %add3A_637 = arith.addi %mul3A_634, %add3A_636 : vector<16xi32>
    %gather3A_638 = tpu.vector_load_idx %arg12[%add3A_637] : memref<24576xf32, #tpu.memory_space<vmem>>[vector<16xi32>], vector<16xf32>,
    %mul3A_639 = arith.mulf %div3A_545, %gather3A_638 : vector<16xf32>
    %add3A_640 = arith.addf %add3A_631, %mul3A_639 : vector<16xf32>
    %mul3A_641 = arith.constant 3 : i32
    %mul3A_642 = vector.broadcast %mul3A_641 : i32 to vector<16xi32>
    %mul3A_643 = arith.muli %get3A_527, %mul3A_642 : vector<16xi32>
    %add3A_644 = arith.constant 2 : i32
    %add3A_645 = vector.broadcast %add3A_644 : i32 to vector<16xi32>
    %add3A_646 = arith.addi %mul3A_643, %add3A_645 : vector<16xi32>
    %gather3A_647 = tpu.vector_load_idx %arg12[%add3A_646] : memref<24576xf32, #tpu.memory_space<vmem>>[vector<16xi32>], vector<16xf32>,
    %mul3A_648 = arith.mulf %div3A_551, %gather3A_647 : vector<16xf32>
    %add3A_649 = arith.addf %add3A_640, %mul3A_648 : vector<16xf32>
    %mul3A_650 = arith.mulf %add3A_649, %div3A_556 : vector<16xf32>
    %swap3A_651 = arith.constant 64 : index
    %swap3A_652 = tpu.vector_load %arg21[%swap3A_651] {strides = array<i32>} : memref<512xf32, #tpu.memory_space<vmem>>, vector<16xf32>,
    tpu.vector_store %arg21[%swap3A_651], %mul3A_650 {strides = array<i32>} : memref<512xf32, #tpu.memory_space<vmem>>, vector<16xf32>,
    %get3A_653 = arith.constant 80 : index
    %get3A_654 = tpu.vector_load %arg13[%get3A_653] {strides = array<i32>} : memref<512xi32, #tpu.memory_space<vmem>>, vector<16xi32>,
    %get3A_655 = arith.constant 80 : index
    %get3A_656 = tpu.vector_load %arg14[%get3A_655] {strides = array<i32>} : memref<512xi32, #tpu.memory_space<vmem>>, vector<16xi32>,
    %get3A_657 = arith.constant 80 : index
    %get3A_658 = tpu.vector_load %arg15[%get3A_657] {strides = array<i32>} : memref<512xi32, #tpu.memory_space<vmem>>, vector<16xi32>,
    %get3A_659 = arith.constant 80 : index
    %get3A_660 = tpu.vector_load %arg16[%get3A_659] {strides = array<i32>} : memref<512xf32, #tpu.memory_space<vmem>>, vector<16xf32>,
    %get3A_661 = arith.constant 80 : index
    %get3A_662 = tpu.vector_load %arg17[%get3A_661] {strides = array<i32>} : memref<512xf32, #tpu.memory_space<vmem>>, vector<16xf32>,
    %get3A_663 = arith.constant 80 : index
    %get3A_664 = tpu.vector_load %arg18[%get3A_663] {strides = array<i32>} : memref<512xf32, #tpu.memory_space<vmem>>, vector<16xf32>,
    %add3A_665 = arith.constant 9.99999993E-9 : f32
    %add3A_666 = vector.broadcast %add3A_665 : f32 to vector<16xf32>
    %add3A_667 = arith.addf %get3A_660, %add3A_666 : vector<16xf32>
    %div3A_668 = arith.constant 1.000000e+00 : f32
    %div3A_669 = vector.broadcast %div3A_668 : f32 to vector<16xf32>
    %div3A_670 = arith.divf %div3A_669, %add3A_667 : vector<16xf32>
    %add3A_671 = arith.constant 9.99999993E-9 : f32
    %add3A_672 = vector.broadcast %add3A_671 : f32 to vector<16xf32>
    %add3A_673 = arith.addf %get3A_662, %add3A_672 : vector<16xf32>
    %div3A_674 = arith.constant 1.000000e+00 : f32
    %div3A_675 = vector.broadcast %div3A_674 : f32 to vector<16xf32>
    %div3A_676 = arith.divf %div3A_675, %add3A_673 : vector<16xf32>
    %add3A_677 = arith.constant 9.99999993E-9 : f32
    %add3A_678 = vector.broadcast %add3A_677 : f32 to vector<16xf32>
    %add3A_679 = arith.addf %get3A_664, %add3A_678 : vector<16xf32>
    %div3A_680 = arith.constant 1.000000e+00 : f32
    %div3A_681 = vector.broadcast %div3A_680 : f32 to vector<16xf32>
    %div3A_682 = arith.divf %div3A_681, %add3A_679 : vector<16xf32>
    %add3A_683 = arith.addf %div3A_670, %div3A_676 : vector<16xf32>
    %add3A_684 = arith.addf %add3A_683, %div3A_682 : vector<16xf32>
    %div3A_685 = arith.constant 1.000000e+00 : f32
    %div3A_686 = vector.broadcast %div3A_685 : f32 to vector<16xf32>
    %div3A_687 = arith.divf %div3A_686, %add3A_684 : vector<16xf32>
    %broadcast_in_dim3A_688 = arith.constant 0.000000e+00 : f32
    %broadcast_in_dim3A_689 = vector.broadcast %broadcast_in_dim3A_688 : f32 to vector<16xf32>
    %mul3A_690 = arith.constant 3 : i32
    %mul3A_691 = vector.broadcast %mul3A_690 : i32 to vector<16xi32>
    %mul3A_692 = arith.muli %get3A_654, %mul3A_691 : vector<16xi32>
    %add3A_693 = arith.constant 0 : i32
    %add3A_694 = vector.broadcast %add3A_693 : i32 to vector<16xi32>
    %add3A_695 = arith.addi %mul3A_692, %add3A_694 : vector<16xi32>
    %gather3A_696 = tpu.vector_load_idx %arg12[%add3A_695] : memref<24576xf32, #tpu.memory_space<vmem>>[vector<16xi32>], vector<16xf32>,
    %mul3A_697 = arith.mulf %div3A_670, %gather3A_696 : vector<16xf32>
    %add3A_698 = arith.addf %broadcast_in_dim3A_689, %mul3A_697 : vector<16xf32>
    %mul3A_699 = arith.constant 3 : i32
    %mul3A_700 = vector.broadcast %mul3A_699 : i32 to vector<16xi32>
    %mul3A_701 = arith.muli %get3A_656, %mul3A_700 : vector<16xi32>
    %add3A_702 = arith.constant 0 : i32
    %add3A_703 = vector.broadcast %add3A_702 : i32 to vector<16xi32>
    %add3A_704 = arith.addi %mul3A_701, %add3A_703 : vector<16xi32>
    %gather3A_705 = tpu.vector_load_idx %arg12[%add3A_704] : memref<24576xf32, #tpu.memory_space<vmem>>[vector<16xi32>], vector<16xf32>,
    %mul3A_706 = arith.mulf %div3A_676, %gather3A_705 : vector<16xf32>
    %add3A_707 = arith.addf %add3A_698, %mul3A_706 : vector<16xf32>
    %mul3A_708 = arith.constant 3 : i32
    %mul3A_709 = vector.broadcast %mul3A_708 : i32 to vector<16xi32>
    %mul3A_710 = arith.muli %get3A_658, %mul3A_709 : vector<16xi32>
    %add3A_711 = arith.constant 0 : i32
    %add3A_712 = vector.broadcast %add3A_711 : i32 to vector<16xi32>
    %add3A_713 = arith.addi %mul3A_710, %add3A_712 : vector<16xi32>
    %gather3A_714 = tpu.vector_load_idx %arg12[%add3A_713] : memref<24576xf32, #tpu.memory_space<vmem>>[vector<16xi32>], vector<16xf32>,
    %mul3A_715 = arith.mulf %div3A_682, %gather3A_714 : vector<16xf32>
    %add3A_716 = arith.addf %add3A_707, %mul3A_715 : vector<16xf32>
    %mul3A_717 = arith.mulf %add3A_716, %div3A_687 : vector<16xf32>
    %swap3A_718 = arith.constant 80 : index
    %swap3A_719 = tpu.vector_load %arg19[%swap3A_718] {strides = array<i32>} : memref<512xf32, #tpu.memory_space<vmem>>, vector<16xf32>,
    tpu.vector_store %arg19[%swap3A_718], %mul3A_717 {strides = array<i32>} : memref<512xf32, #tpu.memory_space<vmem>>, vector<16xf32>,
    %broadcast_in_dim3A_720 = arith.constant 0.000000e+00 : f32
    %broadcast_in_dim3A_721 = vector.broadcast %broadcast_in_dim3A_720 : f32 to vector<16xf32>
    %mul3A_722 = arith.constant 3 : i32
    %mul3A_723 = vector.broadcast %mul3A_722 : i32 to vector<16xi32>
    %mul3A_724 = arith.muli %get3A_654, %mul3A_723 : vector<16xi32>
    %add3A_725 = arith.constant 1 : i32
    %add3A_726 = vector.broadcast %add3A_725 : i32 to vector<16xi32>
    %add3A_727 = arith.addi %mul3A_724, %add3A_726 : vector<16xi32>
    %gather3A_728 = tpu.vector_load_idx %arg12[%add3A_727] : memref<24576xf32, #tpu.memory_space<vmem>>[vector<16xi32>], vector<16xf32>,
    %mul3A_729 = arith.mulf %div3A_670, %gather3A_728 : vector<16xf32>
    %add3A_730 = arith.addf %broadcast_in_dim3A_721, %mul3A_729 : vector<16xf32>
    %mul3A_731 = arith.constant 3 : i32
    %mul3A_732 = vector.broadcast %mul3A_731 : i32 to vector<16xi32>
    %mul3A_733 = arith.muli %get3A_656, %mul3A_732 : vector<16xi32>
    %add3A_734 = arith.constant 1 : i32
    %add3A_735 = vector.broadcast %add3A_734 : i32 to vector<16xi32>
    %add3A_736 = arith.addi %mul3A_733, %add3A_735 : vector<16xi32>
    %gather3A_737 = tpu.vector_load_idx %arg12[%add3A_736] : memref<24576xf32, #tpu.memory_space<vmem>>[vector<16xi32>], vector<16xf32>,
    %mul3A_738 = arith.mulf %div3A_676, %gather3A_737 : vector<16xf32>
    %add3A_739 = arith.addf %add3A_730, %mul3A_738 : vector<16xf32>
    %mul3A_740 = arith.constant 3 : i32
    %mul3A_741 = vector.broadcast %mul3A_740 : i32 to vector<16xi32>
    %mul3A_742 = arith.muli %get3A_658, %mul3A_741 : vector<16xi32>
    %add3A_743 = arith.constant 1 : i32
    %add3A_744 = vector.broadcast %add3A_743 : i32 to vector<16xi32>
    %add3A_745 = arith.addi %mul3A_742, %add3A_744 : vector<16xi32>
    %gather3A_746 = tpu.vector_load_idx %arg12[%add3A_745] : memref<24576xf32, #tpu.memory_space<vmem>>[vector<16xi32>], vector<16xf32>,
    %mul3A_747 = arith.mulf %div3A_682, %gather3A_746 : vector<16xf32>
    %add3A_748 = arith.addf %add3A_739, %mul3A_747 : vector<16xf32>
    %mul3A_749 = arith.mulf %add3A_748, %div3A_687 : vector<16xf32>
    %swap3A_750 = arith.constant 80 : index
    %swap3A_751 = tpu.vector_load %arg20[%swap3A_750] {strides = array<i32>} : memref<512xf32, #tpu.memory_space<vmem>>, vector<16xf32>,
    tpu.vector_store %arg20[%swap3A_750], %mul3A_749 {strides = array<i32>} : memref<512xf32, #tpu.memory_space<vmem>>, vector<16xf32>,
    %broadcast_in_dim3A_752 = arith.constant 0.000000e+00 : f32
    %broadcast_in_dim3A_753 = vector.broadcast %broadcast_in_dim3A_752 : f32 to vector<16xf32>
    %mul3A_754 = arith.constant 3 : i32
    %mul3A_755 = vector.broadcast %mul3A_754 : i32 to vector<16xi32>
    %mul3A_756 = arith.muli %get3A_654, %mul3A_755 : vector<16xi32>
    %add3A_757 = arith.constant 2 : i32
    %add3A_758 = vector.broadcast %add3A_757 : i32 to vector<16xi32>
    %add3A_759 = arith.addi %mul3A_756, %add3A_758 : vector<16xi32>
    %gather3A_760 = tpu.vector_load_idx %arg12[%add3A_759] : memref<24576xf32, #tpu.memory_space<vmem>>[vector<16xi32>], vector<16xf32>,
    %mul3A_761 = arith.mulf %div3A_670, %gather3A_760 : vector<16xf32>
    %add3A_762 = arith.addf %broadcast_in_dim3A_753, %mul3A_761 : vector<16xf32>
    %mul3A_763 = arith.constant 3 : i32
    %mul3A_764 = vector.broadcast %mul3A_763 : i32 to vector<16xi32>
    %mul3A_765 = arith.muli %get3A_656, %mul3A_764 : vector<16xi32>
    %add3A_766 = arith.constant 2 : i32
    %add3A_767 = vector.broadcast %add3A_766 : i32 to vector<16xi32>
    %add3A_768 = arith.addi %mul3A_765, %add3A_767 : vector<16xi32>
    %gather3A_769 = tpu.vector_load_idx %arg12[%add3A_768] : memref<24576xf32, #tpu.memory_space<vmem>>[vector<16xi32>], vector<16xf32>,
    %mul3A_770 = arith.mulf %div3A_676, %gather3A_769 : vector<16xf32>
    %add3A_771 = arith.addf %add3A_762, %mul3A_770 : vector<16xf32>
    %mul3A_772 = arith.constant 3 : i32
    %mul3A_773 = vector.broadcast %mul3A_772 : i32 to vector<16xi32>
    %mul3A_774 = arith.muli %get3A_658, %mul3A_773 : vector<16xi32>
    %add3A_775 = arith.constant 2 : i32
    %add3A_776 = vector.broadcast %add3A_775 : i32 to vector<16xi32>
    %add3A_777 = arith.addi %mul3A_774, %add3A_776 : vector<16xi32>
    %gather3A_778 = tpu.vector_load_idx %arg12[%add3A_777] : memref<24576xf32, #tpu.memory_space<vmem>>[vector<16xi32>], vector<16xf32>,
    %mul3A_779 = arith.mulf %div3A_682, %gather3A_778 : vector<16xf32>
    %add3A_780 = arith.addf %add3A_771, %mul3A_779 : vector<16xf32>
    %mul3A_781 = arith.mulf %add3A_780, %div3A_687 : vector<16xf32>
    %swap3A_782 = arith.constant 80 : index
    %swap3A_783 = tpu.vector_load %arg21[%swap3A_782] {strides = array<i32>} : memref<512xf32, #tpu.memory_space<vmem>>, vector<16xf32>,
    tpu.vector_store %arg21[%swap3A_782], %mul3A_781 {strides = array<i32>} : memref<512xf32, #tpu.memory_space<vmem>>, vector<16xf32>,
    %get3A_784 = arith.constant 96 : index
    %get3A_785 = tpu.vector_load %arg13[%get3A_784] {strides = array<i32>} : memref<512xi32, #tpu.memory_space<vmem>>, vector<16xi32>,
    %get3A_786 = arith.constant 96 : index
    %get3A_787 = tpu.vector_load %arg14[%get3A_786] {strides = array<i32>} : memref<512xi32, #tpu.memory_space<vmem>>, vector<16xi32>,
    %get3A_788 = arith.constant 96 : index
    %get3A_789 = tpu.vector_load %arg15[%get3A_788] {strides = array<i32>} : memref<512xi32, #tpu.memory_space<vmem>>, vector<16xi32>,
    %get3A_790 = arith.constant 96 : index
    %get3A_791 = tpu.vector_load %arg16[%get3A_790] {strides = array<i32>} : memref<512xf32, #tpu.memory_space<vmem>>, vector<16xf32>,
    %get3A_792 = arith.constant 96 : index
    %get3A_793 = tpu.vector_load %arg17[%get3A_792] {strides = array<i32>} : memref<512xf32, #tpu.memory_space<vmem>>, vector<16xf32>,
    %get3A_794 = arith.constant 96 : index
    %get3A_795 = tpu.vector_load %arg18[%get3A_794] {strides = array<i32>} : memref<512xf32, #tpu.memory_space<vmem>>, vector<16xf32>,
    %add3A_796 = arith.constant 9.99999993E-9 : f32
    %add3A_797 = vector.broadcast %add3A_796 : f32 to vector<16xf32>
    %add3A_798 = arith.addf %get3A_791, %add3A_797 : vector<16xf32>
    %div3A_799 = arith.constant 1.000000e+00 : f32
    %div3A_800 = vector.broadcast %div3A_799 : f32 to vector<16xf32>
    %div3A_801 = arith.divf %div3A_800, %add3A_798 : vector<16xf32>
    %add3A_802 = arith.constant 9.99999993E-9 : f32
    %add3A_803 = vector.broadcast %add3A_802 : f32 to vector<16xf32>
    %add3A_804 = arith.addf %get3A_793, %add3A_803 : vector<16xf32>
    %div3A_805 = arith.constant 1.000000e+00 : f32
    %div3A_806 = vector.broadcast %div3A_805 : f32 to vector<16xf32>
    %div3A_807 = arith.divf %div3A_806, %add3A_804 : vector<16xf32>
    %add3A_808 = arith.constant 9.99999993E-9 : f32
    %add3A_809 = vector.broadcast %add3A_808 : f32 to vector<16xf32>
    %add3A_810 = arith.addf %get3A_795, %add3A_809 : vector<16xf32>
    %div3A_811 = arith.constant 1.000000e+00 : f32
    %div3A_812 = vector.broadcast %div3A_811 : f32 to vector<16xf32>
    %div3A_813 = arith.divf %div3A_812, %add3A_810 : vector<16xf32>
    %add3A_814 = arith.addf %div3A_801, %div3A_807 : vector<16xf32>
    %add3A_815 = arith.addf %add3A_814, %div3A_813 : vector<16xf32>
    %div3A_816 = arith.constant 1.000000e+00 : f32
    %div3A_817 = vector.broadcast %div3A_816 : f32 to vector<16xf32>
    %div3A_818 = arith.divf %div3A_817, %add3A_815 : vector<16xf32>
    %broadcast_in_dim3A_819 = arith.constant 0.000000e+00 : f32
    %broadcast_in_dim3A_820 = vector.broadcast %broadcast_in_dim3A_819 : f32 to vector<16xf32>
    %mul3A_821 = arith.constant 3 : i32
    %mul3A_822 = vector.broadcast %mul3A_821 : i32 to vector<16xi32>
    %mul3A_823 = arith.muli %get3A_785, %mul3A_822 : vector<16xi32>
    %add3A_824 = arith.constant 0 : i32
    %add3A_825 = vector.broadcast %add3A_824 : i32 to vector<16xi32>
    %add3A_826 = arith.addi %mul3A_823, %add3A_825 : vector<16xi32>
    %gather3A_827 = tpu.vector_load_idx %arg12[%add3A_826] : memref<24576xf32, #tpu.memory_space<vmem>>[vector<16xi32>], vector<16xf32>,
    %mul3A_828 = arith.mulf %div3A_801, %gather3A_827 : vector<16xf32>
    %add3A_829 = arith.addf %broadcast_in_dim3A_820, %mul3A_828 : vector<16xf32>
    %mul3A_830 = arith.constant 3 : i32
    %mul3A_831 = vector.broadcast %mul3A_830 : i32 to vector<16xi32>
    %mul3A_832 = arith.muli %get3A_787, %mul3A_831 : vector<16xi32>
    %add3A_833 = arith.constant 0 : i32
    %add3A_834 = vector.broadcast %add3A_833 : i32 to vector<16xi32>
    %add3A_835 = arith.addi %mul3A_832, %add3A_834 : vector<16xi32>
    %gather3A_836 = tpu.vector_load_idx %arg12[%add3A_835] : memref<24576xf32, #tpu.memory_space<vmem>>[vector<16xi32>], vector<16xf32>,
    %mul3A_837 = arith.mulf %div3A_807, %gather3A_836 : vector<16xf32>
    %add3A_838 = arith.addf %add3A_829, %mul3A_837 : vector<16xf32>
    %mul3A_839 = arith.constant 3 : i32
    %mul3A_840 = vector.broadcast %mul3A_839 : i32 to vector<16xi32>
    %mul3A_841 = arith.muli %get3A_789, %mul3A_840 : vector<16xi32>
    %add3A_842 = arith.constant 0 : i32
    %add3A_843 = vector.broadcast %add3A_842 : i32 to vector<16xi32>
    %add3A_844 = arith.addi %mul3A_841, %add3A_843 : vector<16xi32>
    %gather3A_845 = tpu.vector_load_idx %arg12[%add3A_844] : memref<24576xf32, #tpu.memory_space<vmem>>[vector<16xi32>], vector<16xf32>,
    %mul3A_846 = arith.mulf %div3A_813, %gather3A_845 : vector<16xf32>
    %add3A_847 = arith.addf %add3A_838, %mul3A_846 : vector<16xf32>
    %mul3A_848 = arith.mulf %add3A_847, %div3A_818 : vector<16xf32>
    %swap3A_849 = arith.constant 96 : index
    %swap3A_850 = tpu.vector_load %arg19[%swap3A_849] {strides = array<i32>} : memref<512xf32, #tpu.memory_space<vmem>>, vector<16xf32>,
    tpu.vector_store %arg19[%swap3A_849], %mul3A_848 {strides = array<i32>} : memref<512xf32, #tpu.memory_space<vmem>>, vector<16xf32>,
    %broadcast_in_dim3A_851 = arith.constant 0.000000e+00 : f32
    %broadcast_in_dim3A_852 = vector.broadcast %broadcast_in_dim3A_851 : f32 to vector<16xf32>
    %mul3A_853 = arith.constant 3 : i32
    %mul3A_854 = vector.broadcast %mul3A_853 : i32 to vector<16xi32>
    %mul3A_855 = arith.muli %get3A_785, %mul3A_854 : vector<16xi32>
    %add3A_856 = arith.constant 1 : i32
    %add3A_857 = vector.broadcast %add3A_856 : i32 to vector<16xi32>
    %add3A_858 = arith.addi %mul3A_855, %add3A_857 : vector<16xi32>
    %gather3A_859 = tpu.vector_load_idx %arg12[%add3A_858] : memref<24576xf32, #tpu.memory_space<vmem>>[vector<16xi32>], vector<16xf32>,
    %mul3A_860 = arith.mulf %div3A_801, %gather3A_859 : vector<16xf32>
    %add3A_861 = arith.addf %broadcast_in_dim3A_852, %mul3A_860 : vector<16xf32>
    %mul3A_862 = arith.constant 3 : i32
    %mul3A_863 = vector.broadcast %mul3A_862 : i32 to vector<16xi32>
    %mul3A_864 = arith.muli %get3A_787, %mul3A_863 : vector<16xi32>
    %add3A_865 = arith.constant 1 : i32
    %add3A_866 = vector.broadcast %add3A_865 : i32 to vector<16xi32>
    %add3A_867 = arith.addi %mul3A_864, %add3A_866 : vector<16xi32>
    %gather3A_868 = tpu.vector_load_idx %arg12[%add3A_867] : memref<24576xf32, #tpu.memory_space<vmem>>[vector<16xi32>], vector<16xf32>,
    %mul3A_869 = arith.mulf %div3A_807, %gather3A_868 : vector<16xf32>
    %add3A_870 = arith.addf %add3A_861, %mul3A_869 : vector<16xf32>
    %mul3A_871 = arith.constant 3 : i32
    %mul3A_872 = vector.broadcast %mul3A_871 : i32 to vector<16xi32>
    %mul3A_873 = arith.muli %get3A_789, %mul3A_872 : vector<16xi32>
    %add3A_874 = arith.constant 1 : i32
    %add3A_875 = vector.broadcast %add3A_874 : i32 to vector<16xi32>
    %add3A_876 = arith.addi %mul3A_873, %add3A_875 : vector<16xi32>
    %gather3A_877 = tpu.vector_load_idx %arg12[%add3A_876] : memref<24576xf32, #tpu.memory_space<vmem>>[vector<16xi32>], vector<16xf32>,
    %mul3A_878 = arith.mulf %div3A_813, %gather3A_877 : vector<16xf32>
    %add3A_879 = arith.addf %add3A_870, %mul3A_878 : vector<16xf32>
    %mul3A_880 = arith.mulf %add3A_879, %div3A_818 : vector<16xf32>
    %swap3A_881 = arith.constant 96 : index
    %swap3A_882 = tpu.vector_load %arg20[%swap3A_881] {strides = array<i32>} : memref<512xf32, #tpu.memory_space<vmem>>, vector<16xf32>,
    tpu.vector_store %arg20[%swap3A_881], %mul3A_880 {strides = array<i32>} : memref<512xf32, #tpu.memory_space<vmem>>, vector<16xf32>,
    %broadcast_in_dim3A_883 = arith.constant 0.000000e+00 : f32
    %broadcast_in_dim3A_884 = vector.broadcast %broadcast_in_dim3A_883 : f32 to vector<16xf32>
    %mul3A_885 = arith.constant 3 : i32
    %mul3A_886 = vector.broadcast %mul3A_885 : i32 to vector<16xi32>
    %mul3A_887 = arith.muli %get3A_785, %mul3A_886 : vector<16xi32>
    %add3A_888 = arith.constant 2 : i32
    %add3A_889 = vector.broadcast %add3A_888 : i32 to vector<16xi32>
    %add3A_890 = arith.addi %mul3A_887, %add3A_889 : vector<16xi32>
    %gather3A_891 = tpu.vector_load_idx %arg12[%add3A_890] : memref<24576xf32, #tpu.memory_space<vmem>>[vector<16xi32>], vector<16xf32>,
    %mul3A_892 = arith.mulf %div3A_801, %gather3A_891 : vector<16xf32>
    %add3A_893 = arith.addf %broadcast_in_dim3A_884, %mul3A_892 : vector<16xf32>
    %mul3A_894 = arith.constant 3 : i32
    %mul3A_895 = vector.broadcast %mul3A_894 : i32 to vector<16xi32>
    %mul3A_896 = arith.muli %get3A_787, %mul3A_895 : vector<16xi32>
    %add3A_897 = arith.constant 2 : i32
    %add3A_898 = vector.broadcast %add3A_897 : i32 to vector<16xi32>
    %add3A_899 = arith.addi %mul3A_896, %add3A_898 : vector<16xi32>
    %gather3A_900 = tpu.vector_load_idx %arg12[%add3A_899] : memref<24576xf32, #tpu.memory_space<vmem>>[vector<16xi32>], vector<16xf32>,
    %mul3A_901 = arith.mulf %div3A_807, %gather3A_900 : vector<16xf32>
    %add3A_902 = arith.addf %add3A_893, %mul3A_901 : vector<16xf32>
    %mul3A_903 = arith.constant 3 : i32
    %mul3A_904 = vector.broadcast %mul3A_903 : i32 to vector<16xi32>
    %mul3A_905 = arith.muli %get3A_789, %mul3A_904 : vector<16xi32>
    %add3A_906 = arith.constant 2 : i32
    %add3A_907 = vector.broadcast %add3A_906 : i32 to vector<16xi32>
    %add3A_908 = arith.addi %mul3A_905, %add3A_907 : vector<16xi32>
    %gather3A_909 = tpu.vector_load_idx %arg12[%add3A_908] : memref<24576xf32, #tpu.memory_space<vmem>>[vector<16xi32>], vector<16xf32>,
    %mul3A_910 = arith.mulf %div3A_813, %gather3A_909 : vector<16xf32>
    %add3A_911 = arith.addf %add3A_902, %mul3A_910 : vector<16xf32>
    %mul3A_912 = arith.mulf %add3A_911, %div3A_818 : vector<16xf32>
    %swap3A_913 = arith.constant 96 : index
    %swap3A_914 = tpu.vector_load %arg21[%swap3A_913] {strides = array<i32>} : memref<512xf32, #tpu.memory_space<vmem>>, vector<16xf32>,
    tpu.vector_store %arg21[%swap3A_913], %mul3A_912 {strides = array<i32>} : memref<512xf32, #tpu.memory_space<vmem>>, vector<16xf32>,
    %get3A_915 = arith.constant 112 : index
    %get3A_916 = tpu.vector_load %arg13[%get3A_915] {strides = array<i32>} : memref<512xi32, #tpu.memory_space<vmem>>, vector<16xi32>,
    %get3A_917 = arith.constant 112 : index
    %get3A_918 = tpu.vector_load %arg14[%get3A_917] {strides = array<i32>} : memref<512xi32, #tpu.memory_space<vmem>>, vector<16xi32>,
    %get3A_919 = arith.constant 112 : index
    %get3A_920 = tpu.vector_load %arg15[%get3A_919] {strides = array<i32>} : memref<512xi32, #tpu.memory_space<vmem>>, vector<16xi32>,
    %get3A_921 = arith.constant 112 : index
    %get3A_922 = tpu.vector_load %arg16[%get3A_921] {strides = array<i32>} : memref<512xf32, #tpu.memory_space<vmem>>, vector<16xf32>,
    %get3A_923 = arith.constant 112 : index
    %get3A_924 = tpu.vector_load %arg17[%get3A_923] {strides = array<i32>} : memref<512xf32, #tpu.memory_space<vmem>>, vector<16xf32>,
    %get3A_925 = arith.constant 112 : index
    %get3A_926 = tpu.vector_load %arg18[%get3A_925] {strides = array<i32>} : memref<512xf32, #tpu.memory_space<vmem>>, vector<16xf32>,
    %add3A_927 = arith.constant 9.99999993E-9 : f32
    %add3A_928 = vector.broadcast %add3A_927 : f32 to vector<16xf32>
    %add3A_929 = arith.addf %get3A_922, %add3A_928 : vector<16xf32>
    %div3A_930 = arith.constant 1.000000e+00 : f32
    %div3A_931 = vector.broadcast %div3A_930 : f32 to vector<16xf32>
    %div3A_932 = arith.divf %div3A_931, %add3A_929 : vector<16xf32>
    %add3A_933 = arith.constant 9.99999993E-9 : f32
    %add3A_934 = vector.broadcast %add3A_933 : f32 to vector<16xf32>
    %add3A_935 = arith.addf %get3A_924, %add3A_934 : vector<16xf32>
    %div3A_936 = arith.constant 1.000000e+00 : f32
    %div3A_937 = vector.broadcast %div3A_936 : f32 to vector<16xf32>
    %div3A_938 = arith.divf %div3A_937, %add3A_935 : vector<16xf32>
    %add3A_939 = arith.constant 9.99999993E-9 : f32
    %add3A_940 = vector.broadcast %add3A_939 : f32 to vector<16xf32>
    %add3A_941 = arith.addf %get3A_926, %add3A_940 : vector<16xf32>
    %div3A_942 = arith.constant 1.000000e+00 : f32
    %div3A_943 = vector.broadcast %div3A_942 : f32 to vector<16xf32>
    %div3A_944 = arith.divf %div3A_943, %add3A_941 : vector<16xf32>
    %add3A_945 = arith.addf %div3A_932, %div3A_938 : vector<16xf32>
    %add3A_946 = arith.addf %add3A_945, %div3A_944 : vector<16xf32>
    %div3A_947 = arith.constant 1.000000e+00 : f32
    %div3A_948 = vector.broadcast %div3A_947 : f32 to vector<16xf32>
    %div3A_949 = arith.divf %div3A_948, %add3A_946 : vector<16xf32>
    %broadcast_in_dim3A_950 = arith.constant 0.000000e+00 : f32
    %broadcast_in_dim3A_951 = vector.broadcast %broadcast_in_dim3A_950 : f32 to vector<16xf32>
    %mul3A_952 = arith.constant 3 : i32
    %mul3A_953 = vector.broadcast %mul3A_952 : i32 to vector<16xi32>
    %mul3A_954 = arith.muli %get3A_916, %mul3A_953 : vector<16xi32>
    %add3A_955 = arith.constant 0 : i32
    %add3A_956 = vector.broadcast %add3A_955 : i32 to vector<16xi32>
    %add3A_957 = arith.addi %mul3A_954, %add3A_956 : vector<16xi32>
    %gather3A_958 = tpu.vector_load_idx %arg12[%add3A_957] : memref<24576xf32, #tpu.memory_space<vmem>>[vector<16xi32>], vector<16xf32>,
    %mul3A_959 = arith.mulf %div3A_932, %gather3A_958 : vector<16xf32>
    %add3A_960 = arith.addf %broadcast_in_dim3A_951, %mul3A_959 : vector<16xf32>
    %mul3A_961 = arith.constant 3 : i32
    %mul3A_962 = vector.broadcast %mul3A_961 : i32 to vector<16xi32>
    %mul3A_963 = arith.muli %get3A_918, %mul3A_962 : vector<16xi32>
    %add3A_964 = arith.constant 0 : i32
    %add3A_965 = vector.broadcast %add3A_964 : i32 to vector<16xi32>
    %add3A_966 = arith.addi %mul3A_963, %add3A_965 : vector<16xi32>
    %gather3A_967 = tpu.vector_load_idx %arg12[%add3A_966] : memref<24576xf32, #tpu.memory_space<vmem>>[vector<16xi32>], vector<16xf32>,
    %mul3A_968 = arith.mulf %div3A_938, %gather3A_967 : vector<16xf32>
    %add3A_969 = arith.addf %add3A_960, %mul3A_968 : vector<16xf32>
    %mul3A_970 = arith.constant 3 : i32
    %mul3A_971 = vector.broadcast %mul3A_970 : i32 to vector<16xi32>
    %mul3A_972 = arith.muli %get3A_920, %mul3A_971 : vector<16xi32>
    %add3A_973 = arith.constant 0 : i32
    %add3A_974 = vector.broadcast %add3A_973 : i32 to vector<16xi32>
    %add3A_975 = arith.addi %mul3A_972, %add3A_974 : vector<16xi32>
    %gather3A_976 = tpu.vector_load_idx %arg12[%add3A_975] : memref<24576xf32, #tpu.memory_space<vmem>>[vector<16xi32>], vector<16xf32>,
    %mul3A_977 = arith.mulf %div3A_944, %gather3A_976 : vector<16xf32>
    %add3A_978 = arith.addf %add3A_969, %mul3A_977 : vector<16xf32>
    %mul3A_979 = arith.mulf %add3A_978, %div3A_949 : vector<16xf32>
    %swap3A_980 = arith.constant 112 : index
    %swap3A_981 = tpu.vector_load %arg19[%swap3A_980] {strides = array<i32>} : memref<512xf32, #tpu.memory_space<vmem>>, vector<16xf32>,
    tpu.vector_store %arg19[%swap3A_980], %mul3A_979 {strides = array<i32>} : memref<512xf32, #tpu.memory_space<vmem>>, vector<16xf32>,
    %broadcast_in_dim3A_982 = arith.constant 0.000000e+00 : f32
    %broadcast_in_dim3A_983 = vector.broadcast %broadcast_in_dim3A_982 : f32 to vector<16xf32>
    %mul3A_984 = arith.constant 3 : i32
    %mul3A_985 = vector.broadcast %mul3A_984 : i32 to vector<16xi32>
    %mul3A_986 = arith.muli %get3A_916, %mul3A_985 : vector<16xi32>
    %add3A_987 = arith.constant 1 : i32
    %add3A_988 = vector.broadcast %add3A_987 : i32 to vector<16xi32>
    %add3A_989 = arith.addi %mul3A_986, %add3A_988 : vector<16xi32>
    %gather3A_990 = tpu.vector_load_idx %arg12[%add3A_989] : memref<24576xf32, #tpu.memory_space<vmem>>[vector<16xi32>], vector<16xf32>,
    %mul3A_991 = arith.mulf %div3A_932, %gather3A_990 : vector<16xf32>
    %add3A_992 = arith.addf %broadcast_in_dim3A_983, %mul3A_991 : vector<16xf32>
    %mul3A_993 = arith.constant 3 : i32
    %mul3A_994 = vector.broadcast %mul3A_993 : i32 to vector<16xi32>
    %mul3A_995 = arith.muli %get3A_918, %mul3A_994 : vector<16xi32>
    %add3A_996 = arith.constant 1 : i32
    %add3A_997 = vector.broadcast %add3A_996 : i32 to vector<16xi32>
    %add3A_998 = arith.addi %mul3A_995, %add3A_997 : vector<16xi32>
    %gather3A_999 = tpu.vector_load_idx %arg12[%add3A_998] : memref<24576xf32, #tpu.memory_space<vmem>>[vector<16xi32>], vector<16xf32>,
    %mul3A_1000 = arith.mulf %div3A_938, %gather3A_999 : vector<16xf32>
    %add3A_1001 = arith.addf %add3A_992, %mul3A_1000 : vector<16xf32>
    %mul3A_1002 = arith.constant 3 : i32
    %mul3A_1003 = vector.broadcast %mul3A_1002 : i32 to vector<16xi32>
    %mul3A_1004 = arith.muli %get3A_920, %mul3A_1003 : vector<16xi32>
    %add3A_1005 = arith.constant 1 : i32
    %add3A_1006 = vector.broadcast %add3A_1005 : i32 to vector<16xi32>
    %add3A_1007 = arith.addi %mul3A_1004, %add3A_1006 : vector<16xi32>
    %gather3A_1008 = tpu.vector_load_idx %arg12[%add3A_1007] : memref<24576xf32, #tpu.memory_space<vmem>>[vector<16xi32>], vector<16xf32>,
    %mul3A_1009 = arith.mulf %div3A_944, %gather3A_1008 : vector<16xf32>
    %add3A_1010 = arith.addf %add3A_1001, %mul3A_1009 : vector<16xf32>
    %mul3A_1011 = arith.mulf %add3A_1010, %div3A_949 : vector<16xf32>
    %swap3A_1012 = arith.constant 112 : index
    %swap3A_1013 = tpu.vector_load %arg20[%swap3A_1012] {strides = array<i32>} : memref<512xf32, #tpu.memory_space<vmem>>, vector<16xf32>,
    tpu.vector_store %arg20[%swap3A_1012], %mul3A_1011 {strides = array<i32>} : memref<512xf32, #tpu.memory_space<vmem>>, vector<16xf32>,
    %broadcast_in_dim3A_1014 = arith.constant 0.000000e+00 : f32
    %broadcast_in_dim3A_1015 = vector.broadcast %broadcast_in_dim3A_1014 : f32 to vector<16xf32>
    %mul3A_1016 = arith.constant 3 : i32
    %mul3A_1017 = vector.broadcast %mul3A_1016 : i32 to vector<16xi32>
    %mul3A_1018 = arith.muli %get3A_916, %mul3A_1017 : vector<16xi32>
    %add3A_1019 = arith.constant 2 : i32
    %add3A_1020 = vector.broadcast %add3A_1019 : i32 to vector<16xi32>
    %add3A_1021 = arith.addi %mul3A_1018, %add3A_1020 : vector<16xi32>
    %gather3A_1022 = tpu.vector_load_idx %arg12[%add3A_1021] : memref<24576xf32, #tpu.memory_space<vmem>>[vector<16xi32>], vector<16xf32>,
    %mul3A_1023 = arith.mulf %div3A_932, %gather3A_1022 : vector<16xf32>
    %add3A_1024 = arith.addf %broadcast_in_dim3A_1015, %mul3A_1023 : vector<16xf32>
    %mul3A_1025 = arith.constant 3 : i32
    %mul3A_1026 = vector.broadcast %mul3A_1025 : i32 to vector<16xi32>
    %mul3A_1027 = arith.muli %get3A_918, %mul3A_1026 : vector<16xi32>
    %add3A_1028 = arith.constant 2 : i32
    %add3A_1029 = vector.broadcast %add3A_1028 : i32 to vector<16xi32>
    %add3A_1030 = arith.addi %mul3A_1027, %add3A_1029 : vector<16xi32>
    %gather3A_1031 = tpu.vector_load_idx %arg12[%add3A_1030] : memref<24576xf32, #tpu.memory_space<vmem>>[vector<16xi32>], vector<16xf32>,
    %mul3A_1032 = arith.mulf %div3A_938, %gather3A_1031 : vector<16xf32>
    %add3A_1033 = arith.addf %add3A_1024, %mul3A_1032 : vector<16xf32>
    %mul3A_1034 = arith.constant 3 : i32
    %mul3A_1035 = vector.broadcast %mul3A_1034 : i32 to vector<16xi32>
    %mul3A_1036 = arith.muli %get3A_920, %mul3A_1035 : vector<16xi32>
    %add3A_1037 = arith.constant 2 : i32
    %add3A_1038 = vector.broadcast %add3A_1037 : i32 to vector<16xi32>
    %add3A_1039 = arith.addi %mul3A_1036, %add3A_1038 : vector<16xi32>
    %gather3A_1040 = tpu.vector_load_idx %arg12[%add3A_1039] : memref<24576xf32, #tpu.memory_space<vmem>>[vector<16xi32>], vector<16xf32>,
    %mul3A_1041 = arith.mulf %div3A_944, %gather3A_1040 : vector<16xf32>
    %add3A_1042 = arith.addf %add3A_1033, %mul3A_1041 : vector<16xf32>
    %mul3A_1043 = arith.mulf %add3A_1042, %div3A_949 : vector<16xf32>
    %swap3A_1044 = arith.constant 112 : index
    %swap3A_1045 = tpu.vector_load %arg21[%swap3A_1044] {strides = array<i32>} : memref<512xf32, #tpu.memory_space<vmem>>, vector<16xf32>,
    tpu.vector_store %arg21[%swap3A_1044], %mul3A_1043 {strides = array<i32>} : memref<512xf32, #tpu.memory_space<vmem>>, vector<16xf32>,
    %get3A_1046 = arith.constant 128 : index
    %get3A_1047 = tpu.vector_load %arg13[%get3A_1046] {strides = array<i32>} : memref<512xi32, #tpu.memory_space<vmem>>, vector<16xi32>,
    %get3A_1048 = arith.constant 128 : index
    %get3A_1049 = tpu.vector_load %arg14[%get3A_1048] {strides = array<i32>} : memref<512xi32, #tpu.memory_space<vmem>>, vector<16xi32>,
    %get3A_1050 = arith.constant 128 : index
    %get3A_1051 = tpu.vector_load %arg15[%get3A_1050] {strides = array<i32>} : memref<512xi32, #tpu.memory_space<vmem>>, vector<16xi32>,
    %get3A_1052 = arith.constant 128 : index
    %get3A_1053 = tpu.vector_load %arg16[%get3A_1052] {strides = array<i32>} : memref<512xf32, #tpu.memory_space<vmem>>, vector<16xf32>,
    %get3A_1054 = arith.constant 128 : index
    %get3A_1055 = tpu.vector_load %arg17[%get3A_1054] {strides = array<i32>} : memref<512xf32, #tpu.memory_space<vmem>>, vector<16xf32>,
    %get3A_1056 = arith.constant 128 : index
    %get3A_1057 = tpu.vector_load %arg18[%get3A_1056] {strides = array<i32>} : memref<512xf32, #tpu.memory_space<vmem>>, vector<16xf32>,
    %add3A_1058 = arith.constant 9.99999993E-9 : f32
    %add3A_1059 = vector.broadcast %add3A_1058 : f32 to vector<16xf32>
    %add3A_1060 = arith.addf %get3A_1053, %add3A_1059 : vector<16xf32>
    %div3A_1061 = arith.constant 1.000000e+00 : f32
    %div3A_1062 = vector.broadcast %div3A_1061 : f32 to vector<16xf32>
    %div3A_1063 = arith.divf %div3A_1062, %add3A_1060 : vector<16xf32>
    %add3A_1064 = arith.constant 9.99999993E-9 : f32
    %add3A_1065 = vector.broadcast %add3A_1064 : f32 to vector<16xf32>
    %add3A_1066 = arith.addf %get3A_1055, %add3A_1065 : vector<16xf32>
    %div3A_1067 = arith.constant 1.000000e+00 : f32
    %div3A_1068 = vector.broadcast %div3A_1067 : f32 to vector<16xf32>
    %div3A_1069 = arith.divf %div3A_1068, %add3A_1066 : vector<16xf32>
    %add3A_1070 = arith.constant 9.99999993E-9 : f32
    %add3A_1071 = vector.broadcast %add3A_1070 : f32 to vector<16xf32>
    %add3A_1072 = arith.addf %get3A_1057, %add3A_1071 : vector<16xf32>
    %div3A_1073 = arith.constant 1.000000e+00 : f32
    %div3A_1074 = vector.broadcast %div3A_1073 : f32 to vector<16xf32>
    %div3A_1075 = arith.divf %div3A_1074, %add3A_1072 : vector<16xf32>
    %add3A_1076 = arith.addf %div3A_1063, %div3A_1069 : vector<16xf32>
    %add3A_1077 = arith.addf %add3A_1076, %div3A_1075 : vector<16xf32>
    %div3A_1078 = arith.constant 1.000000e+00 : f32
    %div3A_1079 = vector.broadcast %div3A_1078 : f32 to vector<16xf32>
    %div3A_1080 = arith.divf %div3A_1079, %add3A_1077 : vector<16xf32>
    %broadcast_in_dim3A_1081 = arith.constant 0.000000e+00 : f32
    %broadcast_in_dim3A_1082 = vector.broadcast %broadcast_in_dim3A_1081 : f32 to vector<16xf32>
    %mul3A_1083 = arith.constant 3 : i32
    %mul3A_1084 = vector.broadcast %mul3A_1083 : i32 to vector<16xi32>
    %mul3A_1085 = arith.muli %get3A_1047, %mul3A_1084 : vector<16xi32>
    %add3A_1086 = arith.constant 0 : i32
    %add3A_1087 = vector.broadcast %add3A_1086 : i32 to vector<16xi32>
    %add3A_1088 = arith.addi %mul3A_1085, %add3A_1087 : vector<16xi32>
    %gather3A_1089 = tpu.vector_load_idx %arg12[%add3A_1088] : memref<24576xf32, #tpu.memory_space<vmem>>[vector<16xi32>], vector<16xf32>,
    %mul3A_1090 = arith.mulf %div3A_1063, %gather3A_1089 : vector<16xf32>
    %add3A_1091 = arith.addf %broadcast_in_dim3A_1082, %mul3A_1090 : vector<16xf32>
    %mul3A_1092 = arith.constant 3 : i32
    %mul3A_1093 = vector.broadcast %mul3A_1092 : i32 to vector<16xi32>
    %mul3A_1094 = arith.muli %get3A_1049, %mul3A_1093 : vector<16xi32>
    %add3A_1095 = arith.constant 0 : i32
    %add3A_1096 = vector.broadcast %add3A_1095 : i32 to vector<16xi32>
    %add3A_1097 = arith.addi %mul3A_1094, %add3A_1096 : vector<16xi32>
    %gather3A_1098 = tpu.vector_load_idx %arg12[%add3A_1097] : memref<24576xf32, #tpu.memory_space<vmem>>[vector<16xi32>], vector<16xf32>,
    %mul3A_1099 = arith.mulf %div3A_1069, %gather3A_1098 : vector<16xf32>
    %add3A_1100 = arith.addf %add3A_1091, %mul3A_1099 : vector<16xf32>
    %mul3A_1101 = arith.constant 3 : i32
    %mul3A_1102 = vector.broadcast %mul3A_1101 : i32 to vector<16xi32>
    %mul3A_1103 = arith.muli %get3A_1051, %mul3A_1102 : vector<16xi32>
    %add3A_1104 = arith.constant 0 : i32
    %add3A_1105 = vector.broadcast %add3A_1104 : i32 to vector<16xi32>
    %add3A_1106 = arith.addi %mul3A_1103, %add3A_1105 : vector<16xi32>
    %gather3A_1107 = tpu.vector_load_idx %arg12[%add3A_1106] : memref<24576xf32, #tpu.memory_space<vmem>>[vector<16xi32>], vector<16xf32>,
    %mul3A_1108 = arith.mulf %div3A_1075, %gather3A_1107 : vector<16xf32>
    %add3A_1109 = arith.addf %add3A_1100, %mul3A_1108 : vector<16xf32>
    %mul3A_1110 = arith.mulf %add3A_1109, %div3A_1080 : vector<16xf32>
    %swap3A_1111 = arith.constant 128 : index
    %swap3A_1112 = tpu.vector_load %arg19[%swap3A_1111] {strides = array<i32>} : memref<512xf32, #tpu.memory_space<vmem>>, vector<16xf32>,
    tpu.vector_store %arg19[%swap3A_1111], %mul3A_1110 {strides = array<i32>} : memref<512xf32, #tpu.memory_space<vmem>>, vector<16xf32>,
    %broadcast_in_dim3A_1113 = arith.constant 0.000000e+00 : f32
    %broadcast_in_dim3A_1114 = vector.broadcast %broadcast_in_dim3A_1113 : f32 to vector<16xf32>
    %mul3A_1115 = arith.constant 3 : i32
    %mul3A_1116 = vector.broadcast %mul3A_1115 : i32 to vector<16xi32>
    %mul3A_1117 = arith.muli %get3A_1047, %mul3A_1116 : vector<16xi32>
    %add3A_1118 = arith.constant 1 : i32
    %add3A_1119 = vector.broadcast %add3A_1118 : i32 to vector<16xi32>
    %add3A_1120 = arith.addi %mul3A_1117, %add3A_1119 : vector<16xi32>
    %gather3A_1121 = tpu.vector_load_idx %arg12[%add3A_1120] : memref<24576xf32, #tpu.memory_space<vmem>>[vector<16xi32>], vector<16xf32>,
    %mul3A_1122 = arith.mulf %div3A_1063, %gather3A_1121 : vector<16xf32>
    %add3A_1123 = arith.addf %broadcast_in_dim3A_1114, %mul3A_1122 : vector<16xf32>
    %mul3A_1124 = arith.constant 3 : i32
    %mul3A_1125 = vector.broadcast %mul3A_1124 : i32 to vector<16xi32>
    %mul3A_1126 = arith.muli %get3A_1049, %mul3A_1125 : vector<16xi32>
    %add3A_1127 = arith.constant 1 : i32
    %add3A_1128 = vector.broadcast %add3A_1127 : i32 to vector<16xi32>
    %add3A_1129 = arith.addi %mul3A_1126, %add3A_1128 : vector<16xi32>
    %gather3A_1130 = tpu.vector_load_idx %arg12[%add3A_1129] : memref<24576xf32, #tpu.memory_space<vmem>>[vector<16xi32>], vector<16xf32>,
    %mul3A_1131 = arith.mulf %div3A_1069, %gather3A_1130 : vector<16xf32>
    %add3A_1132 = arith.addf %add3A_1123, %mul3A_1131 : vector<16xf32>
    %mul3A_1133 = arith.constant 3 : i32
    %mul3A_1134 = vector.broadcast %mul3A_1133 : i32 to vector<16xi32>
    %mul3A_1135 = arith.muli %get3A_1051, %mul3A_1134 : vector<16xi32>
    %add3A_1136 = arith.constant 1 : i32
    %add3A_1137 = vector.broadcast %add3A_1136 : i32 to vector<16xi32>
    %add3A_1138 = arith.addi %mul3A_1135, %add3A_1137 : vector<16xi32>
    %gather3A_1139 = tpu.vector_load_idx %arg12[%add3A_1138] : memref<24576xf32, #tpu.memory_space<vmem>>[vector<16xi32>], vector<16xf32>,
    %mul3A_1140 = arith.mulf %div3A_1075, %gather3A_1139 : vector<16xf32>
    %add3A_1141 = arith.addf %add3A_1132, %mul3A_1140 : vector<16xf32>
    %mul3A_1142 = arith.mulf %add3A_1141, %div3A_1080 : vector<16xf32>
    %swap3A_1143 = arith.constant 128 : index
    %swap3A_1144 = tpu.vector_load %arg20[%swap3A_1143] {strides = array<i32>} : memref<512xf32, #tpu.memory_space<vmem>>, vector<16xf32>,
    tpu.vector_store %arg20[%swap3A_1143], %mul3A_1142 {strides = array<i32>} : memref<512xf32, #tpu.memory_space<vmem>>, vector<16xf32>,
    %broadcast_in_dim3A_1145 = arith.constant 0.000000e+00 : f32
    %broadcast_in_dim3A_1146 = vector.broadcast %broadcast_in_dim3A_1145 : f32 to vector<16xf32>
    %mul3A_1147 = arith.constant 3 : i32
    %mul3A_1148 = vector.broadcast %mul3A_1147 : i32 to vector<16xi32>
    %mul3A_1149 = arith.muli %get3A_1047, %mul3A_1148 : vector<16xi32>
    %add3A_1150 = arith.constant 2 : i32
    %add3A_1151 = vector.broadcast %add3A_1150 : i32 to vector<16xi32>
    %add3A_1152 = arith.addi %mul3A_1149, %add3A_1151 : vector<16xi32>
    %gather3A_1153 = tpu.vector_load_idx %arg12[%add3A_1152] : memref<24576xf32, #tpu.memory_space<vmem>>[vector<16xi32>], vector<16xf32>,
    %mul3A_1154 = arith.mulf %div3A_1063, %gather3A_1153 : vector<16xf32>
    %add3A_1155 = arith.addf %broadcast_in_dim3A_1146, %mul3A_1154 : vector<16xf32>
    %mul3A_1156 = arith.constant 3 : i32
    %mul3A_1157 = vector.broadcast %mul3A_1156 : i32 to vector<16xi32>
    %mul3A_1158 = arith.muli %get3A_1049, %mul3A_1157 : vector<16xi32>
    %add3A_1159 = arith.constant 2 : i32
    %add3A_1160 = vector.broadcast %add3A_1159 : i32 to vector<16xi32>
    %add3A_1161 = arith.addi %mul3A_1158, %add3A_1160 : vector<16xi32>
    %gather3A_1162 = tpu.vector_load_idx %arg12[%add3A_1161] : memref<24576xf32, #tpu.memory_space<vmem>>[vector<16xi32>], vector<16xf32>,
    %mul3A_1163 = arith.mulf %div3A_1069, %gather3A_1162 : vector<16xf32>
    %add3A_1164 = arith.addf %add3A_1155, %mul3A_1163 : vector<16xf32>
    %mul3A_1165 = arith.constant 3 : i32
    %mul3A_1166 = vector.broadcast %mul3A_1165 : i32 to vector<16xi32>
    %mul3A_1167 = arith.muli %get3A_1051, %mul3A_1166 : vector<16xi32>
    %add3A_1168 = arith.constant 2 : i32
    %add3A_1169 = vector.broadcast %add3A_1168 : i32 to vector<16xi32>
    %add3A_1170 = arith.addi %mul3A_1167, %add3A_1169 : vector<16xi32>
    %gather3A_1171 = tpu.vector_load_idx %arg12[%add3A_1170] : memref<24576xf32, #tpu.memory_space<vmem>>[vector<16xi32>], vector<16xf32>,
    %mul3A_1172 = arith.mulf %div3A_1075, %gather3A_1171 : vector<16xf32>
    %add3A_1173 = arith.addf %add3A_1164, %mul3A_1172 : vector<16xf32>
    %mul3A_1174 = arith.mulf %add3A_1173, %div3A_1080 : vector<16xf32>
    %swap3A_1175 = arith.constant 128 : index
    %swap3A_1176 = tpu.vector_load %arg21[%swap3A_1175] {strides = array<i32>} : memref<512xf32, #tpu.memory_space<vmem>>, vector<16xf32>,
    tpu.vector_store %arg21[%swap3A_1175], %mul3A_1174 {strides = array<i32>} : memref<512xf32, #tpu.memory_space<vmem>>, vector<16xf32>,
    %get3A_1177 = arith.constant 144 : index
    %get3A_1178 = tpu.vector_load %arg13[%get3A_1177] {strides = array<i32>} : memref<512xi32, #tpu.memory_space<vmem>>, vector<16xi32>,
    %get3A_1179 = arith.constant 144 : index
    %get3A_1180 = tpu.vector_load %arg14[%get3A_1179] {strides = array<i32>} : memref<512xi32, #tpu.memory_space<vmem>>, vector<16xi32>,
    %get3A_1181 = arith.constant 144 : index
    %get3A_1182 = tpu.vector_load %arg15[%get3A_1181] {strides = array<i32>} : memref<512xi32, #tpu.memory_space<vmem>>, vector<16xi32>,
    %get3A_1183 = arith.constant 144 : index
    %get3A_1184 = tpu.vector_load %arg16[%get3A_1183] {strides = array<i32>} : memref<512xf32, #tpu.memory_space<vmem>>, vector<16xf32>,
    %get3A_1185 = arith.constant 144 : index
    %get3A_1186 = tpu.vector_load %arg17[%get3A_1185] {strides = array<i32>} : memref<512xf32, #tpu.memory_space<vmem>>, vector<16xf32>,
    %get3A_1187 = arith.constant 144 : index
    %get3A_1188 = tpu.vector_load %arg18[%get3A_1187] {strides = array<i32>} : memref<512xf32, #tpu.memory_space<vmem>>, vector<16xf32>,
    %add3A_1189 = arith.constant 9.99999993E-9 : f32
    %add3A_1190 = vector.broadcast %add3A_1189 : f32 to vector<16xf32>
    %add3A_1191 = arith.addf %get3A_1184, %add3A_1190 : vector<16xf32>
    %div3A_1192 = arith.constant 1.000000e+00 : f32
    %div3A_1193 = vector.broadcast %div3A_1192 : f32 to vector<16xf32>
    %div3A_1194 = arith.divf %div3A_1193, %add3A_1191 : vector<16xf32>
    %add3A_1195 = arith.constant 9.99999993E-9 : f32
    %add3A_1196 = vector.broadcast %add3A_1195 : f32 to vector<16xf32>
    %add3A_1197 = arith.addf %get3A_1186, %add3A_1196 : vector<16xf32>
    %div3A_1198 = arith.constant 1.000000e+00 : f32
    %div3A_1199 = vector.broadcast %div3A_1198 : f32 to vector<16xf32>
    %div3A_1200 = arith.divf %div3A_1199, %add3A_1197 : vector<16xf32>
    %add3A_1201 = arith.constant 9.99999993E-9 : f32
    %add3A_1202 = vector.broadcast %add3A_1201 : f32 to vector<16xf32>
    %add3A_1203 = arith.addf %get3A_1188, %add3A_1202 : vector<16xf32>
    %div3A_1204 = arith.constant 1.000000e+00 : f32
    %div3A_1205 = vector.broadcast %div3A_1204 : f32 to vector<16xf32>
    %div3A_1206 = arith.divf %div3A_1205, %add3A_1203 : vector<16xf32>
    %add3A_1207 = arith.addf %div3A_1194, %div3A_1200 : vector<16xf32>
    %add3A_1208 = arith.addf %add3A_1207, %div3A_1206 : vector<16xf32>
    %div3A_1209 = arith.constant 1.000000e+00 : f32
    %div3A_1210 = vector.broadcast %div3A_1209 : f32 to vector<16xf32>
    %div3A_1211 = arith.divf %div3A_1210, %add3A_1208 : vector<16xf32>
    %broadcast_in_dim3A_1212 = arith.constant 0.000000e+00 : f32
    %broadcast_in_dim3A_1213 = vector.broadcast %broadcast_in_dim3A_1212 : f32 to vector<16xf32>
    %mul3A_1214 = arith.constant 3 : i32
    %mul3A_1215 = vector.broadcast %mul3A_1214 : i32 to vector<16xi32>
    %mul3A_1216 = arith.muli %get3A_1178, %mul3A_1215 : vector<16xi32>
    %add3A_1217 = arith.constant 0 : i32
    %add3A_1218 = vector.broadcast %add3A_1217 : i32 to vector<16xi32>
    %add3A_1219 = arith.addi %mul3A_1216, %add3A_1218 : vector<16xi32>
    %gather3A_1220 = tpu.vector_load_idx %arg12[%add3A_1219] : memref<24576xf32, #tpu.memory_space<vmem>>[vector<16xi32>], vector<16xf32>,
    %mul3A_1221 = arith.mulf %div3A_1194, %gather3A_1220 : vector<16xf32>
    %add3A_1222 = arith.addf %broadcast_in_dim3A_1213, %mul3A_1221 : vector<16xf32>
    %mul3A_1223 = arith.constant 3 : i32
    %mul3A_1224 = vector.broadcast %mul3A_1223 : i32 to vector<16xi32>
    %mul3A_1225 = arith.muli %get3A_1180, %mul3A_1224 : vector<16xi32>
    %add3A_1226 = arith.constant 0 : i32
    %add3A_1227 = vector.broadcast %add3A_1226 : i32 to vector<16xi32>
    %add3A_1228 = arith.addi %mul3A_1225, %add3A_1227 : vector<16xi32>
    %gather3A_1229 = tpu.vector_load_idx %arg12[%add3A_1228] : memref<24576xf32, #tpu.memory_space<vmem>>[vector<16xi32>], vector<16xf32>,
    %mul3A_1230 = arith.mulf %div3A_1200, %gather3A_1229 : vector<16xf32>
    %add3A_1231 = arith.addf %add3A_1222, %mul3A_1230 : vector<16xf32>
    %mul3A_1232 = arith.constant 3 : i32
    %mul3A_1233 = vector.broadcast %mul3A_1232 : i32 to vector<16xi32>
    %mul3A_1234 = arith.muli %get3A_1182, %mul3A_1233 : vector<16xi32>
    %add3A_1235 = arith.constant 0 : i32
    %add3A_1236 = vector.broadcast %add3A_1235 : i32 to vector<16xi32>
    %add3A_1237 = arith.addi %mul3A_1234, %add3A_1236 : vector<16xi32>
    %gather3A_1238 = tpu.vector_load_idx %arg12[%add3A_1237] : memref<24576xf32, #tpu.memory_space<vmem>>[vector<16xi32>], vector<16xf32>,
    %mul3A_1239 = arith.mulf %div3A_1206, %gather3A_1238 : vector<16xf32>
    %add3A_1240 = arith.addf %add3A_1231, %mul3A_1239 : vector<16xf32>
    %mul3A_1241 = arith.mulf %add3A_1240, %div3A_1211 : vector<16xf32>
    %swap3A_1242 = arith.constant 144 : index
    %swap3A_1243 = tpu.vector_load %arg19[%swap3A_1242] {strides = array<i32>} : memref<512xf32, #tpu.memory_space<vmem>>, vector<16xf32>,
    tpu.vector_store %arg19[%swap3A_1242], %mul3A_1241 {strides = array<i32>} : memref<512xf32, #tpu.memory_space<vmem>>, vector<16xf32>,
    %broadcast_in_dim3A_1244 = arith.constant 0.000000e+00 : f32
    %broadcast_in_dim3A_1245 = vector.broadcast %broadcast_in_dim3A_1244 : f32 to vector<16xf32>
    %mul3A_1246 = arith.constant 3 : i32
    %mul3A_1247 = vector.broadcast %mul3A_1246 : i32 to vector<16xi32>
    %mul3A_1248 = arith.muli %get3A_1178, %mul3A_1247 : vector<16xi32>
    %add3A_1249 = arith.constant 1 : i32
    %add3A_1250 = vector.broadcast %add3A_1249 : i32 to vector<16xi32>
    %add3A_1251 = arith.addi %mul3A_1248, %add3A_1250 : vector<16xi32>
    %gather3A_1252 = tpu.vector_load_idx %arg12[%add3A_1251] : memref<24576xf32, #tpu.memory_space<vmem>>[vector<16xi32>], vector<16xf32>,
    %mul3A_1253 = arith.mulf %div3A_1194, %gather3A_1252 : vector<16xf32>
    %add3A_1254 = arith.addf %broadcast_in_dim3A_1245, %mul3A_1253 : vector<16xf32>
    %mul3A_1255 = arith.constant 3 : i32
    %mul3A_1256 = vector.broadcast %mul3A_1255 : i32 to vector<16xi32>
    %mul3A_1257 = arith.muli %get3A_1180, %mul3A_1256 : vector<16xi32>
    %add3A_1258 = arith.constant 1 : i32
    %add3A_1259 = vector.broadcast %add3A_1258 : i32 to vector<16xi32>
    %add3A_1260 = arith.addi %mul3A_1257, %add3A_1259 : vector<16xi32>
    %gather3A_1261 = tpu.vector_load_idx %arg12[%add3A_1260] : memref<24576xf32, #tpu.memory_space<vmem>>[vector<16xi32>], vector<16xf32>,
    %mul3A_1262 = arith.mulf %div3A_1200, %gather3A_1261 : vector<16xf32>
    %add3A_1263 = arith.addf %add3A_1254, %mul3A_1262 : vector<16xf32>
    %mul3A_1264 = arith.constant 3 : i32
    %mul3A_1265 = vector.broadcast %mul3A_1264 : i32 to vector<16xi32>
    %mul3A_1266 = arith.muli %get3A_1182, %mul3A_1265 : vector<16xi32>
    %add3A_1267 = arith.constant 1 : i32
    %add3A_1268 = vector.broadcast %add3A_1267 : i32 to vector<16xi32>
    %add3A_1269 = arith.addi %mul3A_1266, %add3A_1268 : vector<16xi32>
    %gather3A_1270 = tpu.vector_load_idx %arg12[%add3A_1269] : memref<24576xf32, #tpu.memory_space<vmem>>[vector<16xi32>], vector<16xf32>,
    %mul3A_1271 = arith.mulf %div3A_1206, %gather3A_1270 : vector<16xf32>
    %add3A_1272 = arith.addf %add3A_1263, %mul3A_1271 : vector<16xf32>
    %mul3A_1273 = arith.mulf %add3A_1272, %div3A_1211 : vector<16xf32>
    %swap3A_1274 = arith.constant 144 : index
    %swap3A_1275 = tpu.vector_load %arg20[%swap3A_1274] {strides = array<i32>} : memref<512xf32, #tpu.memory_space<vmem>>, vector<16xf32>,
    tpu.vector_store %arg20[%swap3A_1274], %mul3A_1273 {strides = array<i32>} : memref<512xf32, #tpu.memory_space<vmem>>, vector<16xf32>,
    %broadcast_in_dim3A_1276 = arith.constant 0.000000e+00 : f32
    %broadcast_in_dim3A_1277 = vector.broadcast %broadcast_in_dim3A_1276 : f32 to vector<16xf32>
    %mul3A_1278 = arith.constant 3 : i32
    %mul3A_1279 = vector.broadcast %mul3A_1278 : i32 to vector<16xi32>
    %mul3A_1280 = arith.muli %get3A_1178, %mul3A_1279 : vector<16xi32>
    %add3A_1281 = arith.constant 2 : i32
    %add3A_1282 = vector.broadcast %add3A_1281 : i32 to vector<16xi32>
    %add3A_1283 = arith.addi %mul3A_1280, %add3A_1282 : vector<16xi32>
    %gather3A_1284 = tpu.vector_load_idx %arg12[%add3A_1283] : memref<24576xf32, #tpu.memory_space<vmem>>[vector<16xi32>], vector<16xf32>,
    %mul3A_1285 = arith.mulf %div3A_1194, %gather3A_1284 : vector<16xf32>
    %add3A_1286 = arith.addf %broadcast_in_dim3A_1277, %mul3A_1285 : vector<16xf32>
    %mul3A_1287 = arith.constant 3 : i32
    %mul3A_1288 = vector.broadcast %mul3A_1287 : i32 to vector<16xi32>
    %mul3A_1289 = arith.muli %get3A_1180, %mul3A_1288 : vector<16xi32>
    %add3A_1290 = arith.constant 2 : i32
    %add3A_1291 = vector.broadcast %add3A_1290 : i32 to vector<16xi32>
    %add3A_1292 = arith.addi %mul3A_1289, %add3A_1291 : vector<16xi32>
    %gather3A_1293 = tpu.vector_load_idx %arg12[%add3A_1292] : memref<24576xf32, #tpu.memory_space<vmem>>[vector<16xi32>], vector<16xf32>,
    %mul3A_1294 = arith.mulf %div3A_1200, %gather3A_1293 : vector<16xf32>
    %add3A_1295 = arith.addf %add3A_1286, %mul3A_1294 : vector<16xf32>
    %mul3A_1296 = arith.constant 3 : i32
    %mul3A_1297 = vector.broadcast %mul3A_1296 : i32 to vector<16xi32>
    %mul3A_1298 = arith.muli %get3A_1182, %mul3A_1297 : vector<16xi32>
    %add3A_1299 = arith.constant 2 : i32
    %add3A_1300 = vector.broadcast %add3A_1299 : i32 to vector<16xi32>
    %add3A_1301 = arith.addi %mul3A_1298, %add3A_1300 : vector<16xi32>
    %gather3A_1302 = tpu.vector_load_idx %arg12[%add3A_1301] : memref<24576xf32, #tpu.memory_space<vmem>>[vector<16xi32>], vector<16xf32>,
    %mul3A_1303 = arith.mulf %div3A_1206, %gather3A_1302 : vector<16xf32>
    %add3A_1304 = arith.addf %add3A_1295, %mul3A_1303 : vector<16xf32>
    %mul3A_1305 = arith.mulf %add3A_1304, %div3A_1211 : vector<16xf32>
    %swap3A_1306 = arith.constant 144 : index
    %swap3A_1307 = tpu.vector_load %arg21[%swap3A_1306] {strides = array<i32>} : memref<512xf32, #tpu.memory_space<vmem>>, vector<16xf32>,
    tpu.vector_store %arg21[%swap3A_1306], %mul3A_1305 {strides = array<i32>} : memref<512xf32, #tpu.memory_space<vmem>>, vector<16xf32>,
    %get3A_1308 = arith.constant 160 : index
    %get3A_1309 = tpu.vector_load %arg13[%get3A_1308] {strides = array<i32>} : memref<512xi32, #tpu.memory_space<vmem>>, vector<16xi32>,
    %get3A_1310 = arith.constant 160 : index
    %get3A_1311 = tpu.vector_load %arg14[%get3A_1310] {strides = array<i32>} : memref<512xi32, #tpu.memory_space<vmem>>, vector<16xi32>,
    %get3A_1312 = arith.constant 160 : index
    %get3A_1313 = tpu.vector_load %arg15[%get3A_1312] {strides = array<i32>} : memref<512xi32, #tpu.memory_space<vmem>>, vector<16xi32>,
    %get3A_1314 = arith.constant 160 : index
    %get3A_1315 = tpu.vector_load %arg16[%get3A_1314] {strides = array<i32>} : memref<512xf32, #tpu.memory_space<vmem>>, vector<16xf32>,
    %get3A_1316 = arith.constant 160 : index
    %get3A_1317 = tpu.vector_load %arg17[%get3A_1316] {strides = array<i32>} : memref<512xf32, #tpu.memory_space<vmem>>, vector<16xf32>,
    %get3A_1318 = arith.constant 160 : index
    %get3A_1319 = tpu.vector_load %arg18[%get3A_1318] {strides = array<i32>} : memref<512xf32, #tpu.memory_space<vmem>>, vector<16xf32>,
    %add3A_1320 = arith.constant 9.99999993E-9 : f32
    %add3A_1321 = vector.broadcast %add3A_1320 : f32 to vector<16xf32>
    %add3A_1322 = arith.addf %get3A_1315, %add3A_1321 : vector<16xf32>
    %div3A_1323 = arith.constant 1.000000e+00 : f32
    %div3A_1324 = vector.broadcast %div3A_1323 : f32 to vector<16xf32>
    %div3A_1325 = arith.divf %div3A_1324, %add3A_1322 : vector<16xf32>
    %add3A_1326 = arith.constant 9.99999993E-9 : f32
    %add3A_1327 = vector.broadcast %add3A_1326 : f32 to vector<16xf32>
    %add3A_1328 = arith.addf %get3A_1317, %add3A_1327 : vector<16xf32>
    %div3A_1329 = arith.constant 1.000000e+00 : f32
    %div3A_1330 = vector.broadcast %div3A_1329 : f32 to vector<16xf32>
    %div3A_1331 = arith.divf %div3A_1330, %add3A_1328 : vector<16xf32>
    %add3A_1332 = arith.constant 9.99999993E-9 : f32
    %add3A_1333 = vector.broadcast %add3A_1332 : f32 to vector<16xf32>
    %add3A_1334 = arith.addf %get3A_1319, %add3A_1333 : vector<16xf32>
    %div3A_1335 = arith.constant 1.000000e+00 : f32
    %div3A_1336 = vector.broadcast %div3A_1335 : f32 to vector<16xf32>
    %div3A_1337 = arith.divf %div3A_1336, %add3A_1334 : vector<16xf32>
    %add3A_1338 = arith.addf %div3A_1325, %div3A_1331 : vector<16xf32>
    %add3A_1339 = arith.addf %add3A_1338, %div3A_1337 : vector<16xf32>
    %div3A_1340 = arith.constant 1.000000e+00 : f32
    %div3A_1341 = vector.broadcast %div3A_1340 : f32 to vector<16xf32>
    %div3A_1342 = arith.divf %div3A_1341, %add3A_1339 : vector<16xf32>
    %broadcast_in_dim3A_1343 = arith.constant 0.000000e+00 : f32
    %broadcast_in_dim3A_1344 = vector.broadcast %broadcast_in_dim3A_1343 : f32 to vector<16xf32>
    %mul3A_1345 = arith.constant 3 : i32
    %mul3A_1346 = vector.broadcast %mul3A_1345 : i32 to vector<16xi32>
    %mul3A_1347 = arith.muli %get3A_1309, %mul3A_1346 : vector<16xi32>
    %add3A_1348 = arith.constant 0 : i32
    %add3A_1349 = vector.broadcast %add3A_1348 : i32 to vector<16xi32>
    %add3A_1350 = arith.addi %mul3A_1347, %add3A_1349 : vector<16xi32>
    %gather3A_1351 = tpu.vector_load_idx %arg12[%add3A_1350] : memref<24576xf32, #tpu.memory_space<vmem>>[vector<16xi32>], vector<16xf32>,
    %mul3A_1352 = arith.mulf %div3A_1325, %gather3A_1351 : vector<16xf32>
    %add3A_1353 = arith.addf %broadcast_in_dim3A_1344, %mul3A_1352 : vector<16xf32>
    %mul3A_1354 = arith.constant 3 : i32
    %mul3A_1355 = vector.broadcast %mul3A_1354 : i32 to vector<16xi32>
    %mul3A_1356 = arith.muli %get3A_1311, %mul3A_1355 : vector<16xi32>
    %add3A_1357 = arith.constant 0 : i32
    %add3A_1358 = vector.broadcast %add3A_1357 : i32 to vector<16xi32>
    %add3A_1359 = arith.addi %mul3A_1356, %add3A_1358 : vector<16xi32>
    %gather3A_1360 = tpu.vector_load_idx %arg12[%add3A_1359] : memref<24576xf32, #tpu.memory_space<vmem>>[vector<16xi32>], vector<16xf32>,
    %mul3A_1361 = arith.mulf %div3A_1331, %gather3A_1360 : vector<16xf32>
    %add3A_1362 = arith.addf %add3A_1353, %mul3A_1361 : vector<16xf32>
    %mul3A_1363 = arith.constant 3 : i32
    %mul3A_1364 = vector.broadcast %mul3A_1363 : i32 to vector<16xi32>
    %mul3A_1365 = arith.muli %get3A_1313, %mul3A_1364 : vector<16xi32>
    %add3A_1366 = arith.constant 0 : i32
    %add3A_1367 = vector.broadcast %add3A_1366 : i32 to vector<16xi32>
    %add3A_1368 = arith.addi %mul3A_1365, %add3A_1367 : vector<16xi32>
    %gather3A_1369 = tpu.vector_load_idx %arg12[%add3A_1368] : memref<24576xf32, #tpu.memory_space<vmem>>[vector<16xi32>], vector<16xf32>,
    %mul3A_1370 = arith.mulf %div3A_1337, %gather3A_1369 : vector<16xf32>
    %add3A_1371 = arith.addf %add3A_1362, %mul3A_1370 : vector<16xf32>
    %mul3A_1372 = arith.mulf %add3A_1371, %div3A_1342 : vector<16xf32>
    %swap3A_1373 = arith.constant 160 : index
    %swap3A_1374 = tpu.vector_load %arg19[%swap3A_1373] {strides = array<i32>} : memref<512xf32, #tpu.memory_space<vmem>>, vector<16xf32>,
    tpu.vector_store %arg19[%swap3A_1373], %mul3A_1372 {strides = array<i32>} : memref<512xf32, #tpu.memory_space<vmem>>, vector<16xf32>,
    %broadcast_in_dim3A_1375 = arith.constant 0.000000e+00 : f32
    %broadcast_in_dim3A_1376 = vector.broadcast %broadcast_in_dim3A_1375 : f32 to vector<16xf32>
    %mul3A_1377 = arith.constant 3 : i32
    %mul3A_1378 = vector.broadcast %mul3A_1377 : i32 to vector<16xi32>
    %mul3A_1379 = arith.muli %get3A_1309, %mul3A_1378 : vector<16xi32>
    %add3A_1380 = arith.constant 1 : i32
    %add3A_1381 = vector.broadcast %add3A_1380 : i32 to vector<16xi32>
    %add3A_1382 = arith.addi %mul3A_1379, %add3A_1381 : vector<16xi32>
    %gather3A_1383 = tpu.vector_load_idx %arg12[%add3A_1382] : memref<24576xf32, #tpu.memory_space<vmem>>[vector<16xi32>], vector<16xf32>,
    %mul3A_1384 = arith.mulf %div3A_1325, %gather3A_1383 : vector<16xf32>
    %add3A_1385 = arith.addf %broadcast_in_dim3A_1376, %mul3A_1384 : vector<16xf32>
    %mul3A_1386 = arith.constant 3 : i32
    %mul3A_1387 = vector.broadcast %mul3A_1386 : i32 to vector<16xi32>
    %mul3A_1388 = arith.muli %get3A_1311, %mul3A_1387 : vector<16xi32>
    %add3A_1389 = arith.constant 1 : i32
    %add3A_1390 = vector.broadcast %add3A_1389 : i32 to vector<16xi32>
    %add3A_1391 = arith.addi %mul3A_1388, %add3A_1390 : vector<16xi32>
    %gather3A_1392 = tpu.vector_load_idx %arg12[%add3A_1391] : memref<24576xf32, #tpu.memory_space<vmem>>[vector<16xi32>], vector<16xf32>,
    %mul3A_1393 = arith.mulf %div3A_1331, %gather3A_1392 : vector<16xf32>
    %add3A_1394 = arith.addf %add3A_1385, %mul3A_1393 : vector<16xf32>
    %mul3A_1395 = arith.constant 3 : i32
    %mul3A_1396 = vector.broadcast %mul3A_1395 : i32 to vector<16xi32>
    %mul3A_1397 = arith.muli %get3A_1313, %mul3A_1396 : vector<16xi32>
    %add3A_1398 = arith.constant 1 : i32
    %add3A_1399 = vector.broadcast %add3A_1398 : i32 to vector<16xi32>
    %add3A_1400 = arith.addi %mul3A_1397, %add3A_1399 : vector<16xi32>
    %gather3A_1401 = tpu.vector_load_idx %arg12[%add3A_1400] : memref<24576xf32, #tpu.memory_space<vmem>>[vector<16xi32>], vector<16xf32>,
    %mul3A_1402 = arith.mulf %div3A_1337, %gather3A_1401 : vector<16xf32>
    %add3A_1403 = arith.addf %add3A_1394, %mul3A_1402 : vector<16xf32>
    %mul3A_1404 = arith.mulf %add3A_1403, %div3A_1342 : vector<16xf32>
    %swap3A_1405 = arith.constant 160 : index
    %swap3A_1406 = tpu.vector_load %arg20[%swap3A_1405] {strides = array<i32>} : memref<512xf32, #tpu.memory_space<vmem>>, vector<16xf32>,
    tpu.vector_store %arg20[%swap3A_1405], %mul3A_1404 {strides = array<i32>} : memref<512xf32, #tpu.memory_space<vmem>>, vector<16xf32>,
    %broadcast_in_dim3A_1407 = arith.constant 0.000000e+00 : f32
    %broadcast_in_dim3A_1408 = vector.broadcast %broadcast_in_dim3A_1407 : f32 to vector<16xf32>
    %mul3A_1409 = arith.constant 3 : i32
    %mul3A_1410 = vector.broadcast %mul3A_1409 : i32 to vector<16xi32>
    %mul3A_1411 = arith.muli %get3A_1309, %mul3A_1410 : vector<16xi32>
    %add3A_1412 = arith.constant 2 : i32
    %add3A_1413 = vector.broadcast %add3A_1412 : i32 to vector<16xi32>
    %add3A_1414 = arith.addi %mul3A_1411, %add3A_1413 : vector<16xi32>
    %gather3A_1415 = tpu.vector_load_idx %arg12[%add3A_1414] : memref<24576xf32, #tpu.memory_space<vmem>>[vector<16xi32>], vector<16xf32>,
    %mul3A_1416 = arith.mulf %div3A_1325, %gather3A_1415 : vector<16xf32>
    %add3A_1417 = arith.addf %broadcast_in_dim3A_1408, %mul3A_1416 : vector<16xf32>
    %mul3A_1418 = arith.constant 3 : i32
    %mul3A_1419 = vector.broadcast %mul3A_1418 : i32 to vector<16xi32>
    %mul3A_1420 = arith.muli %get3A_1311, %mul3A_1419 : vector<16xi32>
    %add3A_1421 = arith.constant 2 : i32
    %add3A_1422 = vector.broadcast %add3A_1421 : i32 to vector<16xi32>
    %add3A_1423 = arith.addi %mul3A_1420, %add3A_1422 : vector<16xi32>
    %gather3A_1424 = tpu.vector_load_idx %arg12[%add3A_1423] : memref<24576xf32, #tpu.memory_space<vmem>>[vector<16xi32>], vector<16xf32>,
    %mul3A_1425 = arith.mulf %div3A_1331, %gather3A_1424 : vector<16xf32>
    %add3A_1426 = arith.addf %add3A_1417, %mul3A_1425 : vector<16xf32>
    %mul3A_1427 = arith.constant 3 : i32
    %mul3A_1428 = vector.broadcast %mul3A_1427 : i32 to vector<16xi32>
    %mul3A_1429 = arith.muli %get3A_1313, %mul3A_1428 : vector<16xi32>
    %add3A_1430 = arith.constant 2 : i32
    %add3A_1431 = vector.broadcast %add3A_1430 : i32 to vector<16xi32>
    %add3A_1432 = arith.addi %mul3A_1429, %add3A_1431 : vector<16xi32>
    %gather3A_1433 = tpu.vector_load_idx %arg12[%add3A_1432] : memref<24576xf32, #tpu.memory_space<vmem>>[vector<16xi32>], vector<16xf32>,
    %mul3A_1434 = arith.mulf %div3A_1337, %gather3A_1433 : vector<16xf32>
    %add3A_1435 = arith.addf %add3A_1426, %mul3A_1434 : vector<16xf32>
    %mul3A_1436 = arith.mulf %add3A_1435, %div3A_1342 : vector<16xf32>
    %swap3A_1437 = arith.constant 160 : index
    %swap3A_1438 = tpu.vector_load %arg21[%swap3A_1437] {strides = array<i32>} : memref<512xf32, #tpu.memory_space<vmem>>, vector<16xf32>,
    tpu.vector_store %arg21[%swap3A_1437], %mul3A_1436 {strides = array<i32>} : memref<512xf32, #tpu.memory_space<vmem>>, vector<16xf32>,
    %get3A_1439 = arith.constant 176 : index
    %get3A_1440 = tpu.vector_load %arg13[%get3A_1439] {strides = array<i32>} : memref<512xi32, #tpu.memory_space<vmem>>, vector<16xi32>,
    %get3A_1441 = arith.constant 176 : index
    %get3A_1442 = tpu.vector_load %arg14[%get3A_1441] {strides = array<i32>} : memref<512xi32, #tpu.memory_space<vmem>>, vector<16xi32>,
    %get3A_1443 = arith.constant 176 : index
    %get3A_1444 = tpu.vector_load %arg15[%get3A_1443] {strides = array<i32>} : memref<512xi32, #tpu.memory_space<vmem>>, vector<16xi32>,
    %get3A_1445 = arith.constant 176 : index
    %get3A_1446 = tpu.vector_load %arg16[%get3A_1445] {strides = array<i32>} : memref<512xf32, #tpu.memory_space<vmem>>, vector<16xf32>,
    %get3A_1447 = arith.constant 176 : index
    %get3A_1448 = tpu.vector_load %arg17[%get3A_1447] {strides = array<i32>} : memref<512xf32, #tpu.memory_space<vmem>>, vector<16xf32>,
    %get3A_1449 = arith.constant 176 : index
    %get3A_1450 = tpu.vector_load %arg18[%get3A_1449] {strides = array<i32>} : memref<512xf32, #tpu.memory_space<vmem>>, vector<16xf32>,
    %add3A_1451 = arith.constant 9.99999993E-9 : f32
    %add3A_1452 = vector.broadcast %add3A_1451 : f32 to vector<16xf32>
    %add3A_1453 = arith.addf %get3A_1446, %add3A_1452 : vector<16xf32>
    %div3A_1454 = arith.constant 1.000000e+00 : f32
    %div3A_1455 = vector.broadcast %div3A_1454 : f32 to vector<16xf32>
    %div3A_1456 = arith.divf %div3A_1455, %add3A_1453 : vector<16xf32>
    %add3A_1457 = arith.constant 9.99999993E-9 : f32
    %add3A_1458 = vector.broadcast %add3A_1457 : f32 to vector<16xf32>
    %add3A_1459 = arith.addf %get3A_1448, %add3A_1458 : vector<16xf32>
    %div3A_1460 = arith.constant 1.000000e+00 : f32
    %div3A_1461 = vector.broadcast %div3A_1460 : f32 to vector<16xf32>
    %div3A_1462 = arith.divf %div3A_1461, %add3A_1459 : vector<16xf32>
    %add3A_1463 = arith.constant 9.99999993E-9 : f32
    %add3A_1464 = vector.broadcast %add3A_1463 : f32 to vector<16xf32>
    %add3A_1465 = arith.addf %get3A_1450, %add3A_1464 : vector<16xf32>
    %div3A_1466 = arith.constant 1.000000e+00 : f32
    %div3A_1467 = vector.broadcast %div3A_1466 : f32 to vector<16xf32>
    %div3A_1468 = arith.divf %div3A_1467, %add3A_1465 : vector<16xf32>
    %add3A_1469 = arith.addf %div3A_1456, %div3A_1462 : vector<16xf32>
    %add3A_1470 = arith.addf %add3A_1469, %div3A_1468 : vector<16xf32>
    %div3A_1471 = arith.constant 1.000000e+00 : f32
    %div3A_1472 = vector.broadcast %div3A_1471 : f32 to vector<16xf32>
    %div3A_1473 = arith.divf %div3A_1472, %add3A_1470 : vector<16xf32>
    %broadcast_in_dim3A_1474 = arith.constant 0.000000e+00 : f32
    %broadcast_in_dim3A_1475 = vector.broadcast %broadcast_in_dim3A_1474 : f32 to vector<16xf32>
    %mul3A_1476 = arith.constant 3 : i32
    %mul3A_1477 = vector.broadcast %mul3A_1476 : i32 to vector<16xi32>
    %mul3A_1478 = arith.muli %get3A_1440, %mul3A_1477 : vector<16xi32>
    %add3A_1479 = arith.constant 0 : i32
    %add3A_1480 = vector.broadcast %add3A_1479 : i32 to vector<16xi32>
    %add3A_1481 = arith.addi %mul3A_1478, %add3A_1480 : vector<16xi32>
    %gather3A_1482 = tpu.vector_load_idx %arg12[%add3A_1481] : memref<24576xf32, #tpu.memory_space<vmem>>[vector<16xi32>], vector<16xf32>,
    %mul3A_1483 = arith.mulf %div3A_1456, %gather3A_1482 : vector<16xf32>
    %add3A_1484 = arith.addf %broadcast_in_dim3A_1475, %mul3A_1483 : vector<16xf32>
    %mul3A_1485 = arith.constant 3 : i32
    %mul3A_1486 = vector.broadcast %mul3A_1485 : i32 to vector<16xi32>
    %mul3A_1487 = arith.muli %get3A_1442, %mul3A_1486 : vector<16xi32>
    %add3A_1488 = arith.constant 0 : i32
    %add3A_1489 = vector.broadcast %add3A_1488 : i32 to vector<16xi32>
    %add3A_1490 = arith.addi %mul3A_1487, %add3A_1489 : vector<16xi32>
    %gather3A_1491 = tpu.vector_load_idx %arg12[%add3A_1490] : memref<24576xf32, #tpu.memory_space<vmem>>[vector<16xi32>], vector<16xf32>,
    %mul3A_1492 = arith.mulf %div3A_1462, %gather3A_1491 : vector<16xf32>
    %add3A_1493 = arith.addf %add3A_1484, %mul3A_1492 : vector<16xf32>
    %mul3A_1494 = arith.constant 3 : i32
    %mul3A_1495 = vector.broadcast %mul3A_1494 : i32 to vector<16xi32>
    %mul3A_1496 = arith.muli %get3A_1444, %mul3A_1495 : vector<16xi32>
    %add3A_1497 = arith.constant 0 : i32
    %add3A_1498 = vector.broadcast %add3A_1497 : i32 to vector<16xi32>
    %add3A_1499 = arith.addi %mul3A_1496, %add3A_1498 : vector<16xi32>
    %gather3A_1500 = tpu.vector_load_idx %arg12[%add3A_1499] : memref<24576xf32, #tpu.memory_space<vmem>>[vector<16xi32>], vector<16xf32>,
    %mul3A_1501 = arith.mulf %div3A_1468, %gather3A_1500 : vector<16xf32>
    %add3A_1502 = arith.addf %add3A_1493, %mul3A_1501 : vector<16xf32>
    %mul3A_1503 = arith.mulf %add3A_1502, %div3A_1473 : vector<16xf32>
    %swap3A_1504 = arith.constant 176 : index
    %swap3A_1505 = tpu.vector_load %arg19[%swap3A_1504] {strides = array<i32>} : memref<512xf32, #tpu.memory_space<vmem>>, vector<16xf32>,
    tpu.vector_store %arg19[%swap3A_1504], %mul3A_1503 {strides = array<i32>} : memref<512xf32, #tpu.memory_space<vmem>>, vector<16xf32>,
    %broadcast_in_dim3A_1506 = arith.constant 0.000000e+00 : f32
    %broadcast_in_dim3A_1507 = vector.broadcast %broadcast_in_dim3A_1506 : f32 to vector<16xf32>
    %mul3A_1508 = arith.constant 3 : i32
    %mul3A_1509 = vector.broadcast %mul3A_1508 : i32 to vector<16xi32>
    %mul3A_1510 = arith.muli %get3A_1440, %mul3A_1509 : vector<16xi32>
    %add3A_1511 = arith.constant 1 : i32
    %add3A_1512 = vector.broadcast %add3A_1511 : i32 to vector<16xi32>
    %add3A_1513 = arith.addi %mul3A_1510, %add3A_1512 : vector<16xi32>
    %gather3A_1514 = tpu.vector_load_idx %arg12[%add3A_1513] : memref<24576xf32, #tpu.memory_space<vmem>>[vector<16xi32>], vector<16xf32>,
    %mul3A_1515 = arith.mulf %div3A_1456, %gather3A_1514 : vector<16xf32>
    %add3A_1516 = arith.addf %broadcast_in_dim3A_1507, %mul3A_1515 : vector<16xf32>
    %mul3A_1517 = arith.constant 3 : i32
    %mul3A_1518 = vector.broadcast %mul3A_1517 : i32 to vector<16xi32>
    %mul3A_1519 = arith.muli %get3A_1442, %mul3A_1518 : vector<16xi32>
    %add3A_1520 = arith.constant 1 : i32
    %add3A_1521 = vector.broadcast %add3A_1520 : i32 to vector<16xi32>
    %add3A_1522 = arith.addi %mul3A_1519, %add3A_1521 : vector<16xi32>
    %gather3A_1523 = tpu.vector_load_idx %arg12[%add3A_1522] : memref<24576xf32, #tpu.memory_space<vmem>>[vector<16xi32>], vector<16xf32>,
    %mul3A_1524 = arith.mulf %div3A_1462, %gather3A_1523 : vector<16xf32>
    %add3A_1525 = arith.addf %add3A_1516, %mul3A_1524 : vector<16xf32>
    %mul3A_1526 = arith.constant 3 : i32
    %mul3A_1527 = vector.broadcast %mul3A_1526 : i32 to vector<16xi32>
    %mul3A_1528 = arith.muli %get3A_1444, %mul3A_1527 : vector<16xi32>
    %add3A_1529 = arith.constant 1 : i32
    %add3A_1530 = vector.broadcast %add3A_1529 : i32 to vector<16xi32>
    %add3A_1531 = arith.addi %mul3A_1528, %add3A_1530 : vector<16xi32>
    %gather3A_1532 = tpu.vector_load_idx %arg12[%add3A_1531] : memref<24576xf32, #tpu.memory_space<vmem>>[vector<16xi32>], vector<16xf32>,
    %mul3A_1533 = arith.mulf %div3A_1468, %gather3A_1532 : vector<16xf32>
    %add3A_1534 = arith.addf %add3A_1525, %mul3A_1533 : vector<16xf32>
    %mul3A_1535 = arith.mulf %add3A_1534, %div3A_1473 : vector<16xf32>
    %swap3A_1536 = arith.constant 176 : index
    %swap3A_1537 = tpu.vector_load %arg20[%swap3A_1536] {strides = array<i32>} : memref<512xf32, #tpu.memory_space<vmem>>, vector<16xf32>,
    tpu.vector_store %arg20[%swap3A_1536], %mul3A_1535 {strides = array<i32>} : memref<512xf32, #tpu.memory_space<vmem>>, vector<16xf32>,
    %broadcast_in_dim3A_1538 = arith.constant 0.000000e+00 : f32
    %broadcast_in_dim3A_1539 = vector.broadcast %broadcast_in_dim3A_1538 : f32 to vector<16xf32>
    %mul3A_1540 = arith.constant 3 : i32
    %mul3A_1541 = vector.broadcast %mul3A_1540 : i32 to vector<16xi32>
    %mul3A_1542 = arith.muli %get3A_1440, %mul3A_1541 : vector<16xi32>
    %add3A_1543 = arith.constant 2 : i32
    %add3A_1544 = vector.broadcast %add3A_1543 : i32 to vector<16xi32>
    %add3A_1545 = arith.addi %mul3A_1542, %add3A_1544 : vector<16xi32>
    %gather3A_1546 = tpu.vector_load_idx %arg12[%add3A_1545] : memref<24576xf32, #tpu.memory_space<vmem>>[vector<16xi32>], vector<16xf32>,
    %mul3A_1547 = arith.mulf %div3A_1456, %gather3A_1546 : vector<16xf32>
    %add3A_1548 = arith.addf %broadcast_in_dim3A_1539, %mul3A_1547 : vector<16xf32>
    %mul3A_1549 = arith.constant 3 : i32
    %mul3A_1550 = vector.broadcast %mul3A_1549 : i32 to vector<16xi32>
    %mul3A_1551 = arith.muli %get3A_1442, %mul3A_1550 : vector<16xi32>
    %add3A_1552 = arith.constant 2 : i32
    %add3A_1553 = vector.broadcast %add3A_1552 : i32 to vector<16xi32>
    %add3A_1554 = arith.addi %mul3A_1551, %add3A_1553 : vector<16xi32>
    %gather3A_1555 = tpu.vector_load_idx %arg12[%add3A_1554] : memref<24576xf32, #tpu.memory_space<vmem>>[vector<16xi32>], vector<16xf32>,
    %mul3A_1556 = arith.mulf %div3A_1462, %gather3A_1555 : vector<16xf32>
    %add3A_1557 = arith.addf %add3A_1548, %mul3A_1556 : vector<16xf32>
    %mul3A_1558 = arith.constant 3 : i32
    %mul3A_1559 = vector.broadcast %mul3A_1558 : i32 to vector<16xi32>
    %mul3A_1560 = arith.muli %get3A_1444, %mul3A_1559 : vector<16xi32>
    %add3A_1561 = arith.constant 2 : i32
    %add3A_1562 = vector.broadcast %add3A_1561 : i32 to vector<16xi32>
    %add3A_1563 = arith.addi %mul3A_1560, %add3A_1562 : vector<16xi32>
    %gather3A_1564 = tpu.vector_load_idx %arg12[%add3A_1563] : memref<24576xf32, #tpu.memory_space<vmem>>[vector<16xi32>], vector<16xf32>,
    %mul3A_1565 = arith.mulf %div3A_1468, %gather3A_1564 : vector<16xf32>
    %add3A_1566 = arith.addf %add3A_1557, %mul3A_1565 : vector<16xf32>
    %mul3A_1567 = arith.mulf %add3A_1566, %div3A_1473 : vector<16xf32>
    %swap3A_1568 = arith.constant 176 : index
    %swap3A_1569 = tpu.vector_load %arg21[%swap3A_1568] {strides = array<i32>} : memref<512xf32, #tpu.memory_space<vmem>>, vector<16xf32>,
    tpu.vector_store %arg21[%swap3A_1568], %mul3A_1567 {strides = array<i32>} : memref<512xf32, #tpu.memory_space<vmem>>, vector<16xf32>,
    %get3A_1570 = arith.constant 192 : index
    %get3A_1571 = tpu.vector_load %arg13[%get3A_1570] {strides = array<i32>} : memref<512xi32, #tpu.memory_space<vmem>>, vector<16xi32>,
    %get3A_1572 = arith.constant 192 : index
    %get3A_1573 = tpu.vector_load %arg14[%get3A_1572] {strides = array<i32>} : memref<512xi32, #tpu.memory_space<vmem>>, vector<16xi32>,
    %get3A_1574 = arith.constant 192 : index
    %get3A_1575 = tpu.vector_load %arg15[%get3A_1574] {strides = array<i32>} : memref<512xi32, #tpu.memory_space<vmem>>, vector<16xi32>,
    %get3A_1576 = arith.constant 192 : index
    %get3A_1577 = tpu.vector_load %arg16[%get3A_1576] {strides = array<i32>} : memref<512xf32, #tpu.memory_space<vmem>>, vector<16xf32>,
    %get3A_1578 = arith.constant 192 : index
    %get3A_1579 = tpu.vector_load %arg17[%get3A_1578] {strides = array<i32>} : memref<512xf32, #tpu.memory_space<vmem>>, vector<16xf32>,
    %get3A_1580 = arith.constant 192 : index
    %get3A_1581 = tpu.vector_load %arg18[%get3A_1580] {strides = array<i32>} : memref<512xf32, #tpu.memory_space<vmem>>, vector<16xf32>,
    %add3A_1582 = arith.constant 9.99999993E-9 : f32
    %add3A_1583 = vector.broadcast %add3A_1582 : f32 to vector<16xf32>
    %add3A_1584 = arith.addf %get3A_1577, %add3A_1583 : vector<16xf32>
    %div3A_1585 = arith.constant 1.000000e+00 : f32
    %div3A_1586 = vector.broadcast %div3A_1585 : f32 to vector<16xf32>
    %div3A_1587 = arith.divf %div3A_1586, %add3A_1584 : vector<16xf32>
    %add3A_1588 = arith.constant 9.99999993E-9 : f32
    %add3A_1589 = vector.broadcast %add3A_1588 : f32 to vector<16xf32>
    %add3A_1590 = arith.addf %get3A_1579, %add3A_1589 : vector<16xf32>
    %div3A_1591 = arith.constant 1.000000e+00 : f32
    %div3A_1592 = vector.broadcast %div3A_1591 : f32 to vector<16xf32>
    %div3A_1593 = arith.divf %div3A_1592, %add3A_1590 : vector<16xf32>
    %add3A_1594 = arith.constant 9.99999993E-9 : f32
    %add3A_1595 = vector.broadcast %add3A_1594 : f32 to vector<16xf32>
    %add3A_1596 = arith.addf %get3A_1581, %add3A_1595 : vector<16xf32>
    %div3A_1597 = arith.constant 1.000000e+00 : f32
    %div3A_1598 = vector.broadcast %div3A_1597 : f32 to vector<16xf32>
    %div3A_1599 = arith.divf %div3A_1598, %add3A_1596 : vector<16xf32>
    %add3A_1600 = arith.addf %div3A_1587, %div3A_1593 : vector<16xf32>
    %add3A_1601 = arith.addf %add3A_1600, %div3A_1599 : vector<16xf32>
    %div3A_1602 = arith.constant 1.000000e+00 : f32
    %div3A_1603 = vector.broadcast %div3A_1602 : f32 to vector<16xf32>
    %div3A_1604 = arith.divf %div3A_1603, %add3A_1601 : vector<16xf32>
    %broadcast_in_dim3A_1605 = arith.constant 0.000000e+00 : f32
    %broadcast_in_dim3A_1606 = vector.broadcast %broadcast_in_dim3A_1605 : f32 to vector<16xf32>
    %mul3A_1607 = arith.constant 3 : i32
    %mul3A_1608 = vector.broadcast %mul3A_1607 : i32 to vector<16xi32>
    %mul3A_1609 = arith.muli %get3A_1571, %mul3A_1608 : vector<16xi32>
    %add3A_1610 = arith.constant 0 : i32
    %add3A_1611 = vector.broadcast %add3A_1610 : i32 to vector<16xi32>
    %add3A_1612 = arith.addi %mul3A_1609, %add3A_1611 : vector<16xi32>
    %gather3A_1613 = tpu.vector_load_idx %arg12[%add3A_1612] : memref<24576xf32, #tpu.memory_space<vmem>>[vector<16xi32>], vector<16xf32>,
    %mul3A_1614 = arith.mulf %div3A_1587, %gather3A_1613 : vector<16xf32>
    %add3A_1615 = arith.addf %broadcast_in_dim3A_1606, %mul3A_1614 : vector<16xf32>
    %mul3A_1616 = arith.constant 3 : i32
    %mul3A_1617 = vector.broadcast %mul3A_1616 : i32 to vector<16xi32>
    %mul3A_1618 = arith.muli %get3A_1573, %mul3A_1617 : vector<16xi32>
    %add3A_1619 = arith.constant 0 : i32
    %add3A_1620 = vector.broadcast %add3A_1619 : i32 to vector<16xi32>
    %add3A_1621 = arith.addi %mul3A_1618, %add3A_1620 : vector<16xi32>
    %gather3A_1622 = tpu.vector_load_idx %arg12[%add3A_1621] : memref<24576xf32, #tpu.memory_space<vmem>>[vector<16xi32>], vector<16xf32>,
    %mul3A_1623 = arith.mulf %div3A_1593, %gather3A_1622 : vector<16xf32>
    %add3A_1624 = arith.addf %add3A_1615, %mul3A_1623 : vector<16xf32>
    %mul3A_1625 = arith.constant 3 : i32
    %mul3A_1626 = vector.broadcast %mul3A_1625 : i32 to vector<16xi32>
    %mul3A_1627 = arith.muli %get3A_1575, %mul3A_1626 : vector<16xi32>
    %add3A_1628 = arith.constant 0 : i32
    %add3A_1629 = vector.broadcast %add3A_1628 : i32 to vector<16xi32>
    %add3A_1630 = arith.addi %mul3A_1627, %add3A_1629 : vector<16xi32>
    %gather3A_1631 = tpu.vector_load_idx %arg12[%add3A_1630] : memref<24576xf32, #tpu.memory_space<vmem>>[vector<16xi32>], vector<16xf32>,
    %mul3A_1632 = arith.mulf %div3A_1599, %gather3A_1631 : vector<16xf32>
    %add3A_1633 = arith.addf %add3A_1624, %mul3A_1632 : vector<16xf32>
    %mul3A_1634 = arith.mulf %add3A_1633, %div3A_1604 : vector<16xf32>
    %swap3A_1635 = arith.constant 192 : index
    %swap3A_1636 = tpu.vector_load %arg19[%swap3A_1635] {strides = array<i32>} : memref<512xf32, #tpu.memory_space<vmem>>, vector<16xf32>,
    tpu.vector_store %arg19[%swap3A_1635], %mul3A_1634 {strides = array<i32>} : memref<512xf32, #tpu.memory_space<vmem>>, vector<16xf32>,
    %broadcast_in_dim3A_1637 = arith.constant 0.000000e+00 : f32
    %broadcast_in_dim3A_1638 = vector.broadcast %broadcast_in_dim3A_1637 : f32 to vector<16xf32>
    %mul3A_1639 = arith.constant 3 : i32
    %mul3A_1640 = vector.broadcast %mul3A_1639 : i32 to vector<16xi32>
    %mul3A_1641 = arith.muli %get3A_1571, %mul3A_1640 : vector<16xi32>
    %add3A_1642 = arith.constant 1 : i32
    %add3A_1643 = vector.broadcast %add3A_1642 : i32 to vector<16xi32>
    %add3A_1644 = arith.addi %mul3A_1641, %add3A_1643 : vector<16xi32>
    %gather3A_1645 = tpu.vector_load_idx %arg12[%add3A_1644] : memref<24576xf32, #tpu.memory_space<vmem>>[vector<16xi32>], vector<16xf32>,
    %mul3A_1646 = arith.mulf %div3A_1587, %gather3A_1645 : vector<16xf32>
    %add3A_1647 = arith.addf %broadcast_in_dim3A_1638, %mul3A_1646 : vector<16xf32>
    %mul3A_1648 = arith.constant 3 : i32
    %mul3A_1649 = vector.broadcast %mul3A_1648 : i32 to vector<16xi32>
    %mul3A_1650 = arith.muli %get3A_1573, %mul3A_1649 : vector<16xi32>
    %add3A_1651 = arith.constant 1 : i32
    %add3A_1652 = vector.broadcast %add3A_1651 : i32 to vector<16xi32>
    %add3A_1653 = arith.addi %mul3A_1650, %add3A_1652 : vector<16xi32>
    %gather3A_1654 = tpu.vector_load_idx %arg12[%add3A_1653] : memref<24576xf32, #tpu.memory_space<vmem>>[vector<16xi32>], vector<16xf32>,
    %mul3A_1655 = arith.mulf %div3A_1593, %gather3A_1654 : vector<16xf32>
    %add3A_1656 = arith.addf %add3A_1647, %mul3A_1655 : vector<16xf32>
    %mul3A_1657 = arith.constant 3 : i32
    %mul3A_1658 = vector.broadcast %mul3A_1657 : i32 to vector<16xi32>
    %mul3A_1659 = arith.muli %get3A_1575, %mul3A_1658 : vector<16xi32>
    %add3A_1660 = arith.constant 1 : i32
    %add3A_1661 = vector.broadcast %add3A_1660 : i32 to vector<16xi32>
    %add3A_1662 = arith.addi %mul3A_1659, %add3A_1661 : vector<16xi32>
    %gather3A_1663 = tpu.vector_load_idx %arg12[%add3A_1662] : memref<24576xf32, #tpu.memory_space<vmem>>[vector<16xi32>], vector<16xf32>,
    %mul3A_1664 = arith.mulf %div3A_1599, %gather3A_1663 : vector<16xf32>
    %add3A_1665 = arith.addf %add3A_1656, %mul3A_1664 : vector<16xf32>
    %mul3A_1666 = arith.mulf %add3A_1665, %div3A_1604 : vector<16xf32>
    %swap3A_1667 = arith.constant 192 : index
    %swap3A_1668 = tpu.vector_load %arg20[%swap3A_1667] {strides = array<i32>} : memref<512xf32, #tpu.memory_space<vmem>>, vector<16xf32>,
    tpu.vector_store %arg20[%swap3A_1667], %mul3A_1666 {strides = array<i32>} : memref<512xf32, #tpu.memory_space<vmem>>, vector<16xf32>,
    %broadcast_in_dim3A_1669 = arith.constant 0.000000e+00 : f32
    %broadcast_in_dim3A_1670 = vector.broadcast %broadcast_in_dim3A_1669 : f32 to vector<16xf32>
    %mul3A_1671 = arith.constant 3 : i32
    %mul3A_1672 = vector.broadcast %mul3A_1671 : i32 to vector<16xi32>
    %mul3A_1673 = arith.muli %get3A_1571, %mul3A_1672 : vector<16xi32>
    %add3A_1674 = arith.constant 2 : i32
    %add3A_1675 = vector.broadcast %add3A_1674 : i32 to vector<16xi32>
    %add3A_1676 = arith.addi %mul3A_1673, %add3A_1675 : vector<16xi32>
    %gather3A_1677 = tpu.vector_load_idx %arg12[%add3A_1676] : memref<24576xf32, #tpu.memory_space<vmem>>[vector<16xi32>], vector<16xf32>,
    %mul3A_1678 = arith.mulf %div3A_1587, %gather3A_1677 : vector<16xf32>
    %add3A_1679 = arith.addf %broadcast_in_dim3A_1670, %mul3A_1678 : vector<16xf32>
    %mul3A_1680 = arith.constant 3 : i32
    %mul3A_1681 = vector.broadcast %mul3A_1680 : i32 to vector<16xi32>
    %mul3A_1682 = arith.muli %get3A_1573, %mul3A_1681 : vector<16xi32>
    %add3A_1683 = arith.constant 2 : i32
    %add3A_1684 = vector.broadcast %add3A_1683 : i32 to vector<16xi32>
    %add3A_1685 = arith.addi %mul3A_1682, %add3A_1684 : vector<16xi32>
    %gather3A_1686 = tpu.vector_load_idx %arg12[%add3A_1685] : memref<24576xf32, #tpu.memory_space<vmem>>[vector<16xi32>], vector<16xf32>,
    %mul3A_1687 = arith.mulf %div3A_1593, %gather3A_1686 : vector<16xf32>
    %add3A_1688 = arith.addf %add3A_1679, %mul3A_1687 : vector<16xf32>
    %mul3A_1689 = arith.constant 3 : i32
    %mul3A_1690 = vector.broadcast %mul3A_1689 : i32 to vector<16xi32>
    %mul3A_1691 = arith.muli %get3A_1575, %mul3A_1690 : vector<16xi32>
    %add3A_1692 = arith.constant 2 : i32
    %add3A_1693 = vector.broadcast %add3A_1692 : i32 to vector<16xi32>
    %add3A_1694 = arith.addi %mul3A_1691, %add3A_1693 : vector<16xi32>
    %gather3A_1695 = tpu.vector_load_idx %arg12[%add3A_1694] : memref<24576xf32, #tpu.memory_space<vmem>>[vector<16xi32>], vector<16xf32>,
    %mul3A_1696 = arith.mulf %div3A_1599, %gather3A_1695 : vector<16xf32>
    %add3A_1697 = arith.addf %add3A_1688, %mul3A_1696 : vector<16xf32>
    %mul3A_1698 = arith.mulf %add3A_1697, %div3A_1604 : vector<16xf32>
    %swap3A_1699 = arith.constant 192 : index
    %swap3A_1700 = tpu.vector_load %arg21[%swap3A_1699] {strides = array<i32>} : memref<512xf32, #tpu.memory_space<vmem>>, vector<16xf32>,
    tpu.vector_store %arg21[%swap3A_1699], %mul3A_1698 {strides = array<i32>} : memref<512xf32, #tpu.memory_space<vmem>>, vector<16xf32>,
    %get3A_1701 = arith.constant 208 : index
    %get3A_1702 = tpu.vector_load %arg13[%get3A_1701] {strides = array<i32>} : memref<512xi32, #tpu.memory_space<vmem>>, vector<16xi32>,
    %get3A_1703 = arith.constant 208 : index
    %get3A_1704 = tpu.vector_load %arg14[%get3A_1703] {strides = array<i32>} : memref<512xi32, #tpu.memory_space<vmem>>, vector<16xi32>,
    %get3A_1705 = arith.constant 208 : index
    %get3A_1706 = tpu.vector_load %arg15[%get3A_1705] {strides = array<i32>} : memref<512xi32, #tpu.memory_space<vmem>>, vector<16xi32>,
    %get3A_1707 = arith.constant 208 : index
    %get3A_1708 = tpu.vector_load %arg16[%get3A_1707] {strides = array<i32>} : memref<512xf32, #tpu.memory_space<vmem>>, vector<16xf32>,
    %get3A_1709 = arith.constant 208 : index
    %get3A_1710 = tpu.vector_load %arg17[%get3A_1709] {strides = array<i32>} : memref<512xf32, #tpu.memory_space<vmem>>, vector<16xf32>,
    %get3A_1711 = arith.constant 208 : index
    %get3A_1712 = tpu.vector_load %arg18[%get3A_1711] {strides = array<i32>} : memref<512xf32, #tpu.memory_space<vmem>>, vector<16xf32>,
    %add3A_1713 = arith.constant 9.99999993E-9 : f32
    %add3A_1714 = vector.broadcast %add3A_1713 : f32 to vector<16xf32>
    %add3A_1715 = arith.addf %get3A_1708, %add3A_1714 : vector<16xf32>
    %div3A_1716 = arith.constant 1.000000e+00 : f32
    %div3A_1717 = vector.broadcast %div3A_1716 : f32 to vector<16xf32>
    %div3A_1718 = arith.divf %div3A_1717, %add3A_1715 : vector<16xf32>
    %add3A_1719 = arith.constant 9.99999993E-9 : f32
    %add3A_1720 = vector.broadcast %add3A_1719 : f32 to vector<16xf32>
    %add3A_1721 = arith.addf %get3A_1710, %add3A_1720 : vector<16xf32>
    %div3A_1722 = arith.constant 1.000000e+00 : f32
    %div3A_1723 = vector.broadcast %div3A_1722 : f32 to vector<16xf32>
    %div3A_1724 = arith.divf %div3A_1723, %add3A_1721 : vector<16xf32>
    %add3A_1725 = arith.constant 9.99999993E-9 : f32
    %add3A_1726 = vector.broadcast %add3A_1725 : f32 to vector<16xf32>
    %add3A_1727 = arith.addf %get3A_1712, %add3A_1726 : vector<16xf32>
    %div3A_1728 = arith.constant 1.000000e+00 : f32
    %div3A_1729 = vector.broadcast %div3A_1728 : f32 to vector<16xf32>
    %div3A_1730 = arith.divf %div3A_1729, %add3A_1727 : vector<16xf32>
    %add3A_1731 = arith.addf %div3A_1718, %div3A_1724 : vector<16xf32>
    %add3A_1732 = arith.addf %add3A_1731, %div3A_1730 : vector<16xf32>
    %div3A_1733 = arith.constant 1.000000e+00 : f32
    %div3A_1734 = vector.broadcast %div3A_1733 : f32 to vector<16xf32>
    %div3A_1735 = arith.divf %div3A_1734, %add3A_1732 : vector<16xf32>
    %broadcast_in_dim3A_1736 = arith.constant 0.000000e+00 : f32
    %broadcast_in_dim3A_1737 = vector.broadcast %broadcast_in_dim3A_1736 : f32 to vector<16xf32>
    %mul3A_1738 = arith.constant 3 : i32
    %mul3A_1739 = vector.broadcast %mul3A_1738 : i32 to vector<16xi32>
    %mul3A_1740 = arith.muli %get3A_1702, %mul3A_1739 : vector<16xi32>
    %add3A_1741 = arith.constant 0 : i32
    %add3A_1742 = vector.broadcast %add3A_1741 : i32 to vector<16xi32>
    %add3A_1743 = arith.addi %mul3A_1740, %add3A_1742 : vector<16xi32>
    %gather3A_1744 = tpu.vector_load_idx %arg12[%add3A_1743] : memref<24576xf32, #tpu.memory_space<vmem>>[vector<16xi32>], vector<16xf32>,
    %mul3A_1745 = arith.mulf %div3A_1718, %gather3A_1744 : vector<16xf32>
    %add3A_1746 = arith.addf %broadcast_in_dim3A_1737, %mul3A_1745 : vector<16xf32>
    %mul3A_1747 = arith.constant 3 : i32
    %mul3A_1748 = vector.broadcast %mul3A_1747 : i32 to vector<16xi32>
    %mul3A_1749 = arith.muli %get3A_1704, %mul3A_1748 : vector<16xi32>
    %add3A_1750 = arith.constant 0 : i32
    %add3A_1751 = vector.broadcast %add3A_1750 : i32 to vector<16xi32>
    %add3A_1752 = arith.addi %mul3A_1749, %add3A_1751 : vector<16xi32>
    %gather3A_1753 = tpu.vector_load_idx %arg12[%add3A_1752] : memref<24576xf32, #tpu.memory_space<vmem>>[vector<16xi32>], vector<16xf32>,
    %mul3A_1754 = arith.mulf %div3A_1724, %gather3A_1753 : vector<16xf32>
    %add3A_1755 = arith.addf %add3A_1746, %mul3A_1754 : vector<16xf32>
    %mul3A_1756 = arith.constant 3 : i32
    %mul3A_1757 = vector.broadcast %mul3A_1756 : i32 to vector<16xi32>
    %mul3A_1758 = arith.muli %get3A_1706, %mul3A_1757 : vector<16xi32>
    %add3A_1759 = arith.constant 0 : i32
    %add3A_1760 = vector.broadcast %add3A_1759 : i32 to vector<16xi32>
    %add3A_1761 = arith.addi %mul3A_1758, %add3A_1760 : vector<16xi32>
    %gather3A_1762 = tpu.vector_load_idx %arg12[%add3A_1761] : memref<24576xf32, #tpu.memory_space<vmem>>[vector<16xi32>], vector<16xf32>,
    %mul3A_1763 = arith.mulf %div3A_1730, %gather3A_1762 : vector<16xf32>
    %add3A_1764 = arith.addf %add3A_1755, %mul3A_1763 : vector<16xf32>
    %mul3A_1765 = arith.mulf %add3A_1764, %div3A_1735 : vector<16xf32>
    %swap3A_1766 = arith.constant 208 : index
    %swap3A_1767 = tpu.vector_load %arg19[%swap3A_1766] {strides = array<i32>} : memref<512xf32, #tpu.memory_space<vmem>>, vector<16xf32>,
    tpu.vector_store %arg19[%swap3A_1766], %mul3A_1765 {strides = array<i32>} : memref<512xf32, #tpu.memory_space<vmem>>, vector<16xf32>,
    %broadcast_in_dim3A_1768 = arith.constant 0.000000e+00 : f32
    %broadcast_in_dim3A_1769 = vector.broadcast %broadcast_in_dim3A_1768 : f32 to vector<16xf32>
    %mul3A_1770 = arith.constant 3 : i32
    %mul3A_1771 = vector.broadcast %mul3A_1770 : i32 to vector<16xi32>
    %mul3A_1772 = arith.muli %get3A_1702, %mul3A_1771 : vector<16xi32>
    %add3A_1773 = arith.constant 1 : i32
    %add3A_1774 = vector.broadcast %add3A_1773 : i32 to vector<16xi32>
    %add3A_1775 = arith.addi %mul3A_1772, %add3A_1774 : vector<16xi32>
    %gather3A_1776 = tpu.vector_load_idx %arg12[%add3A_1775] : memref<24576xf32, #tpu.memory_space<vmem>>[vector<16xi32>], vector<16xf32>,
    %mul3A_1777 = arith.mulf %div3A_1718, %gather3A_1776 : vector<16xf32>
    %add3A_1778 = arith.addf %broadcast_in_dim3A_1769, %mul3A_1777 : vector<16xf32>
    %mul3A_1779 = arith.constant 3 : i32
    %mul3A_1780 = vector.broadcast %mul3A_1779 : i32 to vector<16xi32>
    %mul3A_1781 = arith.muli %get3A_1704, %mul3A_1780 : vector<16xi32>
    %add3A_1782 = arith.constant 1 : i32
    %add3A_1783 = vector.broadcast %add3A_1782 : i32 to vector<16xi32>
    %add3A_1784 = arith.addi %mul3A_1781, %add3A_1783 : vector<16xi32>
    %gather3A_1785 = tpu.vector_load_idx %arg12[%add3A_1784] : memref<24576xf32, #tpu.memory_space<vmem>>[vector<16xi32>], vector<16xf32>,
    %mul3A_1786 = arith.mulf %div3A_1724, %gather3A_1785 : vector<16xf32>
    %add3A_1787 = arith.addf %add3A_1778, %mul3A_1786 : vector<16xf32>
    %mul3A_1788 = arith.constant 3 : i32
    %mul3A_1789 = vector.broadcast %mul3A_1788 : i32 to vector<16xi32>
    %mul3A_1790 = arith.muli %get3A_1706, %mul3A_1789 : vector<16xi32>
    %add3A_1791 = arith.constant 1 : i32
    %add3A_1792 = vector.broadcast %add3A_1791 : i32 to vector<16xi32>
    %add3A_1793 = arith.addi %mul3A_1790, %add3A_1792 : vector<16xi32>
    %gather3A_1794 = tpu.vector_load_idx %arg12[%add3A_1793] : memref<24576xf32, #tpu.memory_space<vmem>>[vector<16xi32>], vector<16xf32>,
    %mul3A_1795 = arith.mulf %div3A_1730, %gather3A_1794 : vector<16xf32>
    %add3A_1796 = arith.addf %add3A_1787, %mul3A_1795 : vector<16xf32>
    %mul3A_1797 = arith.mulf %add3A_1796, %div3A_1735 : vector<16xf32>
    %swap3A_1798 = arith.constant 208 : index
    %swap3A_1799 = tpu.vector_load %arg20[%swap3A_1798] {strides = array<i32>} : memref<512xf32, #tpu.memory_space<vmem>>, vector<16xf32>,
    tpu.vector_store %arg20[%swap3A_1798], %mul3A_1797 {strides = array<i32>} : memref<512xf32, #tpu.memory_space<vmem>>, vector<16xf32>,
    %broadcast_in_dim3A_1800 = arith.constant 0.000000e+00 : f32
    %broadcast_in_dim3A_1801 = vector.broadcast %broadcast_in_dim3A_1800 : f32 to vector<16xf32>
    %mul3A_1802 = arith.constant 3 : i32
    %mul3A_1803 = vector.broadcast %mul3A_1802 : i32 to vector<16xi32>
    %mul3A_1804 = arith.muli %get3A_1702, %mul3A_1803 : vector<16xi32>
    %add3A_1805 = arith.constant 2 : i32
    %add3A_1806 = vector.broadcast %add3A_1805 : i32 to vector<16xi32>
    %add3A_1807 = arith.addi %mul3A_1804, %add3A_1806 : vector<16xi32>
    %gather3A_1808 = tpu.vector_load_idx %arg12[%add3A_1807] : memref<24576xf32, #tpu.memory_space<vmem>>[vector<16xi32>], vector<16xf32>,
    %mul3A_1809 = arith.mulf %div3A_1718, %gather3A_1808 : vector<16xf32>
    %add3A_1810 = arith.addf %broadcast_in_dim3A_1801, %mul3A_1809 : vector<16xf32>
    %mul3A_1811 = arith.constant 3 : i32
    %mul3A_1812 = vector.broadcast %mul3A_1811 : i32 to vector<16xi32>
    %mul3A_1813 = arith.muli %get3A_1704, %mul3A_1812 : vector<16xi32>
    %add3A_1814 = arith.constant 2 : i32
    %add3A_1815 = vector.broadcast %add3A_1814 : i32 to vector<16xi32>
    %add3A_1816 = arith.addi %mul3A_1813, %add3A_1815 : vector<16xi32>
    %gather3A_1817 = tpu.vector_load_idx %arg12[%add3A_1816] : memref<24576xf32, #tpu.memory_space<vmem>>[vector<16xi32>], vector<16xf32>,
    %mul3A_1818 = arith.mulf %div3A_1724, %gather3A_1817 : vector<16xf32>
    %add3A_1819 = arith.addf %add3A_1810, %mul3A_1818 : vector<16xf32>
    %mul3A_1820 = arith.constant 3 : i32
    %mul3A_1821 = vector.broadcast %mul3A_1820 : i32 to vector<16xi32>
    %mul3A_1822 = arith.muli %get3A_1706, %mul3A_1821 : vector<16xi32>
    %add3A_1823 = arith.constant 2 : i32
    %add3A_1824 = vector.broadcast %add3A_1823 : i32 to vector<16xi32>
    %add3A_1825 = arith.addi %mul3A_1822, %add3A_1824 : vector<16xi32>
    %gather3A_1826 = tpu.vector_load_idx %arg12[%add3A_1825] : memref<24576xf32, #tpu.memory_space<vmem>>[vector<16xi32>], vector<16xf32>,
    %mul3A_1827 = arith.mulf %div3A_1730, %gather3A_1826 : vector<16xf32>
    %add3A_1828 = arith.addf %add3A_1819, %mul3A_1827 : vector<16xf32>
    %mul3A_1829 = arith.mulf %add3A_1828, %div3A_1735 : vector<16xf32>
    %swap3A_1830 = arith.constant 208 : index
    %swap3A_1831 = tpu.vector_load %arg21[%swap3A_1830] {strides = array<i32>} : memref<512xf32, #tpu.memory_space<vmem>>, vector<16xf32>,
    tpu.vector_store %arg21[%swap3A_1830], %mul3A_1829 {strides = array<i32>} : memref<512xf32, #tpu.memory_space<vmem>>, vector<16xf32>,
    %get3A_1832 = arith.constant 224 : index
    %get3A_1833 = tpu.vector_load %arg13[%get3A_1832] {strides = array<i32>} : memref<512xi32, #tpu.memory_space<vmem>>, vector<16xi32>,
    %get3A_1834 = arith.constant 224 : index
    %get3A_1835 = tpu.vector_load %arg14[%get3A_1834] {strides = array<i32>} : memref<512xi32, #tpu.memory_space<vmem>>, vector<16xi32>,
    %get3A_1836 = arith.constant 224 : index
    %get3A_1837 = tpu.vector_load %arg15[%get3A_1836] {strides = array<i32>} : memref<512xi32, #tpu.memory_space<vmem>>, vector<16xi32>,
    %get3A_1838 = arith.constant 224 : index
    %get3A_1839 = tpu.vector_load %arg16[%get3A_1838] {strides = array<i32>} : memref<512xf32, #tpu.memory_space<vmem>>, vector<16xf32>,
    %get3A_1840 = arith.constant 224 : index
    %get3A_1841 = tpu.vector_load %arg17[%get3A_1840] {strides = array<i32>} : memref<512xf32, #tpu.memory_space<vmem>>, vector<16xf32>,
    %get3A_1842 = arith.constant 224 : index
    %get3A_1843 = tpu.vector_load %arg18[%get3A_1842] {strides = array<i32>} : memref<512xf32, #tpu.memory_space<vmem>>, vector<16xf32>,
    %add3A_1844 = arith.constant 9.99999993E-9 : f32
    %add3A_1845 = vector.broadcast %add3A_1844 : f32 to vector<16xf32>
    %add3A_1846 = arith.addf %get3A_1839, %add3A_1845 : vector<16xf32>
    %div3A_1847 = arith.constant 1.000000e+00 : f32
    %div3A_1848 = vector.broadcast %div3A_1847 : f32 to vector<16xf32>
    %div3A_1849 = arith.divf %div3A_1848, %add3A_1846 : vector<16xf32>
    %add3A_1850 = arith.constant 9.99999993E-9 : f32
    %add3A_1851 = vector.broadcast %add3A_1850 : f32 to vector<16xf32>
    %add3A_1852 = arith.addf %get3A_1841, %add3A_1851 : vector<16xf32>
    %div3A_1853 = arith.constant 1.000000e+00 : f32
    %div3A_1854 = vector.broadcast %div3A_1853 : f32 to vector<16xf32>
    %div3A_1855 = arith.divf %div3A_1854, %add3A_1852 : vector<16xf32>
    %add3A_1856 = arith.constant 9.99999993E-9 : f32
    %add3A_1857 = vector.broadcast %add3A_1856 : f32 to vector<16xf32>
    %add3A_1858 = arith.addf %get3A_1843, %add3A_1857 : vector<16xf32>
    %div3A_1859 = arith.constant 1.000000e+00 : f32
    %div3A_1860 = vector.broadcast %div3A_1859 : f32 to vector<16xf32>
    %div3A_1861 = arith.divf %div3A_1860, %add3A_1858 : vector<16xf32>
    %add3A_1862 = arith.addf %div3A_1849, %div3A_1855 : vector<16xf32>
    %add3A_1863 = arith.addf %add3A_1862, %div3A_1861 : vector<16xf32>
    %div3A_1864 = arith.constant 1.000000e+00 : f32
    %div3A_1865 = vector.broadcast %div3A_1864 : f32 to vector<16xf32>
    %div3A_1866 = arith.divf %div3A_1865, %add3A_1863 : vector<16xf32>
    %broadcast_in_dim3A_1867 = arith.constant 0.000000e+00 : f32
    %broadcast_in_dim3A_1868 = vector.broadcast %broadcast_in_dim3A_1867 : f32 to vector<16xf32>
    %mul3A_1869 = arith.constant 3 : i32
    %mul3A_1870 = vector.broadcast %mul3A_1869 : i32 to vector<16xi32>
    %mul3A_1871 = arith.muli %get3A_1833, %mul3A_1870 : vector<16xi32>
    %add3A_1872 = arith.constant 0 : i32
    %add3A_1873 = vector.broadcast %add3A_1872 : i32 to vector<16xi32>
    %add3A_1874 = arith.addi %mul3A_1871, %add3A_1873 : vector<16xi32>
    %gather3A_1875 = tpu.vector_load_idx %arg12[%add3A_1874] : memref<24576xf32, #tpu.memory_space<vmem>>[vector<16xi32>], vector<16xf32>,
    %mul3A_1876 = arith.mulf %div3A_1849, %gather3A_1875 : vector<16xf32>
    %add3A_1877 = arith.addf %broadcast_in_dim3A_1868, %mul3A_1876 : vector<16xf32>
    %mul3A_1878 = arith.constant 3 : i32
    %mul3A_1879 = vector.broadcast %mul3A_1878 : i32 to vector<16xi32>
    %mul3A_1880 = arith.muli %get3A_1835, %mul3A_1879 : vector<16xi32>
    %add3A_1881 = arith.constant 0 : i32
    %add3A_1882 = vector.broadcast %add3A_1881 : i32 to vector<16xi32>
    %add3A_1883 = arith.addi %mul3A_1880, %add3A_1882 : vector<16xi32>
    %gather3A_1884 = tpu.vector_load_idx %arg12[%add3A_1883] : memref<24576xf32, #tpu.memory_space<vmem>>[vector<16xi32>], vector<16xf32>,
    %mul3A_1885 = arith.mulf %div3A_1855, %gather3A_1884 : vector<16xf32>
    %add3A_1886 = arith.addf %add3A_1877, %mul3A_1885 : vector<16xf32>
    %mul3A_1887 = arith.constant 3 : i32
    %mul3A_1888 = vector.broadcast %mul3A_1887 : i32 to vector<16xi32>
    %mul3A_1889 = arith.muli %get3A_1837, %mul3A_1888 : vector<16xi32>
    %add3A_1890 = arith.constant 0 : i32
    %add3A_1891 = vector.broadcast %add3A_1890 : i32 to vector<16xi32>
    %add3A_1892 = arith.addi %mul3A_1889, %add3A_1891 : vector<16xi32>
    %gather3A_1893 = tpu.vector_load_idx %arg12[%add3A_1892] : memref<24576xf32, #tpu.memory_space<vmem>>[vector<16xi32>], vector<16xf32>,
    %mul3A_1894 = arith.mulf %div3A_1861, %gather3A_1893 : vector<16xf32>
    %add3A_1895 = arith.addf %add3A_1886, %mul3A_1894 : vector<16xf32>
    %mul3A_1896 = arith.mulf %add3A_1895, %div3A_1866 : vector<16xf32>
    %swap3A_1897 = arith.constant 224 : index
    %swap3A_1898 = tpu.vector_load %arg19[%swap3A_1897] {strides = array<i32>} : memref<512xf32, #tpu.memory_space<vmem>>, vector<16xf32>,
    tpu.vector_store %arg19[%swap3A_1897], %mul3A_1896 {strides = array<i32>} : memref<512xf32, #tpu.memory_space<vmem>>, vector<16xf32>,
    %broadcast_in_dim3A_1899 = arith.constant 0.000000e+00 : f32
    %broadcast_in_dim3A_1900 = vector.broadcast %broadcast_in_dim3A_1899 : f32 to vector<16xf32>
    %mul3A_1901 = arith.constant 3 : i32
    %mul3A_1902 = vector.broadcast %mul3A_1901 : i32 to vector<16xi32>
    %mul3A_1903 = arith.muli %get3A_1833, %mul3A_1902 : vector<16xi32>
    %add3A_1904 = arith.constant 1 : i32
    %add3A_1905 = vector.broadcast %add3A_1904 : i32 to vector<16xi32>
    %add3A_1906 = arith.addi %mul3A_1903, %add3A_1905 : vector<16xi32>
    %gather3A_1907 = tpu.vector_load_idx %arg12[%add3A_1906] : memref<24576xf32, #tpu.memory_space<vmem>>[vector<16xi32>], vector<16xf32>,
    %mul3A_1908 = arith.mulf %div3A_1849, %gather3A_1907 : vector<16xf32>
    %add3A_1909 = arith.addf %broadcast_in_dim3A_1900, %mul3A_1908 : vector<16xf32>
    %mul3A_1910 = arith.constant 3 : i32
    %mul3A_1911 = vector.broadcast %mul3A_1910 : i32 to vector<16xi32>
    %mul3A_1912 = arith.muli %get3A_1835, %mul3A_1911 : vector<16xi32>
    %add3A_1913 = arith.constant 1 : i32
    %add3A_1914 = vector.broadcast %add3A_1913 : i32 to vector<16xi32>
    %add3A_1915 = arith.addi %mul3A_1912, %add3A_1914 : vector<16xi32>
    %gather3A_1916 = tpu.vector_load_idx %arg12[%add3A_1915] : memref<24576xf32, #tpu.memory_space<vmem>>[vector<16xi32>], vector<16xf32>,
    %mul3A_1917 = arith.mulf %div3A_1855, %gather3A_1916 : vector<16xf32>
    %add3A_1918 = arith.addf %add3A_1909, %mul3A_1917 : vector<16xf32>
    %mul3A_1919 = arith.constant 3 : i32
    %mul3A_1920 = vector.broadcast %mul3A_1919 : i32 to vector<16xi32>
    %mul3A_1921 = arith.muli %get3A_1837, %mul3A_1920 : vector<16xi32>
    %add3A_1922 = arith.constant 1 : i32
    %add3A_1923 = vector.broadcast %add3A_1922 : i32 to vector<16xi32>
    %add3A_1924 = arith.addi %mul3A_1921, %add3A_1923 : vector<16xi32>
    %gather3A_1925 = tpu.vector_load_idx %arg12[%add3A_1924] : memref<24576xf32, #tpu.memory_space<vmem>>[vector<16xi32>], vector<16xf32>,
    %mul3A_1926 = arith.mulf %div3A_1861, %gather3A_1925 : vector<16xf32>
    %add3A_1927 = arith.addf %add3A_1918, %mul3A_1926 : vector<16xf32>
    %mul3A_1928 = arith.mulf %add3A_1927, %div3A_1866 : vector<16xf32>
    %swap3A_1929 = arith.constant 224 : index
    %swap3A_1930 = tpu.vector_load %arg20[%swap3A_1929] {strides = array<i32>} : memref<512xf32, #tpu.memory_space<vmem>>, vector<16xf32>,
    tpu.vector_store %arg20[%swap3A_1929], %mul3A_1928 {strides = array<i32>} : memref<512xf32, #tpu.memory_space<vmem>>, vector<16xf32>,
    %broadcast_in_dim3A_1931 = arith.constant 0.000000e+00 : f32
    %broadcast_in_dim3A_1932 = vector.broadcast %broadcast_in_dim3A_1931 : f32 to vector<16xf32>
    %mul3A_1933 = arith.constant 3 : i32
    %mul3A_1934 = vector.broadcast %mul3A_1933 : i32 to vector<16xi32>
    %mul3A_1935 = arith.muli %get3A_1833, %mul3A_1934 : vector<16xi32>
    %add3A_1936 = arith.constant 2 : i32
    %add3A_1937 = vector.broadcast %add3A_1936 : i32 to vector<16xi32>
    %add3A_1938 = arith.addi %mul3A_1935, %add3A_1937 : vector<16xi32>
    %gather3A_1939 = tpu.vector_load_idx %arg12[%add3A_1938] : memref<24576xf32, #tpu.memory_space<vmem>>[vector<16xi32>], vector<16xf32>,
    %mul3A_1940 = arith.mulf %div3A_1849, %gather3A_1939 : vector<16xf32>
    %add3A_1941 = arith.addf %broadcast_in_dim3A_1932, %mul3A_1940 : vector<16xf32>
    %mul3A_1942 = arith.constant 3 : i32
    %mul3A_1943 = vector.broadcast %mul3A_1942 : i32 to vector<16xi32>
    %mul3A_1944 = arith.muli %get3A_1835, %mul3A_1943 : vector<16xi32>
    %add3A_1945 = arith.constant 2 : i32
    %add3A_1946 = vector.broadcast %add3A_1945 : i32 to vector<16xi32>
    %add3A_1947 = arith.addi %mul3A_1944, %add3A_1946 : vector<16xi32>
    %gather3A_1948 = tpu.vector_load_idx %arg12[%add3A_1947] : memref<24576xf32, #tpu.memory_space<vmem>>[vector<16xi32>], vector<16xf32>,
    %mul3A_1949 = arith.mulf %div3A_1855, %gather3A_1948 : vector<16xf32>
    %add3A_1950 = arith.addf %add3A_1941, %mul3A_1949 : vector<16xf32>
    %mul3A_1951 = arith.constant 3 : i32
    %mul3A_1952 = vector.broadcast %mul3A_1951 : i32 to vector<16xi32>
    %mul3A_1953 = arith.muli %get3A_1837, %mul3A_1952 : vector<16xi32>
    %add3A_1954 = arith.constant 2 : i32
    %add3A_1955 = vector.broadcast %add3A_1954 : i32 to vector<16xi32>
    %add3A_1956 = arith.addi %mul3A_1953, %add3A_1955 : vector<16xi32>
    %gather3A_1957 = tpu.vector_load_idx %arg12[%add3A_1956] : memref<24576xf32, #tpu.memory_space<vmem>>[vector<16xi32>], vector<16xf32>,
    %mul3A_1958 = arith.mulf %div3A_1861, %gather3A_1957 : vector<16xf32>
    %add3A_1959 = arith.addf %add3A_1950, %mul3A_1958 : vector<16xf32>
    %mul3A_1960 = arith.mulf %add3A_1959, %div3A_1866 : vector<16xf32>
    %swap3A_1961 = arith.constant 224 : index
    %swap3A_1962 = tpu.vector_load %arg21[%swap3A_1961] {strides = array<i32>} : memref<512xf32, #tpu.memory_space<vmem>>, vector<16xf32>,
    tpu.vector_store %arg21[%swap3A_1961], %mul3A_1960 {strides = array<i32>} : memref<512xf32, #tpu.memory_space<vmem>>, vector<16xf32>,
    %get3A_1963 = arith.constant 240 : index
    %get3A_1964 = tpu.vector_load %arg13[%get3A_1963] {strides = array<i32>} : memref<512xi32, #tpu.memory_space<vmem>>, vector<16xi32>,
    %get3A_1965 = arith.constant 240 : index
    %get3A_1966 = tpu.vector_load %arg14[%get3A_1965] {strides = array<i32>} : memref<512xi32, #tpu.memory_space<vmem>>, vector<16xi32>,
    %get3A_1967 = arith.constant 240 : index
    %get3A_1968 = tpu.vector_load %arg15[%get3A_1967] {strides = array<i32>} : memref<512xi32, #tpu.memory_space<vmem>>, vector<16xi32>,
    %get3A_1969 = arith.constant 240 : index
    %get3A_1970 = tpu.vector_load %arg16[%get3A_1969] {strides = array<i32>} : memref<512xf32, #tpu.memory_space<vmem>>, vector<16xf32>,
    %get3A_1971 = arith.constant 240 : index
    %get3A_1972 = tpu.vector_load %arg17[%get3A_1971] {strides = array<i32>} : memref<512xf32, #tpu.memory_space<vmem>>, vector<16xf32>,
    %get3A_1973 = arith.constant 240 : index
    %get3A_1974 = tpu.vector_load %arg18[%get3A_1973] {strides = array<i32>} : memref<512xf32, #tpu.memory_space<vmem>>, vector<16xf32>,
    %add3A_1975 = arith.constant 9.99999993E-9 : f32
    %add3A_1976 = vector.broadcast %add3A_1975 : f32 to vector<16xf32>
    %add3A_1977 = arith.addf %get3A_1970, %add3A_1976 : vector<16xf32>
    %div3A_1978 = arith.constant 1.000000e+00 : f32
    %div3A_1979 = vector.broadcast %div3A_1978 : f32 to vector<16xf32>
    %div3A_1980 = arith.divf %div3A_1979, %add3A_1977 : vector<16xf32>
    %add3A_1981 = arith.constant 9.99999993E-9 : f32
    %add3A_1982 = vector.broadcast %add3A_1981 : f32 to vector<16xf32>
    %add3A_1983 = arith.addf %get3A_1972, %add3A_1982 : vector<16xf32>
    %div3A_1984 = arith.constant 1.000000e+00 : f32
    %div3A_1985 = vector.broadcast %div3A_1984 : f32 to vector<16xf32>
    %div3A_1986 = arith.divf %div3A_1985, %add3A_1983 : vector<16xf32>
    %add3A_1987 = arith.constant 9.99999993E-9 : f32
    %add3A_1988 = vector.broadcast %add3A_1987 : f32 to vector<16xf32>
    %add3A_1989 = arith.addf %get3A_1974, %add3A_1988 : vector<16xf32>
    %div3A_1990 = arith.constant 1.000000e+00 : f32
    %div3A_1991 = vector.broadcast %div3A_1990 : f32 to vector<16xf32>
    %div3A_1992 = arith.divf %div3A_1991, %add3A_1989 : vector<16xf32>
    %add3A_1993 = arith.addf %div3A_1980, %div3A_1986 : vector<16xf32>
    %add3A_1994 = arith.addf %add3A_1993, %div3A_1992 : vector<16xf32>
    %div3A_1995 = arith.constant 1.000000e+00 : f32
    %div3A_1996 = vector.broadcast %div3A_1995 : f32 to vector<16xf32>
    %div3A_1997 = arith.divf %div3A_1996, %add3A_1994 : vector<16xf32>
    %broadcast_in_dim3A_1998 = arith.constant 0.000000e+00 : f32
    %broadcast_in_dim3A_1999 = vector.broadcast %broadcast_in_dim3A_1998 : f32 to vector<16xf32>
    %mul3A_2000 = arith.constant 3 : i32
    %mul3A_2001 = vector.broadcast %mul3A_2000 : i32 to vector<16xi32>
    %mul3A_2002 = arith.muli %get3A_1964, %mul3A_2001 : vector<16xi32>
    %add3A_2003 = arith.constant 0 : i32
    %add3A_2004 = vector.broadcast %add3A_2003 : i32 to vector<16xi32>
    %add3A_2005 = arith.addi %mul3A_2002, %add3A_2004 : vector<16xi32>
    %gather3A_2006 = tpu.vector_load_idx %arg12[%add3A_2005] : memref<24576xf32, #tpu.memory_space<vmem>>[vector<16xi32>], vector<16xf32>,
    %mul3A_2007 = arith.mulf %div3A_1980, %gather3A_2006 : vector<16xf32>
    %add3A_2008 = arith.addf %broadcast_in_dim3A_1999, %mul3A_2007 : vector<16xf32>
    %mul3A_2009 = arith.constant 3 : i32
    %mul3A_2010 = vector.broadcast %mul3A_2009 : i32 to vector<16xi32>
    %mul3A_2011 = arith.muli %get3A_1966, %mul3A_2010 : vector<16xi32>
    %add3A_2012 = arith.constant 0 : i32
    %add3A_2013 = vector.broadcast %add3A_2012 : i32 to vector<16xi32>
    %add3A_2014 = arith.addi %mul3A_2011, %add3A_2013 : vector<16xi32>
    %gather3A_2015 = tpu.vector_load_idx %arg12[%add3A_2014] : memref<24576xf32, #tpu.memory_space<vmem>>[vector<16xi32>], vector<16xf32>,
    %mul3A_2016 = arith.mulf %div3A_1986, %gather3A_2015 : vector<16xf32>
    %add3A_2017 = arith.addf %add3A_2008, %mul3A_2016 : vector<16xf32>
    %mul3A_2018 = arith.constant 3 : i32
    %mul3A_2019 = vector.broadcast %mul3A_2018 : i32 to vector<16xi32>
    %mul3A_2020 = arith.muli %get3A_1968, %mul3A_2019 : vector<16xi32>
    %add3A_2021 = arith.constant 0 : i32
    %add3A_2022 = vector.broadcast %add3A_2021 : i32 to vector<16xi32>
    %add3A_2023 = arith.addi %mul3A_2020, %add3A_2022 : vector<16xi32>
    %gather3A_2024 = tpu.vector_load_idx %arg12[%add3A_2023] : memref<24576xf32, #tpu.memory_space<vmem>>[vector<16xi32>], vector<16xf32>,
    %mul3A_2025 = arith.mulf %div3A_1992, %gather3A_2024 : vector<16xf32>
    %add3A_2026 = arith.addf %add3A_2017, %mul3A_2025 : vector<16xf32>
    %mul3A_2027 = arith.mulf %add3A_2026, %div3A_1997 : vector<16xf32>
    %swap3A_2028 = arith.constant 240 : index
    %swap3A_2029 = tpu.vector_load %arg19[%swap3A_2028] {strides = array<i32>} : memref<512xf32, #tpu.memory_space<vmem>>, vector<16xf32>,
    tpu.vector_store %arg19[%swap3A_2028], %mul3A_2027 {strides = array<i32>} : memref<512xf32, #tpu.memory_space<vmem>>, vector<16xf32>,
    %broadcast_in_dim3A_2030 = arith.constant 0.000000e+00 : f32
    %broadcast_in_dim3A_2031 = vector.broadcast %broadcast_in_dim3A_2030 : f32 to vector<16xf32>
    %mul3A_2032 = arith.constant 3 : i32
    %mul3A_2033 = vector.broadcast %mul3A_2032 : i32 to vector<16xi32>
    %mul3A_2034 = arith.muli %get3A_1964, %mul3A_2033 : vector<16xi32>
    %add3A_2035 = arith.constant 1 : i32
    %add3A_2036 = vector.broadcast %add3A_2035 : i32 to vector<16xi32>
    %add3A_2037 = arith.addi %mul3A_2034, %add3A_2036 : vector<16xi32>
    %gather3A_2038 = tpu.vector_load_idx %arg12[%add3A_2037] : memref<24576xf32, #tpu.memory_space<vmem>>[vector<16xi32>], vector<16xf32>,
    %mul3A_2039 = arith.mulf %div3A_1980, %gather3A_2038 : vector<16xf32>
    %add3A_2040 = arith.addf %broadcast_in_dim3A_2031, %mul3A_2039 : vector<16xf32>
    %mul3A_2041 = arith.constant 3 : i32
    %mul3A_2042 = vector.broadcast %mul3A_2041 : i32 to vector<16xi32>
    %mul3A_2043 = arith.muli %get3A_1966, %mul3A_2042 : vector<16xi32>
    %add3A_2044 = arith.constant 1 : i32
    %add3A_2045 = vector.broadcast %add3A_2044 : i32 to vector<16xi32>
    %add3A_2046 = arith.addi %mul3A_2043, %add3A_2045 : vector<16xi32>
    %gather3A_2047 = tpu.vector_load_idx %arg12[%add3A_2046] : memref<24576xf32, #tpu.memory_space<vmem>>[vector<16xi32>], vector<16xf32>,
    %mul3A_2048 = arith.mulf %div3A_1986, %gather3A_2047 : vector<16xf32>
    %add3A_2049 = arith.addf %add3A_2040, %mul3A_2048 : vector<16xf32>
    %mul3A_2050 = arith.constant 3 : i32
    %mul3A_2051 = vector.broadcast %mul3A_2050 : i32 to vector<16xi32>
    %mul3A_2052 = arith.muli %get3A_1968, %mul3A_2051 : vector<16xi32>
    %add3A_2053 = arith.constant 1 : i32
    %add3A_2054 = vector.broadcast %add3A_2053 : i32 to vector<16xi32>
    %add3A_2055 = arith.addi %mul3A_2052, %add3A_2054 : vector<16xi32>
    %gather3A_2056 = tpu.vector_load_idx %arg12[%add3A_2055] : memref<24576xf32, #tpu.memory_space<vmem>>[vector<16xi32>], vector<16xf32>,
    %mul3A_2057 = arith.mulf %div3A_1992, %gather3A_2056 : vector<16xf32>
    %add3A_2058 = arith.addf %add3A_2049, %mul3A_2057 : vector<16xf32>
    %mul3A_2059 = arith.mulf %add3A_2058, %div3A_1997 : vector<16xf32>
    %swap3A_2060 = arith.constant 240 : index
    %swap3A_2061 = tpu.vector_load %arg20[%swap3A_2060] {strides = array<i32>} : memref<512xf32, #tpu.memory_space<vmem>>, vector<16xf32>,
    tpu.vector_store %arg20[%swap3A_2060], %mul3A_2059 {strides = array<i32>} : memref<512xf32, #tpu.memory_space<vmem>>, vector<16xf32>,
    %broadcast_in_dim3A_2062 = arith.constant 0.000000e+00 : f32
    %broadcast_in_dim3A_2063 = vector.broadcast %broadcast_in_dim3A_2062 : f32 to vector<16xf32>
    %mul3A_2064 = arith.constant 3 : i32
    %mul3A_2065 = vector.broadcast %mul3A_2064 : i32 to vector<16xi32>
    %mul3A_2066 = arith.muli %get3A_1964, %mul3A_2065 : vector<16xi32>
    %add3A_2067 = arith.constant 2 : i32
    %add3A_2068 = vector.broadcast %add3A_2067 : i32 to vector<16xi32>
    %add3A_2069 = arith.addi %mul3A_2066, %add3A_2068 : vector<16xi32>
    %gather3A_2070 = tpu.vector_load_idx %arg12[%add3A_2069] : memref<24576xf32, #tpu.memory_space<vmem>>[vector<16xi32>], vector<16xf32>,
    %mul3A_2071 = arith.mulf %div3A_1980, %gather3A_2070 : vector<16xf32>
    %add3A_2072 = arith.addf %broadcast_in_dim3A_2063, %mul3A_2071 : vector<16xf32>
    %mul3A_2073 = arith.constant 3 : i32
    %mul3A_2074 = vector.broadcast %mul3A_2073 : i32 to vector<16xi32>
    %mul3A_2075 = arith.muli %get3A_1966, %mul3A_2074 : vector<16xi32>
    %add3A_2076 = arith.constant 2 : i32
    %add3A_2077 = vector.broadcast %add3A_2076 : i32 to vector<16xi32>
    %add3A_2078 = arith.addi %mul3A_2075, %add3A_2077 : vector<16xi32>
    %gather3A_2079 = tpu.vector_load_idx %arg12[%add3A_2078] : memref<24576xf32, #tpu.memory_space<vmem>>[vector<16xi32>], vector<16xf32>,
    %mul3A_2080 = arith.mulf %div3A_1986, %gather3A_2079 : vector<16xf32>
    %add3A_2081 = arith.addf %add3A_2072, %mul3A_2080 : vector<16xf32>
    %mul3A_2082 = arith.constant 3 : i32
    %mul3A_2083 = vector.broadcast %mul3A_2082 : i32 to vector<16xi32>
    %mul3A_2084 = arith.muli %get3A_1968, %mul3A_2083 : vector<16xi32>
    %add3A_2085 = arith.constant 2 : i32
    %add3A_2086 = vector.broadcast %add3A_2085 : i32 to vector<16xi32>
    %add3A_2087 = arith.addi %mul3A_2084, %add3A_2086 : vector<16xi32>
    %gather3A_2088 = tpu.vector_load_idx %arg12[%add3A_2087] : memref<24576xf32, #tpu.memory_space<vmem>>[vector<16xi32>], vector<16xf32>,
    %mul3A_2089 = arith.mulf %div3A_1992, %gather3A_2088 : vector<16xf32>
    %add3A_2090 = arith.addf %add3A_2081, %mul3A_2089 : vector<16xf32>
    %mul3A_2091 = arith.mulf %add3A_2090, %div3A_1997 : vector<16xf32>
    %swap3A_2092 = arith.constant 240 : index
    %swap3A_2093 = tpu.vector_load %arg21[%swap3A_2092] {strides = array<i32>} : memref<512xf32, #tpu.memory_space<vmem>>, vector<16xf32>,
    tpu.vector_store %arg21[%swap3A_2092], %mul3A_2091 {strides = array<i32>} : memref<512xf32, #tpu.memory_space<vmem>>, vector<16xf32>,
    %get3A_2094 = arith.constant 256 : index
    %get3A_2095 = tpu.vector_load %arg13[%get3A_2094] {strides = array<i32>} : memref<512xi32, #tpu.memory_space<vmem>>, vector<16xi32>,
    %get3A_2096 = arith.constant 256 : index
    %get3A_2097 = tpu.vector_load %arg14[%get3A_2096] {strides = array<i32>} : memref<512xi32, #tpu.memory_space<vmem>>, vector<16xi32>,
    %get3A_2098 = arith.constant 256 : index
    %get3A_2099 = tpu.vector_load %arg15[%get3A_2098] {strides = array<i32>} : memref<512xi32, #tpu.memory_space<vmem>>, vector<16xi32>,
    %get3A_2100 = arith.constant 256 : index
    %get3A_2101 = tpu.vector_load %arg16[%get3A_2100] {strides = array<i32>} : memref<512xf32, #tpu.memory_space<vmem>>, vector<16xf32>,
    %get3A_2102 = arith.constant 256 : index
    %get3A_2103 = tpu.vector_load %arg17[%get3A_2102] {strides = array<i32>} : memref<512xf32, #tpu.memory_space<vmem>>, vector<16xf32>,
    %get3A_2104 = arith.constant 256 : index
    %get3A_2105 = tpu.vector_load %arg18[%get3A_2104] {strides = array<i32>} : memref<512xf32, #tpu.memory_space<vmem>>, vector<16xf32>,
    %add3A_2106 = arith.constant 9.99999993E-9 : f32
    %add3A_2107 = vector.broadcast %add3A_2106 : f32 to vector<16xf32>
    %add3A_2108 = arith.addf %get3A_2101, %add3A_2107 : vector<16xf32>
    %div3A_2109 = arith.constant 1.000000e+00 : f32
    %div3A_2110 = vector.broadcast %div3A_2109 : f32 to vector<16xf32>
    %div3A_2111 = arith.divf %div3A_2110, %add3A_2108 : vector<16xf32>
    %add3A_2112 = arith.constant 9.99999993E-9 : f32
    %add3A_2113 = vector.broadcast %add3A_2112 : f32 to vector<16xf32>
    %add3A_2114 = arith.addf %get3A_2103, %add3A_2113 : vector<16xf32>
    %div3A_2115 = arith.constant 1.000000e+00 : f32
    %div3A_2116 = vector.broadcast %div3A_2115 : f32 to vector<16xf32>
    %div3A_2117 = arith.divf %div3A_2116, %add3A_2114 : vector<16xf32>
    %add3A_2118 = arith.constant 9.99999993E-9 : f32
    %add3A_2119 = vector.broadcast %add3A_2118 : f32 to vector<16xf32>
    %add3A_2120 = arith.addf %get3A_2105, %add3A_2119 : vector<16xf32>
    %div3A_2121 = arith.constant 1.000000e+00 : f32
    %div3A_2122 = vector.broadcast %div3A_2121 : f32 to vector<16xf32>
    %div3A_2123 = arith.divf %div3A_2122, %add3A_2120 : vector<16xf32>
    %add3A_2124 = arith.addf %div3A_2111, %div3A_2117 : vector<16xf32>
    %add3A_2125 = arith.addf %add3A_2124, %div3A_2123 : vector<16xf32>
    %div3A_2126 = arith.constant 1.000000e+00 : f32
    %div3A_2127 = vector.broadcast %div3A_2126 : f32 to vector<16xf32>
    %div3A_2128 = arith.divf %div3A_2127, %add3A_2125 : vector<16xf32>
    %broadcast_in_dim3A_2129 = arith.constant 0.000000e+00 : f32
    %broadcast_in_dim3A_2130 = vector.broadcast %broadcast_in_dim3A_2129 : f32 to vector<16xf32>
    %mul3A_2131 = arith.constant 3 : i32
    %mul3A_2132 = vector.broadcast %mul3A_2131 : i32 to vector<16xi32>
    %mul3A_2133 = arith.muli %get3A_2095, %mul3A_2132 : vector<16xi32>
    %add3A_2134 = arith.constant 0 : i32
    %add3A_2135 = vector.broadcast %add3A_2134 : i32 to vector<16xi32>
    %add3A_2136 = arith.addi %mul3A_2133, %add3A_2135 : vector<16xi32>
    %gather3A_2137 = tpu.vector_load_idx %arg12[%add3A_2136] : memref<24576xf32, #tpu.memory_space<vmem>>[vector<16xi32>], vector<16xf32>,
    %mul3A_2138 = arith.mulf %div3A_2111, %gather3A_2137 : vector<16xf32>
    %add3A_2139 = arith.addf %broadcast_in_dim3A_2130, %mul3A_2138 : vector<16xf32>
    %mul3A_2140 = arith.constant 3 : i32
    %mul3A_2141 = vector.broadcast %mul3A_2140 : i32 to vector<16xi32>
    %mul3A_2142 = arith.muli %get3A_2097, %mul3A_2141 : vector<16xi32>
    %add3A_2143 = arith.constant 0 : i32
    %add3A_2144 = vector.broadcast %add3A_2143 : i32 to vector<16xi32>
    %add3A_2145 = arith.addi %mul3A_2142, %add3A_2144 : vector<16xi32>
    %gather3A_2146 = tpu.vector_load_idx %arg12[%add3A_2145] : memref<24576xf32, #tpu.memory_space<vmem>>[vector<16xi32>], vector<16xf32>,
    %mul3A_2147 = arith.mulf %div3A_2117, %gather3A_2146 : vector<16xf32>
    %add3A_2148 = arith.addf %add3A_2139, %mul3A_2147 : vector<16xf32>
    %mul3A_2149 = arith.constant 3 : i32
    %mul3A_2150 = vector.broadcast %mul3A_2149 : i32 to vector<16xi32>
    %mul3A_2151 = arith.muli %get3A_2099, %mul3A_2150 : vector<16xi32>
    %add3A_2152 = arith.constant 0 : i32
    %add3A_2153 = vector.broadcast %add3A_2152 : i32 to vector<16xi32>
    %add3A_2154 = arith.addi %mul3A_2151, %add3A_2153 : vector<16xi32>
    %gather3A_2155 = tpu.vector_load_idx %arg12[%add3A_2154] : memref<24576xf32, #tpu.memory_space<vmem>>[vector<16xi32>], vector<16xf32>,
    %mul3A_2156 = arith.mulf %div3A_2123, %gather3A_2155 : vector<16xf32>
    %add3A_2157 = arith.addf %add3A_2148, %mul3A_2156 : vector<16xf32>
    %mul3A_2158 = arith.mulf %add3A_2157, %div3A_2128 : vector<16xf32>
    %swap3A_2159 = arith.constant 256 : index
    %swap3A_2160 = tpu.vector_load %arg19[%swap3A_2159] {strides = array<i32>} : memref<512xf32, #tpu.memory_space<vmem>>, vector<16xf32>,
    tpu.vector_store %arg19[%swap3A_2159], %mul3A_2158 {strides = array<i32>} : memref<512xf32, #tpu.memory_space<vmem>>, vector<16xf32>,
    %broadcast_in_dim3A_2161 = arith.constant 0.000000e+00 : f32
    %broadcast_in_dim3A_2162 = vector.broadcast %broadcast_in_dim3A_2161 : f32 to vector<16xf32>
    %mul3A_2163 = arith.constant 3 : i32
    %mul3A_2164 = vector.broadcast %mul3A_2163 : i32 to vector<16xi32>
    %mul3A_2165 = arith.muli %get3A_2095, %mul3A_2164 : vector<16xi32>
    %add3A_2166 = arith.constant 1 : i32
    %add3A_2167 = vector.broadcast %add3A_2166 : i32 to vector<16xi32>
    %add3A_2168 = arith.addi %mul3A_2165, %add3A_2167 : vector<16xi32>
    %gather3A_2169 = tpu.vector_load_idx %arg12[%add3A_2168] : memref<24576xf32, #tpu.memory_space<vmem>>[vector<16xi32>], vector<16xf32>,
    %mul3A_2170 = arith.mulf %div3A_2111, %gather3A_2169 : vector<16xf32>
    %add3A_2171 = arith.addf %broadcast_in_dim3A_2162, %mul3A_2170 : vector<16xf32>
    %mul3A_2172 = arith.constant 3 : i32
    %mul3A_2173 = vector.broadcast %mul3A_2172 : i32 to vector<16xi32>
    %mul3A_2174 = arith.muli %get3A_2097, %mul3A_2173 : vector<16xi32>
    %add3A_2175 = arith.constant 1 : i32
    %add3A_2176 = vector.broadcast %add3A_2175 : i32 to vector<16xi32>
    %add3A_2177 = arith.addi %mul3A_2174, %add3A_2176 : vector<16xi32>
    %gather3A_2178 = tpu.vector_load_idx %arg12[%add3A_2177] : memref<24576xf32, #tpu.memory_space<vmem>>[vector<16xi32>], vector<16xf32>,
    %mul3A_2179 = arith.mulf %div3A_2117, %gather3A_2178 : vector<16xf32>
    %add3A_2180 = arith.addf %add3A_2171, %mul3A_2179 : vector<16xf32>
    %mul3A_2181 = arith.constant 3 : i32
    %mul3A_2182 = vector.broadcast %mul3A_2181 : i32 to vector<16xi32>
    %mul3A_2183 = arith.muli %get3A_2099, %mul3A_2182 : vector<16xi32>
    %add3A_2184 = arith.constant 1 : i32
    %add3A_2185 = vector.broadcast %add3A_2184 : i32 to vector<16xi32>
    %add3A_2186 = arith.addi %mul3A_2183, %add3A_2185 : vector<16xi32>
    %gather3A_2187 = tpu.vector_load_idx %arg12[%add3A_2186] : memref<24576xf32, #tpu.memory_space<vmem>>[vector<16xi32>], vector<16xf32>,
    %mul3A_2188 = arith.mulf %div3A_2123, %gather3A_2187 : vector<16xf32>
    %add3A_2189 = arith.addf %add3A_2180, %mul3A_2188 : vector<16xf32>
    %mul3A_2190 = arith.mulf %add3A_2189, %div3A_2128 : vector<16xf32>
    %swap3A_2191 = arith.constant 256 : index
    %swap3A_2192 = tpu.vector_load %arg20[%swap3A_2191] {strides = array<i32>} : memref<512xf32, #tpu.memory_space<vmem>>, vector<16xf32>,
    tpu.vector_store %arg20[%swap3A_2191], %mul3A_2190 {strides = array<i32>} : memref<512xf32, #tpu.memory_space<vmem>>, vector<16xf32>,
    %broadcast_in_dim3A_2193 = arith.constant 0.000000e+00 : f32
    %broadcast_in_dim3A_2194 = vector.broadcast %broadcast_in_dim3A_2193 : f32 to vector<16xf32>
    %mul3A_2195 = arith.constant 3 : i32
    %mul3A_2196 = vector.broadcast %mul3A_2195 : i32 to vector<16xi32>
    %mul3A_2197 = arith.muli %get3A_2095, %mul3A_2196 : vector<16xi32>
    %add3A_2198 = arith.constant 2 : i32
    %add3A_2199 = vector.broadcast %add3A_2198 : i32 to vector<16xi32>
    %add3A_2200 = arith.addi %mul3A_2197, %add3A_2199 : vector<16xi32>
    %gather3A_2201 = tpu.vector_load_idx %arg12[%add3A_2200] : memref<24576xf32, #tpu.memory_space<vmem>>[vector<16xi32>], vector<16xf32>,
    %mul3A_2202 = arith.mulf %div3A_2111, %gather3A_2201 : vector<16xf32>
    %add3A_2203 = arith.addf %broadcast_in_dim3A_2194, %mul3A_2202 : vector<16xf32>
    %mul3A_2204 = arith.constant 3 : i32
    %mul3A_2205 = vector.broadcast %mul3A_2204 : i32 to vector<16xi32>
    %mul3A_2206 = arith.muli %get3A_2097, %mul3A_2205 : vector<16xi32>
    %add3A_2207 = arith.constant 2 : i32
    %add3A_2208 = vector.broadcast %add3A_2207 : i32 to vector<16xi32>
    %add3A_2209 = arith.addi %mul3A_2206, %add3A_2208 : vector<16xi32>
    %gather3A_2210 = tpu.vector_load_idx %arg12[%add3A_2209] : memref<24576xf32, #tpu.memory_space<vmem>>[vector<16xi32>], vector<16xf32>,
    %mul3A_2211 = arith.mulf %div3A_2117, %gather3A_2210 : vector<16xf32>
    %add3A_2212 = arith.addf %add3A_2203, %mul3A_2211 : vector<16xf32>
    %mul3A_2213 = arith.constant 3 : i32
    %mul3A_2214 = vector.broadcast %mul3A_2213 : i32 to vector<16xi32>
    %mul3A_2215 = arith.muli %get3A_2099, %mul3A_2214 : vector<16xi32>
    %add3A_2216 = arith.constant 2 : i32
    %add3A_2217 = vector.broadcast %add3A_2216 : i32 to vector<16xi32>
    %add3A_2218 = arith.addi %mul3A_2215, %add3A_2217 : vector<16xi32>
    %gather3A_2219 = tpu.vector_load_idx %arg12[%add3A_2218] : memref<24576xf32, #tpu.memory_space<vmem>>[vector<16xi32>], vector<16xf32>,
    %mul3A_2220 = arith.mulf %div3A_2123, %gather3A_2219 : vector<16xf32>
    %add3A_2221 = arith.addf %add3A_2212, %mul3A_2220 : vector<16xf32>
    %mul3A_2222 = arith.mulf %add3A_2221, %div3A_2128 : vector<16xf32>
    %swap3A_2223 = arith.constant 256 : index
    %swap3A_2224 = tpu.vector_load %arg21[%swap3A_2223] {strides = array<i32>} : memref<512xf32, #tpu.memory_space<vmem>>, vector<16xf32>,
    tpu.vector_store %arg21[%swap3A_2223], %mul3A_2222 {strides = array<i32>} : memref<512xf32, #tpu.memory_space<vmem>>, vector<16xf32>,
    %get3A_2225 = arith.constant 272 : index
    %get3A_2226 = tpu.vector_load %arg13[%get3A_2225] {strides = array<i32>} : memref<512xi32, #tpu.memory_space<vmem>>, vector<16xi32>,
    %get3A_2227 = arith.constant 272 : index
    %get3A_2228 = tpu.vector_load %arg14[%get3A_2227] {strides = array<i32>} : memref<512xi32, #tpu.memory_space<vmem>>, vector<16xi32>,
    %get3A_2229 = arith.constant 272 : index
    %get3A_2230 = tpu.vector_load %arg15[%get3A_2229] {strides = array<i32>} : memref<512xi32, #tpu.memory_space<vmem>>, vector<16xi32>,
    %get3A_2231 = arith.constant 272 : index
    %get3A_2232 = tpu.vector_load %arg16[%get3A_2231] {strides = array<i32>} : memref<512xf32, #tpu.memory_space<vmem>>, vector<16xf32>,
    %get3A_2233 = arith.constant 272 : index
    %get3A_2234 = tpu.vector_load %arg17[%get3A_2233] {strides = array<i32>} : memref<512xf32, #tpu.memory_space<vmem>>, vector<16xf32>,
    %get3A_2235 = arith.constant 272 : index
    %get3A_2236 = tpu.vector_load %arg18[%get3A_2235] {strides = array<i32>} : memref<512xf32, #tpu.memory_space<vmem>>, vector<16xf32>,
    %add3A_2237 = arith.constant 9.99999993E-9 : f32
    %add3A_2238 = vector.broadcast %add3A_2237 : f32 to vector<16xf32>
    %add3A_2239 = arith.addf %get3A_2232, %add3A_2238 : vector<16xf32>
    %div3A_2240 = arith.constant 1.000000e+00 : f32
    %div3A_2241 = vector.broadcast %div3A_2240 : f32 to vector<16xf32>
    %div3A_2242 = arith.divf %div3A_2241, %add3A_2239 : vector<16xf32>
    %add3A_2243 = arith.constant 9.99999993E-9 : f32
    %add3A_2244 = vector.broadcast %add3A_2243 : f32 to vector<16xf32>
    %add3A_2245 = arith.addf %get3A_2234, %add3A_2244 : vector<16xf32>
    %div3A_2246 = arith.constant 1.000000e+00 : f32
    %div3A_2247 = vector.broadcast %div3A_2246 : f32 to vector<16xf32>
    %div3A_2248 = arith.divf %div3A_2247, %add3A_2245 : vector<16xf32>
    %add3A_2249 = arith.constant 9.99999993E-9 : f32
    %add3A_2250 = vector.broadcast %add3A_2249 : f32 to vector<16xf32>
    %add3A_2251 = arith.addf %get3A_2236, %add3A_2250 : vector<16xf32>
    %div3A_2252 = arith.constant 1.000000e+00 : f32
    %div3A_2253 = vector.broadcast %div3A_2252 : f32 to vector<16xf32>
    %div3A_2254 = arith.divf %div3A_2253, %add3A_2251 : vector<16xf32>
    %add3A_2255 = arith.addf %div3A_2242, %div3A_2248 : vector<16xf32>
    %add3A_2256 = arith.addf %add3A_2255, %div3A_2254 : vector<16xf32>
    %div3A_2257 = arith.constant 1.000000e+00 : f32
    %div3A_2258 = vector.broadcast %div3A_2257 : f32 to vector<16xf32>
    %div3A_2259 = arith.divf %div3A_2258, %add3A_2256 : vector<16xf32>
    %broadcast_in_dim3A_2260 = arith.constant 0.000000e+00 : f32
    %broadcast_in_dim3A_2261 = vector.broadcast %broadcast_in_dim3A_2260 : f32 to vector<16xf32>
    %mul3A_2262 = arith.constant 3 : i32
    %mul3A_2263 = vector.broadcast %mul3A_2262 : i32 to vector<16xi32>
    %mul3A_2264 = arith.muli %get3A_2226, %mul3A_2263 : vector<16xi32>
    %add3A_2265 = arith.constant 0 : i32
    %add3A_2266 = vector.broadcast %add3A_2265 : i32 to vector<16xi32>
    %add3A_2267 = arith.addi %mul3A_2264, %add3A_2266 : vector<16xi32>
    %gather3A_2268 = tpu.vector_load_idx %arg12[%add3A_2267] : memref<24576xf32, #tpu.memory_space<vmem>>[vector<16xi32>], vector<16xf32>,
    %mul3A_2269 = arith.mulf %div3A_2242, %gather3A_2268 : vector<16xf32>
    %add3A_2270 = arith.addf %broadcast_in_dim3A_2261, %mul3A_2269 : vector<16xf32>
    %mul3A_2271 = arith.constant 3 : i32
    %mul3A_2272 = vector.broadcast %mul3A_2271 : i32 to vector<16xi32>
    %mul3A_2273 = arith.muli %get3A_2228, %mul3A_2272 : vector<16xi32>
    %add3A_2274 = arith.constant 0 : i32
    %add3A_2275 = vector.broadcast %add3A_2274 : i32 to vector<16xi32>
    %add3A_2276 = arith.addi %mul3A_2273, %add3A_2275 : vector<16xi32>
    %gather3A_2277 = tpu.vector_load_idx %arg12[%add3A_2276] : memref<24576xf32, #tpu.memory_space<vmem>>[vector<16xi32>], vector<16xf32>,
    %mul3A_2278 = arith.mulf %div3A_2248, %gather3A_2277 : vector<16xf32>
    %add3A_2279 = arith.addf %add3A_2270, %mul3A_2278 : vector<16xf32>
    %mul3A_2280 = arith.constant 3 : i32
    %mul3A_2281 = vector.broadcast %mul3A_2280 : i32 to vector<16xi32>
    %mul3A_2282 = arith.muli %get3A_2230, %mul3A_2281 : vector<16xi32>
    %add3A_2283 = arith.constant 0 : i32
    %add3A_2284 = vector.broadcast %add3A_2283 : i32 to vector<16xi32>
    %add3A_2285 = arith.addi %mul3A_2282, %add3A_2284 : vector<16xi32>
    %gather3A_2286 = tpu.vector_load_idx %arg12[%add3A_2285] : memref<24576xf32, #tpu.memory_space<vmem>>[vector<16xi32>], vector<16xf32>,
    %mul3A_2287 = arith.mulf %div3A_2254, %gather3A_2286 : vector<16xf32>
    %add3A_2288 = arith.addf %add3A_2279, %mul3A_2287 : vector<16xf32>
    %mul3A_2289 = arith.mulf %add3A_2288, %div3A_2259 : vector<16xf32>
    %swap3A_2290 = arith.constant 272 : index
    %swap3A_2291 = tpu.vector_load %arg19[%swap3A_2290] {strides = array<i32>} : memref<512xf32, #tpu.memory_space<vmem>>, vector<16xf32>,
    tpu.vector_store %arg19[%swap3A_2290], %mul3A_2289 {strides = array<i32>} : memref<512xf32, #tpu.memory_space<vmem>>, vector<16xf32>,
    %broadcast_in_dim3A_2292 = arith.constant 0.000000e+00 : f32
    %broadcast_in_dim3A_2293 = vector.broadcast %broadcast_in_dim3A_2292 : f32 to vector<16xf32>
    %mul3A_2294 = arith.constant 3 : i32
    %mul3A_2295 = vector.broadcast %mul3A_2294 : i32 to vector<16xi32>
    %mul3A_2296 = arith.muli %get3A_2226, %mul3A_2295 : vector<16xi32>
    %add3A_2297 = arith.constant 1 : i32
    %add3A_2298 = vector.broadcast %add3A_2297 : i32 to vector<16xi32>
    %add3A_2299 = arith.addi %mul3A_2296, %add3A_2298 : vector<16xi32>
    %gather3A_2300 = tpu.vector_load_idx %arg12[%add3A_2299] : memref<24576xf32, #tpu.memory_space<vmem>>[vector<16xi32>], vector<16xf32>,
    %mul3A_2301 = arith.mulf %div3A_2242, %gather3A_2300 : vector<16xf32>
    %add3A_2302 = arith.addf %broadcast_in_dim3A_2293, %mul3A_2301 : vector<16xf32>
    %mul3A_2303 = arith.constant 3 : i32
    %mul3A_2304 = vector.broadcast %mul3A_2303 : i32 to vector<16xi32>
    %mul3A_2305 = arith.muli %get3A_2228, %mul3A_2304 : vector<16xi32>
    %add3A_2306 = arith.constant 1 : i32
    %add3A_2307 = vector.broadcast %add3A_2306 : i32 to vector<16xi32>
    %add3A_2308 = arith.addi %mul3A_2305, %add3A_2307 : vector<16xi32>
    %gather3A_2309 = tpu.vector_load_idx %arg12[%add3A_2308] : memref<24576xf32, #tpu.memory_space<vmem>>[vector<16xi32>], vector<16xf32>,
    %mul3A_2310 = arith.mulf %div3A_2248, %gather3A_2309 : vector<16xf32>
    %add3A_2311 = arith.addf %add3A_2302, %mul3A_2310 : vector<16xf32>
    %mul3A_2312 = arith.constant 3 : i32
    %mul3A_2313 = vector.broadcast %mul3A_2312 : i32 to vector<16xi32>
    %mul3A_2314 = arith.muli %get3A_2230, %mul3A_2313 : vector<16xi32>
    %add3A_2315 = arith.constant 1 : i32
    %add3A_2316 = vector.broadcast %add3A_2315 : i32 to vector<16xi32>
    %add3A_2317 = arith.addi %mul3A_2314, %add3A_2316 : vector<16xi32>
    %gather3A_2318 = tpu.vector_load_idx %arg12[%add3A_2317] : memref<24576xf32, #tpu.memory_space<vmem>>[vector<16xi32>], vector<16xf32>,
    %mul3A_2319 = arith.mulf %div3A_2254, %gather3A_2318 : vector<16xf32>
    %add3A_2320 = arith.addf %add3A_2311, %mul3A_2319 : vector<16xf32>
    %mul3A_2321 = arith.mulf %add3A_2320, %div3A_2259 : vector<16xf32>
    %swap3A_2322 = arith.constant 272 : index
    %swap3A_2323 = tpu.vector_load %arg20[%swap3A_2322] {strides = array<i32>} : memref<512xf32, #tpu.memory_space<vmem>>, vector<16xf32>,
    tpu.vector_store %arg20[%swap3A_2322], %mul3A_2321 {strides = array<i32>} : memref<512xf32, #tpu.memory_space<vmem>>, vector<16xf32>,
    %broadcast_in_dim3A_2324 = arith.constant 0.000000e+00 : f32
    %broadcast_in_dim3A_2325 = vector.broadcast %broadcast_in_dim3A_2324 : f32 to vector<16xf32>
    %mul3A_2326 = arith.constant 3 : i32
    %mul3A_2327 = vector.broadcast %mul3A_2326 : i32 to vector<16xi32>
    %mul3A_2328 = arith.muli %get3A_2226, %mul3A_2327 : vector<16xi32>
    %add3A_2329 = arith.constant 2 : i32
    %add3A_2330 = vector.broadcast %add3A_2329 : i32 to vector<16xi32>
    %add3A_2331 = arith.addi %mul3A_2328, %add3A_2330 : vector<16xi32>
    %gather3A_2332 = tpu.vector_load_idx %arg12[%add3A_2331] : memref<24576xf32, #tpu.memory_space<vmem>>[vector<16xi32>], vector<16xf32>,
    %mul3A_2333 = arith.mulf %div3A_2242, %gather3A_2332 : vector<16xf32>
    %add3A_2334 = arith.addf %broadcast_in_dim3A_2325, %mul3A_2333 : vector<16xf32>
    %mul3A_2335 = arith.constant 3 : i32
    %mul3A_2336 = vector.broadcast %mul3A_2335 : i32 to vector<16xi32>
    %mul3A_2337 = arith.muli %get3A_2228, %mul3A_2336 : vector<16xi32>
    %add3A_2338 = arith.constant 2 : i32
    %add3A_2339 = vector.broadcast %add3A_2338 : i32 to vector<16xi32>
    %add3A_2340 = arith.addi %mul3A_2337, %add3A_2339 : vector<16xi32>
    %gather3A_2341 = tpu.vector_load_idx %arg12[%add3A_2340] : memref<24576xf32, #tpu.memory_space<vmem>>[vector<16xi32>], vector<16xf32>,
    %mul3A_2342 = arith.mulf %div3A_2248, %gather3A_2341 : vector<16xf32>
    %add3A_2343 = arith.addf %add3A_2334, %mul3A_2342 : vector<16xf32>
    %mul3A_2344 = arith.constant 3 : i32
    %mul3A_2345 = vector.broadcast %mul3A_2344 : i32 to vector<16xi32>
    %mul3A_2346 = arith.muli %get3A_2230, %mul3A_2345 : vector<16xi32>
    %add3A_2347 = arith.constant 2 : i32
    %add3A_2348 = vector.broadcast %add3A_2347 : i32 to vector<16xi32>
    %add3A_2349 = arith.addi %mul3A_2346, %add3A_2348 : vector<16xi32>
    %gather3A_2350 = tpu.vector_load_idx %arg12[%add3A_2349] : memref<24576xf32, #tpu.memory_space<vmem>>[vector<16xi32>], vector<16xf32>,
    %mul3A_2351 = arith.mulf %div3A_2254, %gather3A_2350 : vector<16xf32>
    %add3A_2352 = arith.addf %add3A_2343, %mul3A_2351 : vector<16xf32>
    %mul3A_2353 = arith.mulf %add3A_2352, %div3A_2259 : vector<16xf32>
    %swap3A_2354 = arith.constant 272 : index
    %swap3A_2355 = tpu.vector_load %arg21[%swap3A_2354] {strides = array<i32>} : memref<512xf32, #tpu.memory_space<vmem>>, vector<16xf32>,
    tpu.vector_store %arg21[%swap3A_2354], %mul3A_2353 {strides = array<i32>} : memref<512xf32, #tpu.memory_space<vmem>>, vector<16xf32>,
    %get3A_2356 = arith.constant 288 : index
    %get3A_2357 = tpu.vector_load %arg13[%get3A_2356] {strides = array<i32>} : memref<512xi32, #tpu.memory_space<vmem>>, vector<16xi32>,
    %get3A_2358 = arith.constant 288 : index
    %get3A_2359 = tpu.vector_load %arg14[%get3A_2358] {strides = array<i32>} : memref<512xi32, #tpu.memory_space<vmem>>, vector<16xi32>,
    %get3A_2360 = arith.constant 288 : index
    %get3A_2361 = tpu.vector_load %arg15[%get3A_2360] {strides = array<i32>} : memref<512xi32, #tpu.memory_space<vmem>>, vector<16xi32>,
    %get3A_2362 = arith.constant 288 : index
    %get3A_2363 = tpu.vector_load %arg16[%get3A_2362] {strides = array<i32>} : memref<512xf32, #tpu.memory_space<vmem>>, vector<16xf32>,
    %get3A_2364 = arith.constant 288 : index
    %get3A_2365 = tpu.vector_load %arg17[%get3A_2364] {strides = array<i32>} : memref<512xf32, #tpu.memory_space<vmem>>, vector<16xf32>,
    %get3A_2366 = arith.constant 288 : index
    %get3A_2367 = tpu.vector_load %arg18[%get3A_2366] {strides = array<i32>} : memref<512xf32, #tpu.memory_space<vmem>>, vector<16xf32>,
    %add3A_2368 = arith.constant 9.99999993E-9 : f32
    %add3A_2369 = vector.broadcast %add3A_2368 : f32 to vector<16xf32>
    %add3A_2370 = arith.addf %get3A_2363, %add3A_2369 : vector<16xf32>
    %div3A_2371 = arith.constant 1.000000e+00 : f32
    %div3A_2372 = vector.broadcast %div3A_2371 : f32 to vector<16xf32>
    %div3A_2373 = arith.divf %div3A_2372, %add3A_2370 : vector<16xf32>
    %add3A_2374 = arith.constant 9.99999993E-9 : f32
    %add3A_2375 = vector.broadcast %add3A_2374 : f32 to vector<16xf32>
    %add3A_2376 = arith.addf %get3A_2365, %add3A_2375 : vector<16xf32>
    %div3A_2377 = arith.constant 1.000000e+00 : f32
    %div3A_2378 = vector.broadcast %div3A_2377 : f32 to vector<16xf32>
    %div3A_2379 = arith.divf %div3A_2378, %add3A_2376 : vector<16xf32>
    %add3A_2380 = arith.constant 9.99999993E-9 : f32
    %add3A_2381 = vector.broadcast %add3A_2380 : f32 to vector<16xf32>
    %add3A_2382 = arith.addf %get3A_2367, %add3A_2381 : vector<16xf32>
    %div3A_2383 = arith.constant 1.000000e+00 : f32
    %div3A_2384 = vector.broadcast %div3A_2383 : f32 to vector<16xf32>
    %div3A_2385 = arith.divf %div3A_2384, %add3A_2382 : vector<16xf32>
    %add3A_2386 = arith.addf %div3A_2373, %div3A_2379 : vector<16xf32>
    %add3A_2387 = arith.addf %add3A_2386, %div3A_2385 : vector<16xf32>
    %div3A_2388 = arith.constant 1.000000e+00 : f32
    %div3A_2389 = vector.broadcast %div3A_2388 : f32 to vector<16xf32>
    %div3A_2390 = arith.divf %div3A_2389, %add3A_2387 : vector<16xf32>
    %broadcast_in_dim3A_2391 = arith.constant 0.000000e+00 : f32
    %broadcast_in_dim3A_2392 = vector.broadcast %broadcast_in_dim3A_2391 : f32 to vector<16xf32>
    %mul3A_2393 = arith.constant 3 : i32
    %mul3A_2394 = vector.broadcast %mul3A_2393 : i32 to vector<16xi32>
    %mul3A_2395 = arith.muli %get3A_2357, %mul3A_2394 : vector<16xi32>
    %add3A_2396 = arith.constant 0 : i32
    %add3A_2397 = vector.broadcast %add3A_2396 : i32 to vector<16xi32>
    %add3A_2398 = arith.addi %mul3A_2395, %add3A_2397 : vector<16xi32>
    %gather3A_2399 = tpu.vector_load_idx %arg12[%add3A_2398] : memref<24576xf32, #tpu.memory_space<vmem>>[vector<16xi32>], vector<16xf32>,
    %mul3A_2400 = arith.mulf %div3A_2373, %gather3A_2399 : vector<16xf32>
    %add3A_2401 = arith.addf %broadcast_in_dim3A_2392, %mul3A_2400 : vector<16xf32>
    %mul3A_2402 = arith.constant 3 : i32
    %mul3A_2403 = vector.broadcast %mul3A_2402 : i32 to vector<16xi32>
    %mul3A_2404 = arith.muli %get3A_2359, %mul3A_2403 : vector<16xi32>
    %add3A_2405 = arith.constant 0 : i32
    %add3A_2406 = vector.broadcast %add3A_2405 : i32 to vector<16xi32>
    %add3A_2407 = arith.addi %mul3A_2404, %add3A_2406 : vector<16xi32>
    %gather3A_2408 = tpu.vector_load_idx %arg12[%add3A_2407] : memref<24576xf32, #tpu.memory_space<vmem>>[vector<16xi32>], vector<16xf32>,
    %mul3A_2409 = arith.mulf %div3A_2379, %gather3A_2408 : vector<16xf32>
    %add3A_2410 = arith.addf %add3A_2401, %mul3A_2409 : vector<16xf32>
    %mul3A_2411 = arith.constant 3 : i32
    %mul3A_2412 = vector.broadcast %mul3A_2411 : i32 to vector<16xi32>
    %mul3A_2413 = arith.muli %get3A_2361, %mul3A_2412 : vector<16xi32>
    %add3A_2414 = arith.constant 0 : i32
    %add3A_2415 = vector.broadcast %add3A_2414 : i32 to vector<16xi32>
    %add3A_2416 = arith.addi %mul3A_2413, %add3A_2415 : vector<16xi32>
    %gather3A_2417 = tpu.vector_load_idx %arg12[%add3A_2416] : memref<24576xf32, #tpu.memory_space<vmem>>[vector<16xi32>], vector<16xf32>,
    %mul3A_2418 = arith.mulf %div3A_2385, %gather3A_2417 : vector<16xf32>
    %add3A_2419 = arith.addf %add3A_2410, %mul3A_2418 : vector<16xf32>
    %mul3A_2420 = arith.mulf %add3A_2419, %div3A_2390 : vector<16xf32>
    %swap3A_2421 = arith.constant 288 : index
    %swap3A_2422 = tpu.vector_load %arg19[%swap3A_2421] {strides = array<i32>} : memref<512xf32, #tpu.memory_space<vmem>>, vector<16xf32>,
    tpu.vector_store %arg19[%swap3A_2421], %mul3A_2420 {strides = array<i32>} : memref<512xf32, #tpu.memory_space<vmem>>, vector<16xf32>,
    %broadcast_in_dim3A_2423 = arith.constant 0.000000e+00 : f32
    %broadcast_in_dim3A_2424 = vector.broadcast %broadcast_in_dim3A_2423 : f32 to vector<16xf32>
    %mul3A_2425 = arith.constant 3 : i32
    %mul3A_2426 = vector.broadcast %mul3A_2425 : i32 to vector<16xi32>
    %mul3A_2427 = arith.muli %get3A_2357, %mul3A_2426 : vector<16xi32>
    %add3A_2428 = arith.constant 1 : i32
    %add3A_2429 = vector.broadcast %add3A_2428 : i32 to vector<16xi32>
    %add3A_2430 = arith.addi %mul3A_2427, %add3A_2429 : vector<16xi32>
    %gather3A_2431 = tpu.vector_load_idx %arg12[%add3A_2430] : memref<24576xf32, #tpu.memory_space<vmem>>[vector<16xi32>], vector<16xf32>,
    %mul3A_2432 = arith.mulf %div3A_2373, %gather3A_2431 : vector<16xf32>
    %add3A_2433 = arith.addf %broadcast_in_dim3A_2424, %mul3A_2432 : vector<16xf32>
    %mul3A_2434 = arith.constant 3 : i32
    %mul3A_2435 = vector.broadcast %mul3A_2434 : i32 to vector<16xi32>
    %mul3A_2436 = arith.muli %get3A_2359, %mul3A_2435 : vector<16xi32>
    %add3A_2437 = arith.constant 1 : i32
    %add3A_2438 = vector.broadcast %add3A_2437 : i32 to vector<16xi32>
    %add3A_2439 = arith.addi %mul3A_2436, %add3A_2438 : vector<16xi32>
    %gather3A_2440 = tpu.vector_load_idx %arg12[%add3A_2439] : memref<24576xf32, #tpu.memory_space<vmem>>[vector<16xi32>], vector<16xf32>,
    %mul3A_2441 = arith.mulf %div3A_2379, %gather3A_2440 : vector<16xf32>
    %add3A_2442 = arith.addf %add3A_2433, %mul3A_2441 : vector<16xf32>
    %mul3A_2443 = arith.constant 3 : i32
    %mul3A_2444 = vector.broadcast %mul3A_2443 : i32 to vector<16xi32>
    %mul3A_2445 = arith.muli %get3A_2361, %mul3A_2444 : vector<16xi32>
    %add3A_2446 = arith.constant 1 : i32
    %add3A_2447 = vector.broadcast %add3A_2446 : i32 to vector<16xi32>
    %add3A_2448 = arith.addi %mul3A_2445, %add3A_2447 : vector<16xi32>
    %gather3A_2449 = tpu.vector_load_idx %arg12[%add3A_2448] : memref<24576xf32, #tpu.memory_space<vmem>>[vector<16xi32>], vector<16xf32>,
    %mul3A_2450 = arith.mulf %div3A_2385, %gather3A_2449 : vector<16xf32>
    %add3A_2451 = arith.addf %add3A_2442, %mul3A_2450 : vector<16xf32>
    %mul3A_2452 = arith.mulf %add3A_2451, %div3A_2390 : vector<16xf32>
    %swap3A_2453 = arith.constant 288 : index
    %swap3A_2454 = tpu.vector_load %arg20[%swap3A_2453] {strides = array<i32>} : memref<512xf32, #tpu.memory_space<vmem>>, vector<16xf32>,
    tpu.vector_store %arg20[%swap3A_2453], %mul3A_2452 {strides = array<i32>} : memref<512xf32, #tpu.memory_space<vmem>>, vector<16xf32>,
    %broadcast_in_dim3A_2455 = arith.constant 0.000000e+00 : f32
    %broadcast_in_dim3A_2456 = vector.broadcast %broadcast_in_dim3A_2455 : f32 to vector<16xf32>
    %mul3A_2457 = arith.constant 3 : i32
    %mul3A_2458 = vector.broadcast %mul3A_2457 : i32 to vector<16xi32>
    %mul3A_2459 = arith.muli %get3A_2357, %mul3A_2458 : vector<16xi32>
    %add3A_2460 = arith.constant 2 : i32
    %add3A_2461 = vector.broadcast %add3A_2460 : i32 to vector<16xi32>
    %add3A_2462 = arith.addi %mul3A_2459, %add3A_2461 : vector<16xi32>
    %gather3A_2463 = tpu.vector_load_idx %arg12[%add3A_2462] : memref<24576xf32, #tpu.memory_space<vmem>>[vector<16xi32>], vector<16xf32>,
    %mul3A_2464 = arith.mulf %div3A_2373, %gather3A_2463 : vector<16xf32>
    %add3A_2465 = arith.addf %broadcast_in_dim3A_2456, %mul3A_2464 : vector<16xf32>
    %mul3A_2466 = arith.constant 3 : i32
    %mul3A_2467 = vector.broadcast %mul3A_2466 : i32 to vector<16xi32>
    %mul3A_2468 = arith.muli %get3A_2359, %mul3A_2467 : vector<16xi32>
    %add3A_2469 = arith.constant 2 : i32
    %add3A_2470 = vector.broadcast %add3A_2469 : i32 to vector<16xi32>
    %add3A_2471 = arith.addi %mul3A_2468, %add3A_2470 : vector<16xi32>
    %gather3A_2472 = tpu.vector_load_idx %arg12[%add3A_2471] : memref<24576xf32, #tpu.memory_space<vmem>>[vector<16xi32>], vector<16xf32>,
    %mul3A_2473 = arith.mulf %div3A_2379, %gather3A_2472 : vector<16xf32>
    %add3A_2474 = arith.addf %add3A_2465, %mul3A_2473 : vector<16xf32>
    %mul3A_2475 = arith.constant 3 : i32
    %mul3A_2476 = vector.broadcast %mul3A_2475 : i32 to vector<16xi32>
    %mul3A_2477 = arith.muli %get3A_2361, %mul3A_2476 : vector<16xi32>
    %add3A_2478 = arith.constant 2 : i32
    %add3A_2479 = vector.broadcast %add3A_2478 : i32 to vector<16xi32>
    %add3A_2480 = arith.addi %mul3A_2477, %add3A_2479 : vector<16xi32>
    %gather3A_2481 = tpu.vector_load_idx %arg12[%add3A_2480] : memref<24576xf32, #tpu.memory_space<vmem>>[vector<16xi32>], vector<16xf32>,
    %mul3A_2482 = arith.mulf %div3A_2385, %gather3A_2481 : vector<16xf32>
    %add3A_2483 = arith.addf %add3A_2474, %mul3A_2482 : vector<16xf32>
    %mul3A_2484 = arith.mulf %add3A_2483, %div3A_2390 : vector<16xf32>
    %swap3A_2485 = arith.constant 288 : index
    %swap3A_2486 = tpu.vector_load %arg21[%swap3A_2485] {strides = array<i32>} : memref<512xf32, #tpu.memory_space<vmem>>, vector<16xf32>,
    tpu.vector_store %arg21[%swap3A_2485], %mul3A_2484 {strides = array<i32>} : memref<512xf32, #tpu.memory_space<vmem>>, vector<16xf32>,
    %get3A_2487 = arith.constant 304 : index
    %get3A_2488 = tpu.vector_load %arg13[%get3A_2487] {strides = array<i32>} : memref<512xi32, #tpu.memory_space<vmem>>, vector<16xi32>,
    %get3A_2489 = arith.constant 304 : index
    %get3A_2490 = tpu.vector_load %arg14[%get3A_2489] {strides = array<i32>} : memref<512xi32, #tpu.memory_space<vmem>>, vector<16xi32>,
    %get3A_2491 = arith.constant 304 : index
    %get3A_2492 = tpu.vector_load %arg15[%get3A_2491] {strides = array<i32>} : memref<512xi32, #tpu.memory_space<vmem>>, vector<16xi32>,
    %get3A_2493 = arith.constant 304 : index
    %get3A_2494 = tpu.vector_load %arg16[%get3A_2493] {strides = array<i32>} : memref<512xf32, #tpu.memory_space<vmem>>, vector<16xf32>,
    %get3A_2495 = arith.constant 304 : index
    %get3A_2496 = tpu.vector_load %arg17[%get3A_2495] {strides = array<i32>} : memref<512xf32, #tpu.memory_space<vmem>>, vector<16xf32>,
    %get3A_2497 = arith.constant 304 : index
    %get3A_2498 = tpu.vector_load %arg18[%get3A_2497] {strides = array<i32>} : memref<512xf32, #tpu.memory_space<vmem>>, vector<16xf32>,
    %add3A_2499 = arith.constant 9.99999993E-9 : f32
    %add3A_2500 = vector.broadcast %add3A_2499 : f32 to vector<16xf32>
    %add3A_2501 = arith.addf %get3A_2494, %add3A_2500 : vector<16xf32>
    %div3A_2502 = arith.constant 1.000000e+00 : f32
    %div3A_2503 = vector.broadcast %div3A_2502 : f32 to vector<16xf32>
    %div3A_2504 = arith.divf %div3A_2503, %add3A_2501 : vector<16xf32>
    %add3A_2505 = arith.constant 9.99999993E-9 : f32
    %add3A_2506 = vector.broadcast %add3A_2505 : f32 to vector<16xf32>
    %add3A_2507 = arith.addf %get3A_2496, %add3A_2506 : vector<16xf32>
    %div3A_2508 = arith.constant 1.000000e+00 : f32
    %div3A_2509 = vector.broadcast %div3A_2508 : f32 to vector<16xf32>
    %div3A_2510 = arith.divf %div3A_2509, %add3A_2507 : vector<16xf32>
    %add3A_2511 = arith.constant 9.99999993E-9 : f32
    %add3A_2512 = vector.broadcast %add3A_2511 : f32 to vector<16xf32>
    %add3A_2513 = arith.addf %get3A_2498, %add3A_2512 : vector<16xf32>
    %div3A_2514 = arith.constant 1.000000e+00 : f32
    %div3A_2515 = vector.broadcast %div3A_2514 : f32 to vector<16xf32>
    %div3A_2516 = arith.divf %div3A_2515, %add3A_2513 : vector<16xf32>
    %add3A_2517 = arith.addf %div3A_2504, %div3A_2510 : vector<16xf32>
    %add3A_2518 = arith.addf %add3A_2517, %div3A_2516 : vector<16xf32>
    %div3A_2519 = arith.constant 1.000000e+00 : f32
    %div3A_2520 = vector.broadcast %div3A_2519 : f32 to vector<16xf32>
    %div3A_2521 = arith.divf %div3A_2520, %add3A_2518 : vector<16xf32>
    %broadcast_in_dim3A_2522 = arith.constant 0.000000e+00 : f32
    %broadcast_in_dim3A_2523 = vector.broadcast %broadcast_in_dim3A_2522 : f32 to vector<16xf32>
    %mul3A_2524 = arith.constant 3 : i32
    %mul3A_2525 = vector.broadcast %mul3A_2524 : i32 to vector<16xi32>
    %mul3A_2526 = arith.muli %get3A_2488, %mul3A_2525 : vector<16xi32>
    %add3A_2527 = arith.constant 0 : i32
    %add3A_2528 = vector.broadcast %add3A_2527 : i32 to vector<16xi32>
    %add3A_2529 = arith.addi %mul3A_2526, %add3A_2528 : vector<16xi32>
    %gather3A_2530 = tpu.vector_load_idx %arg12[%add3A_2529] : memref<24576xf32, #tpu.memory_space<vmem>>[vector<16xi32>], vector<16xf32>,
    %mul3A_2531 = arith.mulf %div3A_2504, %gather3A_2530 : vector<16xf32>
    %add3A_2532 = arith.addf %broadcast_in_dim3A_2523, %mul3A_2531 : vector<16xf32>
    %mul3A_2533 = arith.constant 3 : i32
    %mul3A_2534 = vector.broadcast %mul3A_2533 : i32 to vector<16xi32>
    %mul3A_2535 = arith.muli %get3A_2490, %mul3A_2534 : vector<16xi32>
    %add3A_2536 = arith.constant 0 : i32
    %add3A_2537 = vector.broadcast %add3A_2536 : i32 to vector<16xi32>
    %add3A_2538 = arith.addi %mul3A_2535, %add3A_2537 : vector<16xi32>
    %gather3A_2539 = tpu.vector_load_idx %arg12[%add3A_2538] : memref<24576xf32, #tpu.memory_space<vmem>>[vector<16xi32>], vector<16xf32>,
    %mul3A_2540 = arith.mulf %div3A_2510, %gather3A_2539 : vector<16xf32>
    %add3A_2541 = arith.addf %add3A_2532, %mul3A_2540 : vector<16xf32>
    %mul3A_2542 = arith.constant 3 : i32
    %mul3A_2543 = vector.broadcast %mul3A_2542 : i32 to vector<16xi32>
    %mul3A_2544 = arith.muli %get3A_2492, %mul3A_2543 : vector<16xi32>
    %add3A_2545 = arith.constant 0 : i32
    %add3A_2546 = vector.broadcast %add3A_2545 : i32 to vector<16xi32>
    %add3A_2547 = arith.addi %mul3A_2544, %add3A_2546 : vector<16xi32>
    %gather3A_2548 = tpu.vector_load_idx %arg12[%add3A_2547] : memref<24576xf32, #tpu.memory_space<vmem>>[vector<16xi32>], vector<16xf32>,
    %mul3A_2549 = arith.mulf %div3A_2516, %gather3A_2548 : vector<16xf32>
    %add3A_2550 = arith.addf %add3A_2541, %mul3A_2549 : vector<16xf32>
    %mul3A_2551 = arith.mulf %add3A_2550, %div3A_2521 : vector<16xf32>
    %swap3A_2552 = arith.constant 304 : index
    %swap3A_2553 = tpu.vector_load %arg19[%swap3A_2552] {strides = array<i32>} : memref<512xf32, #tpu.memory_space<vmem>>, vector<16xf32>,
    tpu.vector_store %arg19[%swap3A_2552], %mul3A_2551 {strides = array<i32>} : memref<512xf32, #tpu.memory_space<vmem>>, vector<16xf32>,
    %broadcast_in_dim3A_2554 = arith.constant 0.000000e+00 : f32
    %broadcast_in_dim3A_2555 = vector.broadcast %broadcast_in_dim3A_2554 : f32 to vector<16xf32>
    %mul3A_2556 = arith.constant 3 : i32
    %mul3A_2557 = vector.broadcast %mul3A_2556 : i32 to vector<16xi32>
    %mul3A_2558 = arith.muli %get3A_2488, %mul3A_2557 : vector<16xi32>
    %add3A_2559 = arith.constant 1 : i32
    %add3A_2560 = vector.broadcast %add3A_2559 : i32 to vector<16xi32>
    %add3A_2561 = arith.addi %mul3A_2558, %add3A_2560 : vector<16xi32>
    %gather3A_2562 = tpu.vector_load_idx %arg12[%add3A_2561] : memref<24576xf32, #tpu.memory_space<vmem>>[vector<16xi32>], vector<16xf32>,
    %mul3A_2563 = arith.mulf %div3A_2504, %gather3A_2562 : vector<16xf32>
    %add3A_2564 = arith.addf %broadcast_in_dim3A_2555, %mul3A_2563 : vector<16xf32>
    %mul3A_2565 = arith.constant 3 : i32
    %mul3A_2566 = vector.broadcast %mul3A_2565 : i32 to vector<16xi32>
    %mul3A_2567 = arith.muli %get3A_2490, %mul3A_2566 : vector<16xi32>
    %add3A_2568 = arith.constant 1 : i32
    %add3A_2569 = vector.broadcast %add3A_2568 : i32 to vector<16xi32>
    %add3A_2570 = arith.addi %mul3A_2567, %add3A_2569 : vector<16xi32>
    %gather3A_2571 = tpu.vector_load_idx %arg12[%add3A_2570] : memref<24576xf32, #tpu.memory_space<vmem>>[vector<16xi32>], vector<16xf32>,
    %mul3A_2572 = arith.mulf %div3A_2510, %gather3A_2571 : vector<16xf32>
    %add3A_2573 = arith.addf %add3A_2564, %mul3A_2572 : vector<16xf32>
    %mul3A_2574 = arith.constant 3 : i32
    %mul3A_2575 = vector.broadcast %mul3A_2574 : i32 to vector<16xi32>
    %mul3A_2576 = arith.muli %get3A_2492, %mul3A_2575 : vector<16xi32>
    %add3A_2577 = arith.constant 1 : i32
    %add3A_2578 = vector.broadcast %add3A_2577 : i32 to vector<16xi32>
    %add3A_2579 = arith.addi %mul3A_2576, %add3A_2578 : vector<16xi32>
    %gather3A_2580 = tpu.vector_load_idx %arg12[%add3A_2579] : memref<24576xf32, #tpu.memory_space<vmem>>[vector<16xi32>], vector<16xf32>,
    %mul3A_2581 = arith.mulf %div3A_2516, %gather3A_2580 : vector<16xf32>
    %add3A_2582 = arith.addf %add3A_2573, %mul3A_2581 : vector<16xf32>
    %mul3A_2583 = arith.mulf %add3A_2582, %div3A_2521 : vector<16xf32>
    %swap3A_2584 = arith.constant 304 : index
    %swap3A_2585 = tpu.vector_load %arg20[%swap3A_2584] {strides = array<i32>} : memref<512xf32, #tpu.memory_space<vmem>>, vector<16xf32>,
    tpu.vector_store %arg20[%swap3A_2584], %mul3A_2583 {strides = array<i32>} : memref<512xf32, #tpu.memory_space<vmem>>, vector<16xf32>,
    %broadcast_in_dim3A_2586 = arith.constant 0.000000e+00 : f32
    %broadcast_in_dim3A_2587 = vector.broadcast %broadcast_in_dim3A_2586 : f32 to vector<16xf32>
    %mul3A_2588 = arith.constant 3 : i32
    %mul3A_2589 = vector.broadcast %mul3A_2588 : i32 to vector<16xi32>
    %mul3A_2590 = arith.muli %get3A_2488, %mul3A_2589 : vector<16xi32>
    %add3A_2591 = arith.constant 2 : i32
    %add3A_2592 = vector.broadcast %add3A_2591 : i32 to vector<16xi32>
    %add3A_2593 = arith.addi %mul3A_2590, %add3A_2592 : vector<16xi32>
    %gather3A_2594 = tpu.vector_load_idx %arg12[%add3A_2593] : memref<24576xf32, #tpu.memory_space<vmem>>[vector<16xi32>], vector<16xf32>,
    %mul3A_2595 = arith.mulf %div3A_2504, %gather3A_2594 : vector<16xf32>
    %add3A_2596 = arith.addf %broadcast_in_dim3A_2587, %mul3A_2595 : vector<16xf32>
    %mul3A_2597 = arith.constant 3 : i32
    %mul3A_2598 = vector.broadcast %mul3A_2597 : i32 to vector<16xi32>
    %mul3A_2599 = arith.muli %get3A_2490, %mul3A_2598 : vector<16xi32>
    %add3A_2600 = arith.constant 2 : i32
    %add3A_2601 = vector.broadcast %add3A_2600 : i32 to vector<16xi32>
    %add3A_2602 = arith.addi %mul3A_2599, %add3A_2601 : vector<16xi32>
    %gather3A_2603 = tpu.vector_load_idx %arg12[%add3A_2602] : memref<24576xf32, #tpu.memory_space<vmem>>[vector<16xi32>], vector<16xf32>,
    %mul3A_2604 = arith.mulf %div3A_2510, %gather3A_2603 : vector<16xf32>
    %add3A_2605 = arith.addf %add3A_2596, %mul3A_2604 : vector<16xf32>
    %mul3A_2606 = arith.constant 3 : i32
    %mul3A_2607 = vector.broadcast %mul3A_2606 : i32 to vector<16xi32>
    %mul3A_2608 = arith.muli %get3A_2492, %mul3A_2607 : vector<16xi32>
    %add3A_2609 = arith.constant 2 : i32
    %add3A_2610 = vector.broadcast %add3A_2609 : i32 to vector<16xi32>
    %add3A_2611 = arith.addi %mul3A_2608, %add3A_2610 : vector<16xi32>
    %gather3A_2612 = tpu.vector_load_idx %arg12[%add3A_2611] : memref<24576xf32, #tpu.memory_space<vmem>>[vector<16xi32>], vector<16xf32>,
    %mul3A_2613 = arith.mulf %div3A_2516, %gather3A_2612 : vector<16xf32>
    %add3A_2614 = arith.addf %add3A_2605, %mul3A_2613 : vector<16xf32>
    %mul3A_2615 = arith.mulf %add3A_2614, %div3A_2521 : vector<16xf32>
    %swap3A_2616 = arith.constant 304 : index
    %swap3A_2617 = tpu.vector_load %arg21[%swap3A_2616] {strides = array<i32>} : memref<512xf32, #tpu.memory_space<vmem>>, vector<16xf32>,
    tpu.vector_store %arg21[%swap3A_2616], %mul3A_2615 {strides = array<i32>} : memref<512xf32, #tpu.memory_space<vmem>>, vector<16xf32>,
    %get3A_2618 = arith.constant 320 : index
    %get3A_2619 = tpu.vector_load %arg13[%get3A_2618] {strides = array<i32>} : memref<512xi32, #tpu.memory_space<vmem>>, vector<16xi32>,
    %get3A_2620 = arith.constant 320 : index
    %get3A_2621 = tpu.vector_load %arg14[%get3A_2620] {strides = array<i32>} : memref<512xi32, #tpu.memory_space<vmem>>, vector<16xi32>,
    %get3A_2622 = arith.constant 320 : index
    %get3A_2623 = tpu.vector_load %arg15[%get3A_2622] {strides = array<i32>} : memref<512xi32, #tpu.memory_space<vmem>>, vector<16xi32>,
    %get3A_2624 = arith.constant 320 : index
    %get3A_2625 = tpu.vector_load %arg16[%get3A_2624] {strides = array<i32>} : memref<512xf32, #tpu.memory_space<vmem>>, vector<16xf32>,
    %get3A_2626 = arith.constant 320 : index
    %get3A_2627 = tpu.vector_load %arg17[%get3A_2626] {strides = array<i32>} : memref<512xf32, #tpu.memory_space<vmem>>, vector<16xf32>,
    %get3A_2628 = arith.constant 320 : index
    %get3A_2629 = tpu.vector_load %arg18[%get3A_2628] {strides = array<i32>} : memref<512xf32, #tpu.memory_space<vmem>>, vector<16xf32>,
    %add3A_2630 = arith.constant 9.99999993E-9 : f32
    %add3A_2631 = vector.broadcast %add3A_2630 : f32 to vector<16xf32>
    %add3A_2632 = arith.addf %get3A_2625, %add3A_2631 : vector<16xf32>
    %div3A_2633 = arith.constant 1.000000e+00 : f32
    %div3A_2634 = vector.broadcast %div3A_2633 : f32 to vector<16xf32>
    %div3A_2635 = arith.divf %div3A_2634, %add3A_2632 : vector<16xf32>
    %add3A_2636 = arith.constant 9.99999993E-9 : f32
    %add3A_2637 = vector.broadcast %add3A_2636 : f32 to vector<16xf32>
    %add3A_2638 = arith.addf %get3A_2627, %add3A_2637 : vector<16xf32>
    %div3A_2639 = arith.constant 1.000000e+00 : f32
    %div3A_2640 = vector.broadcast %div3A_2639 : f32 to vector<16xf32>
    %div3A_2641 = arith.divf %div3A_2640, %add3A_2638 : vector<16xf32>
    %add3A_2642 = arith.constant 9.99999993E-9 : f32
    %add3A_2643 = vector.broadcast %add3A_2642 : f32 to vector<16xf32>
    %add3A_2644 = arith.addf %get3A_2629, %add3A_2643 : vector<16xf32>
    %div3A_2645 = arith.constant 1.000000e+00 : f32
    %div3A_2646 = vector.broadcast %div3A_2645 : f32 to vector<16xf32>
    %div3A_2647 = arith.divf %div3A_2646, %add3A_2644 : vector<16xf32>
    %add3A_2648 = arith.addf %div3A_2635, %div3A_2641 : vector<16xf32>
    %add3A_2649 = arith.addf %add3A_2648, %div3A_2647 : vector<16xf32>
    %div3A_2650 = arith.constant 1.000000e+00 : f32
    %div3A_2651 = vector.broadcast %div3A_2650 : f32 to vector<16xf32>
    %div3A_2652 = arith.divf %div3A_2651, %add3A_2649 : vector<16xf32>
    %broadcast_in_dim3A_2653 = arith.constant 0.000000e+00 : f32
    %broadcast_in_dim3A_2654 = vector.broadcast %broadcast_in_dim3A_2653 : f32 to vector<16xf32>
    %mul3A_2655 = arith.constant 3 : i32
    %mul3A_2656 = vector.broadcast %mul3A_2655 : i32 to vector<16xi32>
    %mul3A_2657 = arith.muli %get3A_2619, %mul3A_2656 : vector<16xi32>
    %add3A_2658 = arith.constant 0 : i32
    %add3A_2659 = vector.broadcast %add3A_2658 : i32 to vector<16xi32>
    %add3A_2660 = arith.addi %mul3A_2657, %add3A_2659 : vector<16xi32>
    %gather3A_2661 = tpu.vector_load_idx %arg12[%add3A_2660] : memref<24576xf32, #tpu.memory_space<vmem>>[vector<16xi32>], vector<16xf32>,
    %mul3A_2662 = arith.mulf %div3A_2635, %gather3A_2661 : vector<16xf32>
    %add3A_2663 = arith.addf %broadcast_in_dim3A_2654, %mul3A_2662 : vector<16xf32>
    %mul3A_2664 = arith.constant 3 : i32
    %mul3A_2665 = vector.broadcast %mul3A_2664 : i32 to vector<16xi32>
    %mul3A_2666 = arith.muli %get3A_2621, %mul3A_2665 : vector<16xi32>
    %add3A_2667 = arith.constant 0 : i32
    %add3A_2668 = vector.broadcast %add3A_2667 : i32 to vector<16xi32>
    %add3A_2669 = arith.addi %mul3A_2666, %add3A_2668 : vector<16xi32>
    %gather3A_2670 = tpu.vector_load_idx %arg12[%add3A_2669] : memref<24576xf32, #tpu.memory_space<vmem>>[vector<16xi32>], vector<16xf32>,
    %mul3A_2671 = arith.mulf %div3A_2641, %gather3A_2670 : vector<16xf32>
    %add3A_2672 = arith.addf %add3A_2663, %mul3A_2671 : vector<16xf32>
    %mul3A_2673 = arith.constant 3 : i32
    %mul3A_2674 = vector.broadcast %mul3A_2673 : i32 to vector<16xi32>
    %mul3A_2675 = arith.muli %get3A_2623, %mul3A_2674 : vector<16xi32>
    %add3A_2676 = arith.constant 0 : i32
    %add3A_2677 = vector.broadcast %add3A_2676 : i32 to vector<16xi32>
    %add3A_2678 = arith.addi %mul3A_2675, %add3A_2677 : vector<16xi32>
    %gather3A_2679 = tpu.vector_load_idx %arg12[%add3A_2678] : memref<24576xf32, #tpu.memory_space<vmem>>[vector<16xi32>], vector<16xf32>,
    %mul3A_2680 = arith.mulf %div3A_2647, %gather3A_2679 : vector<16xf32>
    %add3A_2681 = arith.addf %add3A_2672, %mul3A_2680 : vector<16xf32>
    %mul3A_2682 = arith.mulf %add3A_2681, %div3A_2652 : vector<16xf32>
    %swap3A_2683 = arith.constant 320 : index
    %swap3A_2684 = tpu.vector_load %arg19[%swap3A_2683] {strides = array<i32>} : memref<512xf32, #tpu.memory_space<vmem>>, vector<16xf32>,
    tpu.vector_store %arg19[%swap3A_2683], %mul3A_2682 {strides = array<i32>} : memref<512xf32, #tpu.memory_space<vmem>>, vector<16xf32>,
    %broadcast_in_dim3A_2685 = arith.constant 0.000000e+00 : f32
    %broadcast_in_dim3A_2686 = vector.broadcast %broadcast_in_dim3A_2685 : f32 to vector<16xf32>
    %mul3A_2687 = arith.constant 3 : i32
    %mul3A_2688 = vector.broadcast %mul3A_2687 : i32 to vector<16xi32>
    %mul3A_2689 = arith.muli %get3A_2619, %mul3A_2688 : vector<16xi32>
    %add3A_2690 = arith.constant 1 : i32
    %add3A_2691 = vector.broadcast %add3A_2690 : i32 to vector<16xi32>
    %add3A_2692 = arith.addi %mul3A_2689, %add3A_2691 : vector<16xi32>
    %gather3A_2693 = tpu.vector_load_idx %arg12[%add3A_2692] : memref<24576xf32, #tpu.memory_space<vmem>>[vector<16xi32>], vector<16xf32>,
    %mul3A_2694 = arith.mulf %div3A_2635, %gather3A_2693 : vector<16xf32>
    %add3A_2695 = arith.addf %broadcast_in_dim3A_2686, %mul3A_2694 : vector<16xf32>
    %mul3A_2696 = arith.constant 3 : i32
    %mul3A_2697 = vector.broadcast %mul3A_2696 : i32 to vector<16xi32>
    %mul3A_2698 = arith.muli %get3A_2621, %mul3A_2697 : vector<16xi32>
    %add3A_2699 = arith.constant 1 : i32
    %add3A_2700 = vector.broadcast %add3A_2699 : i32 to vector<16xi32>
    %add3A_2701 = arith.addi %mul3A_2698, %add3A_2700 : vector<16xi32>
    %gather3A_2702 = tpu.vector_load_idx %arg12[%add3A_2701] : memref<24576xf32, #tpu.memory_space<vmem>>[vector<16xi32>], vector<16xf32>,
    %mul3A_2703 = arith.mulf %div3A_2641, %gather3A_2702 : vector<16xf32>
    %add3A_2704 = arith.addf %add3A_2695, %mul3A_2703 : vector<16xf32>
    %mul3A_2705 = arith.constant 3 : i32
    %mul3A_2706 = vector.broadcast %mul3A_2705 : i32 to vector<16xi32>
    %mul3A_2707 = arith.muli %get3A_2623, %mul3A_2706 : vector<16xi32>
    %add3A_2708 = arith.constant 1 : i32
    %add3A_2709 = vector.broadcast %add3A_2708 : i32 to vector<16xi32>
    %add3A_2710 = arith.addi %mul3A_2707, %add3A_2709 : vector<16xi32>
    %gather3A_2711 = tpu.vector_load_idx %arg12[%add3A_2710] : memref<24576xf32, #tpu.memory_space<vmem>>[vector<16xi32>], vector<16xf32>,
    %mul3A_2712 = arith.mulf %div3A_2647, %gather3A_2711 : vector<16xf32>
    %add3A_2713 = arith.addf %add3A_2704, %mul3A_2712 : vector<16xf32>
    %mul3A_2714 = arith.mulf %add3A_2713, %div3A_2652 : vector<16xf32>
    %swap3A_2715 = arith.constant 320 : index
    %swap3A_2716 = tpu.vector_load %arg20[%swap3A_2715] {strides = array<i32>} : memref<512xf32, #tpu.memory_space<vmem>>, vector<16xf32>,
    tpu.vector_store %arg20[%swap3A_2715], %mul3A_2714 {strides = array<i32>} : memref<512xf32, #tpu.memory_space<vmem>>, vector<16xf32>,
    %broadcast_in_dim3A_2717 = arith.constant 0.000000e+00 : f32
    %broadcast_in_dim3A_2718 = vector.broadcast %broadcast_in_dim3A_2717 : f32 to vector<16xf32>
    %mul3A_2719 = arith.constant 3 : i32
    %mul3A_2720 = vector.broadcast %mul3A_2719 : i32 to vector<16xi32>
    %mul3A_2721 = arith.muli %get3A_2619, %mul3A_2720 : vector<16xi32>
    %add3A_2722 = arith.constant 2 : i32
    %add3A_2723 = vector.broadcast %add3A_2722 : i32 to vector<16xi32>
    %add3A_2724 = arith.addi %mul3A_2721, %add3A_2723 : vector<16xi32>
    %gather3A_2725 = tpu.vector_load_idx %arg12[%add3A_2724] : memref<24576xf32, #tpu.memory_space<vmem>>[vector<16xi32>], vector<16xf32>,
    %mul3A_2726 = arith.mulf %div3A_2635, %gather3A_2725 : vector<16xf32>
    %add3A_2727 = arith.addf %broadcast_in_dim3A_2718, %mul3A_2726 : vector<16xf32>
    %mul3A_2728 = arith.constant 3 : i32
    %mul3A_2729 = vector.broadcast %mul3A_2728 : i32 to vector<16xi32>
    %mul3A_2730 = arith.muli %get3A_2621, %mul3A_2729 : vector<16xi32>
    %add3A_2731 = arith.constant 2 : i32
    %add3A_2732 = vector.broadcast %add3A_2731 : i32 to vector<16xi32>
    %add3A_2733 = arith.addi %mul3A_2730, %add3A_2732 : vector<16xi32>
    %gather3A_2734 = tpu.vector_load_idx %arg12[%add3A_2733] : memref<24576xf32, #tpu.memory_space<vmem>>[vector<16xi32>], vector<16xf32>,
    %mul3A_2735 = arith.mulf %div3A_2641, %gather3A_2734 : vector<16xf32>
    %add3A_2736 = arith.addf %add3A_2727, %mul3A_2735 : vector<16xf32>
    %mul3A_2737 = arith.constant 3 : i32
    %mul3A_2738 = vector.broadcast %mul3A_2737 : i32 to vector<16xi32>
    %mul3A_2739 = arith.muli %get3A_2623, %mul3A_2738 : vector<16xi32>
    %add3A_2740 = arith.constant 2 : i32
    %add3A_2741 = vector.broadcast %add3A_2740 : i32 to vector<16xi32>
    %add3A_2742 = arith.addi %mul3A_2739, %add3A_2741 : vector<16xi32>
    %gather3A_2743 = tpu.vector_load_idx %arg12[%add3A_2742] : memref<24576xf32, #tpu.memory_space<vmem>>[vector<16xi32>], vector<16xf32>,
    %mul3A_2744 = arith.mulf %div3A_2647, %gather3A_2743 : vector<16xf32>
    %add3A_2745 = arith.addf %add3A_2736, %mul3A_2744 : vector<16xf32>
    %mul3A_2746 = arith.mulf %add3A_2745, %div3A_2652 : vector<16xf32>
    %swap3A_2747 = arith.constant 320 : index
    %swap3A_2748 = tpu.vector_load %arg21[%swap3A_2747] {strides = array<i32>} : memref<512xf32, #tpu.memory_space<vmem>>, vector<16xf32>,
    tpu.vector_store %arg21[%swap3A_2747], %mul3A_2746 {strides = array<i32>} : memref<512xf32, #tpu.memory_space<vmem>>, vector<16xf32>,
    %get3A_2749 = arith.constant 336 : index
    %get3A_2750 = tpu.vector_load %arg13[%get3A_2749] {strides = array<i32>} : memref<512xi32, #tpu.memory_space<vmem>>, vector<16xi32>,
    %get3A_2751 = arith.constant 336 : index
    %get3A_2752 = tpu.vector_load %arg14[%get3A_2751] {strides = array<i32>} : memref<512xi32, #tpu.memory_space<vmem>>, vector<16xi32>,
    %get3A_2753 = arith.constant 336 : index
    %get3A_2754 = tpu.vector_load %arg15[%get3A_2753] {strides = array<i32>} : memref<512xi32, #tpu.memory_space<vmem>>, vector<16xi32>,
    %get3A_2755 = arith.constant 336 : index
    %get3A_2756 = tpu.vector_load %arg16[%get3A_2755] {strides = array<i32>} : memref<512xf32, #tpu.memory_space<vmem>>, vector<16xf32>,
    %get3A_2757 = arith.constant 336 : index
    %get3A_2758 = tpu.vector_load %arg17[%get3A_2757] {strides = array<i32>} : memref<512xf32, #tpu.memory_space<vmem>>, vector<16xf32>,
    %get3A_2759 = arith.constant 336 : index
    %get3A_2760 = tpu.vector_load %arg18[%get3A_2759] {strides = array<i32>} : memref<512xf32, #tpu.memory_space<vmem>>, vector<16xf32>,
    %add3A_2761 = arith.constant 9.99999993E-9 : f32
    %add3A_2762 = vector.broadcast %add3A_2761 : f32 to vector<16xf32>
    %add3A_2763 = arith.addf %get3A_2756, %add3A_2762 : vector<16xf32>
    %div3A_2764 = arith.constant 1.000000e+00 : f32
    %div3A_2765 = vector.broadcast %div3A_2764 : f32 to vector<16xf32>
    %div3A_2766 = arith.divf %div3A_2765, %add3A_2763 : vector<16xf32>
    %add3A_2767 = arith.constant 9.99999993E-9 : f32
    %add3A_2768 = vector.broadcast %add3A_2767 : f32 to vector<16xf32>
    %add3A_2769 = arith.addf %get3A_2758, %add3A_2768 : vector<16xf32>
    %div3A_2770 = arith.constant 1.000000e+00 : f32
    %div3A_2771 = vector.broadcast %div3A_2770 : f32 to vector<16xf32>
    %div3A_2772 = arith.divf %div3A_2771, %add3A_2769 : vector<16xf32>
    %add3A_2773 = arith.constant 9.99999993E-9 : f32
    %add3A_2774 = vector.broadcast %add3A_2773 : f32 to vector<16xf32>
    %add3A_2775 = arith.addf %get3A_2760, %add3A_2774 : vector<16xf32>
    %div3A_2776 = arith.constant 1.000000e+00 : f32
    %div3A_2777 = vector.broadcast %div3A_2776 : f32 to vector<16xf32>
    %div3A_2778 = arith.divf %div3A_2777, %add3A_2775 : vector<16xf32>
    %add3A_2779 = arith.addf %div3A_2766, %div3A_2772 : vector<16xf32>
    %add3A_2780 = arith.addf %add3A_2779, %div3A_2778 : vector<16xf32>
    %div3A_2781 = arith.constant 1.000000e+00 : f32
    %div3A_2782 = vector.broadcast %div3A_2781 : f32 to vector<16xf32>
    %div3A_2783 = arith.divf %div3A_2782, %add3A_2780 : vector<16xf32>
    %broadcast_in_dim3A_2784 = arith.constant 0.000000e+00 : f32
    %broadcast_in_dim3A_2785 = vector.broadcast %broadcast_in_dim3A_2784 : f32 to vector<16xf32>
    %mul3A_2786 = arith.constant 3 : i32
    %mul3A_2787 = vector.broadcast %mul3A_2786 : i32 to vector<16xi32>
    %mul3A_2788 = arith.muli %get3A_2750, %mul3A_2787 : vector<16xi32>
    %add3A_2789 = arith.constant 0 : i32
    %add3A_2790 = vector.broadcast %add3A_2789 : i32 to vector<16xi32>
    %add3A_2791 = arith.addi %mul3A_2788, %add3A_2790 : vector<16xi32>
    %gather3A_2792 = tpu.vector_load_idx %arg12[%add3A_2791] : memref<24576xf32, #tpu.memory_space<vmem>>[vector<16xi32>], vector<16xf32>,
    %mul3A_2793 = arith.mulf %div3A_2766, %gather3A_2792 : vector<16xf32>
    %add3A_2794 = arith.addf %broadcast_in_dim3A_2785, %mul3A_2793 : vector<16xf32>
    %mul3A_2795 = arith.constant 3 : i32
    %mul3A_2796 = vector.broadcast %mul3A_2795 : i32 to vector<16xi32>
    %mul3A_2797 = arith.muli %get3A_2752, %mul3A_2796 : vector<16xi32>
    %add3A_2798 = arith.constant 0 : i32
    %add3A_2799 = vector.broadcast %add3A_2798 : i32 to vector<16xi32>
    %add3A_2800 = arith.addi %mul3A_2797, %add3A_2799 : vector<16xi32>
    %gather3A_2801 = tpu.vector_load_idx %arg12[%add3A_2800] : memref<24576xf32, #tpu.memory_space<vmem>>[vector<16xi32>], vector<16xf32>,
    %mul3A_2802 = arith.mulf %div3A_2772, %gather3A_2801 : vector<16xf32>
    %add3A_2803 = arith.addf %add3A_2794, %mul3A_2802 : vector<16xf32>
    %mul3A_2804 = arith.constant 3 : i32
    %mul3A_2805 = vector.broadcast %mul3A_2804 : i32 to vector<16xi32>
    %mul3A_2806 = arith.muli %get3A_2754, %mul3A_2805 : vector<16xi32>
    %add3A_2807 = arith.constant 0 : i32
    %add3A_2808 = vector.broadcast %add3A_2807 : i32 to vector<16xi32>
    %add3A_2809 = arith.addi %mul3A_2806, %add3A_2808 : vector<16xi32>
    %gather3A_2810 = tpu.vector_load_idx %arg12[%add3A_2809] : memref<24576xf32, #tpu.memory_space<vmem>>[vector<16xi32>], vector<16xf32>,
    %mul3A_2811 = arith.mulf %div3A_2778, %gather3A_2810 : vector<16xf32>
    %add3A_2812 = arith.addf %add3A_2803, %mul3A_2811 : vector<16xf32>
    %mul3A_2813 = arith.mulf %add3A_2812, %div3A_2783 : vector<16xf32>
    %swap3A_2814 = arith.constant 336 : index
    %swap3A_2815 = tpu.vector_load %arg19[%swap3A_2814] {strides = array<i32>} : memref<512xf32, #tpu.memory_space<vmem>>, vector<16xf32>,
    tpu.vector_store %arg19[%swap3A_2814], %mul3A_2813 {strides = array<i32>} : memref<512xf32, #tpu.memory_space<vmem>>, vector<16xf32>,
    %broadcast_in_dim3A_2816 = arith.constant 0.000000e+00 : f32
    %broadcast_in_dim3A_2817 = vector.broadcast %broadcast_in_dim3A_2816 : f32 to vector<16xf32>
    %mul3A_2818 = arith.constant 3 : i32
    %mul3A_2819 = vector.broadcast %mul3A_2818 : i32 to vector<16xi32>
    %mul3A_2820 = arith.muli %get3A_2750, %mul3A_2819 : vector<16xi32>
    %add3A_2821 = arith.constant 1 : i32
    %add3A_2822 = vector.broadcast %add3A_2821 : i32 to vector<16xi32>
    %add3A_2823 = arith.addi %mul3A_2820, %add3A_2822 : vector<16xi32>
    %gather3A_2824 = tpu.vector_load_idx %arg12[%add3A_2823] : memref<24576xf32, #tpu.memory_space<vmem>>[vector<16xi32>], vector<16xf32>,
    %mul3A_2825 = arith.mulf %div3A_2766, %gather3A_2824 : vector<16xf32>
    %add3A_2826 = arith.addf %broadcast_in_dim3A_2817, %mul3A_2825 : vector<16xf32>
    %mul3A_2827 = arith.constant 3 : i32
    %mul3A_2828 = vector.broadcast %mul3A_2827 : i32 to vector<16xi32>
    %mul3A_2829 = arith.muli %get3A_2752, %mul3A_2828 : vector<16xi32>
    %add3A_2830 = arith.constant 1 : i32
    %add3A_2831 = vector.broadcast %add3A_2830 : i32 to vector<16xi32>
    %add3A_2832 = arith.addi %mul3A_2829, %add3A_2831 : vector<16xi32>
    %gather3A_2833 = tpu.vector_load_idx %arg12[%add3A_2832] : memref<24576xf32, #tpu.memory_space<vmem>>[vector<16xi32>], vector<16xf32>,
    %mul3A_2834 = arith.mulf %div3A_2772, %gather3A_2833 : vector<16xf32>
    %add3A_2835 = arith.addf %add3A_2826, %mul3A_2834 : vector<16xf32>
    %mul3A_2836 = arith.constant 3 : i32
    %mul3A_2837 = vector.broadcast %mul3A_2836 : i32 to vector<16xi32>
    %mul3A_2838 = arith.muli %get3A_2754, %mul3A_2837 : vector<16xi32>
    %add3A_2839 = arith.constant 1 : i32
    %add3A_2840 = vector.broadcast %add3A_2839 : i32 to vector<16xi32>
    %add3A_2841 = arith.addi %mul3A_2838, %add3A_2840 : vector<16xi32>
    %gather3A_2842 = tpu.vector_load_idx %arg12[%add3A_2841] : memref<24576xf32, #tpu.memory_space<vmem>>[vector<16xi32>], vector<16xf32>,
    %mul3A_2843 = arith.mulf %div3A_2778, %gather3A_2842 : vector<16xf32>
    %add3A_2844 = arith.addf %add3A_2835, %mul3A_2843 : vector<16xf32>
    %mul3A_2845 = arith.mulf %add3A_2844, %div3A_2783 : vector<16xf32>
    %swap3A_2846 = arith.constant 336 : index
    %swap3A_2847 = tpu.vector_load %arg20[%swap3A_2846] {strides = array<i32>} : memref<512xf32, #tpu.memory_space<vmem>>, vector<16xf32>,
    tpu.vector_store %arg20[%swap3A_2846], %mul3A_2845 {strides = array<i32>} : memref<512xf32, #tpu.memory_space<vmem>>, vector<16xf32>,
    %broadcast_in_dim3A_2848 = arith.constant 0.000000e+00 : f32
    %broadcast_in_dim3A_2849 = vector.broadcast %broadcast_in_dim3A_2848 : f32 to vector<16xf32>
    %mul3A_2850 = arith.constant 3 : i32
    %mul3A_2851 = vector.broadcast %mul3A_2850 : i32 to vector<16xi32>
    %mul3A_2852 = arith.muli %get3A_2750, %mul3A_2851 : vector<16xi32>
    %add3A_2853 = arith.constant 2 : i32
    %add3A_2854 = vector.broadcast %add3A_2853 : i32 to vector<16xi32>
    %add3A_2855 = arith.addi %mul3A_2852, %add3A_2854 : vector<16xi32>
    %gather3A_2856 = tpu.vector_load_idx %arg12[%add3A_2855] : memref<24576xf32, #tpu.memory_space<vmem>>[vector<16xi32>], vector<16xf32>,
    %mul3A_2857 = arith.mulf %div3A_2766, %gather3A_2856 : vector<16xf32>
    %add3A_2858 = arith.addf %broadcast_in_dim3A_2849, %mul3A_2857 : vector<16xf32>
    %mul3A_2859 = arith.constant 3 : i32
    %mul3A_2860 = vector.broadcast %mul3A_2859 : i32 to vector<16xi32>
    %mul3A_2861 = arith.muli %get3A_2752, %mul3A_2860 : vector<16xi32>
    %add3A_2862 = arith.constant 2 : i32
    %add3A_2863 = vector.broadcast %add3A_2862 : i32 to vector<16xi32>
    %add3A_2864 = arith.addi %mul3A_2861, %add3A_2863 : vector<16xi32>
    %gather3A_2865 = tpu.vector_load_idx %arg12[%add3A_2864] : memref<24576xf32, #tpu.memory_space<vmem>>[vector<16xi32>], vector<16xf32>,
    %mul3A_2866 = arith.mulf %div3A_2772, %gather3A_2865 : vector<16xf32>
    %add3A_2867 = arith.addf %add3A_2858, %mul3A_2866 : vector<16xf32>
    %mul3A_2868 = arith.constant 3 : i32
    %mul3A_2869 = vector.broadcast %mul3A_2868 : i32 to vector<16xi32>
    %mul3A_2870 = arith.muli %get3A_2754, %mul3A_2869 : vector<16xi32>
    %add3A_2871 = arith.constant 2 : i32
    %add3A_2872 = vector.broadcast %add3A_2871 : i32 to vector<16xi32>
    %add3A_2873 = arith.addi %mul3A_2870, %add3A_2872 : vector<16xi32>
    %gather3A_2874 = tpu.vector_load_idx %arg12[%add3A_2873] : memref<24576xf32, #tpu.memory_space<vmem>>[vector<16xi32>], vector<16xf32>,
    %mul3A_2875 = arith.mulf %div3A_2778, %gather3A_2874 : vector<16xf32>
    %add3A_2876 = arith.addf %add3A_2867, %mul3A_2875 : vector<16xf32>
    %mul3A_2877 = arith.mulf %add3A_2876, %div3A_2783 : vector<16xf32>
    %swap3A_2878 = arith.constant 336 : index
    %swap3A_2879 = tpu.vector_load %arg21[%swap3A_2878] {strides = array<i32>} : memref<512xf32, #tpu.memory_space<vmem>>, vector<16xf32>,
    tpu.vector_store %arg21[%swap3A_2878], %mul3A_2877 {strides = array<i32>} : memref<512xf32, #tpu.memory_space<vmem>>, vector<16xf32>,
    %get3A_2880 = arith.constant 352 : index
    %get3A_2881 = tpu.vector_load %arg13[%get3A_2880] {strides = array<i32>} : memref<512xi32, #tpu.memory_space<vmem>>, vector<16xi32>,
    %get3A_2882 = arith.constant 352 : index
    %get3A_2883 = tpu.vector_load %arg14[%get3A_2882] {strides = array<i32>} : memref<512xi32, #tpu.memory_space<vmem>>, vector<16xi32>,
    %get3A_2884 = arith.constant 352 : index
    %get3A_2885 = tpu.vector_load %arg15[%get3A_2884] {strides = array<i32>} : memref<512xi32, #tpu.memory_space<vmem>>, vector<16xi32>,
    %get3A_2886 = arith.constant 352 : index
    %get3A_2887 = tpu.vector_load %arg16[%get3A_2886] {strides = array<i32>} : memref<512xf32, #tpu.memory_space<vmem>>, vector<16xf32>,
    %get3A_2888 = arith.constant 352 : index
    %get3A_2889 = tpu.vector_load %arg17[%get3A_2888] {strides = array<i32>} : memref<512xf32, #tpu.memory_space<vmem>>, vector<16xf32>,
    %get3A_2890 = arith.constant 352 : index
    %get3A_2891 = tpu.vector_load %arg18[%get3A_2890] {strides = array<i32>} : memref<512xf32, #tpu.memory_space<vmem>>, vector<16xf32>,
    %add3A_2892 = arith.constant 9.99999993E-9 : f32
    %add3A_2893 = vector.broadcast %add3A_2892 : f32 to vector<16xf32>
    %add3A_2894 = arith.addf %get3A_2887, %add3A_2893 : vector<16xf32>
    %div3A_2895 = arith.constant 1.000000e+00 : f32
    %div3A_2896 = vector.broadcast %div3A_2895 : f32 to vector<16xf32>
    %div3A_2897 = arith.divf %div3A_2896, %add3A_2894 : vector<16xf32>
    %add3A_2898 = arith.constant 9.99999993E-9 : f32
    %add3A_2899 = vector.broadcast %add3A_2898 : f32 to vector<16xf32>
    %add3A_2900 = arith.addf %get3A_2889, %add3A_2899 : vector<16xf32>
    %div3A_2901 = arith.constant 1.000000e+00 : f32
    %div3A_2902 = vector.broadcast %div3A_2901 : f32 to vector<16xf32>
    %div3A_2903 = arith.divf %div3A_2902, %add3A_2900 : vector<16xf32>
    %add3A_2904 = arith.constant 9.99999993E-9 : f32
    %add3A_2905 = vector.broadcast %add3A_2904 : f32 to vector<16xf32>
    %add3A_2906 = arith.addf %get3A_2891, %add3A_2905 : vector<16xf32>
    %div3A_2907 = arith.constant 1.000000e+00 : f32
    %div3A_2908 = vector.broadcast %div3A_2907 : f32 to vector<16xf32>
    %div3A_2909 = arith.divf %div3A_2908, %add3A_2906 : vector<16xf32>
    %add3A_2910 = arith.addf %div3A_2897, %div3A_2903 : vector<16xf32>
    %add3A_2911 = arith.addf %add3A_2910, %div3A_2909 : vector<16xf32>
    %div3A_2912 = arith.constant 1.000000e+00 : f32
    %div3A_2913 = vector.broadcast %div3A_2912 : f32 to vector<16xf32>
    %div3A_2914 = arith.divf %div3A_2913, %add3A_2911 : vector<16xf32>
    %broadcast_in_dim3A_2915 = arith.constant 0.000000e+00 : f32
    %broadcast_in_dim3A_2916 = vector.broadcast %broadcast_in_dim3A_2915 : f32 to vector<16xf32>
    %mul3A_2917 = arith.constant 3 : i32
    %mul3A_2918 = vector.broadcast %mul3A_2917 : i32 to vector<16xi32>
    %mul3A_2919 = arith.muli %get3A_2881, %mul3A_2918 : vector<16xi32>
    %add3A_2920 = arith.constant 0 : i32
    %add3A_2921 = vector.broadcast %add3A_2920 : i32 to vector<16xi32>
    %add3A_2922 = arith.addi %mul3A_2919, %add3A_2921 : vector<16xi32>
    %gather3A_2923 = tpu.vector_load_idx %arg12[%add3A_2922] : memref<24576xf32, #tpu.memory_space<vmem>>[vector<16xi32>], vector<16xf32>,
    %mul3A_2924 = arith.mulf %div3A_2897, %gather3A_2923 : vector<16xf32>
    %add3A_2925 = arith.addf %broadcast_in_dim3A_2916, %mul3A_2924 : vector<16xf32>
    %mul3A_2926 = arith.constant 3 : i32
    %mul3A_2927 = vector.broadcast %mul3A_2926 : i32 to vector<16xi32>
    %mul3A_2928 = arith.muli %get3A_2883, %mul3A_2927 : vector<16xi32>
    %add3A_2929 = arith.constant 0 : i32
    %add3A_2930 = vector.broadcast %add3A_2929 : i32 to vector<16xi32>
    %add3A_2931 = arith.addi %mul3A_2928, %add3A_2930 : vector<16xi32>
    %gather3A_2932 = tpu.vector_load_idx %arg12[%add3A_2931] : memref<24576xf32, #tpu.memory_space<vmem>>[vector<16xi32>], vector<16xf32>,
    %mul3A_2933 = arith.mulf %div3A_2903, %gather3A_2932 : vector<16xf32>
    %add3A_2934 = arith.addf %add3A_2925, %mul3A_2933 : vector<16xf32>
    %mul3A_2935 = arith.constant 3 : i32
    %mul3A_2936 = vector.broadcast %mul3A_2935 : i32 to vector<16xi32>
    %mul3A_2937 = arith.muli %get3A_2885, %mul3A_2936 : vector<16xi32>
    %add3A_2938 = arith.constant 0 : i32
    %add3A_2939 = vector.broadcast %add3A_2938 : i32 to vector<16xi32>
    %add3A_2940 = arith.addi %mul3A_2937, %add3A_2939 : vector<16xi32>
    %gather3A_2941 = tpu.vector_load_idx %arg12[%add3A_2940] : memref<24576xf32, #tpu.memory_space<vmem>>[vector<16xi32>], vector<16xf32>,
    %mul3A_2942 = arith.mulf %div3A_2909, %gather3A_2941 : vector<16xf32>
    %add3A_2943 = arith.addf %add3A_2934, %mul3A_2942 : vector<16xf32>
    %mul3A_2944 = arith.mulf %add3A_2943, %div3A_2914 : vector<16xf32>
    %swap3A_2945 = arith.constant 352 : index
    %swap3A_2946 = tpu.vector_load %arg19[%swap3A_2945] {strides = array<i32>} : memref<512xf32, #tpu.memory_space<vmem>>, vector<16xf32>,
    tpu.vector_store %arg19[%swap3A_2945], %mul3A_2944 {strides = array<i32>} : memref<512xf32, #tpu.memory_space<vmem>>, vector<16xf32>,
    %broadcast_in_dim3A_2947 = arith.constant 0.000000e+00 : f32
    %broadcast_in_dim3A_2948 = vector.broadcast %broadcast_in_dim3A_2947 : f32 to vector<16xf32>
    %mul3A_2949 = arith.constant 3 : i32
    %mul3A_2950 = vector.broadcast %mul3A_2949 : i32 to vector<16xi32>
    %mul3A_2951 = arith.muli %get3A_2881, %mul3A_2950 : vector<16xi32>
    %add3A_2952 = arith.constant 1 : i32
    %add3A_2953 = vector.broadcast %add3A_2952 : i32 to vector<16xi32>
    %add3A_2954 = arith.addi %mul3A_2951, %add3A_2953 : vector<16xi32>
    %gather3A_2955 = tpu.vector_load_idx %arg12[%add3A_2954] : memref<24576xf32, #tpu.memory_space<vmem>>[vector<16xi32>], vector<16xf32>,
    %mul3A_2956 = arith.mulf %div3A_2897, %gather3A_2955 : vector<16xf32>
    %add3A_2957 = arith.addf %broadcast_in_dim3A_2948, %mul3A_2956 : vector<16xf32>
    %mul3A_2958 = arith.constant 3 : i32
    %mul3A_2959 = vector.broadcast %mul3A_2958 : i32 to vector<16xi32>
    %mul3A_2960 = arith.muli %get3A_2883, %mul3A_2959 : vector<16xi32>
    %add3A_2961 = arith.constant 1 : i32
    %add3A_2962 = vector.broadcast %add3A_2961 : i32 to vector<16xi32>
    %add3A_2963 = arith.addi %mul3A_2960, %add3A_2962 : vector<16xi32>
    %gather3A_2964 = tpu.vector_load_idx %arg12[%add3A_2963] : memref<24576xf32, #tpu.memory_space<vmem>>[vector<16xi32>], vector<16xf32>,
    %mul3A_2965 = arith.mulf %div3A_2903, %gather3A_2964 : vector<16xf32>
    %add3A_2966 = arith.addf %add3A_2957, %mul3A_2965 : vector<16xf32>
    %mul3A_2967 = arith.constant 3 : i32
    %mul3A_2968 = vector.broadcast %mul3A_2967 : i32 to vector<16xi32>
    %mul3A_2969 = arith.muli %get3A_2885, %mul3A_2968 : vector<16xi32>
    %add3A_2970 = arith.constant 1 : i32
    %add3A_2971 = vector.broadcast %add3A_2970 : i32 to vector<16xi32>
    %add3A_2972 = arith.addi %mul3A_2969, %add3A_2971 : vector<16xi32>
    %gather3A_2973 = tpu.vector_load_idx %arg12[%add3A_2972] : memref<24576xf32, #tpu.memory_space<vmem>>[vector<16xi32>], vector<16xf32>,
    %mul3A_2974 = arith.mulf %div3A_2909, %gather3A_2973 : vector<16xf32>
    %add3A_2975 = arith.addf %add3A_2966, %mul3A_2974 : vector<16xf32>
    %mul3A_2976 = arith.mulf %add3A_2975, %div3A_2914 : vector<16xf32>
    %swap3A_2977 = arith.constant 352 : index
    %swap3A_2978 = tpu.vector_load %arg20[%swap3A_2977] {strides = array<i32>} : memref<512xf32, #tpu.memory_space<vmem>>, vector<16xf32>,
    tpu.vector_store %arg20[%swap3A_2977], %mul3A_2976 {strides = array<i32>} : memref<512xf32, #tpu.memory_space<vmem>>, vector<16xf32>,
    %broadcast_in_dim3A_2979 = arith.constant 0.000000e+00 : f32
    %broadcast_in_dim3A_2980 = vector.broadcast %broadcast_in_dim3A_2979 : f32 to vector<16xf32>
    %mul3A_2981 = arith.constant 3 : i32
    %mul3A_2982 = vector.broadcast %mul3A_2981 : i32 to vector<16xi32>
    %mul3A_2983 = arith.muli %get3A_2881, %mul3A_2982 : vector<16xi32>
    %add3A_2984 = arith.constant 2 : i32
    %add3A_2985 = vector.broadcast %add3A_2984 : i32 to vector<16xi32>
    %add3A_2986 = arith.addi %mul3A_2983, %add3A_2985 : vector<16xi32>
    %gather3A_2987 = tpu.vector_load_idx %arg12[%add3A_2986] : memref<24576xf32, #tpu.memory_space<vmem>>[vector<16xi32>], vector<16xf32>,
    %mul3A_2988 = arith.mulf %div3A_2897, %gather3A_2987 : vector<16xf32>
    %add3A_2989 = arith.addf %broadcast_in_dim3A_2980, %mul3A_2988 : vector<16xf32>
    %mul3A_2990 = arith.constant 3 : i32
    %mul3A_2991 = vector.broadcast %mul3A_2990 : i32 to vector<16xi32>
    %mul3A_2992 = arith.muli %get3A_2883, %mul3A_2991 : vector<16xi32>
    %add3A_2993 = arith.constant 2 : i32
    %add3A_2994 = vector.broadcast %add3A_2993 : i32 to vector<16xi32>
    %add3A_2995 = arith.addi %mul3A_2992, %add3A_2994 : vector<16xi32>
    %gather3A_2996 = tpu.vector_load_idx %arg12[%add3A_2995] : memref<24576xf32, #tpu.memory_space<vmem>>[vector<16xi32>], vector<16xf32>,
    %mul3A_2997 = arith.mulf %div3A_2903, %gather3A_2996 : vector<16xf32>
    %add3A_2998 = arith.addf %add3A_2989, %mul3A_2997 : vector<16xf32>
    %mul3A_2999 = arith.constant 3 : i32
    %mul3A_3000 = vector.broadcast %mul3A_2999 : i32 to vector<16xi32>
    %mul3A_3001 = arith.muli %get3A_2885, %mul3A_3000 : vector<16xi32>
    %add3A_3002 = arith.constant 2 : i32
    %add3A_3003 = vector.broadcast %add3A_3002 : i32 to vector<16xi32>
    %add3A_3004 = arith.addi %mul3A_3001, %add3A_3003 : vector<16xi32>
    %gather3A_3005 = tpu.vector_load_idx %arg12[%add3A_3004] : memref<24576xf32, #tpu.memory_space<vmem>>[vector<16xi32>], vector<16xf32>,
    %mul3A_3006 = arith.mulf %div3A_2909, %gather3A_3005 : vector<16xf32>
    %add3A_3007 = arith.addf %add3A_2998, %mul3A_3006 : vector<16xf32>
    %mul3A_3008 = arith.mulf %add3A_3007, %div3A_2914 : vector<16xf32>
    %swap3A_3009 = arith.constant 352 : index
    %swap3A_3010 = tpu.vector_load %arg21[%swap3A_3009] {strides = array<i32>} : memref<512xf32, #tpu.memory_space<vmem>>, vector<16xf32>,
    tpu.vector_store %arg21[%swap3A_3009], %mul3A_3008 {strides = array<i32>} : memref<512xf32, #tpu.memory_space<vmem>>, vector<16xf32>,
    %get3A_3011 = arith.constant 368 : index
    %get3A_3012 = tpu.vector_load %arg13[%get3A_3011] {strides = array<i32>} : memref<512xi32, #tpu.memory_space<vmem>>, vector<16xi32>,
    %get3A_3013 = arith.constant 368 : index
    %get3A_3014 = tpu.vector_load %arg14[%get3A_3013] {strides = array<i32>} : memref<512xi32, #tpu.memory_space<vmem>>, vector<16xi32>,
    %get3A_3015 = arith.constant 368 : index
    %get3A_3016 = tpu.vector_load %arg15[%get3A_3015] {strides = array<i32>} : memref<512xi32, #tpu.memory_space<vmem>>, vector<16xi32>,
    %get3A_3017 = arith.constant 368 : index
    %get3A_3018 = tpu.vector_load %arg16[%get3A_3017] {strides = array<i32>} : memref<512xf32, #tpu.memory_space<vmem>>, vector<16xf32>,
    %get3A_3019 = arith.constant 368 : index
    %get3A_3020 = tpu.vector_load %arg17[%get3A_3019] {strides = array<i32>} : memref<512xf32, #tpu.memory_space<vmem>>, vector<16xf32>,
    %get3A_3021 = arith.constant 368 : index
    %get3A_3022 = tpu.vector_load %arg18[%get3A_3021] {strides = array<i32>} : memref<512xf32, #tpu.memory_space<vmem>>, vector<16xf32>,
    %add3A_3023 = arith.constant 9.99999993E-9 : f32
    %add3A_3024 = vector.broadcast %add3A_3023 : f32 to vector<16xf32>
    %add3A_3025 = arith.addf %get3A_3018, %add3A_3024 : vector<16xf32>
    %div3A_3026 = arith.constant 1.000000e+00 : f32
    %div3A_3027 = vector.broadcast %div3A_3026 : f32 to vector<16xf32>
    %div3A_3028 = arith.divf %div3A_3027, %add3A_3025 : vector<16xf32>
    %add3A_3029 = arith.constant 9.99999993E-9 : f32
    %add3A_3030 = vector.broadcast %add3A_3029 : f32 to vector<16xf32>
    %add3A_3031 = arith.addf %get3A_3020, %add3A_3030 : vector<16xf32>
    %div3A_3032 = arith.constant 1.000000e+00 : f32
    %div3A_3033 = vector.broadcast %div3A_3032 : f32 to vector<16xf32>
    %div3A_3034 = arith.divf %div3A_3033, %add3A_3031 : vector<16xf32>
    %add3A_3035 = arith.constant 9.99999993E-9 : f32
    %add3A_3036 = vector.broadcast %add3A_3035 : f32 to vector<16xf32>
    %add3A_3037 = arith.addf %get3A_3022, %add3A_3036 : vector<16xf32>
    %div3A_3038 = arith.constant 1.000000e+00 : f32
    %div3A_3039 = vector.broadcast %div3A_3038 : f32 to vector<16xf32>
    %div3A_3040 = arith.divf %div3A_3039, %add3A_3037 : vector<16xf32>
    %add3A_3041 = arith.addf %div3A_3028, %div3A_3034 : vector<16xf32>
    %add3A_3042 = arith.addf %add3A_3041, %div3A_3040 : vector<16xf32>
    %div3A_3043 = arith.constant 1.000000e+00 : f32
    %div3A_3044 = vector.broadcast %div3A_3043 : f32 to vector<16xf32>
    %div3A_3045 = arith.divf %div3A_3044, %add3A_3042 : vector<16xf32>
    %broadcast_in_dim3A_3046 = arith.constant 0.000000e+00 : f32
    %broadcast_in_dim3A_3047 = vector.broadcast %broadcast_in_dim3A_3046 : f32 to vector<16xf32>
    %mul3A_3048 = arith.constant 3 : i32
    %mul3A_3049 = vector.broadcast %mul3A_3048 : i32 to vector<16xi32>
    %mul3A_3050 = arith.muli %get3A_3012, %mul3A_3049 : vector<16xi32>
    %add3A_3051 = arith.constant 0 : i32
    %add3A_3052 = vector.broadcast %add3A_3051 : i32 to vector<16xi32>
    %add3A_3053 = arith.addi %mul3A_3050, %add3A_3052 : vector<16xi32>
    %gather3A_3054 = tpu.vector_load_idx %arg12[%add3A_3053] : memref<24576xf32, #tpu.memory_space<vmem>>[vector<16xi32>], vector<16xf32>,
    %mul3A_3055 = arith.mulf %div3A_3028, %gather3A_3054 : vector<16xf32>
    %add3A_3056 = arith.addf %broadcast_in_dim3A_3047, %mul3A_3055 : vector<16xf32>
    %mul3A_3057 = arith.constant 3 : i32
    %mul3A_3058 = vector.broadcast %mul3A_3057 : i32 to vector<16xi32>
    %mul3A_3059 = arith.muli %get3A_3014, %mul3A_3058 : vector<16xi32>
    %add3A_3060 = arith.constant 0 : i32
    %add3A_3061 = vector.broadcast %add3A_3060 : i32 to vector<16xi32>
    %add3A_3062 = arith.addi %mul3A_3059, %add3A_3061 : vector<16xi32>
    %gather3A_3063 = tpu.vector_load_idx %arg12[%add3A_3062] : memref<24576xf32, #tpu.memory_space<vmem>>[vector<16xi32>], vector<16xf32>,
    %mul3A_3064 = arith.mulf %div3A_3034, %gather3A_3063 : vector<16xf32>
    %add3A_3065 = arith.addf %add3A_3056, %mul3A_3064 : vector<16xf32>
    %mul3A_3066 = arith.constant 3 : i32
    %mul3A_3067 = vector.broadcast %mul3A_3066 : i32 to vector<16xi32>
    %mul3A_3068 = arith.muli %get3A_3016, %mul3A_3067 : vector<16xi32>
    %add3A_3069 = arith.constant 0 : i32
    %add3A_3070 = vector.broadcast %add3A_3069 : i32 to vector<16xi32>
    %add3A_3071 = arith.addi %mul3A_3068, %add3A_3070 : vector<16xi32>
    %gather3A_3072 = tpu.vector_load_idx %arg12[%add3A_3071] : memref<24576xf32, #tpu.memory_space<vmem>>[vector<16xi32>], vector<16xf32>,
    %mul3A_3073 = arith.mulf %div3A_3040, %gather3A_3072 : vector<16xf32>
    %add3A_3074 = arith.addf %add3A_3065, %mul3A_3073 : vector<16xf32>
    %mul3A_3075 = arith.mulf %add3A_3074, %div3A_3045 : vector<16xf32>
    %swap3A_3076 = arith.constant 368 : index
    %swap3A_3077 = tpu.vector_load %arg19[%swap3A_3076] {strides = array<i32>} : memref<512xf32, #tpu.memory_space<vmem>>, vector<16xf32>,
    tpu.vector_store %arg19[%swap3A_3076], %mul3A_3075 {strides = array<i32>} : memref<512xf32, #tpu.memory_space<vmem>>, vector<16xf32>,
    %broadcast_in_dim3A_3078 = arith.constant 0.000000e+00 : f32
    %broadcast_in_dim3A_3079 = vector.broadcast %broadcast_in_dim3A_3078 : f32 to vector<16xf32>
    %mul3A_3080 = arith.constant 3 : i32
    %mul3A_3081 = vector.broadcast %mul3A_3080 : i32 to vector<16xi32>
    %mul3A_3082 = arith.muli %get3A_3012, %mul3A_3081 : vector<16xi32>
    %add3A_3083 = arith.constant 1 : i32
    %add3A_3084 = vector.broadcast %add3A_3083 : i32 to vector<16xi32>
    %add3A_3085 = arith.addi %mul3A_3082, %add3A_3084 : vector<16xi32>
    %gather3A_3086 = tpu.vector_load_idx %arg12[%add3A_3085] : memref<24576xf32, #tpu.memory_space<vmem>>[vector<16xi32>], vector<16xf32>,
    %mul3A_3087 = arith.mulf %div3A_3028, %gather3A_3086 : vector<16xf32>
    %add3A_3088 = arith.addf %broadcast_in_dim3A_3079, %mul3A_3087 : vector<16xf32>
    %mul3A_3089 = arith.constant 3 : i32
    %mul3A_3090 = vector.broadcast %mul3A_3089 : i32 to vector<16xi32>
    %mul3A_3091 = arith.muli %get3A_3014, %mul3A_3090 : vector<16xi32>
    %add3A_3092 = arith.constant 1 : i32
    %add3A_3093 = vector.broadcast %add3A_3092 : i32 to vector<16xi32>
    %add3A_3094 = arith.addi %mul3A_3091, %add3A_3093 : vector<16xi32>
    %gather3A_3095 = tpu.vector_load_idx %arg12[%add3A_3094] : memref<24576xf32, #tpu.memory_space<vmem>>[vector<16xi32>], vector<16xf32>,
    %mul3A_3096 = arith.mulf %div3A_3034, %gather3A_3095 : vector<16xf32>
    %add3A_3097 = arith.addf %add3A_3088, %mul3A_3096 : vector<16xf32>
    %mul3A_3098 = arith.constant 3 : i32
    %mul3A_3099 = vector.broadcast %mul3A_3098 : i32 to vector<16xi32>
    %mul3A_3100 = arith.muli %get3A_3016, %mul3A_3099 : vector<16xi32>
    %add3A_3101 = arith.constant 1 : i32
    %add3A_3102 = vector.broadcast %add3A_3101 : i32 to vector<16xi32>
    %add3A_3103 = arith.addi %mul3A_3100, %add3A_3102 : vector<16xi32>
    %gather3A_3104 = tpu.vector_load_idx %arg12[%add3A_3103] : memref<24576xf32, #tpu.memory_space<vmem>>[vector<16xi32>], vector<16xf32>,
    %mul3A_3105 = arith.mulf %div3A_3040, %gather3A_3104 : vector<16xf32>
    %add3A_3106 = arith.addf %add3A_3097, %mul3A_3105 : vector<16xf32>
    %mul3A_3107 = arith.mulf %add3A_3106, %div3A_3045 : vector<16xf32>
    %swap3A_3108 = arith.constant 368 : index
    %swap3A_3109 = tpu.vector_load %arg20[%swap3A_3108] {strides = array<i32>} : memref<512xf32, #tpu.memory_space<vmem>>, vector<16xf32>,
    tpu.vector_store %arg20[%swap3A_3108], %mul3A_3107 {strides = array<i32>} : memref<512xf32, #tpu.memory_space<vmem>>, vector<16xf32>,
    %broadcast_in_dim3A_3110 = arith.constant 0.000000e+00 : f32
    %broadcast_in_dim3A_3111 = vector.broadcast %broadcast_in_dim3A_3110 : f32 to vector<16xf32>
    %mul3A_3112 = arith.constant 3 : i32
    %mul3A_3113 = vector.broadcast %mul3A_3112 : i32 to vector<16xi32>
    %mul3A_3114 = arith.muli %get3A_3012, %mul3A_3113 : vector<16xi32>
    %add3A_3115 = arith.constant 2 : i32
    %add3A_3116 = vector.broadcast %add3A_3115 : i32 to vector<16xi32>
    %add3A_3117 = arith.addi %mul3A_3114, %add3A_3116 : vector<16xi32>
    %gather3A_3118 = tpu.vector_load_idx %arg12[%add3A_3117] : memref<24576xf32, #tpu.memory_space<vmem>>[vector<16xi32>], vector<16xf32>,
    %mul3A_3119 = arith.mulf %div3A_3028, %gather3A_3118 : vector<16xf32>
    %add3A_3120 = arith.addf %broadcast_in_dim3A_3111, %mul3A_3119 : vector<16xf32>
    %mul3A_3121 = arith.constant 3 : i32
    %mul3A_3122 = vector.broadcast %mul3A_3121 : i32 to vector<16xi32>
    %mul3A_3123 = arith.muli %get3A_3014, %mul3A_3122 : vector<16xi32>
    %add3A_3124 = arith.constant 2 : i32
    %add3A_3125 = vector.broadcast %add3A_3124 : i32 to vector<16xi32>
    %add3A_3126 = arith.addi %mul3A_3123, %add3A_3125 : vector<16xi32>
    %gather3A_3127 = tpu.vector_load_idx %arg12[%add3A_3126] : memref<24576xf32, #tpu.memory_space<vmem>>[vector<16xi32>], vector<16xf32>,
    %mul3A_3128 = arith.mulf %div3A_3034, %gather3A_3127 : vector<16xf32>
    %add3A_3129 = arith.addf %add3A_3120, %mul3A_3128 : vector<16xf32>
    %mul3A_3130 = arith.constant 3 : i32
    %mul3A_3131 = vector.broadcast %mul3A_3130 : i32 to vector<16xi32>
    %mul3A_3132 = arith.muli %get3A_3016, %mul3A_3131 : vector<16xi32>
    %add3A_3133 = arith.constant 2 : i32
    %add3A_3134 = vector.broadcast %add3A_3133 : i32 to vector<16xi32>
    %add3A_3135 = arith.addi %mul3A_3132, %add3A_3134 : vector<16xi32>
    %gather3A_3136 = tpu.vector_load_idx %arg12[%add3A_3135] : memref<24576xf32, #tpu.memory_space<vmem>>[vector<16xi32>], vector<16xf32>,
    %mul3A_3137 = arith.mulf %div3A_3040, %gather3A_3136 : vector<16xf32>
    %add3A_3138 = arith.addf %add3A_3129, %mul3A_3137 : vector<16xf32>
    %mul3A_3139 = arith.mulf %add3A_3138, %div3A_3045 : vector<16xf32>
    %swap3A_3140 = arith.constant 368 : index
    %swap3A_3141 = tpu.vector_load %arg21[%swap3A_3140] {strides = array<i32>} : memref<512xf32, #tpu.memory_space<vmem>>, vector<16xf32>,
    tpu.vector_store %arg21[%swap3A_3140], %mul3A_3139 {strides = array<i32>} : memref<512xf32, #tpu.memory_space<vmem>>, vector<16xf32>,
    %get3A_3142 = arith.constant 384 : index
    %get3A_3143 = tpu.vector_load %arg13[%get3A_3142] {strides = array<i32>} : memref<512xi32, #tpu.memory_space<vmem>>, vector<16xi32>,
    %get3A_3144 = arith.constant 384 : index
    %get3A_3145 = tpu.vector_load %arg14[%get3A_3144] {strides = array<i32>} : memref<512xi32, #tpu.memory_space<vmem>>, vector<16xi32>,
    %get3A_3146 = arith.constant 384 : index
    %get3A_3147 = tpu.vector_load %arg15[%get3A_3146] {strides = array<i32>} : memref<512xi32, #tpu.memory_space<vmem>>, vector<16xi32>,
    %get3A_3148 = arith.constant 384 : index
    %get3A_3149 = tpu.vector_load %arg16[%get3A_3148] {strides = array<i32>} : memref<512xf32, #tpu.memory_space<vmem>>, vector<16xf32>,
    %get3A_3150 = arith.constant 384 : index
    %get3A_3151 = tpu.vector_load %arg17[%get3A_3150] {strides = array<i32>} : memref<512xf32, #tpu.memory_space<vmem>>, vector<16xf32>,
    %get3A_3152 = arith.constant 384 : index
    %get3A_3153 = tpu.vector_load %arg18[%get3A_3152] {strides = array<i32>} : memref<512xf32, #tpu.memory_space<vmem>>, vector<16xf32>,
    %add3A_3154 = arith.constant 9.99999993E-9 : f32
    %add3A_3155 = vector.broadcast %add3A_3154 : f32 to vector<16xf32>
    %add3A_3156 = arith.addf %get3A_3149, %add3A_3155 : vector<16xf32>
    %div3A_3157 = arith.constant 1.000000e+00 : f32
    %div3A_3158 = vector.broadcast %div3A_3157 : f32 to vector<16xf32>
    %div3A_3159 = arith.divf %div3A_3158, %add3A_3156 : vector<16xf32>
    %add3A_3160 = arith.constant 9.99999993E-9 : f32
    %add3A_3161 = vector.broadcast %add3A_3160 : f32 to vector<16xf32>
    %add3A_3162 = arith.addf %get3A_3151, %add3A_3161 : vector<16xf32>
    %div3A_3163 = arith.constant 1.000000e+00 : f32
    %div3A_3164 = vector.broadcast %div3A_3163 : f32 to vector<16xf32>
    %div3A_3165 = arith.divf %div3A_3164, %add3A_3162 : vector<16xf32>
    %add3A_3166 = arith.constant 9.99999993E-9 : f32
    %add3A_3167 = vector.broadcast %add3A_3166 : f32 to vector<16xf32>
    %add3A_3168 = arith.addf %get3A_3153, %add3A_3167 : vector<16xf32>
    %div3A_3169 = arith.constant 1.000000e+00 : f32
    %div3A_3170 = vector.broadcast %div3A_3169 : f32 to vector<16xf32>
    %div3A_3171 = arith.divf %div3A_3170, %add3A_3168 : vector<16xf32>
    %add3A_3172 = arith.addf %div3A_3159, %div3A_3165 : vector<16xf32>
    %add3A_3173 = arith.addf %add3A_3172, %div3A_3171 : vector<16xf32>
    %div3A_3174 = arith.constant 1.000000e+00 : f32
    %div3A_3175 = vector.broadcast %div3A_3174 : f32 to vector<16xf32>
    %div3A_3176 = arith.divf %div3A_3175, %add3A_3173 : vector<16xf32>
    %broadcast_in_dim3A_3177 = arith.constant 0.000000e+00 : f32
    %broadcast_in_dim3A_3178 = vector.broadcast %broadcast_in_dim3A_3177 : f32 to vector<16xf32>
    %mul3A_3179 = arith.constant 3 : i32
    %mul3A_3180 = vector.broadcast %mul3A_3179 : i32 to vector<16xi32>
    %mul3A_3181 = arith.muli %get3A_3143, %mul3A_3180 : vector<16xi32>
    %add3A_3182 = arith.constant 0 : i32
    %add3A_3183 = vector.broadcast %add3A_3182 : i32 to vector<16xi32>
    %add3A_3184 = arith.addi %mul3A_3181, %add3A_3183 : vector<16xi32>
    %gather3A_3185 = tpu.vector_load_idx %arg12[%add3A_3184] : memref<24576xf32, #tpu.memory_space<vmem>>[vector<16xi32>], vector<16xf32>,
    %mul3A_3186 = arith.mulf %div3A_3159, %gather3A_3185 : vector<16xf32>
    %add3A_3187 = arith.addf %broadcast_in_dim3A_3178, %mul3A_3186 : vector<16xf32>
    %mul3A_3188 = arith.constant 3 : i32
    %mul3A_3189 = vector.broadcast %mul3A_3188 : i32 to vector<16xi32>
    %mul3A_3190 = arith.muli %get3A_3145, %mul3A_3189 : vector<16xi32>
    %add3A_3191 = arith.constant 0 : i32
    %add3A_3192 = vector.broadcast %add3A_3191 : i32 to vector<16xi32>
    %add3A_3193 = arith.addi %mul3A_3190, %add3A_3192 : vector<16xi32>
    %gather3A_3194 = tpu.vector_load_idx %arg12[%add3A_3193] : memref<24576xf32, #tpu.memory_space<vmem>>[vector<16xi32>], vector<16xf32>,
    %mul3A_3195 = arith.mulf %div3A_3165, %gather3A_3194 : vector<16xf32>
    %add3A_3196 = arith.addf %add3A_3187, %mul3A_3195 : vector<16xf32>
    %mul3A_3197 = arith.constant 3 : i32
    %mul3A_3198 = vector.broadcast %mul3A_3197 : i32 to vector<16xi32>
    %mul3A_3199 = arith.muli %get3A_3147, %mul3A_3198 : vector<16xi32>
    %add3A_3200 = arith.constant 0 : i32
    %add3A_3201 = vector.broadcast %add3A_3200 : i32 to vector<16xi32>
    %add3A_3202 = arith.addi %mul3A_3199, %add3A_3201 : vector<16xi32>
    %gather3A_3203 = tpu.vector_load_idx %arg12[%add3A_3202] : memref<24576xf32, #tpu.memory_space<vmem>>[vector<16xi32>], vector<16xf32>,
    %mul3A_3204 = arith.mulf %div3A_3171, %gather3A_3203 : vector<16xf32>
    %add3A_3205 = arith.addf %add3A_3196, %mul3A_3204 : vector<16xf32>
    %mul3A_3206 = arith.mulf %add3A_3205, %div3A_3176 : vector<16xf32>
    %swap3A_3207 = arith.constant 384 : index
    %swap3A_3208 = tpu.vector_load %arg19[%swap3A_3207] {strides = array<i32>} : memref<512xf32, #tpu.memory_space<vmem>>, vector<16xf32>,
    tpu.vector_store %arg19[%swap3A_3207], %mul3A_3206 {strides = array<i32>} : memref<512xf32, #tpu.memory_space<vmem>>, vector<16xf32>,
    %broadcast_in_dim3A_3209 = arith.constant 0.000000e+00 : f32
    %broadcast_in_dim3A_3210 = vector.broadcast %broadcast_in_dim3A_3209 : f32 to vector<16xf32>
    %mul3A_3211 = arith.constant 3 : i32
    %mul3A_3212 = vector.broadcast %mul3A_3211 : i32 to vector<16xi32>
    %mul3A_3213 = arith.muli %get3A_3143, %mul3A_3212 : vector<16xi32>
    %add3A_3214 = arith.constant 1 : i32
    %add3A_3215 = vector.broadcast %add3A_3214 : i32 to vector<16xi32>
    %add3A_3216 = arith.addi %mul3A_3213, %add3A_3215 : vector<16xi32>
    %gather3A_3217 = tpu.vector_load_idx %arg12[%add3A_3216] : memref<24576xf32, #tpu.memory_space<vmem>>[vector<16xi32>], vector<16xf32>,
    %mul3A_3218 = arith.mulf %div3A_3159, %gather3A_3217 : vector<16xf32>
    %add3A_3219 = arith.addf %broadcast_in_dim3A_3210, %mul3A_3218 : vector<16xf32>
    %mul3A_3220 = arith.constant 3 : i32
    %mul3A_3221 = vector.broadcast %mul3A_3220 : i32 to vector<16xi32>
    %mul3A_3222 = arith.muli %get3A_3145, %mul3A_3221 : vector<16xi32>
    %add3A_3223 = arith.constant 1 : i32
    %add3A_3224 = vector.broadcast %add3A_3223 : i32 to vector<16xi32>
    %add3A_3225 = arith.addi %mul3A_3222, %add3A_3224 : vector<16xi32>
    %gather3A_3226 = tpu.vector_load_idx %arg12[%add3A_3225] : memref<24576xf32, #tpu.memory_space<vmem>>[vector<16xi32>], vector<16xf32>,
    %mul3A_3227 = arith.mulf %div3A_3165, %gather3A_3226 : vector<16xf32>
    %add3A_3228 = arith.addf %add3A_3219, %mul3A_3227 : vector<16xf32>
    %mul3A_3229 = arith.constant 3 : i32
    %mul3A_3230 = vector.broadcast %mul3A_3229 : i32 to vector<16xi32>
    %mul3A_3231 = arith.muli %get3A_3147, %mul3A_3230 : vector<16xi32>
    %add3A_3232 = arith.constant 1 : i32
    %add3A_3233 = vector.broadcast %add3A_3232 : i32 to vector<16xi32>
    %add3A_3234 = arith.addi %mul3A_3231, %add3A_3233 : vector<16xi32>
    %gather3A_3235 = tpu.vector_load_idx %arg12[%add3A_3234] : memref<24576xf32, #tpu.memory_space<vmem>>[vector<16xi32>], vector<16xf32>,
    %mul3A_3236 = arith.mulf %div3A_3171, %gather3A_3235 : vector<16xf32>
    %add3A_3237 = arith.addf %add3A_3228, %mul3A_3236 : vector<16xf32>
    %mul3A_3238 = arith.mulf %add3A_3237, %div3A_3176 : vector<16xf32>
    %swap3A_3239 = arith.constant 384 : index
    %swap3A_3240 = tpu.vector_load %arg20[%swap3A_3239] {strides = array<i32>} : memref<512xf32, #tpu.memory_space<vmem>>, vector<16xf32>,
    tpu.vector_store %arg20[%swap3A_3239], %mul3A_3238 {strides = array<i32>} : memref<512xf32, #tpu.memory_space<vmem>>, vector<16xf32>,
    %broadcast_in_dim3A_3241 = arith.constant 0.000000e+00 : f32
    %broadcast_in_dim3A_3242 = vector.broadcast %broadcast_in_dim3A_3241 : f32 to vector<16xf32>
    %mul3A_3243 = arith.constant 3 : i32
    %mul3A_3244 = vector.broadcast %mul3A_3243 : i32 to vector<16xi32>
    %mul3A_3245 = arith.muli %get3A_3143, %mul3A_3244 : vector<16xi32>
    %add3A_3246 = arith.constant 2 : i32
    %add3A_3247 = vector.broadcast %add3A_3246 : i32 to vector<16xi32>
    %add3A_3248 = arith.addi %mul3A_3245, %add3A_3247 : vector<16xi32>
    %gather3A_3249 = tpu.vector_load_idx %arg12[%add3A_3248] : memref<24576xf32, #tpu.memory_space<vmem>>[vector<16xi32>], vector<16xf32>,
    %mul3A_3250 = arith.mulf %div3A_3159, %gather3A_3249 : vector<16xf32>
    %add3A_3251 = arith.addf %broadcast_in_dim3A_3242, %mul3A_3250 : vector<16xf32>
    %mul3A_3252 = arith.constant 3 : i32
    %mul3A_3253 = vector.broadcast %mul3A_3252 : i32 to vector<16xi32>
    %mul3A_3254 = arith.muli %get3A_3145, %mul3A_3253 : vector<16xi32>
    %add3A_3255 = arith.constant 2 : i32
    %add3A_3256 = vector.broadcast %add3A_3255 : i32 to vector<16xi32>
    %add3A_3257 = arith.addi %mul3A_3254, %add3A_3256 : vector<16xi32>
    %gather3A_3258 = tpu.vector_load_idx %arg12[%add3A_3257] : memref<24576xf32, #tpu.memory_space<vmem>>[vector<16xi32>], vector<16xf32>,
    %mul3A_3259 = arith.mulf %div3A_3165, %gather3A_3258 : vector<16xf32>
    %add3A_3260 = arith.addf %add3A_3251, %mul3A_3259 : vector<16xf32>
    %mul3A_3261 = arith.constant 3 : i32
    %mul3A_3262 = vector.broadcast %mul3A_3261 : i32 to vector<16xi32>
    %mul3A_3263 = arith.muli %get3A_3147, %mul3A_3262 : vector<16xi32>
    %add3A_3264 = arith.constant 2 : i32
    %add3A_3265 = vector.broadcast %add3A_3264 : i32 to vector<16xi32>
    %add3A_3266 = arith.addi %mul3A_3263, %add3A_3265 : vector<16xi32>
    %gather3A_3267 = tpu.vector_load_idx %arg12[%add3A_3266] : memref<24576xf32, #tpu.memory_space<vmem>>[vector<16xi32>], vector<16xf32>,
    %mul3A_3268 = arith.mulf %div3A_3171, %gather3A_3267 : vector<16xf32>
    %add3A_3269 = arith.addf %add3A_3260, %mul3A_3268 : vector<16xf32>
    %mul3A_3270 = arith.mulf %add3A_3269, %div3A_3176 : vector<16xf32>
    %swap3A_3271 = arith.constant 384 : index
    %swap3A_3272 = tpu.vector_load %arg21[%swap3A_3271] {strides = array<i32>} : memref<512xf32, #tpu.memory_space<vmem>>, vector<16xf32>,
    tpu.vector_store %arg21[%swap3A_3271], %mul3A_3270 {strides = array<i32>} : memref<512xf32, #tpu.memory_space<vmem>>, vector<16xf32>,
    %get3A_3273 = arith.constant 400 : index
    %get3A_3274 = tpu.vector_load %arg13[%get3A_3273] {strides = array<i32>} : memref<512xi32, #tpu.memory_space<vmem>>, vector<16xi32>,
    %get3A_3275 = arith.constant 400 : index
    %get3A_3276 = tpu.vector_load %arg14[%get3A_3275] {strides = array<i32>} : memref<512xi32, #tpu.memory_space<vmem>>, vector<16xi32>,
    %get3A_3277 = arith.constant 400 : index
    %get3A_3278 = tpu.vector_load %arg15[%get3A_3277] {strides = array<i32>} : memref<512xi32, #tpu.memory_space<vmem>>, vector<16xi32>,
    %get3A_3279 = arith.constant 400 : index
    %get3A_3280 = tpu.vector_load %arg16[%get3A_3279] {strides = array<i32>} : memref<512xf32, #tpu.memory_space<vmem>>, vector<16xf32>,
    %get3A_3281 = arith.constant 400 : index
    %get3A_3282 = tpu.vector_load %arg17[%get3A_3281] {strides = array<i32>} : memref<512xf32, #tpu.memory_space<vmem>>, vector<16xf32>,
    %get3A_3283 = arith.constant 400 : index
    %get3A_3284 = tpu.vector_load %arg18[%get3A_3283] {strides = array<i32>} : memref<512xf32, #tpu.memory_space<vmem>>, vector<16xf32>,
    %add3A_3285 = arith.constant 9.99999993E-9 : f32
    %add3A_3286 = vector.broadcast %add3A_3285 : f32 to vector<16xf32>
    %add3A_3287 = arith.addf %get3A_3280, %add3A_3286 : vector<16xf32>
    %div3A_3288 = arith.constant 1.000000e+00 : f32
    %div3A_3289 = vector.broadcast %div3A_3288 : f32 to vector<16xf32>
    %div3A_3290 = arith.divf %div3A_3289, %add3A_3287 : vector<16xf32>
    %add3A_3291 = arith.constant 9.99999993E-9 : f32
    %add3A_3292 = vector.broadcast %add3A_3291 : f32 to vector<16xf32>
    %add3A_3293 = arith.addf %get3A_3282, %add3A_3292 : vector<16xf32>
    %div3A_3294 = arith.constant 1.000000e+00 : f32
    %div3A_3295 = vector.broadcast %div3A_3294 : f32 to vector<16xf32>
    %div3A_3296 = arith.divf %div3A_3295, %add3A_3293 : vector<16xf32>
    %add3A_3297 = arith.constant 9.99999993E-9 : f32
    %add3A_3298 = vector.broadcast %add3A_3297 : f32 to vector<16xf32>
    %add3A_3299 = arith.addf %get3A_3284, %add3A_3298 : vector<16xf32>
    %div3A_3300 = arith.constant 1.000000e+00 : f32
    %div3A_3301 = vector.broadcast %div3A_3300 : f32 to vector<16xf32>
    %div3A_3302 = arith.divf %div3A_3301, %add3A_3299 : vector<16xf32>
    %add3A_3303 = arith.addf %div3A_3290, %div3A_3296 : vector<16xf32>
    %add3A_3304 = arith.addf %add3A_3303, %div3A_3302 : vector<16xf32>
    %div3A_3305 = arith.constant 1.000000e+00 : f32
    %div3A_3306 = vector.broadcast %div3A_3305 : f32 to vector<16xf32>
    %div3A_3307 = arith.divf %div3A_3306, %add3A_3304 : vector<16xf32>
    %broadcast_in_dim3A_3308 = arith.constant 0.000000e+00 : f32
    %broadcast_in_dim3A_3309 = vector.broadcast %broadcast_in_dim3A_3308 : f32 to vector<16xf32>
    %mul3A_3310 = arith.constant 3 : i32
    %mul3A_3311 = vector.broadcast %mul3A_3310 : i32 to vector<16xi32>
    %mul3A_3312 = arith.muli %get3A_3274, %mul3A_3311 : vector<16xi32>
    %add3A_3313 = arith.constant 0 : i32
    %add3A_3314 = vector.broadcast %add3A_3313 : i32 to vector<16xi32>
    %add3A_3315 = arith.addi %mul3A_3312, %add3A_3314 : vector<16xi32>
    %gather3A_3316 = tpu.vector_load_idx %arg12[%add3A_3315] : memref<24576xf32, #tpu.memory_space<vmem>>[vector<16xi32>], vector<16xf32>,
    %mul3A_3317 = arith.mulf %div3A_3290, %gather3A_3316 : vector<16xf32>
    %add3A_3318 = arith.addf %broadcast_in_dim3A_3309, %mul3A_3317 : vector<16xf32>
    %mul3A_3319 = arith.constant 3 : i32
    %mul3A_3320 = vector.broadcast %mul3A_3319 : i32 to vector<16xi32>
    %mul3A_3321 = arith.muli %get3A_3276, %mul3A_3320 : vector<16xi32>
    %add3A_3322 = arith.constant 0 : i32
    %add3A_3323 = vector.broadcast %add3A_3322 : i32 to vector<16xi32>
    %add3A_3324 = arith.addi %mul3A_3321, %add3A_3323 : vector<16xi32>
    %gather3A_3325 = tpu.vector_load_idx %arg12[%add3A_3324] : memref<24576xf32, #tpu.memory_space<vmem>>[vector<16xi32>], vector<16xf32>,
    %mul3A_3326 = arith.mulf %div3A_3296, %gather3A_3325 : vector<16xf32>
    %add3A_3327 = arith.addf %add3A_3318, %mul3A_3326 : vector<16xf32>
    %mul3A_3328 = arith.constant 3 : i32
    %mul3A_3329 = vector.broadcast %mul3A_3328 : i32 to vector<16xi32>
    %mul3A_3330 = arith.muli %get3A_3278, %mul3A_3329 : vector<16xi32>
    %add3A_3331 = arith.constant 0 : i32
    %add3A_3332 = vector.broadcast %add3A_3331 : i32 to vector<16xi32>
    %add3A_3333 = arith.addi %mul3A_3330, %add3A_3332 : vector<16xi32>
    %gather3A_3334 = tpu.vector_load_idx %arg12[%add3A_3333] : memref<24576xf32, #tpu.memory_space<vmem>>[vector<16xi32>], vector<16xf32>,
    %mul3A_3335 = arith.mulf %div3A_3302, %gather3A_3334 : vector<16xf32>
    %add3A_3336 = arith.addf %add3A_3327, %mul3A_3335 : vector<16xf32>
    %mul3A_3337 = arith.mulf %add3A_3336, %div3A_3307 : vector<16xf32>
    %swap3A_3338 = arith.constant 400 : index
    %swap3A_3339 = tpu.vector_load %arg19[%swap3A_3338] {strides = array<i32>} : memref<512xf32, #tpu.memory_space<vmem>>, vector<16xf32>,
    tpu.vector_store %arg19[%swap3A_3338], %mul3A_3337 {strides = array<i32>} : memref<512xf32, #tpu.memory_space<vmem>>, vector<16xf32>,
    %broadcast_in_dim3A_3340 = arith.constant 0.000000e+00 : f32
    %broadcast_in_dim3A_3341 = vector.broadcast %broadcast_in_dim3A_3340 : f32 to vector<16xf32>
    %mul3A_3342 = arith.constant 3 : i32
    %mul3A_3343 = vector.broadcast %mul3A_3342 : i32 to vector<16xi32>
    %mul3A_3344 = arith.muli %get3A_3274, %mul3A_3343 : vector<16xi32>
    %add3A_3345 = arith.constant 1 : i32
    %add3A_3346 = vector.broadcast %add3A_3345 : i32 to vector<16xi32>
    %add3A_3347 = arith.addi %mul3A_3344, %add3A_3346 : vector<16xi32>
    %gather3A_3348 = tpu.vector_load_idx %arg12[%add3A_3347] : memref<24576xf32, #tpu.memory_space<vmem>>[vector<16xi32>], vector<16xf32>,
    %mul3A_3349 = arith.mulf %div3A_3290, %gather3A_3348 : vector<16xf32>
    %add3A_3350 = arith.addf %broadcast_in_dim3A_3341, %mul3A_3349 : vector<16xf32>
    %mul3A_3351 = arith.constant 3 : i32
    %mul3A_3352 = vector.broadcast %mul3A_3351 : i32 to vector<16xi32>
    %mul3A_3353 = arith.muli %get3A_3276, %mul3A_3352 : vector<16xi32>
    %add3A_3354 = arith.constant 1 : i32
    %add3A_3355 = vector.broadcast %add3A_3354 : i32 to vector<16xi32>
    %add3A_3356 = arith.addi %mul3A_3353, %add3A_3355 : vector<16xi32>
    %gather3A_3357 = tpu.vector_load_idx %arg12[%add3A_3356] : memref<24576xf32, #tpu.memory_space<vmem>>[vector<16xi32>], vector<16xf32>,
    %mul3A_3358 = arith.mulf %div3A_3296, %gather3A_3357 : vector<16xf32>
    %add3A_3359 = arith.addf %add3A_3350, %mul3A_3358 : vector<16xf32>
    %mul3A_3360 = arith.constant 3 : i32
    %mul3A_3361 = vector.broadcast %mul3A_3360 : i32 to vector<16xi32>
    %mul3A_3362 = arith.muli %get3A_3278, %mul3A_3361 : vector<16xi32>
    %add3A_3363 = arith.constant 1 : i32
    %add3A_3364 = vector.broadcast %add3A_3363 : i32 to vector<16xi32>
    %add3A_3365 = arith.addi %mul3A_3362, %add3A_3364 : vector<16xi32>
    %gather3A_3366 = tpu.vector_load_idx %arg12[%add3A_3365] : memref<24576xf32, #tpu.memory_space<vmem>>[vector<16xi32>], vector<16xf32>,
    %mul3A_3367 = arith.mulf %div3A_3302, %gather3A_3366 : vector<16xf32>
    %add3A_3368 = arith.addf %add3A_3359, %mul3A_3367 : vector<16xf32>
    %mul3A_3369 = arith.mulf %add3A_3368, %div3A_3307 : vector<16xf32>
    %swap3A_3370 = arith.constant 400 : index
    %swap3A_3371 = tpu.vector_load %arg20[%swap3A_3370] {strides = array<i32>} : memref<512xf32, #tpu.memory_space<vmem>>, vector<16xf32>,
    tpu.vector_store %arg20[%swap3A_3370], %mul3A_3369 {strides = array<i32>} : memref<512xf32, #tpu.memory_space<vmem>>, vector<16xf32>,
    %broadcast_in_dim3A_3372 = arith.constant 0.000000e+00 : f32
    %broadcast_in_dim3A_3373 = vector.broadcast %broadcast_in_dim3A_3372 : f32 to vector<16xf32>
    %mul3A_3374 = arith.constant 3 : i32
    %mul3A_3375 = vector.broadcast %mul3A_3374 : i32 to vector<16xi32>
    %mul3A_3376 = arith.muli %get3A_3274, %mul3A_3375 : vector<16xi32>
    %add3A_3377 = arith.constant 2 : i32
    %add3A_3378 = vector.broadcast %add3A_3377 : i32 to vector<16xi32>
    %add3A_3379 = arith.addi %mul3A_3376, %add3A_3378 : vector<16xi32>
    %gather3A_3380 = tpu.vector_load_idx %arg12[%add3A_3379] : memref<24576xf32, #tpu.memory_space<vmem>>[vector<16xi32>], vector<16xf32>,
    %mul3A_3381 = arith.mulf %div3A_3290, %gather3A_3380 : vector<16xf32>
    %add3A_3382 = arith.addf %broadcast_in_dim3A_3373, %mul3A_3381 : vector<16xf32>
    %mul3A_3383 = arith.constant 3 : i32
    %mul3A_3384 = vector.broadcast %mul3A_3383 : i32 to vector<16xi32>
    %mul3A_3385 = arith.muli %get3A_3276, %mul3A_3384 : vector<16xi32>
    %add3A_3386 = arith.constant 2 : i32
    %add3A_3387 = vector.broadcast %add3A_3386 : i32 to vector<16xi32>
    %add3A_3388 = arith.addi %mul3A_3385, %add3A_3387 : vector<16xi32>
    %gather3A_3389 = tpu.vector_load_idx %arg12[%add3A_3388] : memref<24576xf32, #tpu.memory_space<vmem>>[vector<16xi32>], vector<16xf32>,
    %mul3A_3390 = arith.mulf %div3A_3296, %gather3A_3389 : vector<16xf32>
    %add3A_3391 = arith.addf %add3A_3382, %mul3A_3390 : vector<16xf32>
    %mul3A_3392 = arith.constant 3 : i32
    %mul3A_3393 = vector.broadcast %mul3A_3392 : i32 to vector<16xi32>
    %mul3A_3394 = arith.muli %get3A_3278, %mul3A_3393 : vector<16xi32>
    %add3A_3395 = arith.constant 2 : i32
    %add3A_3396 = vector.broadcast %add3A_3395 : i32 to vector<16xi32>
    %add3A_3397 = arith.addi %mul3A_3394, %add3A_3396 : vector<16xi32>
    %gather3A_3398 = tpu.vector_load_idx %arg12[%add3A_3397] : memref<24576xf32, #tpu.memory_space<vmem>>[vector<16xi32>], vector<16xf32>,
    %mul3A_3399 = arith.mulf %div3A_3302, %gather3A_3398 : vector<16xf32>
    %add3A_3400 = arith.addf %add3A_3391, %mul3A_3399 : vector<16xf32>
    %mul3A_3401 = arith.mulf %add3A_3400, %div3A_3307 : vector<16xf32>
    %swap3A_3402 = arith.constant 400 : index
    %swap3A_3403 = tpu.vector_load %arg21[%swap3A_3402] {strides = array<i32>} : memref<512xf32, #tpu.memory_space<vmem>>, vector<16xf32>,
    tpu.vector_store %arg21[%swap3A_3402], %mul3A_3401 {strides = array<i32>} : memref<512xf32, #tpu.memory_space<vmem>>, vector<16xf32>,
    %get3A_3404 = arith.constant 416 : index
    %get3A_3405 = tpu.vector_load %arg13[%get3A_3404] {strides = array<i32>} : memref<512xi32, #tpu.memory_space<vmem>>, vector<16xi32>,
    %get3A_3406 = arith.constant 416 : index
    %get3A_3407 = tpu.vector_load %arg14[%get3A_3406] {strides = array<i32>} : memref<512xi32, #tpu.memory_space<vmem>>, vector<16xi32>,
    %get3A_3408 = arith.constant 416 : index
    %get3A_3409 = tpu.vector_load %arg15[%get3A_3408] {strides = array<i32>} : memref<512xi32, #tpu.memory_space<vmem>>, vector<16xi32>,
    %get3A_3410 = arith.constant 416 : index
    %get3A_3411 = tpu.vector_load %arg16[%get3A_3410] {strides = array<i32>} : memref<512xf32, #tpu.memory_space<vmem>>, vector<16xf32>,
    %get3A_3412 = arith.constant 416 : index
    %get3A_3413 = tpu.vector_load %arg17[%get3A_3412] {strides = array<i32>} : memref<512xf32, #tpu.memory_space<vmem>>, vector<16xf32>,
    %get3A_3414 = arith.constant 416 : index
    %get3A_3415 = tpu.vector_load %arg18[%get3A_3414] {strides = array<i32>} : memref<512xf32, #tpu.memory_space<vmem>>, vector<16xf32>,
    %add3A_3416 = arith.constant 9.99999993E-9 : f32
    %add3A_3417 = vector.broadcast %add3A_3416 : f32 to vector<16xf32>
    %add3A_3418 = arith.addf %get3A_3411, %add3A_3417 : vector<16xf32>
    %div3A_3419 = arith.constant 1.000000e+00 : f32
    %div3A_3420 = vector.broadcast %div3A_3419 : f32 to vector<16xf32>
    %div3A_3421 = arith.divf %div3A_3420, %add3A_3418 : vector<16xf32>
    %add3A_3422 = arith.constant 9.99999993E-9 : f32
    %add3A_3423 = vector.broadcast %add3A_3422 : f32 to vector<16xf32>
    %add3A_3424 = arith.addf %get3A_3413, %add3A_3423 : vector<16xf32>
    %div3A_3425 = arith.constant 1.000000e+00 : f32
    %div3A_3426 = vector.broadcast %div3A_3425 : f32 to vector<16xf32>
    %div3A_3427 = arith.divf %div3A_3426, %add3A_3424 : vector<16xf32>
    %add3A_3428 = arith.constant 9.99999993E-9 : f32
    %add3A_3429 = vector.broadcast %add3A_3428 : f32 to vector<16xf32>
    %add3A_3430 = arith.addf %get3A_3415, %add3A_3429 : vector<16xf32>
    %div3A_3431 = arith.constant 1.000000e+00 : f32
    %div3A_3432 = vector.broadcast %div3A_3431 : f32 to vector<16xf32>
    %div3A_3433 = arith.divf %div3A_3432, %add3A_3430 : vector<16xf32>
    %add3A_3434 = arith.addf %div3A_3421, %div3A_3427 : vector<16xf32>
    %add3A_3435 = arith.addf %add3A_3434, %div3A_3433 : vector<16xf32>
    %div3A_3436 = arith.constant 1.000000e+00 : f32
    %div3A_3437 = vector.broadcast %div3A_3436 : f32 to vector<16xf32>
    %div3A_3438 = arith.divf %div3A_3437, %add3A_3435 : vector<16xf32>
    %broadcast_in_dim3A_3439 = arith.constant 0.000000e+00 : f32
    %broadcast_in_dim3A_3440 = vector.broadcast %broadcast_in_dim3A_3439 : f32 to vector<16xf32>
    %mul3A_3441 = arith.constant 3 : i32
    %mul3A_3442 = vector.broadcast %mul3A_3441 : i32 to vector<16xi32>
    %mul3A_3443 = arith.muli %get3A_3405, %mul3A_3442 : vector<16xi32>
    %add3A_3444 = arith.constant 0 : i32
    %add3A_3445 = vector.broadcast %add3A_3444 : i32 to vector<16xi32>
    %add3A_3446 = arith.addi %mul3A_3443, %add3A_3445 : vector<16xi32>
    %gather3A_3447 = tpu.vector_load_idx %arg12[%add3A_3446] : memref<24576xf32, #tpu.memory_space<vmem>>[vector<16xi32>], vector<16xf32>,
    %mul3A_3448 = arith.mulf %div3A_3421, %gather3A_3447 : vector<16xf32>
    %add3A_3449 = arith.addf %broadcast_in_dim3A_3440, %mul3A_3448 : vector<16xf32>
    %mul3A_3450 = arith.constant 3 : i32
    %mul3A_3451 = vector.broadcast %mul3A_3450 : i32 to vector<16xi32>
    %mul3A_3452 = arith.muli %get3A_3407, %mul3A_3451 : vector<16xi32>
    %add3A_3453 = arith.constant 0 : i32
    %add3A_3454 = vector.broadcast %add3A_3453 : i32 to vector<16xi32>
    %add3A_3455 = arith.addi %mul3A_3452, %add3A_3454 : vector<16xi32>
    %gather3A_3456 = tpu.vector_load_idx %arg12[%add3A_3455] : memref<24576xf32, #tpu.memory_space<vmem>>[vector<16xi32>], vector<16xf32>,
    %mul3A_3457 = arith.mulf %div3A_3427, %gather3A_3456 : vector<16xf32>
    %add3A_3458 = arith.addf %add3A_3449, %mul3A_3457 : vector<16xf32>
    %mul3A_3459 = arith.constant 3 : i32
    %mul3A_3460 = vector.broadcast %mul3A_3459 : i32 to vector<16xi32>
    %mul3A_3461 = arith.muli %get3A_3409, %mul3A_3460 : vector<16xi32>
    %add3A_3462 = arith.constant 0 : i32
    %add3A_3463 = vector.broadcast %add3A_3462 : i32 to vector<16xi32>
    %add3A_3464 = arith.addi %mul3A_3461, %add3A_3463 : vector<16xi32>
    %gather3A_3465 = tpu.vector_load_idx %arg12[%add3A_3464] : memref<24576xf32, #tpu.memory_space<vmem>>[vector<16xi32>], vector<16xf32>,
    %mul3A_3466 = arith.mulf %div3A_3433, %gather3A_3465 : vector<16xf32>
    %add3A_3467 = arith.addf %add3A_3458, %mul3A_3466 : vector<16xf32>
    %mul3A_3468 = arith.mulf %add3A_3467, %div3A_3438 : vector<16xf32>
    %swap3A_3469 = arith.constant 416 : index
    %swap3A_3470 = tpu.vector_load %arg19[%swap3A_3469] {strides = array<i32>} : memref<512xf32, #tpu.memory_space<vmem>>, vector<16xf32>,
    tpu.vector_store %arg19[%swap3A_3469], %mul3A_3468 {strides = array<i32>} : memref<512xf32, #tpu.memory_space<vmem>>, vector<16xf32>,
    %broadcast_in_dim3A_3471 = arith.constant 0.000000e+00 : f32
    %broadcast_in_dim3A_3472 = vector.broadcast %broadcast_in_dim3A_3471 : f32 to vector<16xf32>
    %mul3A_3473 = arith.constant 3 : i32
    %mul3A_3474 = vector.broadcast %mul3A_3473 : i32 to vector<16xi32>
    %mul3A_3475 = arith.muli %get3A_3405, %mul3A_3474 : vector<16xi32>
    %add3A_3476 = arith.constant 1 : i32
    %add3A_3477 = vector.broadcast %add3A_3476 : i32 to vector<16xi32>
    %add3A_3478 = arith.addi %mul3A_3475, %add3A_3477 : vector<16xi32>
    %gather3A_3479 = tpu.vector_load_idx %arg12[%add3A_3478] : memref<24576xf32, #tpu.memory_space<vmem>>[vector<16xi32>], vector<16xf32>,
    %mul3A_3480 = arith.mulf %div3A_3421, %gather3A_3479 : vector<16xf32>
    %add3A_3481 = arith.addf %broadcast_in_dim3A_3472, %mul3A_3480 : vector<16xf32>
    %mul3A_3482 = arith.constant 3 : i32
    %mul3A_3483 = vector.broadcast %mul3A_3482 : i32 to vector<16xi32>
    %mul3A_3484 = arith.muli %get3A_3407, %mul3A_3483 : vector<16xi32>
    %add3A_3485 = arith.constant 1 : i32
    %add3A_3486 = vector.broadcast %add3A_3485 : i32 to vector<16xi32>
    %add3A_3487 = arith.addi %mul3A_3484, %add3A_3486 : vector<16xi32>
    %gather3A_3488 = tpu.vector_load_idx %arg12[%add3A_3487] : memref<24576xf32, #tpu.memory_space<vmem>>[vector<16xi32>], vector<16xf32>,
    %mul3A_3489 = arith.mulf %div3A_3427, %gather3A_3488 : vector<16xf32>
    %add3A_3490 = arith.addf %add3A_3481, %mul3A_3489 : vector<16xf32>
    %mul3A_3491 = arith.constant 3 : i32
    %mul3A_3492 = vector.broadcast %mul3A_3491 : i32 to vector<16xi32>
    %mul3A_3493 = arith.muli %get3A_3409, %mul3A_3492 : vector<16xi32>
    %add3A_3494 = arith.constant 1 : i32
    %add3A_3495 = vector.broadcast %add3A_3494 : i32 to vector<16xi32>
    %add3A_3496 = arith.addi %mul3A_3493, %add3A_3495 : vector<16xi32>
    %gather3A_3497 = tpu.vector_load_idx %arg12[%add3A_3496] : memref<24576xf32, #tpu.memory_space<vmem>>[vector<16xi32>], vector<16xf32>,
    %mul3A_3498 = arith.mulf %div3A_3433, %gather3A_3497 : vector<16xf32>
    %add3A_3499 = arith.addf %add3A_3490, %mul3A_3498 : vector<16xf32>
    %mul3A_3500 = arith.mulf %add3A_3499, %div3A_3438 : vector<16xf32>
    %swap3A_3501 = arith.constant 416 : index
    %swap3A_3502 = tpu.vector_load %arg20[%swap3A_3501] {strides = array<i32>} : memref<512xf32, #tpu.memory_space<vmem>>, vector<16xf32>,
    tpu.vector_store %arg20[%swap3A_3501], %mul3A_3500 {strides = array<i32>} : memref<512xf32, #tpu.memory_space<vmem>>, vector<16xf32>,
    %broadcast_in_dim3A_3503 = arith.constant 0.000000e+00 : f32
    %broadcast_in_dim3A_3504 = vector.broadcast %broadcast_in_dim3A_3503 : f32 to vector<16xf32>
    %mul3A_3505 = arith.constant 3 : i32
    %mul3A_3506 = vector.broadcast %mul3A_3505 : i32 to vector<16xi32>
    %mul3A_3507 = arith.muli %get3A_3405, %mul3A_3506 : vector<16xi32>
    %add3A_3508 = arith.constant 2 : i32
    %add3A_3509 = vector.broadcast %add3A_3508 : i32 to vector<16xi32>
    %add3A_3510 = arith.addi %mul3A_3507, %add3A_3509 : vector<16xi32>
    %gather3A_3511 = tpu.vector_load_idx %arg12[%add3A_3510] : memref<24576xf32, #tpu.memory_space<vmem>>[vector<16xi32>], vector<16xf32>,
    %mul3A_3512 = arith.mulf %div3A_3421, %gather3A_3511 : vector<16xf32>
    %add3A_3513 = arith.addf %broadcast_in_dim3A_3504, %mul3A_3512 : vector<16xf32>
    %mul3A_3514 = arith.constant 3 : i32
    %mul3A_3515 = vector.broadcast %mul3A_3514 : i32 to vector<16xi32>
    %mul3A_3516 = arith.muli %get3A_3407, %mul3A_3515 : vector<16xi32>
    %add3A_3517 = arith.constant 2 : i32
    %add3A_3518 = vector.broadcast %add3A_3517 : i32 to vector<16xi32>
    %add3A_3519 = arith.addi %mul3A_3516, %add3A_3518 : vector<16xi32>
    %gather3A_3520 = tpu.vector_load_idx %arg12[%add3A_3519] : memref<24576xf32, #tpu.memory_space<vmem>>[vector<16xi32>], vector<16xf32>,
    %mul3A_3521 = arith.mulf %div3A_3427, %gather3A_3520 : vector<16xf32>
    %add3A_3522 = arith.addf %add3A_3513, %mul3A_3521 : vector<16xf32>
    %mul3A_3523 = arith.constant 3 : i32
    %mul3A_3524 = vector.broadcast %mul3A_3523 : i32 to vector<16xi32>
    %mul3A_3525 = arith.muli %get3A_3409, %mul3A_3524 : vector<16xi32>
    %add3A_3526 = arith.constant 2 : i32
    %add3A_3527 = vector.broadcast %add3A_3526 : i32 to vector<16xi32>
    %add3A_3528 = arith.addi %mul3A_3525, %add3A_3527 : vector<16xi32>
    %gather3A_3529 = tpu.vector_load_idx %arg12[%add3A_3528] : memref<24576xf32, #tpu.memory_space<vmem>>[vector<16xi32>], vector<16xf32>,
    %mul3A_3530 = arith.mulf %div3A_3433, %gather3A_3529 : vector<16xf32>
    %add3A_3531 = arith.addf %add3A_3522, %mul3A_3530 : vector<16xf32>
    %mul3A_3532 = arith.mulf %add3A_3531, %div3A_3438 : vector<16xf32>
    %swap3A_3533 = arith.constant 416 : index
    %swap3A_3534 = tpu.vector_load %arg21[%swap3A_3533] {strides = array<i32>} : memref<512xf32, #tpu.memory_space<vmem>>, vector<16xf32>,
    tpu.vector_store %arg21[%swap3A_3533], %mul3A_3532 {strides = array<i32>} : memref<512xf32, #tpu.memory_space<vmem>>, vector<16xf32>,
    %get3A_3535 = arith.constant 432 : index
    %get3A_3536 = tpu.vector_load %arg13[%get3A_3535] {strides = array<i32>} : memref<512xi32, #tpu.memory_space<vmem>>, vector<16xi32>,
    %get3A_3537 = arith.constant 432 : index
    %get3A_3538 = tpu.vector_load %arg14[%get3A_3537] {strides = array<i32>} : memref<512xi32, #tpu.memory_space<vmem>>, vector<16xi32>,
    %get3A_3539 = arith.constant 432 : index
    %get3A_3540 = tpu.vector_load %arg15[%get3A_3539] {strides = array<i32>} : memref<512xi32, #tpu.memory_space<vmem>>, vector<16xi32>,
    %get3A_3541 = arith.constant 432 : index
    %get3A_3542 = tpu.vector_load %arg16[%get3A_3541] {strides = array<i32>} : memref<512xf32, #tpu.memory_space<vmem>>, vector<16xf32>,
    %get3A_3543 = arith.constant 432 : index
    %get3A_3544 = tpu.vector_load %arg17[%get3A_3543] {strides = array<i32>} : memref<512xf32, #tpu.memory_space<vmem>>, vector<16xf32>,
    %get3A_3545 = arith.constant 432 : index
    %get3A_3546 = tpu.vector_load %arg18[%get3A_3545] {strides = array<i32>} : memref<512xf32, #tpu.memory_space<vmem>>, vector<16xf32>,
    %add3A_3547 = arith.constant 9.99999993E-9 : f32
    %add3A_3548 = vector.broadcast %add3A_3547 : f32 to vector<16xf32>
    %add3A_3549 = arith.addf %get3A_3542, %add3A_3548 : vector<16xf32>
    %div3A_3550 = arith.constant 1.000000e+00 : f32
    %div3A_3551 = vector.broadcast %div3A_3550 : f32 to vector<16xf32>
    %div3A_3552 = arith.divf %div3A_3551, %add3A_3549 : vector<16xf32>
    %add3A_3553 = arith.constant 9.99999993E-9 : f32
    %add3A_3554 = vector.broadcast %add3A_3553 : f32 to vector<16xf32>
    %add3A_3555 = arith.addf %get3A_3544, %add3A_3554 : vector<16xf32>
    %div3A_3556 = arith.constant 1.000000e+00 : f32
    %div3A_3557 = vector.broadcast %div3A_3556 : f32 to vector<16xf32>
    %div3A_3558 = arith.divf %div3A_3557, %add3A_3555 : vector<16xf32>
    %add3A_3559 = arith.constant 9.99999993E-9 : f32
    %add3A_3560 = vector.broadcast %add3A_3559 : f32 to vector<16xf32>
    %add3A_3561 = arith.addf %get3A_3546, %add3A_3560 : vector<16xf32>
    %div3A_3562 = arith.constant 1.000000e+00 : f32
    %div3A_3563 = vector.broadcast %div3A_3562 : f32 to vector<16xf32>
    %div3A_3564 = arith.divf %div3A_3563, %add3A_3561 : vector<16xf32>
    %add3A_3565 = arith.addf %div3A_3552, %div3A_3558 : vector<16xf32>
    %add3A_3566 = arith.addf %add3A_3565, %div3A_3564 : vector<16xf32>
    %div3A_3567 = arith.constant 1.000000e+00 : f32
    %div3A_3568 = vector.broadcast %div3A_3567 : f32 to vector<16xf32>
    %div3A_3569 = arith.divf %div3A_3568, %add3A_3566 : vector<16xf32>
    %broadcast_in_dim3A_3570 = arith.constant 0.000000e+00 : f32
    %broadcast_in_dim3A_3571 = vector.broadcast %broadcast_in_dim3A_3570 : f32 to vector<16xf32>
    %mul3A_3572 = arith.constant 3 : i32
    %mul3A_3573 = vector.broadcast %mul3A_3572 : i32 to vector<16xi32>
    %mul3A_3574 = arith.muli %get3A_3536, %mul3A_3573 : vector<16xi32>
    %add3A_3575 = arith.constant 0 : i32
    %add3A_3576 = vector.broadcast %add3A_3575 : i32 to vector<16xi32>
    %add3A_3577 = arith.addi %mul3A_3574, %add3A_3576 : vector<16xi32>
    %gather3A_3578 = tpu.vector_load_idx %arg12[%add3A_3577] : memref<24576xf32, #tpu.memory_space<vmem>>[vector<16xi32>], vector<16xf32>,
    %mul3A_3579 = arith.mulf %div3A_3552, %gather3A_3578 : vector<16xf32>
    %add3A_3580 = arith.addf %broadcast_in_dim3A_3571, %mul3A_3579 : vector<16xf32>
    %mul3A_3581 = arith.constant 3 : i32
    %mul3A_3582 = vector.broadcast %mul3A_3581 : i32 to vector<16xi32>
    %mul3A_3583 = arith.muli %get3A_3538, %mul3A_3582 : vector<16xi32>
    %add3A_3584 = arith.constant 0 : i32
    %add3A_3585 = vector.broadcast %add3A_3584 : i32 to vector<16xi32>
    %add3A_3586 = arith.addi %mul3A_3583, %add3A_3585 : vector<16xi32>
    %gather3A_3587 = tpu.vector_load_idx %arg12[%add3A_3586] : memref<24576xf32, #tpu.memory_space<vmem>>[vector<16xi32>], vector<16xf32>,
    %mul3A_3588 = arith.mulf %div3A_3558, %gather3A_3587 : vector<16xf32>
    %add3A_3589 = arith.addf %add3A_3580, %mul3A_3588 : vector<16xf32>
    %mul3A_3590 = arith.constant 3 : i32
    %mul3A_3591 = vector.broadcast %mul3A_3590 : i32 to vector<16xi32>
    %mul3A_3592 = arith.muli %get3A_3540, %mul3A_3591 : vector<16xi32>
    %add3A_3593 = arith.constant 0 : i32
    %add3A_3594 = vector.broadcast %add3A_3593 : i32 to vector<16xi32>
    %add3A_3595 = arith.addi %mul3A_3592, %add3A_3594 : vector<16xi32>
    %gather3A_3596 = tpu.vector_load_idx %arg12[%add3A_3595] : memref<24576xf32, #tpu.memory_space<vmem>>[vector<16xi32>], vector<16xf32>,
    %mul3A_3597 = arith.mulf %div3A_3564, %gather3A_3596 : vector<16xf32>
    %add3A_3598 = arith.addf %add3A_3589, %mul3A_3597 : vector<16xf32>
    %mul3A_3599 = arith.mulf %add3A_3598, %div3A_3569 : vector<16xf32>
    %swap3A_3600 = arith.constant 432 : index
    %swap3A_3601 = tpu.vector_load %arg19[%swap3A_3600] {strides = array<i32>} : memref<512xf32, #tpu.memory_space<vmem>>, vector<16xf32>,
    tpu.vector_store %arg19[%swap3A_3600], %mul3A_3599 {strides = array<i32>} : memref<512xf32, #tpu.memory_space<vmem>>, vector<16xf32>,
    %broadcast_in_dim3A_3602 = arith.constant 0.000000e+00 : f32
    %broadcast_in_dim3A_3603 = vector.broadcast %broadcast_in_dim3A_3602 : f32 to vector<16xf32>
    %mul3A_3604 = arith.constant 3 : i32
    %mul3A_3605 = vector.broadcast %mul3A_3604 : i32 to vector<16xi32>
    %mul3A_3606 = arith.muli %get3A_3536, %mul3A_3605 : vector<16xi32>
    %add3A_3607 = arith.constant 1 : i32
    %add3A_3608 = vector.broadcast %add3A_3607 : i32 to vector<16xi32>
    %add3A_3609 = arith.addi %mul3A_3606, %add3A_3608 : vector<16xi32>
    %gather3A_3610 = tpu.vector_load_idx %arg12[%add3A_3609] : memref<24576xf32, #tpu.memory_space<vmem>>[vector<16xi32>], vector<16xf32>,
    %mul3A_3611 = arith.mulf %div3A_3552, %gather3A_3610 : vector<16xf32>
    %add3A_3612 = arith.addf %broadcast_in_dim3A_3603, %mul3A_3611 : vector<16xf32>
    %mul3A_3613 = arith.constant 3 : i32
    %mul3A_3614 = vector.broadcast %mul3A_3613 : i32 to vector<16xi32>
    %mul3A_3615 = arith.muli %get3A_3538, %mul3A_3614 : vector<16xi32>
    %add3A_3616 = arith.constant 1 : i32
    %add3A_3617 = vector.broadcast %add3A_3616 : i32 to vector<16xi32>
    %add3A_3618 = arith.addi %mul3A_3615, %add3A_3617 : vector<16xi32>
    %gather3A_3619 = tpu.vector_load_idx %arg12[%add3A_3618] : memref<24576xf32, #tpu.memory_space<vmem>>[vector<16xi32>], vector<16xf32>,
    %mul3A_3620 = arith.mulf %div3A_3558, %gather3A_3619 : vector<16xf32>
    %add3A_3621 = arith.addf %add3A_3612, %mul3A_3620 : vector<16xf32>
    %mul3A_3622 = arith.constant 3 : i32
    %mul3A_3623 = vector.broadcast %mul3A_3622 : i32 to vector<16xi32>
    %mul3A_3624 = arith.muli %get3A_3540, %mul3A_3623 : vector<16xi32>
    %add3A_3625 = arith.constant 1 : i32
    %add3A_3626 = vector.broadcast %add3A_3625 : i32 to vector<16xi32>
    %add3A_3627 = arith.addi %mul3A_3624, %add3A_3626 : vector<16xi32>
    %gather3A_3628 = tpu.vector_load_idx %arg12[%add3A_3627] : memref<24576xf32, #tpu.memory_space<vmem>>[vector<16xi32>], vector<16xf32>,
    %mul3A_3629 = arith.mulf %div3A_3564, %gather3A_3628 : vector<16xf32>
    %add3A_3630 = arith.addf %add3A_3621, %mul3A_3629 : vector<16xf32>
    %mul3A_3631 = arith.mulf %add3A_3630, %div3A_3569 : vector<16xf32>
    %swap3A_3632 = arith.constant 432 : index
    %swap3A_3633 = tpu.vector_load %arg20[%swap3A_3632] {strides = array<i32>} : memref<512xf32, #tpu.memory_space<vmem>>, vector<16xf32>,
    tpu.vector_store %arg20[%swap3A_3632], %mul3A_3631 {strides = array<i32>} : memref<512xf32, #tpu.memory_space<vmem>>, vector<16xf32>,
    %broadcast_in_dim3A_3634 = arith.constant 0.000000e+00 : f32
    %broadcast_in_dim3A_3635 = vector.broadcast %broadcast_in_dim3A_3634 : f32 to vector<16xf32>
    %mul3A_3636 = arith.constant 3 : i32
    %mul3A_3637 = vector.broadcast %mul3A_3636 : i32 to vector<16xi32>
    %mul3A_3638 = arith.muli %get3A_3536, %mul3A_3637 : vector<16xi32>
    %add3A_3639 = arith.constant 2 : i32
    %add3A_3640 = vector.broadcast %add3A_3639 : i32 to vector<16xi32>
    %add3A_3641 = arith.addi %mul3A_3638, %add3A_3640 : vector<16xi32>
    %gather3A_3642 = tpu.vector_load_idx %arg12[%add3A_3641] : memref<24576xf32, #tpu.memory_space<vmem>>[vector<16xi32>], vector<16xf32>,
    %mul3A_3643 = arith.mulf %div3A_3552, %gather3A_3642 : vector<16xf32>
    %add3A_3644 = arith.addf %broadcast_in_dim3A_3635, %mul3A_3643 : vector<16xf32>
    %mul3A_3645 = arith.constant 3 : i32
    %mul3A_3646 = vector.broadcast %mul3A_3645 : i32 to vector<16xi32>
    %mul3A_3647 = arith.muli %get3A_3538, %mul3A_3646 : vector<16xi32>
    %add3A_3648 = arith.constant 2 : i32
    %add3A_3649 = vector.broadcast %add3A_3648 : i32 to vector<16xi32>
    %add3A_3650 = arith.addi %mul3A_3647, %add3A_3649 : vector<16xi32>
    %gather3A_3651 = tpu.vector_load_idx %arg12[%add3A_3650] : memref<24576xf32, #tpu.memory_space<vmem>>[vector<16xi32>], vector<16xf32>,
    %mul3A_3652 = arith.mulf %div3A_3558, %gather3A_3651 : vector<16xf32>
    %add3A_3653 = arith.addf %add3A_3644, %mul3A_3652 : vector<16xf32>
    %mul3A_3654 = arith.constant 3 : i32
    %mul3A_3655 = vector.broadcast %mul3A_3654 : i32 to vector<16xi32>
    %mul3A_3656 = arith.muli %get3A_3540, %mul3A_3655 : vector<16xi32>
    %add3A_3657 = arith.constant 2 : i32
    %add3A_3658 = vector.broadcast %add3A_3657 : i32 to vector<16xi32>
    %add3A_3659 = arith.addi %mul3A_3656, %add3A_3658 : vector<16xi32>
    %gather3A_3660 = tpu.vector_load_idx %arg12[%add3A_3659] : memref<24576xf32, #tpu.memory_space<vmem>>[vector<16xi32>], vector<16xf32>,
    %mul3A_3661 = arith.mulf %div3A_3564, %gather3A_3660 : vector<16xf32>
    %add3A_3662 = arith.addf %add3A_3653, %mul3A_3661 : vector<16xf32>
    %mul3A_3663 = arith.mulf %add3A_3662, %div3A_3569 : vector<16xf32>
    %swap3A_3664 = arith.constant 432 : index
    %swap3A_3665 = tpu.vector_load %arg21[%swap3A_3664] {strides = array<i32>} : memref<512xf32, #tpu.memory_space<vmem>>, vector<16xf32>,
    tpu.vector_store %arg21[%swap3A_3664], %mul3A_3663 {strides = array<i32>} : memref<512xf32, #tpu.memory_space<vmem>>, vector<16xf32>,
    %get3A_3666 = arith.constant 448 : index
    %get3A_3667 = tpu.vector_load %arg13[%get3A_3666] {strides = array<i32>} : memref<512xi32, #tpu.memory_space<vmem>>, vector<16xi32>,
    %get3A_3668 = arith.constant 448 : index
    %get3A_3669 = tpu.vector_load %arg14[%get3A_3668] {strides = array<i32>} : memref<512xi32, #tpu.memory_space<vmem>>, vector<16xi32>,
    %get3A_3670 = arith.constant 448 : index
    %get3A_3671 = tpu.vector_load %arg15[%get3A_3670] {strides = array<i32>} : memref<512xi32, #tpu.memory_space<vmem>>, vector<16xi32>,
    %get3A_3672 = arith.constant 448 : index
    %get3A_3673 = tpu.vector_load %arg16[%get3A_3672] {strides = array<i32>} : memref<512xf32, #tpu.memory_space<vmem>>, vector<16xf32>,
    %get3A_3674 = arith.constant 448 : index
    %get3A_3675 = tpu.vector_load %arg17[%get3A_3674] {strides = array<i32>} : memref<512xf32, #tpu.memory_space<vmem>>, vector<16xf32>,
    %get3A_3676 = arith.constant 448 : index
    %get3A_3677 = tpu.vector_load %arg18[%get3A_3676] {strides = array<i32>} : memref<512xf32, #tpu.memory_space<vmem>>, vector<16xf32>,
    %add3A_3678 = arith.constant 9.99999993E-9 : f32
    %add3A_3679 = vector.broadcast %add3A_3678 : f32 to vector<16xf32>
    %add3A_3680 = arith.addf %get3A_3673, %add3A_3679 : vector<16xf32>
    %div3A_3681 = arith.constant 1.000000e+00 : f32
    %div3A_3682 = vector.broadcast %div3A_3681 : f32 to vector<16xf32>
    %div3A_3683 = arith.divf %div3A_3682, %add3A_3680 : vector<16xf32>
    %add3A_3684 = arith.constant 9.99999993E-9 : f32
    %add3A_3685 = vector.broadcast %add3A_3684 : f32 to vector<16xf32>
    %add3A_3686 = arith.addf %get3A_3675, %add3A_3685 : vector<16xf32>
    %div3A_3687 = arith.constant 1.000000e+00 : f32
    %div3A_3688 = vector.broadcast %div3A_3687 : f32 to vector<16xf32>
    %div3A_3689 = arith.divf %div3A_3688, %add3A_3686 : vector<16xf32>
    %add3A_3690 = arith.constant 9.99999993E-9 : f32
    %add3A_3691 = vector.broadcast %add3A_3690 : f32 to vector<16xf32>
    %add3A_3692 = arith.addf %get3A_3677, %add3A_3691 : vector<16xf32>
    %div3A_3693 = arith.constant 1.000000e+00 : f32
    %div3A_3694 = vector.broadcast %div3A_3693 : f32 to vector<16xf32>
    %div3A_3695 = arith.divf %div3A_3694, %add3A_3692 : vector<16xf32>
    %add3A_3696 = arith.addf %div3A_3683, %div3A_3689 : vector<16xf32>
    %add3A_3697 = arith.addf %add3A_3696, %div3A_3695 : vector<16xf32>
    %div3A_3698 = arith.constant 1.000000e+00 : f32
    %div3A_3699 = vector.broadcast %div3A_3698 : f32 to vector<16xf32>
    %div3A_3700 = arith.divf %div3A_3699, %add3A_3697 : vector<16xf32>
    %broadcast_in_dim3A_3701 = arith.constant 0.000000e+00 : f32
    %broadcast_in_dim3A_3702 = vector.broadcast %broadcast_in_dim3A_3701 : f32 to vector<16xf32>
    %mul3A_3703 = arith.constant 3 : i32
    %mul3A_3704 = vector.broadcast %mul3A_3703 : i32 to vector<16xi32>
    %mul3A_3705 = arith.muli %get3A_3667, %mul3A_3704 : vector<16xi32>
    %add3A_3706 = arith.constant 0 : i32
    %add3A_3707 = vector.broadcast %add3A_3706 : i32 to vector<16xi32>
    %add3A_3708 = arith.addi %mul3A_3705, %add3A_3707 : vector<16xi32>
    %gather3A_3709 = tpu.vector_load_idx %arg12[%add3A_3708] : memref<24576xf32, #tpu.memory_space<vmem>>[vector<16xi32>], vector<16xf32>,
    %mul3A_3710 = arith.mulf %div3A_3683, %gather3A_3709 : vector<16xf32>
    %add3A_3711 = arith.addf %broadcast_in_dim3A_3702, %mul3A_3710 : vector<16xf32>
    %mul3A_3712 = arith.constant 3 : i32
    %mul3A_3713 = vector.broadcast %mul3A_3712 : i32 to vector<16xi32>
    %mul3A_3714 = arith.muli %get3A_3669, %mul3A_3713 : vector<16xi32>
    %add3A_3715 = arith.constant 0 : i32
    %add3A_3716 = vector.broadcast %add3A_3715 : i32 to vector<16xi32>
    %add3A_3717 = arith.addi %mul3A_3714, %add3A_3716 : vector<16xi32>
    %gather3A_3718 = tpu.vector_load_idx %arg12[%add3A_3717] : memref<24576xf32, #tpu.memory_space<vmem>>[vector<16xi32>], vector<16xf32>,
    %mul3A_3719 = arith.mulf %div3A_3689, %gather3A_3718 : vector<16xf32>
    %add3A_3720 = arith.addf %add3A_3711, %mul3A_3719 : vector<16xf32>
    %mul3A_3721 = arith.constant 3 : i32
    %mul3A_3722 = vector.broadcast %mul3A_3721 : i32 to vector<16xi32>
    %mul3A_3723 = arith.muli %get3A_3671, %mul3A_3722 : vector<16xi32>
    %add3A_3724 = arith.constant 0 : i32
    %add3A_3725 = vector.broadcast %add3A_3724 : i32 to vector<16xi32>
    %add3A_3726 = arith.addi %mul3A_3723, %add3A_3725 : vector<16xi32>
    %gather3A_3727 = tpu.vector_load_idx %arg12[%add3A_3726] : memref<24576xf32, #tpu.memory_space<vmem>>[vector<16xi32>], vector<16xf32>,
    %mul3A_3728 = arith.mulf %div3A_3695, %gather3A_3727 : vector<16xf32>
    %add3A_3729 = arith.addf %add3A_3720, %mul3A_3728 : vector<16xf32>
    %mul3A_3730 = arith.mulf %add3A_3729, %div3A_3700 : vector<16xf32>
    %swap3A_3731 = arith.constant 448 : index
    %swap3A_3732 = tpu.vector_load %arg19[%swap3A_3731] {strides = array<i32>} : memref<512xf32, #tpu.memory_space<vmem>>, vector<16xf32>,
    tpu.vector_store %arg19[%swap3A_3731], %mul3A_3730 {strides = array<i32>} : memref<512xf32, #tpu.memory_space<vmem>>, vector<16xf32>,
    %broadcast_in_dim3A_3733 = arith.constant 0.000000e+00 : f32
    %broadcast_in_dim3A_3734 = vector.broadcast %broadcast_in_dim3A_3733 : f32 to vector<16xf32>
    %mul3A_3735 = arith.constant 3 : i32
    %mul3A_3736 = vector.broadcast %mul3A_3735 : i32 to vector<16xi32>
    %mul3A_3737 = arith.muli %get3A_3667, %mul3A_3736 : vector<16xi32>
    %add3A_3738 = arith.constant 1 : i32
    %add3A_3739 = vector.broadcast %add3A_3738 : i32 to vector<16xi32>
    %add3A_3740 = arith.addi %mul3A_3737, %add3A_3739 : vector<16xi32>
    %gather3A_3741 = tpu.vector_load_idx %arg12[%add3A_3740] : memref<24576xf32, #tpu.memory_space<vmem>>[vector<16xi32>], vector<16xf32>,
    %mul3A_3742 = arith.mulf %div3A_3683, %gather3A_3741 : vector<16xf32>
    %add3A_3743 = arith.addf %broadcast_in_dim3A_3734, %mul3A_3742 : vector<16xf32>
    %mul3A_3744 = arith.constant 3 : i32
    %mul3A_3745 = vector.broadcast %mul3A_3744 : i32 to vector<16xi32>
    %mul3A_3746 = arith.muli %get3A_3669, %mul3A_3745 : vector<16xi32>
    %add3A_3747 = arith.constant 1 : i32
    %add3A_3748 = vector.broadcast %add3A_3747 : i32 to vector<16xi32>
    %add3A_3749 = arith.addi %mul3A_3746, %add3A_3748 : vector<16xi32>
    %gather3A_3750 = tpu.vector_load_idx %arg12[%add3A_3749] : memref<24576xf32, #tpu.memory_space<vmem>>[vector<16xi32>], vector<16xf32>,
    %mul3A_3751 = arith.mulf %div3A_3689, %gather3A_3750 : vector<16xf32>
    %add3A_3752 = arith.addf %add3A_3743, %mul3A_3751 : vector<16xf32>
    %mul3A_3753 = arith.constant 3 : i32
    %mul3A_3754 = vector.broadcast %mul3A_3753 : i32 to vector<16xi32>
    %mul3A_3755 = arith.muli %get3A_3671, %mul3A_3754 : vector<16xi32>
    %add3A_3756 = arith.constant 1 : i32
    %add3A_3757 = vector.broadcast %add3A_3756 : i32 to vector<16xi32>
    %add3A_3758 = arith.addi %mul3A_3755, %add3A_3757 : vector<16xi32>
    %gather3A_3759 = tpu.vector_load_idx %arg12[%add3A_3758] : memref<24576xf32, #tpu.memory_space<vmem>>[vector<16xi32>], vector<16xf32>,
    %mul3A_3760 = arith.mulf %div3A_3695, %gather3A_3759 : vector<16xf32>
    %add3A_3761 = arith.addf %add3A_3752, %mul3A_3760 : vector<16xf32>
    %mul3A_3762 = arith.mulf %add3A_3761, %div3A_3700 : vector<16xf32>
    %swap3A_3763 = arith.constant 448 : index
    %swap3A_3764 = tpu.vector_load %arg20[%swap3A_3763] {strides = array<i32>} : memref<512xf32, #tpu.memory_space<vmem>>, vector<16xf32>,
    tpu.vector_store %arg20[%swap3A_3763], %mul3A_3762 {strides = array<i32>} : memref<512xf32, #tpu.memory_space<vmem>>, vector<16xf32>,
    %broadcast_in_dim3A_3765 = arith.constant 0.000000e+00 : f32
    %broadcast_in_dim3A_3766 = vector.broadcast %broadcast_in_dim3A_3765 : f32 to vector<16xf32>
    %mul3A_3767 = arith.constant 3 : i32
    %mul3A_3768 = vector.broadcast %mul3A_3767 : i32 to vector<16xi32>
    %mul3A_3769 = arith.muli %get3A_3667, %mul3A_3768 : vector<16xi32>
    %add3A_3770 = arith.constant 2 : i32
    %add3A_3771 = vector.broadcast %add3A_3770 : i32 to vector<16xi32>
    %add3A_3772 = arith.addi %mul3A_3769, %add3A_3771 : vector<16xi32>
    %gather3A_3773 = tpu.vector_load_idx %arg12[%add3A_3772] : memref<24576xf32, #tpu.memory_space<vmem>>[vector<16xi32>], vector<16xf32>,
    %mul3A_3774 = arith.mulf %div3A_3683, %gather3A_3773 : vector<16xf32>
    %add3A_3775 = arith.addf %broadcast_in_dim3A_3766, %mul3A_3774 : vector<16xf32>
    %mul3A_3776 = arith.constant 3 : i32
    %mul3A_3777 = vector.broadcast %mul3A_3776 : i32 to vector<16xi32>
    %mul3A_3778 = arith.muli %get3A_3669, %mul3A_3777 : vector<16xi32>
    %add3A_3779 = arith.constant 2 : i32
    %add3A_3780 = vector.broadcast %add3A_3779 : i32 to vector<16xi32>
    %add3A_3781 = arith.addi %mul3A_3778, %add3A_3780 : vector<16xi32>
    %gather3A_3782 = tpu.vector_load_idx %arg12[%add3A_3781] : memref<24576xf32, #tpu.memory_space<vmem>>[vector<16xi32>], vector<16xf32>,
    %mul3A_3783 = arith.mulf %div3A_3689, %gather3A_3782 : vector<16xf32>
    %add3A_3784 = arith.addf %add3A_3775, %mul3A_3783 : vector<16xf32>
    %mul3A_3785 = arith.constant 3 : i32
    %mul3A_3786 = vector.broadcast %mul3A_3785 : i32 to vector<16xi32>
    %mul3A_3787 = arith.muli %get3A_3671, %mul3A_3786 : vector<16xi32>
    %add3A_3788 = arith.constant 2 : i32
    %add3A_3789 = vector.broadcast %add3A_3788 : i32 to vector<16xi32>
    %add3A_3790 = arith.addi %mul3A_3787, %add3A_3789 : vector<16xi32>
    %gather3A_3791 = tpu.vector_load_idx %arg12[%add3A_3790] : memref<24576xf32, #tpu.memory_space<vmem>>[vector<16xi32>], vector<16xf32>,
    %mul3A_3792 = arith.mulf %div3A_3695, %gather3A_3791 : vector<16xf32>
    %add3A_3793 = arith.addf %add3A_3784, %mul3A_3792 : vector<16xf32>
    %mul3A_3794 = arith.mulf %add3A_3793, %div3A_3700 : vector<16xf32>
    %swap3A_3795 = arith.constant 448 : index
    %swap3A_3796 = tpu.vector_load %arg21[%swap3A_3795] {strides = array<i32>} : memref<512xf32, #tpu.memory_space<vmem>>, vector<16xf32>,
    tpu.vector_store %arg21[%swap3A_3795], %mul3A_3794 {strides = array<i32>} : memref<512xf32, #tpu.memory_space<vmem>>, vector<16xf32>,
    %get3A_3797 = arith.constant 464 : index
    %get3A_3798 = tpu.vector_load %arg13[%get3A_3797] {strides = array<i32>} : memref<512xi32, #tpu.memory_space<vmem>>, vector<16xi32>,
    %get3A_3799 = arith.constant 464 : index
    %get3A_3800 = tpu.vector_load %arg14[%get3A_3799] {strides = array<i32>} : memref<512xi32, #tpu.memory_space<vmem>>, vector<16xi32>,
    %get3A_3801 = arith.constant 464 : index
    %get3A_3802 = tpu.vector_load %arg15[%get3A_3801] {strides = array<i32>} : memref<512xi32, #tpu.memory_space<vmem>>, vector<16xi32>,
    %get3A_3803 = arith.constant 464 : index
    %get3A_3804 = tpu.vector_load %arg16[%get3A_3803] {strides = array<i32>} : memref<512xf32, #tpu.memory_space<vmem>>, vector<16xf32>,
    %get3A_3805 = arith.constant 464 : index
    %get3A_3806 = tpu.vector_load %arg17[%get3A_3805] {strides = array<i32>} : memref<512xf32, #tpu.memory_space<vmem>>, vector<16xf32>,
    %get3A_3807 = arith.constant 464 : index
    %get3A_3808 = tpu.vector_load %arg18[%get3A_3807] {strides = array<i32>} : memref<512xf32, #tpu.memory_space<vmem>>, vector<16xf32>,
    %add3A_3809 = arith.constant 9.99999993E-9 : f32
    %add3A_3810 = vector.broadcast %add3A_3809 : f32 to vector<16xf32>
    %add3A_3811 = arith.addf %get3A_3804, %add3A_3810 : vector<16xf32>
    %div3A_3812 = arith.constant 1.000000e+00 : f32
    %div3A_3813 = vector.broadcast %div3A_3812 : f32 to vector<16xf32>
    %div3A_3814 = arith.divf %div3A_3813, %add3A_3811 : vector<16xf32>
    %add3A_3815 = arith.constant 9.99999993E-9 : f32
    %add3A_3816 = vector.broadcast %add3A_3815 : f32 to vector<16xf32>
    %add3A_3817 = arith.addf %get3A_3806, %add3A_3816 : vector<16xf32>
    %div3A_3818 = arith.constant 1.000000e+00 : f32
    %div3A_3819 = vector.broadcast %div3A_3818 : f32 to vector<16xf32>
    %div3A_3820 = arith.divf %div3A_3819, %add3A_3817 : vector<16xf32>
    %add3A_3821 = arith.constant 9.99999993E-9 : f32
    %add3A_3822 = vector.broadcast %add3A_3821 : f32 to vector<16xf32>
    %add3A_3823 = arith.addf %get3A_3808, %add3A_3822 : vector<16xf32>
    %div3A_3824 = arith.constant 1.000000e+00 : f32
    %div3A_3825 = vector.broadcast %div3A_3824 : f32 to vector<16xf32>
    %div3A_3826 = arith.divf %div3A_3825, %add3A_3823 : vector<16xf32>
    %add3A_3827 = arith.addf %div3A_3814, %div3A_3820 : vector<16xf32>
    %add3A_3828 = arith.addf %add3A_3827, %div3A_3826 : vector<16xf32>
    %div3A_3829 = arith.constant 1.000000e+00 : f32
    %div3A_3830 = vector.broadcast %div3A_3829 : f32 to vector<16xf32>
    %div3A_3831 = arith.divf %div3A_3830, %add3A_3828 : vector<16xf32>
    %broadcast_in_dim3A_3832 = arith.constant 0.000000e+00 : f32
    %broadcast_in_dim3A_3833 = vector.broadcast %broadcast_in_dim3A_3832 : f32 to vector<16xf32>
    %mul3A_3834 = arith.constant 3 : i32
    %mul3A_3835 = vector.broadcast %mul3A_3834 : i32 to vector<16xi32>
    %mul3A_3836 = arith.muli %get3A_3798, %mul3A_3835 : vector<16xi32>
    %add3A_3837 = arith.constant 0 : i32
    %add3A_3838 = vector.broadcast %add3A_3837 : i32 to vector<16xi32>
    %add3A_3839 = arith.addi %mul3A_3836, %add3A_3838 : vector<16xi32>
    %gather3A_3840 = tpu.vector_load_idx %arg12[%add3A_3839] : memref<24576xf32, #tpu.memory_space<vmem>>[vector<16xi32>], vector<16xf32>,
    %mul3A_3841 = arith.mulf %div3A_3814, %gather3A_3840 : vector<16xf32>
    %add3A_3842 = arith.addf %broadcast_in_dim3A_3833, %mul3A_3841 : vector<16xf32>
    %mul3A_3843 = arith.constant 3 : i32
    %mul3A_3844 = vector.broadcast %mul3A_3843 : i32 to vector<16xi32>
    %mul3A_3845 = arith.muli %get3A_3800, %mul3A_3844 : vector<16xi32>
    %add3A_3846 = arith.constant 0 : i32
    %add3A_3847 = vector.broadcast %add3A_3846 : i32 to vector<16xi32>
    %add3A_3848 = arith.addi %mul3A_3845, %add3A_3847 : vector<16xi32>
    %gather3A_3849 = tpu.vector_load_idx %arg12[%add3A_3848] : memref<24576xf32, #tpu.memory_space<vmem>>[vector<16xi32>], vector<16xf32>,
    %mul3A_3850 = arith.mulf %div3A_3820, %gather3A_3849 : vector<16xf32>
    %add3A_3851 = arith.addf %add3A_3842, %mul3A_3850 : vector<16xf32>
    %mul3A_3852 = arith.constant 3 : i32
    %mul3A_3853 = vector.broadcast %mul3A_3852 : i32 to vector<16xi32>
    %mul3A_3854 = arith.muli %get3A_3802, %mul3A_3853 : vector<16xi32>
    %add3A_3855 = arith.constant 0 : i32
    %add3A_3856 = vector.broadcast %add3A_3855 : i32 to vector<16xi32>
    %add3A_3857 = arith.addi %mul3A_3854, %add3A_3856 : vector<16xi32>
    %gather3A_3858 = tpu.vector_load_idx %arg12[%add3A_3857] : memref<24576xf32, #tpu.memory_space<vmem>>[vector<16xi32>], vector<16xf32>,
    %mul3A_3859 = arith.mulf %div3A_3826, %gather3A_3858 : vector<16xf32>
    %add3A_3860 = arith.addf %add3A_3851, %mul3A_3859 : vector<16xf32>
    %mul3A_3861 = arith.mulf %add3A_3860, %div3A_3831 : vector<16xf32>
    %swap3A_3862 = arith.constant 464 : index
    %swap3A_3863 = tpu.vector_load %arg19[%swap3A_3862] {strides = array<i32>} : memref<512xf32, #tpu.memory_space<vmem>>, vector<16xf32>,
    tpu.vector_store %arg19[%swap3A_3862], %mul3A_3861 {strides = array<i32>} : memref<512xf32, #tpu.memory_space<vmem>>, vector<16xf32>,
    %broadcast_in_dim3A_3864 = arith.constant 0.000000e+00 : f32
    %broadcast_in_dim3A_3865 = vector.broadcast %broadcast_in_dim3A_3864 : f32 to vector<16xf32>
    %mul3A_3866 = arith.constant 3 : i32
    %mul3A_3867 = vector.broadcast %mul3A_3866 : i32 to vector<16xi32>
    %mul3A_3868 = arith.muli %get3A_3798, %mul3A_3867 : vector<16xi32>
    %add3A_3869 = arith.constant 1 : i32
    %add3A_3870 = vector.broadcast %add3A_3869 : i32 to vector<16xi32>
    %add3A_3871 = arith.addi %mul3A_3868, %add3A_3870 : vector<16xi32>
    %gather3A_3872 = tpu.vector_load_idx %arg12[%add3A_3871] : memref<24576xf32, #tpu.memory_space<vmem>>[vector<16xi32>], vector<16xf32>,
    %mul3A_3873 = arith.mulf %div3A_3814, %gather3A_3872 : vector<16xf32>
    %add3A_3874 = arith.addf %broadcast_in_dim3A_3865, %mul3A_3873 : vector<16xf32>
    %mul3A_3875 = arith.constant 3 : i32
    %mul3A_3876 = vector.broadcast %mul3A_3875 : i32 to vector<16xi32>
    %mul3A_3877 = arith.muli %get3A_3800, %mul3A_3876 : vector<16xi32>
    %add3A_3878 = arith.constant 1 : i32
    %add3A_3879 = vector.broadcast %add3A_3878 : i32 to vector<16xi32>
    %add3A_3880 = arith.addi %mul3A_3877, %add3A_3879 : vector<16xi32>
    %gather3A_3881 = tpu.vector_load_idx %arg12[%add3A_3880] : memref<24576xf32, #tpu.memory_space<vmem>>[vector<16xi32>], vector<16xf32>,
    %mul3A_3882 = arith.mulf %div3A_3820, %gather3A_3881 : vector<16xf32>
    %add3A_3883 = arith.addf %add3A_3874, %mul3A_3882 : vector<16xf32>
    %mul3A_3884 = arith.constant 3 : i32
    %mul3A_3885 = vector.broadcast %mul3A_3884 : i32 to vector<16xi32>
    %mul3A_3886 = arith.muli %get3A_3802, %mul3A_3885 : vector<16xi32>
    %add3A_3887 = arith.constant 1 : i32
    %add3A_3888 = vector.broadcast %add3A_3887 : i32 to vector<16xi32>
    %add3A_3889 = arith.addi %mul3A_3886, %add3A_3888 : vector<16xi32>
    %gather3A_3890 = tpu.vector_load_idx %arg12[%add3A_3889] : memref<24576xf32, #tpu.memory_space<vmem>>[vector<16xi32>], vector<16xf32>,
    %mul3A_3891 = arith.mulf %div3A_3826, %gather3A_3890 : vector<16xf32>
    %add3A_3892 = arith.addf %add3A_3883, %mul3A_3891 : vector<16xf32>
    %mul3A_3893 = arith.mulf %add3A_3892, %div3A_3831 : vector<16xf32>
    %swap3A_3894 = arith.constant 464 : index
    %swap3A_3895 = tpu.vector_load %arg20[%swap3A_3894] {strides = array<i32>} : memref<512xf32, #tpu.memory_space<vmem>>, vector<16xf32>,
    tpu.vector_store %arg20[%swap3A_3894], %mul3A_3893 {strides = array<i32>} : memref<512xf32, #tpu.memory_space<vmem>>, vector<16xf32>,
    %broadcast_in_dim3A_3896 = arith.constant 0.000000e+00 : f32
    %broadcast_in_dim3A_3897 = vector.broadcast %broadcast_in_dim3A_3896 : f32 to vector<16xf32>
    %mul3A_3898 = arith.constant 3 : i32
    %mul3A_3899 = vector.broadcast %mul3A_3898 : i32 to vector<16xi32>
    %mul3A_3900 = arith.muli %get3A_3798, %mul3A_3899 : vector<16xi32>
    %add3A_3901 = arith.constant 2 : i32
    %add3A_3902 = vector.broadcast %add3A_3901 : i32 to vector<16xi32>
    %add3A_3903 = arith.addi %mul3A_3900, %add3A_3902 : vector<16xi32>
    %gather3A_3904 = tpu.vector_load_idx %arg12[%add3A_3903] : memref<24576xf32, #tpu.memory_space<vmem>>[vector<16xi32>], vector<16xf32>,
    %mul3A_3905 = arith.mulf %div3A_3814, %gather3A_3904 : vector<16xf32>
    %add3A_3906 = arith.addf %broadcast_in_dim3A_3897, %mul3A_3905 : vector<16xf32>
    %mul3A_3907 = arith.constant 3 : i32
    %mul3A_3908 = vector.broadcast %mul3A_3907 : i32 to vector<16xi32>
    %mul3A_3909 = arith.muli %get3A_3800, %mul3A_3908 : vector<16xi32>
    %add3A_3910 = arith.constant 2 : i32
    %add3A_3911 = vector.broadcast %add3A_3910 : i32 to vector<16xi32>
    %add3A_3912 = arith.addi %mul3A_3909, %add3A_3911 : vector<16xi32>
    %gather3A_3913 = tpu.vector_load_idx %arg12[%add3A_3912] : memref<24576xf32, #tpu.memory_space<vmem>>[vector<16xi32>], vector<16xf32>,
    %mul3A_3914 = arith.mulf %div3A_3820, %gather3A_3913 : vector<16xf32>
    %add3A_3915 = arith.addf %add3A_3906, %mul3A_3914 : vector<16xf32>
    %mul3A_3916 = arith.constant 3 : i32
    %mul3A_3917 = vector.broadcast %mul3A_3916 : i32 to vector<16xi32>
    %mul3A_3918 = arith.muli %get3A_3802, %mul3A_3917 : vector<16xi32>
    %add3A_3919 = arith.constant 2 : i32
    %add3A_3920 = vector.broadcast %add3A_3919 : i32 to vector<16xi32>
    %add3A_3921 = arith.addi %mul3A_3918, %add3A_3920 : vector<16xi32>
    %gather3A_3922 = tpu.vector_load_idx %arg12[%add3A_3921] : memref<24576xf32, #tpu.memory_space<vmem>>[vector<16xi32>], vector<16xf32>,
    %mul3A_3923 = arith.mulf %div3A_3826, %gather3A_3922 : vector<16xf32>
    %add3A_3924 = arith.addf %add3A_3915, %mul3A_3923 : vector<16xf32>
    %mul3A_3925 = arith.mulf %add3A_3924, %div3A_3831 : vector<16xf32>
    %swap3A_3926 = arith.constant 464 : index
    %swap3A_3927 = tpu.vector_load %arg21[%swap3A_3926] {strides = array<i32>} : memref<512xf32, #tpu.memory_space<vmem>>, vector<16xf32>,
    tpu.vector_store %arg21[%swap3A_3926], %mul3A_3925 {strides = array<i32>} : memref<512xf32, #tpu.memory_space<vmem>>, vector<16xf32>,
    %get3A_3928 = arith.constant 480 : index
    %get3A_3929 = tpu.vector_load %arg13[%get3A_3928] {strides = array<i32>} : memref<512xi32, #tpu.memory_space<vmem>>, vector<16xi32>,
    %get3A_3930 = arith.constant 480 : index
    %get3A_3931 = tpu.vector_load %arg14[%get3A_3930] {strides = array<i32>} : memref<512xi32, #tpu.memory_space<vmem>>, vector<16xi32>,
    %get3A_3932 = arith.constant 480 : index
    %get3A_3933 = tpu.vector_load %arg15[%get3A_3932] {strides = array<i32>} : memref<512xi32, #tpu.memory_space<vmem>>, vector<16xi32>,
    %get3A_3934 = arith.constant 480 : index
    %get3A_3935 = tpu.vector_load %arg16[%get3A_3934] {strides = array<i32>} : memref<512xf32, #tpu.memory_space<vmem>>, vector<16xf32>,
    %get3A_3936 = arith.constant 480 : index
    %get3A_3937 = tpu.vector_load %arg17[%get3A_3936] {strides = array<i32>} : memref<512xf32, #tpu.memory_space<vmem>>, vector<16xf32>,
    %get3A_3938 = arith.constant 480 : index
    %get3A_3939 = tpu.vector_load %arg18[%get3A_3938] {strides = array<i32>} : memref<512xf32, #tpu.memory_space<vmem>>, vector<16xf32>,
    %add3A_3940 = arith.constant 9.99999993E-9 : f32
    %add3A_3941 = vector.broadcast %add3A_3940 : f32 to vector<16xf32>
    %add3A_3942 = arith.addf %get3A_3935, %add3A_3941 : vector<16xf32>
    %div3A_3943 = arith.constant 1.000000e+00 : f32
    %div3A_3944 = vector.broadcast %div3A_3943 : f32 to vector<16xf32>
    %div3A_3945 = arith.divf %div3A_3944, %add3A_3942 : vector<16xf32>
    %add3A_3946 = arith.constant 9.99999993E-9 : f32
    %add3A_3947 = vector.broadcast %add3A_3946 : f32 to vector<16xf32>
    %add3A_3948 = arith.addf %get3A_3937, %add3A_3947 : vector<16xf32>
    %div3A_3949 = arith.constant 1.000000e+00 : f32
    %div3A_3950 = vector.broadcast %div3A_3949 : f32 to vector<16xf32>
    %div3A_3951 = arith.divf %div3A_3950, %add3A_3948 : vector<16xf32>
    %add3A_3952 = arith.constant 9.99999993E-9 : f32
    %add3A_3953 = vector.broadcast %add3A_3952 : f32 to vector<16xf32>
    %add3A_3954 = arith.addf %get3A_3939, %add3A_3953 : vector<16xf32>
    %div3A_3955 = arith.constant 1.000000e+00 : f32
    %div3A_3956 = vector.broadcast %div3A_3955 : f32 to vector<16xf32>
    %div3A_3957 = arith.divf %div3A_3956, %add3A_3954 : vector<16xf32>
    %add3A_3958 = arith.addf %div3A_3945, %div3A_3951 : vector<16xf32>
    %add3A_3959 = arith.addf %add3A_3958, %div3A_3957 : vector<16xf32>
    %div3A_3960 = arith.constant 1.000000e+00 : f32
    %div3A_3961 = vector.broadcast %div3A_3960 : f32 to vector<16xf32>
    %div3A_3962 = arith.divf %div3A_3961, %add3A_3959 : vector<16xf32>
    %broadcast_in_dim3A_3963 = arith.constant 0.000000e+00 : f32
    %broadcast_in_dim3A_3964 = vector.broadcast %broadcast_in_dim3A_3963 : f32 to vector<16xf32>
    %mul3A_3965 = arith.constant 3 : i32
    %mul3A_3966 = vector.broadcast %mul3A_3965 : i32 to vector<16xi32>
    %mul3A_3967 = arith.muli %get3A_3929, %mul3A_3966 : vector<16xi32>
    %add3A_3968 = arith.constant 0 : i32
    %add3A_3969 = vector.broadcast %add3A_3968 : i32 to vector<16xi32>
    %add3A_3970 = arith.addi %mul3A_3967, %add3A_3969 : vector<16xi32>
    %gather3A_3971 = tpu.vector_load_idx %arg12[%add3A_3970] : memref<24576xf32, #tpu.memory_space<vmem>>[vector<16xi32>], vector<16xf32>,
    %mul3A_3972 = arith.mulf %div3A_3945, %gather3A_3971 : vector<16xf32>
    %add3A_3973 = arith.addf %broadcast_in_dim3A_3964, %mul3A_3972 : vector<16xf32>
    %mul3A_3974 = arith.constant 3 : i32
    %mul3A_3975 = vector.broadcast %mul3A_3974 : i32 to vector<16xi32>
    %mul3A_3976 = arith.muli %get3A_3931, %mul3A_3975 : vector<16xi32>
    %add3A_3977 = arith.constant 0 : i32
    %add3A_3978 = vector.broadcast %add3A_3977 : i32 to vector<16xi32>
    %add3A_3979 = arith.addi %mul3A_3976, %add3A_3978 : vector<16xi32>
    %gather3A_3980 = tpu.vector_load_idx %arg12[%add3A_3979] : memref<24576xf32, #tpu.memory_space<vmem>>[vector<16xi32>], vector<16xf32>,
    %mul3A_3981 = arith.mulf %div3A_3951, %gather3A_3980 : vector<16xf32>
    %add3A_3982 = arith.addf %add3A_3973, %mul3A_3981 : vector<16xf32>
    %mul3A_3983 = arith.constant 3 : i32
    %mul3A_3984 = vector.broadcast %mul3A_3983 : i32 to vector<16xi32>
    %mul3A_3985 = arith.muli %get3A_3933, %mul3A_3984 : vector<16xi32>
    %add3A_3986 = arith.constant 0 : i32
    %add3A_3987 = vector.broadcast %add3A_3986 : i32 to vector<16xi32>
    %add3A_3988 = arith.addi %mul3A_3985, %add3A_3987 : vector<16xi32>
    %gather3A_3989 = tpu.vector_load_idx %arg12[%add3A_3988] : memref<24576xf32, #tpu.memory_space<vmem>>[vector<16xi32>], vector<16xf32>,
    %mul3A_3990 = arith.mulf %div3A_3957, %gather3A_3989 : vector<16xf32>
    %add3A_3991 = arith.addf %add3A_3982, %mul3A_3990 : vector<16xf32>
    %mul3A_3992 = arith.mulf %add3A_3991, %div3A_3962 : vector<16xf32>
    %swap3A_3993 = arith.constant 480 : index
    %swap3A_3994 = tpu.vector_load %arg19[%swap3A_3993] {strides = array<i32>} : memref<512xf32, #tpu.memory_space<vmem>>, vector<16xf32>,
    tpu.vector_store %arg19[%swap3A_3993], %mul3A_3992 {strides = array<i32>} : memref<512xf32, #tpu.memory_space<vmem>>, vector<16xf32>,
    %broadcast_in_dim3A_3995 = arith.constant 0.000000e+00 : f32
    %broadcast_in_dim3A_3996 = vector.broadcast %broadcast_in_dim3A_3995 : f32 to vector<16xf32>
    %mul3A_3997 = arith.constant 3 : i32
    %mul3A_3998 = vector.broadcast %mul3A_3997 : i32 to vector<16xi32>
    %mul3A_3999 = arith.muli %get3A_3929, %mul3A_3998 : vector<16xi32>
    %add3A_4000 = arith.constant 1 : i32
    %add3A_4001 = vector.broadcast %add3A_4000 : i32 to vector<16xi32>
    %add3A_4002 = arith.addi %mul3A_3999, %add3A_4001 : vector<16xi32>
    %gather3A_4003 = tpu.vector_load_idx %arg12[%add3A_4002] : memref<24576xf32, #tpu.memory_space<vmem>>[vector<16xi32>], vector<16xf32>,
    %mul3A_4004 = arith.mulf %div3A_3945, %gather3A_4003 : vector<16xf32>
    %add3A_4005 = arith.addf %broadcast_in_dim3A_3996, %mul3A_4004 : vector<16xf32>
    %mul3A_4006 = arith.constant 3 : i32
    %mul3A_4007 = vector.broadcast %mul3A_4006 : i32 to vector<16xi32>
    %mul3A_4008 = arith.muli %get3A_3931, %mul3A_4007 : vector<16xi32>
    %add3A_4009 = arith.constant 1 : i32
    %add3A_4010 = vector.broadcast %add3A_4009 : i32 to vector<16xi32>
    %add3A_4011 = arith.addi %mul3A_4008, %add3A_4010 : vector<16xi32>
    %gather3A_4012 = tpu.vector_load_idx %arg12[%add3A_4011] : memref<24576xf32, #tpu.memory_space<vmem>>[vector<16xi32>], vector<16xf32>,
    %mul3A_4013 = arith.mulf %div3A_3951, %gather3A_4012 : vector<16xf32>
    %add3A_4014 = arith.addf %add3A_4005, %mul3A_4013 : vector<16xf32>
    %mul3A_4015 = arith.constant 3 : i32
    %mul3A_4016 = vector.broadcast %mul3A_4015 : i32 to vector<16xi32>
    %mul3A_4017 = arith.muli %get3A_3933, %mul3A_4016 : vector<16xi32>
    %add3A_4018 = arith.constant 1 : i32
    %add3A_4019 = vector.broadcast %add3A_4018 : i32 to vector<16xi32>
    %add3A_4020 = arith.addi %mul3A_4017, %add3A_4019 : vector<16xi32>
    %gather3A_4021 = tpu.vector_load_idx %arg12[%add3A_4020] : memref<24576xf32, #tpu.memory_space<vmem>>[vector<16xi32>], vector<16xf32>,
    %mul3A_4022 = arith.mulf %div3A_3957, %gather3A_4021 : vector<16xf32>
    %add3A_4023 = arith.addf %add3A_4014, %mul3A_4022 : vector<16xf32>
    %mul3A_4024 = arith.mulf %add3A_4023, %div3A_3962 : vector<16xf32>
    %swap3A_4025 = arith.constant 480 : index
    %swap3A_4026 = tpu.vector_load %arg20[%swap3A_4025] {strides = array<i32>} : memref<512xf32, #tpu.memory_space<vmem>>, vector<16xf32>,
    tpu.vector_store %arg20[%swap3A_4025], %mul3A_4024 {strides = array<i32>} : memref<512xf32, #tpu.memory_space<vmem>>, vector<16xf32>,
    %broadcast_in_dim3A_4027 = arith.constant 0.000000e+00 : f32
    %broadcast_in_dim3A_4028 = vector.broadcast %broadcast_in_dim3A_4027 : f32 to vector<16xf32>
    %mul3A_4029 = arith.constant 3 : i32
    %mul3A_4030 = vector.broadcast %mul3A_4029 : i32 to vector<16xi32>
    %mul3A_4031 = arith.muli %get3A_3929, %mul3A_4030 : vector<16xi32>
    %add3A_4032 = arith.constant 2 : i32
    %add3A_4033 = vector.broadcast %add3A_4032 : i32 to vector<16xi32>
    %add3A_4034 = arith.addi %mul3A_4031, %add3A_4033 : vector<16xi32>
    %gather3A_4035 = tpu.vector_load_idx %arg12[%add3A_4034] : memref<24576xf32, #tpu.memory_space<vmem>>[vector<16xi32>], vector<16xf32>,
    %mul3A_4036 = arith.mulf %div3A_3945, %gather3A_4035 : vector<16xf32>
    %add3A_4037 = arith.addf %broadcast_in_dim3A_4028, %mul3A_4036 : vector<16xf32>
    %mul3A_4038 = arith.constant 3 : i32
    %mul3A_4039 = vector.broadcast %mul3A_4038 : i32 to vector<16xi32>
    %mul3A_4040 = arith.muli %get3A_3931, %mul3A_4039 : vector<16xi32>
    %add3A_4041 = arith.constant 2 : i32
    %add3A_4042 = vector.broadcast %add3A_4041 : i32 to vector<16xi32>
    %add3A_4043 = arith.addi %mul3A_4040, %add3A_4042 : vector<16xi32>
    %gather3A_4044 = tpu.vector_load_idx %arg12[%add3A_4043] : memref<24576xf32, #tpu.memory_space<vmem>>[vector<16xi32>], vector<16xf32>,
    %mul3A_4045 = arith.mulf %div3A_3951, %gather3A_4044 : vector<16xf32>
    %add3A_4046 = arith.addf %add3A_4037, %mul3A_4045 : vector<16xf32>
    %mul3A_4047 = arith.constant 3 : i32
    %mul3A_4048 = vector.broadcast %mul3A_4047 : i32 to vector<16xi32>
    %mul3A_4049 = arith.muli %get3A_3933, %mul3A_4048 : vector<16xi32>
    %add3A_4050 = arith.constant 2 : i32
    %add3A_4051 = vector.broadcast %add3A_4050 : i32 to vector<16xi32>
    %add3A_4052 = arith.addi %mul3A_4049, %add3A_4051 : vector<16xi32>
    %gather3A_4053 = tpu.vector_load_idx %arg12[%add3A_4052] : memref<24576xf32, #tpu.memory_space<vmem>>[vector<16xi32>], vector<16xf32>,
    %mul3A_4054 = arith.mulf %div3A_3957, %gather3A_4053 : vector<16xf32>
    %add3A_4055 = arith.addf %add3A_4046, %mul3A_4054 : vector<16xf32>
    %mul3A_4056 = arith.mulf %add3A_4055, %div3A_3962 : vector<16xf32>
    %swap3A_4057 = arith.constant 480 : index
    %swap3A_4058 = tpu.vector_load %arg21[%swap3A_4057] {strides = array<i32>} : memref<512xf32, #tpu.memory_space<vmem>>, vector<16xf32>,
    tpu.vector_store %arg21[%swap3A_4057], %mul3A_4056 {strides = array<i32>} : memref<512xf32, #tpu.memory_space<vmem>>, vector<16xf32>,
    %get3A_4059 = arith.constant 496 : index
    %get3A_4060 = tpu.vector_load %arg13[%get3A_4059] {strides = array<i32>} : memref<512xi32, #tpu.memory_space<vmem>>, vector<16xi32>,
    %get3A_4061 = arith.constant 496 : index
    %get3A_4062 = tpu.vector_load %arg14[%get3A_4061] {strides = array<i32>} : memref<512xi32, #tpu.memory_space<vmem>>, vector<16xi32>,
    %get3A_4063 = arith.constant 496 : index
    %get3A_4064 = tpu.vector_load %arg15[%get3A_4063] {strides = array<i32>} : memref<512xi32, #tpu.memory_space<vmem>>, vector<16xi32>,
    %get3A_4065 = arith.constant 496 : index
    %get3A_4066 = tpu.vector_load %arg16[%get3A_4065] {strides = array<i32>} : memref<512xf32, #tpu.memory_space<vmem>>, vector<16xf32>,
    %get3A_4067 = arith.constant 496 : index
    %get3A_4068 = tpu.vector_load %arg17[%get3A_4067] {strides = array<i32>} : memref<512xf32, #tpu.memory_space<vmem>>, vector<16xf32>,
    %get3A_4069 = arith.constant 496 : index
    %get3A_4070 = tpu.vector_load %arg18[%get3A_4069] {strides = array<i32>} : memref<512xf32, #tpu.memory_space<vmem>>, vector<16xf32>,
    %add3A_4071 = arith.constant 9.99999993E-9 : f32
    %add3A_4072 = vector.broadcast %add3A_4071 : f32 to vector<16xf32>
    %add3A_4073 = arith.addf %get3A_4066, %add3A_4072 : vector<16xf32>
    %div3A_4074 = arith.constant 1.000000e+00 : f32
    %div3A_4075 = vector.broadcast %div3A_4074 : f32 to vector<16xf32>
    %div3A_4076 = arith.divf %div3A_4075, %add3A_4073 : vector<16xf32>
    %add3A_4077 = arith.constant 9.99999993E-9 : f32
    %add3A_4078 = vector.broadcast %add3A_4077 : f32 to vector<16xf32>
    %add3A_4079 = arith.addf %get3A_4068, %add3A_4078 : vector<16xf32>
    %div3A_4080 = arith.constant 1.000000e+00 : f32
    %div3A_4081 = vector.broadcast %div3A_4080 : f32 to vector<16xf32>
    %div3A_4082 = arith.divf %div3A_4081, %add3A_4079 : vector<16xf32>
    %add3A_4083 = arith.constant 9.99999993E-9 : f32
    %add3A_4084 = vector.broadcast %add3A_4083 : f32 to vector<16xf32>
    %add3A_4085 = arith.addf %get3A_4070, %add3A_4084 : vector<16xf32>
    %div3A_4086 = arith.constant 1.000000e+00 : f32
    %div3A_4087 = vector.broadcast %div3A_4086 : f32 to vector<16xf32>
    %div3A_4088 = arith.divf %div3A_4087, %add3A_4085 : vector<16xf32>
    %add3A_4089 = arith.addf %div3A_4076, %div3A_4082 : vector<16xf32>
    %add3A_4090 = arith.addf %add3A_4089, %div3A_4088 : vector<16xf32>
    %div3A_4091 = arith.constant 1.000000e+00 : f32
    %div3A_4092 = vector.broadcast %div3A_4091 : f32 to vector<16xf32>
    %div3A_4093 = arith.divf %div3A_4092, %add3A_4090 : vector<16xf32>
    %broadcast_in_dim3A_4094 = arith.constant 0.000000e+00 : f32
    %broadcast_in_dim3A_4095 = vector.broadcast %broadcast_in_dim3A_4094 : f32 to vector<16xf32>
    %mul3A_4096 = arith.constant 3 : i32
    %mul3A_4097 = vector.broadcast %mul3A_4096 : i32 to vector<16xi32>
    %mul3A_4098 = arith.muli %get3A_4060, %mul3A_4097 : vector<16xi32>
    %add3A_4099 = arith.constant 0 : i32
    %add3A_4100 = vector.broadcast %add3A_4099 : i32 to vector<16xi32>
    %add3A_4101 = arith.addi %mul3A_4098, %add3A_4100 : vector<16xi32>
    %gather3A_4102 = tpu.vector_load_idx %arg12[%add3A_4101] : memref<24576xf32, #tpu.memory_space<vmem>>[vector<16xi32>], vector<16xf32>,
    %mul3A_4103 = arith.mulf %div3A_4076, %gather3A_4102 : vector<16xf32>
    %add3A_4104 = arith.addf %broadcast_in_dim3A_4095, %mul3A_4103 : vector<16xf32>
    %mul3A_4105 = arith.constant 3 : i32
    %mul3A_4106 = vector.broadcast %mul3A_4105 : i32 to vector<16xi32>
    %mul3A_4107 = arith.muli %get3A_4062, %mul3A_4106 : vector<16xi32>
    %add3A_4108 = arith.constant 0 : i32
    %add3A_4109 = vector.broadcast %add3A_4108 : i32 to vector<16xi32>
    %add3A_4110 = arith.addi %mul3A_4107, %add3A_4109 : vector<16xi32>
    %gather3A_4111 = tpu.vector_load_idx %arg12[%add3A_4110] : memref<24576xf32, #tpu.memory_space<vmem>>[vector<16xi32>], vector<16xf32>,
    %mul3A_4112 = arith.mulf %div3A_4082, %gather3A_4111 : vector<16xf32>
    %add3A_4113 = arith.addf %add3A_4104, %mul3A_4112 : vector<16xf32>
    %mul3A_4114 = arith.constant 3 : i32
    %mul3A_4115 = vector.broadcast %mul3A_4114 : i32 to vector<16xi32>
    %mul3A_4116 = arith.muli %get3A_4064, %mul3A_4115 : vector<16xi32>
    %add3A_4117 = arith.constant 0 : i32
    %add3A_4118 = vector.broadcast %add3A_4117 : i32 to vector<16xi32>
    %add3A_4119 = arith.addi %mul3A_4116, %add3A_4118 : vector<16xi32>
    %gather3A_4120 = tpu.vector_load_idx %arg12[%add3A_4119] : memref<24576xf32, #tpu.memory_space<vmem>>[vector<16xi32>], vector<16xf32>,
    %mul3A_4121 = arith.mulf %div3A_4088, %gather3A_4120 : vector<16xf32>
    %add3A_4122 = arith.addf %add3A_4113, %mul3A_4121 : vector<16xf32>
    %mul3A_4123 = arith.mulf %add3A_4122, %div3A_4093 : vector<16xf32>
    %swap3A_4124 = arith.constant 496 : index
    %swap3A_4125 = tpu.vector_load %arg19[%swap3A_4124] {strides = array<i32>} : memref<512xf32, #tpu.memory_space<vmem>>, vector<16xf32>,
    tpu.vector_store %arg19[%swap3A_4124], %mul3A_4123 {strides = array<i32>} : memref<512xf32, #tpu.memory_space<vmem>>, vector<16xf32>,
    %broadcast_in_dim3A_4126 = arith.constant 0.000000e+00 : f32
    %broadcast_in_dim3A_4127 = vector.broadcast %broadcast_in_dim3A_4126 : f32 to vector<16xf32>
    %mul3A_4128 = arith.constant 3 : i32
    %mul3A_4129 = vector.broadcast %mul3A_4128 : i32 to vector<16xi32>
    %mul3A_4130 = arith.muli %get3A_4060, %mul3A_4129 : vector<16xi32>
    %add3A_4131 = arith.constant 1 : i32
    %add3A_4132 = vector.broadcast %add3A_4131 : i32 to vector<16xi32>
    %add3A_4133 = arith.addi %mul3A_4130, %add3A_4132 : vector<16xi32>
    %gather3A_4134 = tpu.vector_load_idx %arg12[%add3A_4133] : memref<24576xf32, #tpu.memory_space<vmem>>[vector<16xi32>], vector<16xf32>,
    %mul3A_4135 = arith.mulf %div3A_4076, %gather3A_4134 : vector<16xf32>
    %add3A_4136 = arith.addf %broadcast_in_dim3A_4127, %mul3A_4135 : vector<16xf32>
    %mul3A_4137 = arith.constant 3 : i32
    %mul3A_4138 = vector.broadcast %mul3A_4137 : i32 to vector<16xi32>
    %mul3A_4139 = arith.muli %get3A_4062, %mul3A_4138 : vector<16xi32>
    %add3A_4140 = arith.constant 1 : i32
    %add3A_4141 = vector.broadcast %add3A_4140 : i32 to vector<16xi32>
    %add3A_4142 = arith.addi %mul3A_4139, %add3A_4141 : vector<16xi32>
    %gather3A_4143 = tpu.vector_load_idx %arg12[%add3A_4142] : memref<24576xf32, #tpu.memory_space<vmem>>[vector<16xi32>], vector<16xf32>,
    %mul3A_4144 = arith.mulf %div3A_4082, %gather3A_4143 : vector<16xf32>
    %add3A_4145 = arith.addf %add3A_4136, %mul3A_4144 : vector<16xf32>
    %mul3A_4146 = arith.constant 3 : i32
    %mul3A_4147 = vector.broadcast %mul3A_4146 : i32 to vector<16xi32>
    %mul3A_4148 = arith.muli %get3A_4064, %mul3A_4147 : vector<16xi32>
    %add3A_4149 = arith.constant 1 : i32
    %add3A_4150 = vector.broadcast %add3A_4149 : i32 to vector<16xi32>
    %add3A_4151 = arith.addi %mul3A_4148, %add3A_4150 : vector<16xi32>
    %gather3A_4152 = tpu.vector_load_idx %arg12[%add3A_4151] : memref<24576xf32, #tpu.memory_space<vmem>>[vector<16xi32>], vector<16xf32>,
    %mul3A_4153 = arith.mulf %div3A_4088, %gather3A_4152 : vector<16xf32>
    %add3A_4154 = arith.addf %add3A_4145, %mul3A_4153 : vector<16xf32>
    %mul3A_4155 = arith.mulf %add3A_4154, %div3A_4093 : vector<16xf32>
    %swap3A_4156 = arith.constant 496 : index
    %swap3A_4157 = tpu.vector_load %arg20[%swap3A_4156] {strides = array<i32>} : memref<512xf32, #tpu.memory_space<vmem>>, vector<16xf32>,
    tpu.vector_store %arg20[%swap3A_4156], %mul3A_4155 {strides = array<i32>} : memref<512xf32, #tpu.memory_space<vmem>>, vector<16xf32>,
    %broadcast_in_dim3A_4158 = arith.constant 0.000000e+00 : f32
    %broadcast_in_dim3A_4159 = vector.broadcast %broadcast_in_dim3A_4158 : f32 to vector<16xf32>
    %mul3A_4160 = arith.constant 3 : i32
    %mul3A_4161 = vector.broadcast %mul3A_4160 : i32 to vector<16xi32>
    %mul3A_4162 = arith.muli %get3A_4060, %mul3A_4161 : vector<16xi32>
    %add3A_4163 = arith.constant 2 : i32
    %add3A_4164 = vector.broadcast %add3A_4163 : i32 to vector<16xi32>
    %add3A_4165 = arith.addi %mul3A_4162, %add3A_4164 : vector<16xi32>
    %gather3A_4166 = tpu.vector_load_idx %arg12[%add3A_4165] : memref<24576xf32, #tpu.memory_space<vmem>>[vector<16xi32>], vector<16xf32>,
    %mul3A_4167 = arith.mulf %div3A_4076, %gather3A_4166 : vector<16xf32>
    %add3A_4168 = arith.addf %broadcast_in_dim3A_4159, %mul3A_4167 : vector<16xf32>
    %mul3A_4169 = arith.constant 3 : i32
    %mul3A_4170 = vector.broadcast %mul3A_4169 : i32 to vector<16xi32>
    %mul3A_4171 = arith.muli %get3A_4062, %mul3A_4170 : vector<16xi32>
    %add3A_4172 = arith.constant 2 : i32
    %add3A_4173 = vector.broadcast %add3A_4172 : i32 to vector<16xi32>
    %add3A_4174 = arith.addi %mul3A_4171, %add3A_4173 : vector<16xi32>
    %gather3A_4175 = tpu.vector_load_idx %arg12[%add3A_4174] : memref<24576xf32, #tpu.memory_space<vmem>>[vector<16xi32>], vector<16xf32>,
    %mul3A_4176 = arith.mulf %div3A_4082, %gather3A_4175 : vector<16xf32>
    %add3A_4177 = arith.addf %add3A_4168, %mul3A_4176 : vector<16xf32>
    %mul3A_4178 = arith.constant 3 : i32
    %mul3A_4179 = vector.broadcast %mul3A_4178 : i32 to vector<16xi32>
    %mul3A_4180 = arith.muli %get3A_4064, %mul3A_4179 : vector<16xi32>
    %add3A_4181 = arith.constant 2 : i32
    %add3A_4182 = vector.broadcast %add3A_4181 : i32 to vector<16xi32>
    %add3A_4183 = arith.addi %mul3A_4180, %add3A_4182 : vector<16xi32>
    %gather3A_4184 = tpu.vector_load_idx %arg12[%add3A_4183] : memref<24576xf32, #tpu.memory_space<vmem>>[vector<16xi32>], vector<16xf32>,
    %mul3A_4185 = arith.mulf %div3A_4088, %gather3A_4184 : vector<16xf32>
    %add3A_4186 = arith.addf %add3A_4177, %mul3A_4185 : vector<16xf32>
    %mul3A_4187 = arith.mulf %add3A_4186, %div3A_4093 : vector<16xf32>
    %swap3A_4188 = arith.constant 496 : index
    %swap3A_4189 = tpu.vector_load %arg21[%swap3A_4188] {strides = array<i32>} : memref<512xf32, #tpu.memory_space<vmem>>, vector<16xf32>,
    tpu.vector_store %arg21[%swap3A_4188], %mul3A_4187 {strides = array<i32>} : memref<512xf32, #tpu.memory_space<vmem>>, vector<16xf32>,
    "tpu.region"() ({
      %run_scoped3A = tpu.sem_alloc : memref<!tpu.dma_semaphore, #tpu.memory_space<semaphore_mem>>
      %dma_start3A = tpu.memref_slice %arg9[%mul3A_2] : memref<16384xf32, #tpu.memory_space<hbm>> -> memref<512xf32, #tpu.memory_space<hbm>>
      %dma_start3A_4190 = tpu.memref_slice %arg9[%mul3A_2] : memref<16384xf32, #tpu.memory_space<hbm>> -> memref<512xf32, #tpu.memory_space<hbm>>
      tpu.enqueue_dma source(%arg19 : memref<512xf32, #tpu.memory_space<vmem>>) target(%dma_start3A_4190 : memref<512xf32, #tpu.memory_space<hbm>>) target_semaphore(%run_scoped3A : memref<!tpu.dma_semaphore, #tpu.memory_space<semaphore_mem>>)
      %dma_wait3A = tpu.memref_slice %arg9[%mul3A_2] : memref<16384xf32, #tpu.memory_space<hbm>> -> memref<512xf32, #tpu.memory_space<hbm>>
      %dma_wait3A_4191 = tpu.memref_slice %arg9[%mul3A_2] : memref<16384xf32, #tpu.memory_space<hbm>> -> memref<512xf32, #tpu.memory_space<hbm>>
      tpu.wait_dma2 semaphore(%run_scoped3A : memref<!tpu.dma_semaphore, #tpu.memory_space<semaphore_mem>>) src(%arg19 : memref<512xf32, #tpu.memory_space<vmem>>) dst(%dma_wait3A_4191 : memref<512xf32, #tpu.memory_space<hbm>>)
      tpu.yield
    }) : () -> ()
    "tpu.region"() ({
      %run_scoped3A = tpu.sem_alloc : memref<!tpu.dma_semaphore, #tpu.memory_space<semaphore_mem>>
      %dma_start3A = tpu.memref_slice %arg10[%mul3A_2] : memref<16384xf32, #tpu.memory_space<hbm>> -> memref<512xf32, #tpu.memory_space<hbm>>
      %dma_start3A_4190 = tpu.memref_slice %arg10[%mul3A_2] : memref<16384xf32, #tpu.memory_space<hbm>> -> memref<512xf32, #tpu.memory_space<hbm>>
      tpu.enqueue_dma source(%arg20 : memref<512xf32, #tpu.memory_space<vmem>>) target(%dma_start3A_4190 : memref<512xf32, #tpu.memory_space<hbm>>) target_semaphore(%run_scoped3A : memref<!tpu.dma_semaphore, #tpu.memory_space<semaphore_mem>>)
      %dma_wait3A = tpu.memref_slice %arg10[%mul3A_2] : memref<16384xf32, #tpu.memory_space<hbm>> -> memref<512xf32, #tpu.memory_space<hbm>>
      %dma_wait3A_4191 = tpu.memref_slice %arg10[%mul3A_2] : memref<16384xf32, #tpu.memory_space<hbm>> -> memref<512xf32, #tpu.memory_space<hbm>>
      tpu.wait_dma2 semaphore(%run_scoped3A : memref<!tpu.dma_semaphore, #tpu.memory_space<semaphore_mem>>) src(%arg20 : memref<512xf32, #tpu.memory_space<vmem>>) dst(%dma_wait3A_4191 : memref<512xf32, #tpu.memory_space<hbm>>)
      tpu.yield
    }) : () -> ()
    "tpu.region"() ({
      %run_scoped3A = tpu.sem_alloc : memref<!tpu.dma_semaphore, #tpu.memory_space<semaphore_mem>>
      %dma_start3A = tpu.memref_slice %arg11[%mul3A_2] : memref<16384xf32, #tpu.memory_space<hbm>> -> memref<512xf32, #tpu.memory_space<hbm>>
      %dma_start3A_4190 = tpu.memref_slice %arg11[%mul3A_2] : memref<16384xf32, #tpu.memory_space<hbm>> -> memref<512xf32, #tpu.memory_space<hbm>>
      tpu.enqueue_dma source(%arg21 : memref<512xf32, #tpu.memory_space<vmem>>) target(%dma_start3A_4190 : memref<512xf32, #tpu.memory_space<hbm>>) target_semaphore(%run_scoped3A : memref<!tpu.dma_semaphore, #tpu.memory_space<semaphore_mem>>)
      %dma_wait3A = tpu.memref_slice %arg11[%mul3A_2] : memref<16384xf32, #tpu.memory_space<hbm>> -> memref<512xf32, #tpu.memory_space<hbm>>
      %dma_wait3A_4191 = tpu.memref_slice %arg11[%mul3A_2] : memref<16384xf32, #tpu.memory_space<hbm>> -> memref<512xf32, #tpu.memory_space<hbm>>
      tpu.wait_dma2 semaphore(%run_scoped3A : memref<!tpu.dma_semaphore, #tpu.memory_space<semaphore_mem>>) src(%arg21 : memref<512xf32, #tpu.memory_space<vmem>>) dst(%dma_wait3A_4191 : memref<512xf32, #tpu.memory_space<hbm>>)
      tpu.yield
    }) : () -> ()
    return
  }
}

module attributes {stable_mosaic.version = 14 : i64} {
  func.func @_top3_body(%arg0: i32, %arg1: memref<512x3xf32, #tpu.memory_space<vmem>>, %arg2: memref<3x8192xf32, #tpu.memory_space<vmem>>, %arg3: memref<512x3xi32, #tpu.memory_space<vmem>>, %arg4: memref<512x3xf32, #tpu.memory_space<vmem>>) attributes {dimension_semantics = [#tpu.dimension_semantics<arbitrary>], iteration_bounds = array<i64: 32>, scalar_prefetch = 0 : i64, scratch_operands = 0 : i64, tpu.core_type = #tpu.core_type<tc>, window_params = [{transform_indices = @transform_0, window_bounds = array<i64: 512, 3>}, {pipeline_mode = #tpu.pipeline_mode<synchronous>, transform_indices = @transform_1, window_bounds = array<i64: 3, 8192>}, {transform_indices = @transform_2, window_bounds = array<i64: 512, 3>}, {transform_indices = @transform_3, window_bounds = array<i64: 512, 3>}]} {
    %get3A = arith.constant 0 : index
    %get3A_0 = arith.constant 0 : index
    %get3A_1 = vector.load %arg1[%get3A, %get3A_0] : memref<512x3xf32, #tpu.memory_space<vmem>>, vector<512x3xf32>
    %get3A_2 = arith.constant 0 : index
    %get3A_3 = arith.constant 0 : index
    %get3A_4 = vector.load %arg2[%get3A_2, %get3A_3] : memref<3x8192xf32, #tpu.memory_space<vmem>>, vector<3x8192xf32>
    %mul3A = arith.mulf %get3A_1, %get3A_1 : vector<512x3xf32>
    %reduce_sum3A = arith.constant dense<0.000000e+00> : vector<512xf32>
    %reduce_sum3A_5 = vector.multi_reduction <add>, %mul3A, %reduce_sum3A [1] : vector<512x3xf32> to vector<512xf32>
    %broadcast_in_dim3A = vector.shape_cast %reduce_sum3A_5 : vector<512xf32> to vector<512x1xf32>
    %mul3A_6 = arith.mulf %get3A_4, %get3A_4 : vector<3x8192xf32>
    %reduce_sum3A_7 = arith.constant dense<0.000000e+00> : vector<8192xf32>
    %reduce_sum3A_8 = vector.multi_reduction <add>, %mul3A_6, %reduce_sum3A_7 [0] : vector<3x8192xf32> to vector<8192xf32>
    %broadcast_in_dim3A_9 = vector.shape_cast %reduce_sum3A_8 : vector<8192xf32> to vector<1x8192xf32>
    %dot_general3A = arith.constant dense<0.000000e+00> : vector<512x8192xf32>
    %dot_general3A_10 = tpu.matmul %get3A_1, %get3A_4, %dot_general3A {dimension_numbers = #tpu.dot_dimension_numbers<[1], [0], [0], [1], [0, 0, 1, 1], [], []>, transpose_lhs_hint = false} : vector<512x3xf32>, vector<3x8192xf32>, vector<512x8192xf32> -> vector<512x8192xf32>
    %add3A = vector.broadcast %broadcast_in_dim3A : vector<512x1xf32> to vector<512x8192xf32>
    %add3A_11 = vector.broadcast %broadcast_in_dim3A_9 : vector<1x8192xf32> to vector<512x8192xf32>
    %add3A_12 = arith.addf %add3A, %add3A_11 : vector<512x8192xf32>
    %mul3A_13 = arith.constant 2.000000e+00 : f32
    %mul3A_14 = vector.broadcast %mul3A_13 : f32 to vector<512x8192xf32>
    %mul3A_15 = arith.mulf %mul3A_14, %dot_general3A_10 : vector<512x8192xf32>
    %sub3A = arith.subf %add3A_12, %mul3A_15 : vector<512x8192xf32>
    %max3A = arith.constant 9.99999996E-13 : f32
    %max3A_16 = vector.broadcast %max3A : f32 to vector<512x8192xf32>
    %max3A_17 = arith.maximumf %sub3A, %max3A_16 : vector<512x8192xf32>
    %sqrt3A = math.sqrt %max3A_17 : vector<512x8192xf32>
    %iota3A = tpu.iota {dimensions = array<i32: 1>} : vector<512x8192xi32>
    %convert_element_type3A = arith.sitofp %iota3A : vector<512x8192xi32> to vector<512x8192xf32>
    %reduce_min3A = arith.constant dense<0x7F800000> : vector<512xf32>
    %reduce_min3A_18 = vector.multi_reduction <minimumf>, %sqrt3A, %reduce_min3A [1] : vector<512x8192xf32> to vector<512xf32>
    %broadcast_in_dim3A_19 = vector.shape_cast %reduce_min3A_18 : vector<512xf32> to vector<512x1xf32>
    %eq3A = vector.broadcast %broadcast_in_dim3A_19 : vector<512x1xf32> to vector<512x8192xf32>
    %eq3A_20 = arith.cmpf oeq, %sqrt3A, %eq3A : vector<512x8192xf32>
    %jit3A = arith.constant 8.192000e+03 : f32
    %broadcast_in_dim3A_21 = vector.broadcast %jit3A : f32 to vector<512x8192xf32>
    %select_n3A = arith.select %eq3A_20, %convert_element_type3A, %broadcast_in_dim3A_21 : vector<512x8192xi1>, vector<512x8192xf32>
    %reduce_min3A_22 = arith.constant dense<0x7F800000> : vector<512xf32>
    %reduce_min3A_23 = vector.multi_reduction <minimumf>, %select_n3A, %reduce_min3A_22 [1] : vector<512x8192xf32> to vector<512xf32>
    %broadcast_in_dim3A_24 = vector.shape_cast %reduce_min3A_23 : vector<512xf32> to vector<512x1xf32>
    %eq3A_25 = vector.broadcast %broadcast_in_dim3A_24 : vector<512x1xf32> to vector<512x8192xf32>
    %eq3A_26 = arith.cmpf oeq, %convert_element_type3A, %eq3A_25 : vector<512x8192xf32>
    %jit3A_27 = arith.constant 0x7F800000 : f32
    %broadcast_in_dim3A_28 = vector.broadcast %jit3A_27 : f32 to vector<512x8192xf32>
    %select_n3A_29 = arith.select %eq3A_26, %broadcast_in_dim3A_28, %sqrt3A : vector<512x8192xi1>, vector<512x8192xf32>
    %reduce_min3A_30 = arith.constant dense<0x7F800000> : vector<512xf32>
    %reduce_min3A_31 = vector.multi_reduction <minimumf>, %select_n3A_29, %reduce_min3A_30 [1] : vector<512x8192xf32> to vector<512xf32>
    %broadcast_in_dim3A_32 = vector.shape_cast %reduce_min3A_31 : vector<512xf32> to vector<512x1xf32>
    %eq3A_33 = vector.broadcast %broadcast_in_dim3A_32 : vector<512x1xf32> to vector<512x8192xf32>
    %eq3A_34 = arith.cmpf oeq, %select_n3A_29, %eq3A_33 : vector<512x8192xf32>
    %jit3A_35 = arith.constant 8.192000e+03 : f32
    %broadcast_in_dim3A_36 = vector.broadcast %jit3A_35 : f32 to vector<512x8192xf32>
    %select_n3A_37 = arith.select %eq3A_34, %convert_element_type3A, %broadcast_in_dim3A_36 : vector<512x8192xi1>, vector<512x8192xf32>
    %reduce_min3A_38 = arith.constant dense<0x7F800000> : vector<512xf32>
    %reduce_min3A_39 = vector.multi_reduction <minimumf>, %select_n3A_37, %reduce_min3A_38 [1] : vector<512x8192xf32> to vector<512xf32>
    %broadcast_in_dim3A_40 = vector.shape_cast %reduce_min3A_39 : vector<512xf32> to vector<512x1xf32>
    %eq3A_41 = vector.broadcast %broadcast_in_dim3A_40 : vector<512x1xf32> to vector<512x8192xf32>
    %eq3A_42 = arith.cmpf oeq, %convert_element_type3A, %eq3A_41 : vector<512x8192xf32>
    %jit3A_43 = arith.constant 0x7F800000 : f32
    %broadcast_in_dim3A_44 = vector.broadcast %jit3A_43 : f32 to vector<512x8192xf32>
    %select_n3A_45 = arith.select %eq3A_42, %broadcast_in_dim3A_44, %select_n3A_29 : vector<512x8192xi1>, vector<512x8192xf32>
    %reduce_min3A_46 = arith.constant dense<0x7F800000> : vector<512xf32>
    %reduce_min3A_47 = vector.multi_reduction <minimumf>, %select_n3A_45, %reduce_min3A_46 [1] : vector<512x8192xf32> to vector<512xf32>
    %broadcast_in_dim3A_48 = vector.shape_cast %reduce_min3A_47 : vector<512xf32> to vector<512x1xf32>
    %eq3A_49 = vector.broadcast %broadcast_in_dim3A_48 : vector<512x1xf32> to vector<512x8192xf32>
    %eq3A_50 = arith.cmpf oeq, %select_n3A_45, %eq3A_49 : vector<512x8192xf32>
    %jit3A_51 = arith.constant 8.192000e+03 : f32
    %broadcast_in_dim3A_52 = vector.broadcast %jit3A_51 : f32 to vector<512x8192xf32>
    %select_n3A_53 = arith.select %eq3A_50, %convert_element_type3A, %broadcast_in_dim3A_52 : vector<512x8192xi1>, vector<512x8192xf32>
    %reduce_min3A_54 = arith.constant dense<0x7F800000> : vector<512xf32>
    %reduce_min3A_55 = vector.multi_reduction <minimumf>, %select_n3A_53, %reduce_min3A_54 [1] : vector<512x8192xf32> to vector<512xf32>
    %broadcast_in_dim3A_56 = vector.shape_cast %reduce_min3A_55 : vector<512xf32> to vector<512x1xf32>
    %concatenate3A = tpu.concatenate %broadcast_in_dim3A_24, %broadcast_in_dim3A_40, %broadcast_in_dim3A_56 in 1 : vector<512x1xf32>, vector<512x1xf32>, vector<512x1xf32> -> vector<512x3xf32>
    %convert_element_type3A_57 = arith.fptosi %concatenate3A : vector<512x3xf32> to vector<512x3xi32>
    %swap3A = arith.constant 0 : index
    %swap3A_58 = arith.constant 0 : index
    %swap3A_59 = vector.load %arg3[%swap3A, %swap3A_58] : memref<512x3xi32, #tpu.memory_space<vmem>>, vector<512x3xi32>
    tpu.vector_store %arg3[%swap3A, %swap3A_58], %convert_element_type3A_57 {strides = array<i32>} : memref<512x3xi32, #tpu.memory_space<vmem>>, vector<512x3xi32>,
    %concatenate3A_60 = tpu.concatenate %broadcast_in_dim3A_19, %broadcast_in_dim3A_32, %broadcast_in_dim3A_48 in 1 : vector<512x1xf32>, vector<512x1xf32>, vector<512x1xf32> -> vector<512x3xf32>
    %swap3A_61 = arith.constant 0 : index
    %swap3A_62 = arith.constant 0 : index
    %swap3A_63 = vector.load %arg4[%swap3A_61, %swap3A_62] : memref<512x3xf32, #tpu.memory_space<vmem>>, vector<512x3xf32>
    tpu.vector_store %arg4[%swap3A_61, %swap3A_62], %concatenate3A_60 {strides = array<i32>} : memref<512x3xf32, #tpu.memory_space<vmem>>, vector<512x3xf32>,
    return
  }
  func.func @transform_0(%arg0: i32) -> (i32, i32) {
    %c0_i32 = arith.constant 0 : i32
    %c0_i32_0 = arith.constant 0 : i32
    return %arg0, %c0_i32 : i32, i32
  }
  func.func @transform_1(%arg0: i32) -> (i32, i32) {
    %c0_i32 = arith.constant 0 : i32
    %c0_i32_0 = arith.constant 0 : i32
    %c0_i32_1 = arith.constant 0 : i32
    return %c0_i32, %c0_i32_0 : i32, i32
  }
  func.func @transform_2(%arg0: i32) -> (i32, i32) {
    %c0_i32 = arith.constant 0 : i32
    %c0_i32_0 = arith.constant 0 : i32
    return %arg0, %c0_i32 : i32, i32
  }
  func.func @transform_3(%arg0: i32) -> (i32, i32) {
    %c0_i32 = arith.constant 0 : i32
    %c0_i32_0 = arith.constant 0 : i32
    return %arg0, %c0_i32 : i32, i32
  }
}

</mosaic_0001>

<sc_bundles>
// kernel: kernel.4.cloned.1.call-start
scs
__scs_entry_jumppad:
0x0: {  	(pc) =	sbr.rel $0x88, $3  }
0x1: {  	(tag) =	ssettag $0x0;
	lr =	simm.s32 $0x1  }
0x2: {  	[smem:$0x3F9E] =	sst lr;
	_ =	strace $0xD0000000  }
0x3: {  	_ = 	snop  }
0x4: {  	_ = 	snop  }
0x5: {  	_ = 	snop  }
0x6: {  	_ = 	snop  }
0x7: {  	_ = 	snop  }
__scs_overlays_trampoline_lowered:
0x8: {  	[smem:$0x3FAD] =	sst s0  }
0x9: {  	[smem:$0x3FAE] =	sst s1  }
0xa: {  	[smem:$0x3FAF] =	sst s2  }
0xb: {  	[smem:$0x3FB0] =	sst s3  }
0xc: {  	[smem:$0x3FB1] =	sst s4  }
0xd: {  	[smem:$0x3FB2] =	sst s5  }
0xe: {  	[smem:$0x3FB3] =	sst s6  }
0xf: {  	[smem:$0x3FB4] =	sst s7  }
0x10: {  	[smem:$0x3FB5] =	sst s8  }
0x11: {  	[smem:$0x3FB6] =	sst s9;
	s0 =	simm.s32 @!p0 $0x0  }
0x12: {  	s1 =	sld [smem:$0x3F9C];
	s0 =	simm.s32 @p0 $0x1  }
0x13: {  	[smem:$0x3FB7] =	sst s0;
	s0 =	simm.s32 @!p1 $0x0  }
0x14: {  	s2 =	sld [smem:$0x3F9B];
	s0 =	simm.s32 @p1 $0x1  }
0x15: {  	[smem:$0x3FB8] =	sst s0;
	s0 =	simm.s32 @!p2 $0x0  }
0x16: {  	s3 =	sld [smem:$0x3FDB];
	s0 =	simm.s32 @p2 $0x1  }
0x17: {  	s4 =	simm.s32 $0x1BF5;
	[smem:$0x3FBA] =	sst s0  }
0x18: {  	s0 =	sld [smem:$0x3F9D];
	_ =	swait.ge [sflag:s4], $0x0  }
0x19: {  	s7 =	sld [smem:$0x3F9E]  }
0x1a: {  	s8 =	sadd.s32 $0xFFFFE003, lr  }
0x1b: {  	s9 =	sadd.s32 $0xFFFFFEF7, lr;
	s5 =	simm.s32 $0xFFFFFFFF;
	p2 =	slt.u32 s8, $0xFFFFF086  }
0x1c: {  	p1 =	slt.u32 s9, $0xF7A;
	s5 =	simm.s32 @!p2 $0x0  }
0x1d: {  	s5 =	simm.s32 @p1 $0x1;
	p0 =	seq.s32 s7, s2  }
0x1e: {  	s7 =	smul.u32 @!p0 $0xF7A, s2;
	p2 =	seq.s32 @!p0 s5, $0x0  }
0x1f: {  	s9 =	smul.u32 $0xF7A, s1;
	s8 =	simm.s32 @!p0 $0x1BF5;
	p2 =	por !p2, p0  }
0x20: {  	[sflag:s8] =	ssyncset.s32 @!p0 $0xFFFFF086;
	s6 =	sadd.s32 @!p0 s3, s7;
	s7 =	simm.s32 @!p0 $0x108  }
0x21: {  	s3 =	sadd.s32 s3, s9;
	s6 =	sadd.s32 @!p0 $0x88, s6;
	s7 =	simm.s32 @p2 $0x1082  }
0x22: {  	[simem:s7], [sflag:s8] =	dma.local @!p0 [hbm:s6], $0xF7A  }
0x23: {  	s9 =	sor.u32 $0xD0000000, s2;
	s6 =	simm.s32 $0x108;
	_ =	swait.ge @!p0 [sflag:s8], $0x0  }
0x24: {  	s3 =	sadd.s32 $0x88, s3;
	s6 =	simm.s32 @!p1 $0x1082;
	[sflag:s4] =	ssyncset.s32 $0xFFFFF086  }
0x25: {  	[simem:s6], [sflag:s4] =	dma.local [hbm:s3], $0xF7A  }
0x26: {  	[smem:$0x3F9E] =	sst s1;
	(tag) =	ssettag s2;
	_ =	strace s9  }
0x27: {  	s1 =	sld [smem:$0x3FAE]  }
0x28: {  	s2 =	sld [smem:$0x3FAF]  }
0x29: {  	s4 =	sld [smem:$0x3FB1]  }
0x2a: {  	p0 =	seq.s32 s5, $0x0;
	s5 =	sld [smem:$0x3FB2]  }
0x2b: {  	s6 =	sld [smem:$0x3FB3]  }
0x2c: {  	s7 =	sld [smem:$0x3FB4]  }
0x2d: {  	s3 =	simm.s32 $0x108;
	s8 =	sld [smem:$0x3FB5]  }
0x2e: {  	s3 =	simm.s32 @!p0 $0x1082;
	s9 =	sld [smem:$0x3FB6]  }
0x2f: {  	lr =	sadd.s32 s0, s3;
	s0 =	sld [smem:$0x3FAD]  }
0x30: {  	s3 =	sld [smem:$0x3FB0]  }
0x31: {  	[smem:$0x3FB9] =	sst s10  }
0x32: {  	s10 =	sld [smem:$0x3FB7];
	_ =	sdelay $0x3  }
0x33: {  	p0 =	seq.s32 s10, $0x1;
	s10 =	sld [smem:$0x3FB9];
	_ =	sdelay $0x3  }
0x34: {  	[smem:$0x3FB9] =	sst s10  }
0x35: {  	s10 =	sld [smem:$0x3FB8];
	_ =	sdelay $0x3  }
0x36: {  	p1 =	seq.s32 s10, $0x1;
	s10 =	sld [smem:$0x3FB9];
	_ =	sdelay $0x3  }
0x37: {  	[smem:$0x3FB9] =	sst s10  }
0x38: {  	s10 =	sld [smem:$0x3FBA]  }
0x39: {  	_ = 	snop;
	(pc) =	sbr.ind lr, $3  }
0x3a: {  	_ = 	snop  }
0x3b: {  	_ = 	snop  }
0x3c: {  	p2 =	seq.s32 s10, $0x1;
	s10 =	sld [smem:$0x3FB9]  }
0x3d: {  	_ =	shalt  }
0x3e: {  	_ =	shalt  }
0x3f: {  	_ =	shalt  }
0x40: {  	_ =	shalt  }
0x41: {  	_ =	shalt  }
0x42: {  	_ =	shalt  }
0x43: {  	_ =	shalt  }
0x44: {  	_ =	shalt  }
0x45: {  	_ =	shalt  }
0x46: {  	_ =	shalt  }
0x47: {  	_ =	shalt  }
0x48: {  	_ =	shalt  }
0x49: {  	_ =	shalt  }
0x4a: {  	_ =	shalt  }
0x4b: {  	_ =	shalt  }
0x4c: {  	_ =	shalt  }
0x4d: {  	_ =	shalt  }
0x4e: {  	_ =	shalt  }
0x4f: {  	_ =	shalt  }
0x50: {  	_ =	shalt  }
0x51: {  	_ =	shalt  }
0x52: {  	_ =	shalt  }
0x53: {  	_ =	shalt  }
0x54: {  	_ =	shalt  }
0x55: {  	_ =	shalt  }
0x56: {  	_ =	shalt  }
0x57: {  	_ =	shalt  }
0x58: {  	_ =	shalt  }
0x59: {  	_ =	shalt  }
0x5a: {  	_ =	shalt  }
0x5b: {  	_ =	shalt  }
0x5c: {  	_ =	shalt  }
0x5d: {  	_ =	shalt  }
0x5e: {  	_ =	shalt  }
0x5f: {  	_ =	shalt  }
0x60: {  	_ =	shalt  }
0x61: {  	_ =	shalt  }
0x62: {  	_ =	shalt  }
0x63: {  	_ =	shalt  }
0x64: {  	_ =	shalt  }
0x65: {  	_ =	shalt  }
0x66: {  	_ =	shalt  }
0x67: {  	_ =	shalt  }
0x68: {  	_ =	shalt  }
0x69: {  	_ =	shalt  }
0x6a: {  	_ =	shalt  }
0x6b: {  	_ =	shalt  }
0x6c: {  	_ =	shalt  }
0x6d: {  	_ =	shalt  }
0x6e: {  	_ =	shalt  }
0x6f: {  	_ =	shalt  }
0x70: {  	_ =	shalt  }
0x71: {  	_ =	shalt  }
0x72: {  	_ =	shalt  }
0x73: {  	_ =	shalt  }
0x74: {  	_ =	shalt  }
0x75: {  	_ =	shalt  }
0x76: {  	_ =	shalt  }
0x77: {  	_ =	shalt  }
0x78: {  	_ =	shalt  }
0x79: {  	_ =	shalt  }
0x7a: {  	_ =	shalt  }
0x7b: {  	_ =	shalt  }
0x7c: {  	_ =	shalt  }
0x7d: {  	_ =	shalt  }
0x7e: {  	_ =	shalt  }
0x7f: {  	_ =	shalt  }
0x80: {  	_ =	shalt  }
0x81: {  	_ =	shalt  }
0x82: {  	_ =	shalt  }
0x83: {  	_ =	shalt  }
0x84: {  	_ =	shalt  }
0x85: {  	_ =	shalt  }
0x86: {  	_ =	shalt  }
0x87: {  	_ =	shalt  }
.Lfunc_end0:
.L_simem_size_0:
called_computation_lowered:
.L_overlay_start_0:
0x88: {  	s2 =	sld [smem:$0x3FD9]  }
0x89: {  	s3 =	sld [smem:$0x3FFE];
	_ =	sdelay $0x1  }
0x8a: {  	s1 =	srdreg.scid  }
0x8b: {  	s0 =	sand.u32 $0x1, s1  }
0x8c: {  	s17 =	sshll.u32 s0, $0xA;
	s2 =	sadd.s32 s3, s2  }
0x8d: {  	s2 =	sadd.s32 s2, s17  }
0x8e: {  	[smem:$0x3FC5] =	sst s2  }
0x8f: {  	_ = 	snop  }
0x90: {  	s2 =	sld [smem:$0x3FD0];
	(tm) =	ssettm $0x1  }
0x91: {  	s18 =	sld [smem:$0x3FFB];
	_ =	sdelay $0x3  }
0x92: {  	_ =	strace s18  }
0x93: {  	s3 =	sld [smem:$0x3FFC];
	_ =	sdelay $0x3  }
0x94: {  	_ =	strace s3  }
0x95: {  	s3 =	sld [smem:$0x3FFD];
	_ =	sdelay $0x3  }
0x96: {  	_ =	strace s3  }
0x97: {  	_ =	strace $0x8FFFFFFF  }
0x98: {  	s19 =	sld [smem:$0x3FDB];
	_ =	sdelay $0x1  }
0x99: {  	s4 =	simm.s32 $_scs_section_size  }
0x9a: {  	s5 =	simm.s32 $_size__tile_overlayer_lowered;
	s6 =	simm.s32 $_tile_overlayer_lowered  }
0x9b: {  	s22 =	simm.s32 $0x1BFF;
	s21 =	sshll.u32 s6, $0x1;
	s3 =	sadd.s32 s4, s19  }
0x9c: {  	s7 =	simm.s32 $0x0;
	s20 =	sshll.u32 s5, $0x1;
	s5 =	sadd.s32 s21, s3  }
0x9d: {  	[timem:s7], [sflag:s22] =	dma.local [hbm:s5], s20  }
0x9e: {  	_ =	swait.ge [sflag:s22], s20  }
0x9f: {  	s4 =	ssub.s32 $0x0, s20;
	[sflag:s22] =	ssyncset.done $0x0  }
0xa0: {  	[sflag:s22] =	ssyncadd.s32 s4;
	_ =	sdelay $0x1  }
0xa1: {  	s23 =	simm.s32 $0x1B8B  }
0xa2: {  	_ =	swait.ge [sflag:s23], $0x1  }
0xa3: {  	[sflag:s23] =	ssyncset.done $0x0  }
0xa4: {  	s25 =	simm.s32 $0x1B8E;
	s24 =	sld [smem:$0x3FFE];
	[sflag:s23] =	ssyncadd.s32 $0xFFFFFFFF  }
0xa5: {  	s26 =	simm.s32 $execute0_lowered;
	[smem:$0x3FD2] =	sst s25  }
0xa6: {  	s5 =	sshll.u32 s26, $0x1;
	_ =	strace $0x80000046;
	[dreg:$0x1] =	wrdreg $0xFFFFFFFF  }
0xa7: {  	s28 =	simm.s32 $_size_execute0_lowered;
	s3 =	sadd.s32 s3, s5;
	[dreg:$0x0] =	wrdreg $0x0  }
0xa8: {  	s5 =	sshll.u32 s28, $0x1;
	[dreg:$0x2] =	wrdreg s3  }
0xa9: {  	[dreg:$0x3] =	wrdreg s5  }
0xaa: {  	[dreg:$0x4] =	wrdreg $0xC0  }
0xab: {  	_ =	task [dreg:s7], $0x5FFFF  }
0xac: {  	[dreg:$0x1] =	wrdreg $0xFFFFFFFF  }
0xad: {  	[dreg:$0x0] =	wrdreg $0x60  }
0xae: {  	[dreg:$0x2] =	wrdreg s2  }
0xaf: {  	[dreg:$0x3] =	wrdreg s24  }
0xb0: {  	[dreg:$0x4] =	wrdreg $0x9  }
0xb1: {  	_ =	task.clear_ibuf [dreg:s7], $0x5FFFF;
	_ =	strace $0x90000046  }
0xb2: {  	s29 =	simm.s32 $0x9;
	_ =	strace $0x80000048  }
0xb3: {  	_ =	swait.ge [sflag:s29], $0x1  }
0xb4: {  	[sflag:s29] =	ssyncadd.s32 $0xFFFFFFFF  }
0xb5: {  	_ =	strace $0x90000048  }
0xb6: {  	_ =	sfence  }
0xb7: {  	s30 =	sld [smem:$0x0];
	_ =	sdelay $0x2  }
0xb8: {  	s31 =	sshll.u32 s1, $0xD;
	s1 =	sshrl.u32 s1, $0x2  }
0xb9: {  	s3 =	sand.u32 $0x4000, s31;
	s1 =	sadd.s32 s1, s30  }
0xba: {  	s0 =	sor.u32 s3, s0;
	s1 =	sshll.u32 s1, $0x11  }
0xbb: {  	s0 =	sor.u32 s1, s0  }
0xbc: {  	s0 =	sadd.s32 $0x8F2B, s0  }
0xbd: {  	[sflag:s0] =	ssyncadd.remote.s32 $0x1  }
0xbe: {  	_ =	sfence.sel $0xFFFF  }
0xbf: {  	[dreg:$0x0] =	wrdreg $0xFFFFFFFF;
	(pc) =	sbr.abs _section_cstart, $3  }
0xc0: {  	[dreg:$0x1] =	wrdreg $0xFFFFFFFF  }
0xc1: {  	_ =	task.clear_ibuf [dreg:s7], $0x2FFFF;
	_ =	strace $0x9FFFFFFF  }
0xc2: {  	(tm) =	ssettm $0x7FFFFFFF  }
0xc3: {  	_ =	shalt  }
tec
execute0_lowered:
.L_overlay_start_1:
0x0: {  	(tag) =	ssettag $0x1  }
0x1: {  	s2 =	rddreg [dreg:$0x0];
	s0 =	srdreg.scid  }
0x2: {  	s4 =	rddreg [dreg:$0x1];
	s1 =	stileid.u32;
	s3 =	simm.s32 $0x0  }
0x3: {  	s14 =	simm.s32 $0x1;
	s15 =	simm.s32 $0x6000;
	s16 =	simm.s32 $0x6200  }
0x4: {  	s17 =	simm.s32 $0x6400;
	s18 =	simm.s32 $0x6600;
	s19 =	simm.s32 $0x6800  }
0x5: {  	s20 =	simm.s32 $0x6A00;
	s21 =	simm.s32 $0x6C00;
	s22 =	simm.s32 $0x6E00  }
0x6: {  	s23 =	simm.s32 $0x7000;
	s5 =	sand.u32 $0x1, s0;
	s0 =	rddreg [dreg:$0x2]  }
0x7: {  	s6 =	sshll.u32 s1, $0x7;
	s7 =	sshll.u32 s5, $0x6;
	s5 =	ssub.s32 $0x2, s5  }
0x8: {  	[smem:$0x7FF] =	sst s3;
	s6 =	sor.u32 s7, s6;
	s31 =	sshrl.u32 s5, $0x1  }
0x9: {  	_ =	strace $0x80000047;
	s4 =	sadd.s32 s4, s6;
	s13 =	ssub.s32 s5, s31  }
0xa: {  	s5 =	sadd.s32 $0x2800, s4;
	s6 =	sadd.s32 $0x2000, s4;
	s7 =	sadd.s32 $0x1800, s4  }
0xb: {  	s8 =	sadd.s32 $0x1000, s4;
	s9 =	sadd.s32 $0x800, s4;
	s10 =	sadd.s32 $0x3000, s4  }
0xc: {  	s11 =	sadd.s32 $0x3800, s4;
	s12 =	sadd.s32 $0x4000, s4;
	s13 =	smax.u32 s13, $0x1  }
.LBB2_1:
0xd: {  	[tilespmem:s3], [sflag:$0x1] =	stream.linear.gather [hbm4b:s2+s3], $0x6000, $0x38;
	[tilespmem:$0x7200] =	vst v63  }
0xe: {  	_ =	swait.ge [sflag:s14], $0x6000  }
0xf: {  	[sflag:s14] =	ssyncset.done $0x0  }
0x10: {  	[sflag:s14] =	ssyncadd.s32 $0xFFFFA000  }
0x11: {  	[tilespmem:s15], [sflag:$0x1] =	stream.linear.gather [hbm4b:s5+s3], $0x200, $0x38;
	[tilespmem:$0x7200] =	vst v63  }
0x12: {  	_ =	swait.ge [sflag:s14], $0x200  }
0x13: {  	[sflag:s14] =	ssyncset.done $0x0  }
0x14: {  	[sflag:s14] =	ssyncadd.s32 $0xFFFFFE00  }
0x15: {  	[tilespmem:s16], [sflag:$0x1] =	stream.linear.gather [hbm4b:s6+s3], $0x200, $0x38;
	[tilespmem:$0x7200] =	vst v63  }
0x16: {  	_ =	swait.ge [sflag:s14], $0x200  }
0x17: {  	[sflag:s14] =	ssyncset.done $0x0  }
0x18: {  	[sflag:s14] =	ssyncadd.s32 $0xFFFFFE00  }
0x19: {  	[tilespmem:s17], [sflag:$0x1] =	stream.linear.gather [hbm4b:s7+s3], $0x200, $0x38;
	[tilespmem:$0x7200] =	vst v63  }
0x1a: {  	_ =	swait.ge [sflag:s14], $0x200  }
0x1b: {  	[sflag:s14] =	ssyncset.done $0x0  }
0x1c: {  	[sflag:s14] =	ssyncadd.s32 $0xFFFFFE00  }
0x1d: {  	[tilespmem:s18], [sflag:$0x1] =	stream.linear.gather [hbm4b:s8+s3], $0x200, $0x38;
	[tilespmem:$0x7200] =	vst v63  }
0x1e: {  	_ =	swait.ge [sflag:s14], $0x200  }
0x1f: {  	[sflag:s14] =	ssyncset.done $0x0  }
0x20: {  	[sflag:s14] =	ssyncadd.s32 $0xFFFFFE00  }
0x21: {  	[tilespmem:s19], [sflag:$0x1] =	stream.linear.gather [hbm4b:s9+s3], $0x200, $0x38;
	[tilespmem:$0x7200] =	vst v63  }
0x22: {  	_ =	swait.ge [sflag:s14], $0x200  }
0x23: {  	[sflag:s14] =	ssyncset.done $0x0  }
0x24: {  	[sflag:s14] =	ssyncadd.s32 $0xFFFFFE00  }
0x25: {  	[tilespmem:s20], [sflag:$0x1] =	stream.linear.gather [hbm4b:s4+s3], $0x200, $0x38;
	[tilespmem:$0x7200] =	vst v63  }
0x26: {  	_ =	swait.ge [sflag:s14], $0x200  }
0x27: {  	[sflag:s14] =	ssyncset.done $0x0  }
0x28: {  	[sflag:s14] =	ssyncadd.s32 $0xFFFFFE00  }
0x29: {  	v0 =	vld [tilespmem:$0x6600]  }
0x2a: {  	v1 =	vld [tilespmem:$0x6800];
	_ =	sdelay $0x1  }
0x2b: {  	v2 =	vld [tilespmem:$0x6A00];
	_ =	sdelay $0x1  }
0x2c: {  	v0 =	vadd.f32 $9.999999930e-09, v0  }
0x2d: {  	v1 =	vadd.f32 $9.999999930e-09, v1  }
0x2e: {  	(erf) = vrcp.f32 v0  }
0x2f: {  	v17 =	vld [tilespmem:$0x6000];
	v18 =	vadd.f32 $9.999999930e-09, v2;
	(erf) = vrcp.f32 v1;
	_ =	sdelay $0x1  }
0x30: {  	v19 =	vld [tilespmem:$0x6200];
	(erf) = vrcp.f32 v18;
	_ =	sdelay $0x1  }
0x31: {  	v20 =	vld [tilespmem:$0x6400]  }
0x32: {  	v0 =	vmul.u32 $0x3, v17;
	_ =	sdelay $0x1  }
0x33: {  	v2 =	vmul.u32 $0x3, v19  }
0x34: {  	v3 =	vpop (erf)  }
0x35: {  	v1 =	vmul.u32 $0x3, v20;
	v4 =	vpop (erf)  }
0x36: {  	v5 =	vadd.f32 v4, v3  }
0x37: {  	v7 =	vld.idx.msk [tilespmem:v0+s3+$0x0], $0xffff;
	v6 =	vpop (erf)  }
0x38: {  	v5 =	vadd.f32 v6, v5  }
0x39: {  	v8 =	vld.idx.msk [tilespmem:v2+s3+$0x0], $0xffff  }
0x3a: {  	(erf) = vrcp.f32 v5  }
0x3b: {  	v21 =	vld.idx.msk [tilespmem:v1+s3+$0x0], $0xffff  }
0x3c: {  	v7 =	vmul.f32 v7, v3;
	_ =	sdelay $0x1  }
0x3d: {  	v8 =	vmul.f32 v8, v4;
	v7 =	vadd.f32 $0.0e+00, v7;
	_ =	sdelay $0x1  }
0x3e: {  	v7 =	vadd.f32 v8, v7;
	v5 =	vmul.f32 v21, v6;
	_ =	sdelay $0x1  }
0x3f: {  	v22 =	vadd.s32 $0x1, v0;
	v5 =	vadd.f32 v5, v7  }
0x40: {  	v23 =	vpop (erf)  }
0x41: {  	v9 =	vadd.s32 $0x1, v2;
	v5 =	vmul.f32 v5, v23;
	_ =	sdelay $0x1  }
0x42: {  	v24 =	vadd.s32 $0x1, v1;
	[tilespmem:$0x6C00] =	vst v5  }
0x43: {  	v7 =	vld.idx.msk [tilespmem:v22+s3+$0x0], $0xffff;
	_ =	sdelay $0x1  }
0x44: {  	v9 =	vld.idx.msk [tilespmem:v9+s3+$0x0], $0xffff;
	_ =	sdelay $0x1  }
0x45: {  	v5 =	vld.idx.msk [tilespmem:v24+s3+$0x0], $0xffff  }
0x46: {  	v7 =	vmul.f32 v7, v3;
	_ =	sdelay $0x1  }
0x47: {  	v9 =	vmul.f32 v9, v4;
	v7 =	vadd.f32 $0.0e+00, v7;
	_ =	sdelay $0x1  }
0x48: {  	v5 =	vmul.f32 v5, v6;
	v7 =	vadd.f32 v9, v7;
	_ =	sdelay $0x1  }
0x49: {  	v0 =	vadd.s32 $0x2, v0;
	v5 =	vadd.f32 v5, v7;
	_ =	sdelay $0x1  }
0x4a: {  	v25 =	vld [tilespmem:$0x6610];
	v2 =	vadd.s32 $0x2, v2;
	v5 =	vmul.f32 v5, v23  }
0x4b: {  	v26 =	vld [tilespmem:$0x6810]  }
0x4c: {  	v27 =	vld [tilespmem:$0x6A10];
	v1 =	vadd.s32 $0x2, v1;
	[tilespmem:$0x6E00] =	vst v5  }
0x4d: {  	v0 =	vld.idx.msk [tilespmem:v0+s3+$0x0], $0xffff;
	_ =	sdelay $0x1  }
0x4e: {  	v7 =	vadd.f32 $9.999999930e-09, v25;
	v2 =	vld.idx.msk [tilespmem:v2+s3+$0x0], $0xffff  }
0x4f: {  	v5 =	vadd.f32 $9.999999930e-09, v26  }
0x50: {  	(erf) = vrcp.f32 v7;
	v1 =	vld.idx.msk [tilespmem:v1+s3+$0x0], $0xffff  }
0x51: {  	v28 =	vld [tilespmem:$0x6010];
	v29 =	vadd.f32 $9.999999930e-09, v27;
	(erf) = vrcp.f32 v5;
	v0 =	vmul.f32 v0, v3;
	_ =	sdelay $0x1  }
0x52: {  	v30 =	vld [tilespmem:$0x6210];
	(erf) = vrcp.f32 v29;
	v2 =	vmul.f32 v2, v4;
	v0 =	vadd.f32 $0.0e+00, v0;
	_ =	sdelay $0x1  }
0x53: {  	v31 =	vld [tilespmem:$0x6410];
	v1 =	vmul.f32 v1, v6;
	v0 =	vadd.f32 v2, v0  }
0x54: {  	v3 =	vmul.u32 $0x3, v28  }
0x55: {  	v0 =	vadd.f32 v1, v0  }
0x56: {  	v32 =	vmul.u32 $0x3, v30  }
0x57: {  	v33 =	vpop (erf);
	v0 =	vmul.f32 v0, v23  }
0x58: {  	v2 =	vmul.u32 $0x3, v31;
	v34 =	vpop (erf)  }
0x59: {  	v35 =	vadd.f32 v34, v33;
	[tilespmem:$0x7000] =	vst v0  }
0x5a: {  	v36 =	vpop (erf);
	v37 =	vld.idx.msk [tilespmem:v3+s3+$0x0], $0xffff  }
0x5b: {  	v0 =	vadd.f32 v36, v35  }
0x5c: {  	v38 =	vld.idx.msk [tilespmem:v32+s3+$0x0], $0xffff  }
0x5d: {  	(erf) = vrcp.f32 v0  }
0x5e: {  	v39 =	vld.idx.msk [tilespmem:v2+s3+$0x0], $0xffff  }
0x5f: {  	v7 =	vmul.f32 v37, v33;
	_ =	sdelay $0x1  }
0x60: {  	v8 =	vmul.f32 v38, v34;
	v7 =	vadd.f32 $0.0e+00, v7;
	_ =	sdelay $0x1  }
0x61: {  	v0 =	vmul.f32 v39, v36;
	v7 =	vadd.f32 v8, v7;
	_ =	sdelay $0x1  }
0x62: {  	v40 =	vadd.s32 $0x1, v3;
	v0 =	vadd.f32 v0, v7  }
0x63: {  	v41 =	vpop (erf)  }
0x64: {  	v42 =	vadd.s32 $0x1, v32;
	v0 =	vmul.f32 v0, v41;
	_ =	sdelay $0x1  }
0x65: {  	v43 =	vadd.s32 $0x1, v2;
	[tilespmem:$0x6C10] =	vst v0  }
0x66: {  	v7 =	vld.idx.msk [tilespmem:v40+s3+$0x0], $0xffff;
	_ =	sdelay $0x1  }
0x67: {  	v9 =	vld.idx.msk [tilespmem:v42+s3+$0x0], $0xffff;
	_ =	sdelay $0x1  }
0x68: {  	v0 =	vld.idx.msk [tilespmem:v43+s3+$0x0], $0xffff  }
0x69: {  	v7 =	vmul.f32 v7, v33;
	_ =	sdelay $0x1  }
0x6a: {  	v9 =	vmul.f32 v9, v34;
	v7 =	vadd.f32 $0.0e+00, v7;
	_ =	sdelay $0x1  }
0x6b: {  	v0 =	vmul.f32 v0, v36;
	v7 =	vadd.f32 v9, v7;
	_ =	sdelay $0x1  }
0x6c: {  	v3 =	vadd.s32 $0x2, v3;
	v0 =	vadd.f32 v0, v7;
	_ =	sdelay $0x1  }
0x6d: {  	v44 =	vld [tilespmem:$0x6620];
	v1 =	vadd.s32 $0x2, v32;
	v0 =	vmul.f32 v0, v41  }
0x6e: {  	v45 =	vld [tilespmem:$0x6820]  }
0x6f: {  	v46 =	vld [tilespmem:$0x6A20];
	v2 =	vadd.s32 $0x2, v2;
	[tilespmem:$0x6E10] =	vst v0  }
0x70: {  	v3 =	vld.idx.msk [tilespmem:v3+s3+$0x0], $0xffff;
	_ =	sdelay $0x1  }
0x71: {  	v7 =	vadd.f32 $9.999999930e-09, v44;
	v1 =	vld.idx.msk [tilespmem:v1+s3+$0x0], $0xffff  }
0x72: {  	v0 =	vadd.f32 $9.999999930e-09, v45  }
0x73: {  	(erf) = vrcp.f32 v7;
	v2 =	vld.idx.msk [tilespmem:v2+s3+$0x0], $0xffff  }
0x74: {  	v47 =	vld [tilespmem:$0x6020];
	v48 =	vadd.f32 $9.999999930e-09, v46;
	(erf) = vrcp.f32 v0;
	v3 =	vmul.f32 v3, v33;
	_ =	sdelay $0x1  }
0x75: {  	v49 =	vld [tilespmem:$0x6220];
	(erf) = vrcp.f32 v48;
	v1 =	vmul.f32 v1, v34;
	v3 =	vadd.f32 $0.0e+00, v3;
	_ =	sdelay $0x1  }
0x76: {  	v52 =	vld [tilespmem:$0x6420];
	v51 =	vmul.f32 v2, v36;
	v50 =	vadd.f32 v1, v3  }
0x77: {  	v53 =	vmul.u32 $0x3, v47  }
0x78: {  	v0 =	vadd.f32 v51, v50  }
0x79: {  	v54 =	vmul.u32 $0x3, v49  }
0x7a: {  	v55 =	vpop (erf);
	v0 =	vmul.f32 v0, v41  }
0x7b: {  	v2 =	vmul.u32 $0x3, v52;
	v56 =	vpop (erf)  }
0x7c: {  	v57 =	vadd.f32 v56, v55;
	[tilespmem:$0x7010] =	vst v0  }
0x7d: {  	v58 =	vpop (erf);
	v59 =	vld.idx.msk [tilespmem:v53+s3+$0x0], $0xffff  }
0x7e: {  	v0 =	vadd.f32 v58, v57  }
0x7f: {  	v60 =	vld.idx.msk [tilespmem:v54+s3+$0x0], $0xffff  }
0x80: {  	(erf) = vrcp.f32 v0  }
0x81: {  	v61 =	vld.idx.msk [tilespmem:v2+s3+$0x0], $0xffff  }
0x82: {  	v7 =	vmul.f32 v59, v55;
	_ =	sdelay $0x1  }
0x83: {  	v8 =	vmul.f32 v60, v56;
	v7 =	vadd.f32 $0.0e+00, v7;
	_ =	sdelay $0x1  }
0x84: {  	v0 =	vmul.f32 v61, v58;
	v7 =	vadd.f32 v8, v7;
	_ =	sdelay $0x1  }
0x85: {  	v62 =	vadd.s32 $0x1, v53;
	v0 =	vadd.f32 v0, v7  }
0x86: {  	v63 =	vpop (erf)  }
0x87: {  	v12 =	vadd.s32 $0x1, v54;
	v0 =	vmul.f32 v0, v63;
	_ =	sdelay $0x1  }
0x88: {  	v13 =	vadd.s32 $0x1, v2;
	[tilespmem:$0x6C20] =	vst v0  }
0x89: {  	v7 =	vld.idx.msk [tilespmem:v62+s3+$0x0], $0xffff;
	_ =	sdelay $0x1  }
0x8a: {  	v9 =	vld.idx.msk [tilespmem:v12+s3+$0x0], $0xffff;
	_ =	sdelay $0x1  }
0x8b: {  	v0 =	vld.idx.msk [tilespmem:v13+s3+$0x0], $0xffff  }
0x8c: {  	v7 =	vmul.f32 v7, v55;
	_ =	sdelay $0x1  }
0x8d: {  	v9 =	vmul.f32 v9, v56;
	v7 =	vadd.f32 $0.0e+00, v7;
	_ =	sdelay $0x1  }
0x8e: {  	v0 =	vmul.f32 v0, v58;
	v7 =	vadd.f32 v9, v7;
	_ =	sdelay $0x1  }
0x8f: {  	v3 =	vadd.s32 $0x2, v53;
	v0 =	vadd.f32 v0, v7;
	_ =	sdelay $0x1  }
0x90: {  	v14 =	vld [tilespmem:$0x6630];
	v1 =	vadd.s32 $0x2, v54;
	v0 =	vmul.f32 v0, v63  }
0x91: {  	v15 =	vld [tilespmem:$0x6830]  }
0x92: {  	v16 =	vld [tilespmem:$0x6A30];
	v2 =	vadd.s32 $0x2, v2;
	[tilespmem:$0x6E20] =	vst v0  }
0x93: {  	v3 =	vld.idx.msk [tilespmem:v3+s3+$0x0], $0xffff;
	_ =	sdelay $0x1  }
0x94: {  	v7 =	vadd.f32 $9.999999930e-09, v14;
	v1 =	vld.idx.msk [tilespmem:v1+s3+$0x0], $0xffff  }
0x95: {  	v0 =	vadd.f32 $9.999999930e-09, v15  }
0x96: {  	(erf) = vrcp.f32 v7;
	v2 =	vld.idx.msk [tilespmem:v2+s3+$0x0], $0xffff  }
0x97: {  	v17 =	vld [tilespmem:$0x6030];
	v18 =	vadd.f32 $9.999999930e-09, v16;
	(erf) = vrcp.f32 v0;
	v3 =	vmul.f32 v3, v55;
	_ =	sdelay $0x1  }
0x98: {  	v19 =	vld [tilespmem:$0x6230];
	(erf) = vrcp.f32 v18;
	v1 =	vmul.f32 v1, v56;
	v3 =	vadd.f32 $0.0e+00, v3;
	_ =	sdelay $0x1  }
0x99: {  	v22 =	vld [tilespmem:$0x6430];
	v21 =	vmul.f32 v2, v58;
	v20 =	vadd.f32 v1, v3  }
0x9a: {  	v23 =	vmul.u32 $0x3, v17  }
0x9b: {  	v0 =	vadd.f32 v21, v20  }
0x9c: {  	v24 =	vmul.u32 $0x3, v19  }
0x9d: {  	v25 =	vpop (erf);
	v0 =	vmul.f32 v0, v63  }
0x9e: {  	v2 =	vmul.u32 $0x3, v22;
	v26 =	vpop (erf)  }
0x9f: {  	v27 =	vadd.f32 v26, v25;
	[tilespmem:$0x7020] =	vst v0  }
0xa0: {  	v28 =	vpop (erf);
	v29 =	vld.idx.msk [tilespmem:v23+s3+$0x0], $0xffff  }
0xa1: {  	v0 =	vadd.f32 v28, v27  }
0xa2: {  	v30 =	vld.idx.msk [tilespmem:v24+s3+$0x0], $0xffff  }
0xa3: {  	(erf) = vrcp.f32 v0  }
0xa4: {  	v31 =	vld.idx.msk [tilespmem:v2+s3+$0x0], $0xffff  }
0xa5: {  	v7 =	vmul.f32 v29, v25;
	_ =	sdelay $0x1  }
0xa6: {  	v8 =	vmul.f32 v30, v26;
	v7 =	vadd.f32 $0.0e+00, v7;
	_ =	sdelay $0x1  }
0xa7: {  	v0 =	vmul.f32 v31, v28;
	v7 =	vadd.f32 v8, v7;
	_ =	sdelay $0x1  }
0xa8: {  	v32 =	vadd.s32 $0x1, v23;
	v0 =	vadd.f32 v0, v7  }
0xa9: {  	v33 =	vpop (erf)  }
0xaa: {  	v34 =	vadd.s32 $0x1, v24;
	v0 =	vmul.f32 v0, v33;
	_ =	sdelay $0x1  }
0xab: {  	v35 =	vadd.s32 $0x1, v2;
	[tilespmem:$0x6C30] =	vst v0  }
0xac: {  	v7 =	vld.idx.msk [tilespmem:v32+s3+$0x0], $0xffff;
	_ =	sdelay $0x1  }
0xad: {  	v9 =	vld.idx.msk [tilespmem:v34+s3+$0x0], $0xffff;
	_ =	sdelay $0x1  }
0xae: {  	v0 =	vld.idx.msk [tilespmem:v35+s3+$0x0], $0xffff  }
0xaf: {  	v7 =	vmul.f32 v7, v25;
	_ =	sdelay $0x1  }
0xb0: {  	v9 =	vmul.f32 v9, v26;
	v7 =	vadd.f32 $0.0e+00, v7;
	_ =	sdelay $0x1  }
0xb1: {  	v0 =	vmul.f32 v0, v28;
	v7 =	vadd.f32 v9, v7;
	_ =	sdelay $0x1  }
0xb2: {  	v3 =	vadd.s32 $0x2, v23;
	v0 =	vadd.f32 v0, v7;
	_ =	sdelay $0x1  }
0xb3: {  	v36 =	vld [tilespmem:$0x6640];
	v1 =	vadd.s32 $0x2, v24;
	v0 =	vmul.f32 v0, v33  }
0xb4: {  	v37 =	vld [tilespmem:$0x6840]  }
0xb5: {  	v38 =	vld [tilespmem:$0x6A40];
	v2 =	vadd.s32 $0x2, v2;
	[tilespmem:$0x6E30] =	vst v0  }
0xb6: {  	v3 =	vld.idx.msk [tilespmem:v3+s3+$0x0], $0xffff;
	_ =	sdelay $0x1  }
0xb7: {  	v7 =	vadd.f32 $9.999999930e-09, v36;
	v1 =	vld.idx.msk [tilespmem:v1+s3+$0x0], $0xffff  }
0xb8: {  	v0 =	vadd.f32 $9.999999930e-09, v37  }
0xb9: {  	(erf) = vrcp.f32 v7;
	v2 =	vld.idx.msk [tilespmem:v2+s3+$0x0], $0xffff  }
0xba: {  	v39 =	vld [tilespmem:$0x6040];
	v40 =	vadd.f32 $9.999999930e-09, v38;
	(erf) = vrcp.f32 v0;
	v3 =	vmul.f32 v3, v25;
	_ =	sdelay $0x1  }
0xbb: {  	v41 =	vld [tilespmem:$0x6240];
	(erf) = vrcp.f32 v40;
	v1 =	vmul.f32 v1, v26;
	v3 =	vadd.f32 $0.0e+00, v3;
	_ =	sdelay $0x1  }
0xbc: {  	v44 =	vld [tilespmem:$0x6440];
	v43 =	vmul.f32 v2, v28;
	v42 =	vadd.f32 v1, v3  }
0xbd: {  	v45 =	vmul.u32 $0x3, v39  }
0xbe: {  	v0 =	vadd.f32 v43, v42  }
0xbf: {  	v46 =	vmul.u32 $0x3, v41  }
0xc0: {  	v47 =	vpop (erf);
	v0 =	vmul.f32 v0, v33  }
0xc1: {  	v2 =	vmul.u32 $0x3, v44;
	v48 =	vpop (erf)  }
0xc2: {  	v49 =	vadd.f32 v48, v47;
	[tilespmem:$0x7030] =	vst v0  }
0xc3: {  	v50 =	vpop (erf);
	v51 =	vld.idx.msk [tilespmem:v45+s3+$0x0], $0xffff  }
0xc4: {  	v0 =	vadd.f32 v50, v49  }
0xc5: {  	v52 =	vld.idx.msk [tilespmem:v46+s3+$0x0], $0xffff  }
0xc6: {  	(erf) = vrcp.f32 v0  }
0xc7: {  	v53 =	vld.idx.msk [tilespmem:v2+s3+$0x0], $0xffff  }
0xc8: {  	v7 =	vmul.f32 v51, v47;
	_ =	sdelay $0x1  }
0xc9: {  	v8 =	vmul.f32 v52, v48;
	v7 =	vadd.f32 $0.0e+00, v7;
	_ =	sdelay $0x1  }
0xca: {  	v0 =	vmul.f32 v53, v50;
	v7 =	vadd.f32 v8, v7;
	_ =	sdelay $0x1  }
0xcb: {  	v54 =	vadd.s32 $0x1, v45;
	v0 =	vadd.f32 v0, v7  }
0xcc: {  	v55 =	vpop (erf)  }
0xcd: {  	v56 =	vadd.s32 $0x1, v46;
	v0 =	vmul.f32 v0, v55;
	_ =	sdelay $0x1  }
0xce: {  	v57 =	vadd.s32 $0x1, v2;
	[tilespmem:$0x6C40] =	vst v0  }
0xcf: {  	v7 =	vld.idx.msk [tilespmem:v54+s3+$0x0], $0xffff;
	_ =	sdelay $0x1  }
0xd0: {  	v9 =	vld.idx.msk [tilespmem:v56+s3+$0x0], $0xffff;
	_ =	sdelay $0x1  }
0xd1: {  	v0 =	vld.idx.msk [tilespmem:v57+s3+$0x0], $0xffff  }
0xd2: {  	v7 =	vmul.f32 v7, v47;
	_ =	sdelay $0x1  }
0xd3: {  	v9 =	vmul.f32 v9, v48;
	v7 =	vadd.f32 $0.0e+00, v7;
	_ =	sdelay $0x1  }
0xd4: {  	v0 =	vmul.f32 v0, v50;
	v7 =	vadd.f32 v9, v7;
	_ =	sdelay $0x1  }
0xd5: {  	v3 =	vadd.s32 $0x2, v45;
	v0 =	vadd.f32 v0, v7;
	_ =	sdelay $0x1  }
0xd6: {  	v58 =	vld [tilespmem:$0x6650];
	v1 =	vadd.s32 $0x2, v46;
	v0 =	vmul.f32 v0, v55  }
0xd7: {  	v59 =	vld [tilespmem:$0x6850]  }
0xd8: {  	v60 =	vld [tilespmem:$0x6A50];
	v2 =	vadd.s32 $0x2, v2;
	[tilespmem:$0x6E40] =	vst v0  }
0xd9: {  	v3 =	vld.idx.msk [tilespmem:v3+s3+$0x0], $0xffff;
	_ =	sdelay $0x1  }
0xda: {  	v7 =	vadd.f32 $9.999999930e-09, v58;
	v1 =	vld.idx.msk [tilespmem:v1+s3+$0x0], $0xffff  }
0xdb: {  	v0 =	vadd.f32 $9.999999930e-09, v59  }
0xdc: {  	(erf) = vrcp.f32 v7;
	v2 =	vld.idx.msk [tilespmem:v2+s3+$0x0], $0xffff  }
0xdd: {  	v61 =	vld [tilespmem:$0x6050];
	v62 =	vadd.f32 $9.999999930e-09, v60;
	(erf) = vrcp.f32 v0;
	v3 =	vmul.f32 v3, v47;
	_ =	sdelay $0x1  }
0xde: {  	v63 =	vld [tilespmem:$0x6250];
	(erf) = vrcp.f32 v62;
	v1 =	vmul.f32 v1, v48;
	v3 =	vadd.f32 $0.0e+00, v3;
	_ =	sdelay $0x1  }
0xdf: {  	v11 =	vld [tilespmem:$0x6450];
	v10 =	vmul.f32 v2, v50;
	v9 =	vadd.f32 v1, v3  }
0xe0: {  	v12 =	vmul.u32 $0x3, v61  }
0xe1: {  	v0 =	vadd.f32 v10, v9  }
0xe2: {  	v13 =	vmul.u32 $0x3, v63  }
0xe3: {  	v14 =	vpop (erf);
	v0 =	vmul.f32 v0, v55  }
0xe4: {  	v2 =	vmul.u32 $0x3, v11;
	v15 =	vpop (erf)  }
0xe5: {  	v16 =	vadd.f32 v15, v14;
	[tilespmem:$0x7040] =	vst v0  }
0xe6: {  	v17 =	vpop (erf);
	v18 =	vld.idx.msk [tilespmem:v12+s3+$0x0], $0xffff  }
0xe7: {  	v0 =	vadd.f32 v17, v16  }
0xe8: {  	v19 =	vld.idx.msk [tilespmem:v13+s3+$0x0], $0xffff  }
0xe9: {  	(erf) = vrcp.f32 v0  }
0xea: {  	v20 =	vld.idx.msk [tilespmem:v2+s3+$0x0], $0xffff  }
0xeb: {  	v7 =	vmul.f32 v18, v14;
	_ =	sdelay $0x1  }
0xec: {  	v8 =	vmul.f32 v19, v15;
	v7 =	vadd.f32 $0.0e+00, v7;
	_ =	sdelay $0x1  }
0xed: {  	v0 =	vmul.f32 v20, v17;
	v7 =	vadd.f32 v8, v7;
	_ =	sdelay $0x1  }
0xee: {  	v21 =	vadd.s32 $0x1, v12;
	v0 =	vadd.f32 v0, v7  }
0xef: {  	v22 =	vpop (erf)  }
0xf0: {  	v23 =	vadd.s32 $0x1, v13;
	v0 =	vmul.f32 v0, v22;
	_ =	sdelay $0x1  }
0xf1: {  	v24 =	vadd.s32 $0x1, v2;
	[tilespmem:$0x6C50] =	vst v0  }
0xf2: {  	v7 =	vld.idx.msk [tilespmem:v21+s3+$0x0], $0xffff;
	_ =	sdelay $0x1  }
0xf3: {  	v9 =	vld.idx.msk [tilespmem:v23+s3+$0x0], $0xffff;
	_ =	sdelay $0x1  }
0xf4: {  	v0 =	vld.idx.msk [tilespmem:v24+s3+$0x0], $0xffff  }
0xf5: {  	v7 =	vmul.f32 v7, v14;
	_ =	sdelay $0x1  }
0xf6: {  	v9 =	vmul.f32 v9, v15;
	v7 =	vadd.f32 $0.0e+00, v7;
	_ =	sdelay $0x1  }
0xf7: {  	v0 =	vmul.f32 v0, v17;
	v7 =	vadd.f32 v9, v7;
	_ =	sdelay $0x1  }
0xf8: {  	v3 =	vadd.s32 $0x2, v12;
	v0 =	vadd.f32 v0, v7;
	_ =	sdelay $0x1  }
0xf9: {  	v25 =	vld [tilespmem:$0x6660];
	v1 =	vadd.s32 $0x2, v13;
	v0 =	vmul.f32 v0, v22  }
0xfa: {  	v26 =	vld [tilespmem:$0x6860]  }
0xfb: {  	v27 =	vld [tilespmem:$0x6A60];
	v2 =	vadd.s32 $0x2, v2;
	[tilespmem:$0x6E50] =	vst v0  }
0xfc: {  	v3 =	vld.idx.msk [tilespmem:v3+s3+$0x0], $0xffff;
	_ =	sdelay $0x1  }
0xfd: {  	v7 =	vadd.f32 $9.999999930e-09, v25;
	v1 =	vld.idx.msk [tilespmem:v1+s3+$0x0], $0xffff  }
0xfe: {  	v0 =	vadd.f32 $9.999999930e-09, v26  }
0xff: {  	(erf) = vrcp.f32 v7;
	v2 =	vld.idx.msk [tilespmem:v2+s3+$0x0], $0xffff  }
0x100: {  	v29 =	vadd.f32 $9.999999930e-09, v27;
	v28 =	vld [tilespmem:$0x6060];
	(erf) = vrcp.f32 v0;
	v3 =	vmul.f32 v3, v14;
	_ =	sdelay $0x1  }
0x101: {  	v30 =	vld [tilespmem:$0x6260];
	(erf) = vrcp.f32 v29;
	v1 =	vmul.f32 v1, v15;
	v3 =	vadd.f32 $0.0e+00, v3;
	_ =	sdelay $0x1  }
0x102: {  	v33 =	vld [tilespmem:$0x6460];
	v32 =	vmul.f32 v2, v17;
	v31 =	vadd.f32 v1, v3  }
0x103: {  	v34 =	vmul.u32 $0x3, v28  }
0x104: {  	v0 =	vadd.f32 v32, v31  }
0x105: {  	v35 =	vmul.u32 $0x3, v30  }
0x106: {  	v36 =	vpop (erf);
	v0 =	vmul.f32 v0, v22  }
0x107: {  	v2 =	vmul.u32 $0x3, v33;
	v37 =	vpop (erf)  }
0x108: {  	v38 =	vadd.f32 v37, v36;
	[tilespmem:$0x7050] =	vst v0  }
0x109: {  	v39 =	vpop (erf);
	v40 =	vld.idx.msk [tilespmem:v34+s3+$0x0], $0xffff  }
0x10a: {  	v0 =	vadd.f32 v39, v38  }
0x10b: {  	v41 =	vld.idx.msk [tilespmem:v35+s3+$0x0], $0xffff  }
0x10c: {  	(erf) = vrcp.f32 v0  }
0x10d: {  	v42 =	vld.idx.msk [tilespmem:v2+s3+$0x0], $0xffff  }
0x10e: {  	v7 =	vmul.f32 v40, v36;
	_ =	sdelay $0x1  }
0x10f: {  	v8 =	vmul.f32 v41, v37;
	v7 =	vadd.f32 $0.0e+00, v7;
	_ =	sdelay $0x1  }
0x110: {  	v0 =	vmul.f32 v42, v39;
	v7 =	vadd.f32 v8, v7;
	_ =	sdelay $0x1  }
0x111: {  	v43 =	vadd.s32 $0x1, v34;
	v0 =	vadd.f32 v0, v7  }
0x112: {  	v44 =	vpop (erf)  }
0x113: {  	v45 =	vadd.s32 $0x1, v35;
	v0 =	vmul.f32 v0, v44;
	_ =	sdelay $0x1  }
0x114: {  	v46 =	vadd.s32 $0x1, v2;
	[tilespmem:$0x6C60] =	vst v0  }
0x115: {  	v7 =	vld.idx.msk [tilespmem:v43+s3+$0x0], $0xffff;
	_ =	sdelay $0x1  }
0x116: {  	v9 =	vld.idx.msk [tilespmem:v45+s3+$0x0], $0xffff;
	_ =	sdelay $0x1  }
0x117: {  	v0 =	vld.idx.msk [tilespmem:v46+s3+$0x0], $0xffff  }
0x118: {  	v7 =	vmul.f32 v7, v36;
	_ =	sdelay $0x1  }
0x119: {  	v9 =	vmul.f32 v9, v37;
	v7 =	vadd.f32 $0.0e+00, v7;
	_ =	sdelay $0x1  }
0x11a: {  	v0 =	vmul.f32 v0, v39;
	v7 =	vadd.f32 v9, v7;
	_ =	sdelay $0x1  }
0x11b: {  	v3 =	vadd.s32 $0x2, v34;
	v0 =	vadd.f32 v0, v7;
	_ =	sdelay $0x1  }
0x11c: {  	v47 =	vld [tilespmem:$0x6670];
	v1 =	vadd.s32 $0x2, v35;
	v0 =	vmul.f32 v0, v44  }
0x11d: {  	v48 =	vld [tilespmem:$0x6870]  }
0x11e: {  	v49 =	vld [tilespmem:$0x6A70];
	v2 =	vadd.s32 $0x2, v2;
	[tilespmem:$0x6E60] =	vst v0  }
0x11f: {  	v3 =	vld.idx.msk [tilespmem:v3+s3+$0x0], $0xffff;
	_ =	sdelay $0x1  }
0x120: {  	v7 =	vadd.f32 $9.999999930e-09, v47;
	v1 =	vld.idx.msk [tilespmem:v1+s3+$0x0], $0xffff  }
0x121: {  	v0 =	vadd.f32 $9.999999930e-09, v48  }
0x122: {  	(erf) = vrcp.f32 v7;
	v2 =	vld.idx.msk [tilespmem:v2+s3+$0x0], $0xffff  }
0x123: {  	v51 =	vadd.f32 $9.999999930e-09, v49;
	v50 =	vld [tilespmem:$0x6070];
	(erf) = vrcp.f32 v0;
	v3 =	vmul.f32 v3, v36;
	_ =	sdelay $0x1  }
0x124: {  	v52 =	vld [tilespmem:$0x6270];
	(erf) = vrcp.f32 v51;
	v1 =	vmul.f32 v1, v37;
	v3 =	vadd.f32 $0.0e+00, v3;
	_ =	sdelay $0x1  }
0x125: {  	v55 =	vld [tilespmem:$0x6470];
	v54 =	vmul.f32 v2, v39;
	v53 =	vadd.f32 v1, v3  }
0x126: {  	v56 =	vmul.u32 $0x3, v50  }
0x127: {  	v0 =	vadd.f32 v54, v53  }
0x128: {  	v57 =	vmul.u32 $0x3, v52  }
0x129: {  	v58 =	vpop (erf);
	v0 =	vmul.f32 v0, v44  }
0x12a: {  	v2 =	vmul.u32 $0x3, v55;
	v59 =	vpop (erf)  }
0x12b: {  	v60 =	vadd.f32 v59, v58;
	[tilespmem:$0x7060] =	vst v0  }
0x12c: {  	v61 =	vpop (erf);
	v62 =	vld.idx.msk [tilespmem:v56+s3+$0x0], $0xffff  }
0x12d: {  	v0 =	vadd.f32 v61, v60  }
0x12e: {  	v63 =	vld.idx.msk [tilespmem:v57+s3+$0x0], $0xffff  }
0x12f: {  	(erf) = vrcp.f32 v0  }
0x130: {  	v12 =	vld.idx.msk [tilespmem:v2+s3+$0x0], $0xffff  }
0x131: {  	v7 =	vmul.f32 v62, v58;
	_ =	sdelay $0x1  }
0x132: {  	v8 =	vmul.f32 v63, v59;
	v7 =	vadd.f32 $0.0e+00, v7;
	_ =	sdelay $0x1  }
0x133: {  	v0 =	vmul.f32 v12, v61;
	v7 =	vadd.f32 v8, v7;
	_ =	sdelay $0x1  }
0x134: {  	v13 =	vadd.s32 $0x1, v56;
	v0 =	vadd.f32 v0, v7  }
0x135: {  	v14 =	vpop (erf)  }
0x136: {  	v15 =	vadd.s32 $0x1, v57;
	v0 =	vmul.f32 v0, v14;
	_ =	sdelay $0x1  }
0x137: {  	v16 =	vadd.s32 $0x1, v2;
	[tilespmem:$0x6C70] =	vst v0  }
0x138: {  	v7 =	vld.idx.msk [tilespmem:v13+s3+$0x0], $0xffff;
	_ =	sdelay $0x1  }
0x139: {  	v9 =	vld.idx.msk [tilespmem:v15+s3+$0x0], $0xffff;
	_ =	sdelay $0x1  }
0x13a: {  	v0 =	vld.idx.msk [tilespmem:v16+s3+$0x0], $0xffff  }
0x13b: {  	v7 =	vmul.f32 v7, v58;
	_ =	sdelay $0x1  }
0x13c: {  	v9 =	vmul.f32 v9, v59;
	v7 =	vadd.f32 $0.0e+00, v7;
	_ =	sdelay $0x1  }
0x13d: {  	v0 =	vmul.f32 v0, v61;
	v7 =	vadd.f32 v9, v7;
	_ =	sdelay $0x1  }
0x13e: {  	v3 =	vadd.s32 $0x2, v56;
	v0 =	vadd.f32 v0, v7;
	_ =	sdelay $0x1  }
0x13f: {  	v17 =	vld [tilespmem:$0x6680];
	v1 =	vadd.s32 $0x2, v57;
	v0 =	vmul.f32 v0, v14  }
0x140: {  	v18 =	vld [tilespmem:$0x6880]  }
0x141: {  	v19 =	vld [tilespmem:$0x6A80];
	v2 =	vadd.s32 $0x2, v2;
	[tilespmem:$0x6E70] =	vst v0  }
0x142: {  	v3 =	vld.idx.msk [tilespmem:v3+s3+$0x0], $0xffff;
	_ =	sdelay $0x1  }
0x143: {  	v7 =	vadd.f32 $9.999999930e-09, v17;
	v1 =	vld.idx.msk [tilespmem:v1+s3+$0x0], $0xffff  }
0x144: {  	v0 =	vadd.f32 $9.999999930e-09, v18  }
0x145: {  	(erf) = vrcp.f32 v7;
	v2 =	vld.idx.msk [tilespmem:v2+s3+$0x0], $0xffff  }
0x146: {  	v20 =	vld [tilespmem:$0x6080];
	v21 =	vadd.f32 $9.999999930e-09, v19;
	(erf) = vrcp.f32 v0;
	v3 =	vmul.f32 v3, v58;
	_ =	sdelay $0x1  }
0x147: {  	v22 =	vld [tilespmem:$0x6280];
	(erf) = vrcp.f32 v21;
	v1 =	vmul.f32 v1, v59;
	v3 =	vadd.f32 $0.0e+00, v3;
	_ =	sdelay $0x1  }
0x148: {  	v25 =	vld [tilespmem:$0x6480];
	v24 =	vmul.f32 v2, v61;
	v23 =	vadd.f32 v1, v3  }
0x149: {  	v26 =	vmul.u32 $0x3, v20  }
0x14a: {  	v0 =	vadd.f32 v24, v23  }
0x14b: {  	v27 =	vmul.u32 $0x3, v22  }
0x14c: {  	v28 =	vpop (erf);
	v0 =	vmul.f32 v0, v14  }
0x14d: {  	v2 =	vmul.u32 $0x3, v25;
	v29 =	vpop (erf)  }
0x14e: {  	v30 =	vadd.f32 v29, v28;
	[tilespmem:$0x7070] =	vst v0  }
0x14f: {  	v31 =	vpop (erf);
	v32 =	vld.idx.msk [tilespmem:v26+s3+$0x0], $0xffff  }
0x150: {  	v0 =	vadd.f32 v31, v30  }
0x151: {  	v33 =	vld.idx.msk [tilespmem:v27+s3+$0x0], $0xffff  }
0x152: {  	(erf) = vrcp.f32 v0  }
0x153: {  	v34 =	vld.idx.msk [tilespmem:v2+s3+$0x0], $0xffff  }
0x154: {  	v7 =	vmul.f32 v32, v28;
	_ =	sdelay $0x1  }
0x155: {  	v8 =	vmul.f32 v33, v29;
	v7 =	vadd.f32 $0.0e+00, v7;
	_ =	sdelay $0x1  }
0x156: {  	v0 =	vmul.f32 v34, v31;
	v7 =	vadd.f32 v8, v7;
	_ =	sdelay $0x1  }
0x157: {  	v35 =	vadd.s32 $0x1, v26;
	v0 =	vadd.f32 v0, v7  }
0x158: {  	v36 =	vpop (erf)  }
0x159: {  	v37 =	vadd.s32 $0x1, v27;
	v0 =	vmul.f32 v0, v36;
	_ =	sdelay $0x1  }
0x15a: {  	v38 =	vadd.s32 $0x1, v2;
	[tilespmem:$0x6C80] =	vst v0  }
0x15b: {  	v7 =	vld.idx.msk [tilespmem:v35+s3+$0x0], $0xffff;
	_ =	sdelay $0x1  }
0x15c: {  	v9 =	vld.idx.msk [tilespmem:v37+s3+$0x0], $0xffff;
	_ =	sdelay $0x1  }
0x15d: {  	v0 =	vld.idx.msk [tilespmem:v38+s3+$0x0], $0xffff  }
0x15e: {  	v7 =	vmul.f32 v7, v28;
	_ =	sdelay $0x1  }
0x15f: {  	v9 =	vmul.f32 v9, v29;
	v7 =	vadd.f32 $0.0e+00, v7;
	_ =	sdelay $0x1  }
0x160: {  	v0 =	vmul.f32 v0, v31;
	v7 =	vadd.f32 v9, v7;
	_ =	sdelay $0x1  }
0x161: {  	v3 =	vadd.s32 $0x2, v26;
	v0 =	vadd.f32 v0, v7;
	_ =	sdelay $0x1  }
0x162: {  	v39 =	vld [tilespmem:$0x6690];
	v1 =	vadd.s32 $0x2, v27;
	v0 =	vmul.f32 v0, v36  }
0x163: {  	v40 =	vld [tilespmem:$0x6890]  }
0x164: {  	v41 =	vld [tilespmem:$0x6A90];
	v2 =	vadd.s32 $0x2, v2;
	[tilespmem:$0x6E80] =	vst v0  }
0x165: {  	v3 =	vld.idx.msk [tilespmem:v3+s3+$0x0], $0xffff;
	_ =	sdelay $0x1  }
0x166: {  	v7 =	vadd.f32 $9.999999930e-09, v39;
	v1 =	vld.idx.msk [tilespmem:v1+s3+$0x0], $0xffff  }
0x167: {  	v0 =	vadd.f32 $9.999999930e-09, v40  }
0x168: {  	(erf) = vrcp.f32 v7;
	v2 =	vld.idx.msk [tilespmem:v2+s3+$0x0], $0xffff  }
0x169: {  	v42 =	vld [tilespmem:$0x6090];
	v43 =	vadd.f32 $9.999999930e-09, v41;
	(erf) = vrcp.f32 v0;
	v3 =	vmul.f32 v3, v28;
	_ =	sdelay $0x1  }
0x16a: {  	v44 =	vld [tilespmem:$0x6290];
	(erf) = vrcp.f32 v43;
	v1 =	vmul.f32 v1, v29;
	v3 =	vadd.f32 $0.0e+00, v3;
	_ =	sdelay $0x1  }
0x16b: {  	v47 =	vld [tilespmem:$0x6490];
	v46 =	vmul.f32 v2, v31;
	v45 =	vadd.f32 v1, v3  }
0x16c: {  	v48 =	vmul.u32 $0x3, v42  }
0x16d: {  	v0 =	vadd.f32 v46, v45  }
0x16e: {  	v49 =	vmul.u32 $0x3, v44  }
0x16f: {  	v50 =	vpop (erf);
	v0 =	vmul.f32 v0, v36  }
0x170: {  	v2 =	vmul.u32 $0x3, v47;
	v51 =	vpop (erf)  }
0x171: {  	v52 =	vadd.f32 v51, v50;
	[tilespmem:$0x7080] =	vst v0  }
0x172: {  	v53 =	vpop (erf);
	v54 =	vld.idx.msk [tilespmem:v48+s3+$0x0], $0xffff  }
0x173: {  	v0 =	vadd.f32 v53, v52  }
0x174: {  	v55 =	vld.idx.msk [tilespmem:v49+s3+$0x0], $0xffff  }
0x175: {  	(erf) = vrcp.f32 v0  }
0x176: {  	v56 =	vld.idx.msk [tilespmem:v2+s3+$0x0], $0xffff  }
0x177: {  	v7 =	vmul.f32 v54, v50;
	_ =	sdelay $0x1  }
0x178: {  	v8 =	vmul.f32 v55, v51;
	v7 =	vadd.f32 $0.0e+00, v7;
	_ =	sdelay $0x1  }
0x179: {  	v0 =	vmul.f32 v56, v53;
	v7 =	vadd.f32 v8, v7;
	_ =	sdelay $0x1  }
0x17a: {  	v57 =	vadd.s32 $0x1, v48;
	v0 =	vadd.f32 v0, v7  }
0x17b: {  	v58 =	vpop (erf)  }
0x17c: {  	v59 =	vadd.s32 $0x1, v49;
	v0 =	vmul.f32 v0, v58;
	_ =	sdelay $0x1  }
0x17d: {  	v60 =	vadd.s32 $0x1, v2;
	[tilespmem:$0x6C90] =	vst v0  }
0x17e: {  	v7 =	vld.idx.msk [tilespmem:v57+s3+$0x0], $0xffff;
	_ =	sdelay $0x1  }
0x17f: {  	v9 =	vld.idx.msk [tilespmem:v59+s3+$0x0], $0xffff;
	_ =	sdelay $0x1  }
0x180: {  	v0 =	vld.idx.msk [tilespmem:v60+s3+$0x0], $0xffff  }
0x181: {  	v7 =	vmul.f32 v7, v50;
	_ =	sdelay $0x1  }
0x182: {  	v9 =	vmul.f32 v9, v51;
	v7 =	vadd.f32 $0.0e+00, v7;
	_ =	sdelay $0x1  }
0x183: {  	v0 =	vmul.f32 v0, v53;
	v7 =	vadd.f32 v9, v7;
	_ =	sdelay $0x1  }
0x184: {  	v3 =	vadd.s32 $0x2, v48;
	v0 =	vadd.f32 v0, v7;
	_ =	sdelay $0x1  }
0x185: {  	v61 =	vld [tilespmem:$0x66A0];
	v1 =	vadd.s32 $0x2, v49;
	v0 =	vmul.f32 v0, v58  }
0x186: {  	v62 =	vld [tilespmem:$0x68A0]  }
0x187: {  	v63 =	vld [tilespmem:$0x6AA0];
	v2 =	vadd.s32 $0x2, v2;
	[tilespmem:$0x6E90] =	vst v0  }
0x188: {  	v3 =	vld.idx.msk [tilespmem:v3+s3+$0x0], $0xffff;
	_ =	sdelay $0x1  }
0x189: {  	v7 =	vadd.f32 $9.999999930e-09, v61;
	v1 =	vld.idx.msk [tilespmem:v1+s3+$0x0], $0xffff  }
0x18a: {  	v0 =	vadd.f32 $9.999999930e-09, v62  }
0x18b: {  	(erf) = vrcp.f32 v7;
	v2 =	vld.idx.msk [tilespmem:v2+s3+$0x0], $0xffff  }
0x18c: {  	v10 =	vld [tilespmem:$0x60A0];
	v11 =	vadd.f32 $9.999999930e-09, v63;
	(erf) = vrcp.f32 v0;
	v3 =	vmul.f32 v3, v50;
	_ =	sdelay $0x1  }
0x18d: {  	v12 =	vld [tilespmem:$0x62A0];
	(erf) = vrcp.f32 v11;
	v1 =	vmul.f32 v1, v51;
	v3 =	vadd.f32 $0.0e+00, v3;
	_ =	sdelay $0x1  }
0x18e: {  	v15 =	vld [tilespmem:$0x64A0];
	v14 =	vmul.f32 v2, v53;
	v13 =	vadd.f32 v1, v3  }
0x18f: {  	v16 =	vmul.u32 $0x3, v10  }
0x190: {  	v0 =	vadd.f32 v14, v13  }
0x191: {  	v17 =	vmul.u32 $0x3, v12  }
0x192: {  	v18 =	vpop (erf);
	v0 =	vmul.f32 v0, v58  }
0x193: {  	v2 =	vmul.u32 $0x3, v15;
	v19 =	vpop (erf)  }
0x194: {  	v20 =	vadd.f32 v19, v18;
	[tilespmem:$0x7090] =	vst v0  }
0x195: {  	v21 =	vpop (erf);
	v22 =	vld.idx.msk [tilespmem:v16+s3+$0x0], $0xffff  }
0x196: {  	v0 =	vadd.f32 v21, v20  }
0x197: {  	v23 =	vld.idx.msk [tilespmem:v17+s3+$0x0], $0xffff  }
0x198: {  	(erf) = vrcp.f32 v0  }
0x199: {  	v24 =	vld.idx.msk [tilespmem:v2+s3+$0x0], $0xffff  }
0x19a: {  	v7 =	vmul.f32 v22, v18;
	_ =	sdelay $0x1  }
0x19b: {  	v8 =	vmul.f32 v23, v19;
	v7 =	vadd.f32 $0.0e+00, v7;
	_ =	sdelay $0x1  }
0x19c: {  	v0 =	vmul.f32 v24, v21;
	v7 =	vadd.f32 v8, v7;
	_ =	sdelay $0x1  }
0x19d: {  	v25 =	vadd.s32 $0x1, v16;
	v0 =	vadd.f32 v0, v7  }
0x19e: {  	v26 =	vpop (erf)  }
0x19f: {  	v27 =	vadd.s32 $0x1, v17;
	v0 =	vmul.f32 v0, v26;
	_ =	sdelay $0x1  }
0x1a0: {  	v28 =	vadd.s32 $0x1, v2;
	[tilespmem:$0x6CA0] =	vst v0  }
0x1a1: {  	v7 =	vld.idx.msk [tilespmem:v25+s3+$0x0], $0xffff;
	_ =	sdelay $0x1  }
0x1a2: {  	v9 =	vld.idx.msk [tilespmem:v27+s3+$0x0], $0xffff;
	_ =	sdelay $0x1  }
0x1a3: {  	v0 =	vld.idx.msk [tilespmem:v28+s3+$0x0], $0xffff  }
0x1a4: {  	v7 =	vmul.f32 v7, v18;
	_ =	sdelay $0x1  }
0x1a5: {  	v9 =	vmul.f32 v9, v19;
	v7 =	vadd.f32 $0.0e+00, v7;
	_ =	sdelay $0x1  }
0x1a6: {  	v0 =	vmul.f32 v0, v21;
	v7 =	vadd.f32 v9, v7;
	_ =	sdelay $0x1  }
0x1a7: {  	v3 =	vadd.s32 $0x2, v16;
	v0 =	vadd.f32 v0, v7;
	_ =	sdelay $0x1  }
0x1a8: {  	v29 =	vld [tilespmem:$0x66B0];
	v1 =	vadd.s32 $0x2, v17;
	v0 =	vmul.f32 v0, v26  }
0x1a9: {  	v30 =	vld [tilespmem:$0x68B0]  }
0x1aa: {  	v31 =	vld [tilespmem:$0x6AB0];
	v2 =	vadd.s32 $0x2, v2;
	[tilespmem:$0x6EA0] =	vst v0  }
0x1ab: {  	v3 =	vld.idx.msk [tilespmem:v3+s3+$0x0], $0xffff;
	_ =	sdelay $0x1  }
0x1ac: {  	v7 =	vadd.f32 $9.999999930e-09, v29;
	v1 =	vld.idx.msk [tilespmem:v1+s3+$0x0], $0xffff  }
0x1ad: {  	v0 =	vadd.f32 $9.999999930e-09, v30  }
0x1ae: {  	(erf) = vrcp.f32 v7;
	v2 =	vld.idx.msk [tilespmem:v2+s3+$0x0], $0xffff  }
0x1af: {  	v32 =	vld [tilespmem:$0x60B0];
	v33 =	vadd.f32 $9.999999930e-09, v31;
	(erf) = vrcp.f32 v0;
	v3 =	vmul.f32 v3, v18;
	_ =	sdelay $0x1  }
0x1b0: {  	v34 =	vld [tilespmem:$0x62B0];
	(erf) = vrcp.f32 v33;
	v1 =	vmul.f32 v1, v19;
	v3 =	vadd.f32 $0.0e+00, v3;
	_ =	sdelay $0x1  }
0x1b1: {  	v37 =	vld [tilespmem:$0x64B0];
	v36 =	vmul.f32 v2, v21;
	v35 =	vadd.f32 v1, v3  }
0x1b2: {  	v38 =	vmul.u32 $0x3, v32  }
0x1b3: {  	v0 =	vadd.f32 v36, v35  }
0x1b4: {  	v39 =	vmul.u32 $0x3, v34  }
0x1b5: {  	v40 =	vpop (erf);
	v0 =	vmul.f32 v0, v26  }
0x1b6: {  	v2 =	vmul.u32 $0x3, v37;
	v41 =	vpop (erf)  }
0x1b7: {  	v42 =	vadd.f32 v41, v40;
	[tilespmem:$0x70A0] =	vst v0  }
0x1b8: {  	v43 =	vpop (erf);
	v44 =	vld.idx.msk [tilespmem:v38+s3+$0x0], $0xffff  }
0x1b9: {  	v0 =	vadd.f32 v43, v42  }
0x1ba: {  	v45 =	vld.idx.msk [tilespmem:v39+s3+$0x0], $0xffff  }
0x1bb: {  	(erf) = vrcp.f32 v0  }
0x1bc: {  	v46 =	vld.idx.msk [tilespmem:v2+s3+$0x0], $0xffff  }
0x1bd: {  	v7 =	vmul.f32 v44, v40;
	_ =	sdelay $0x1  }
0x1be: {  	v8 =	vmul.f32 v45, v41;
	v7 =	vadd.f32 $0.0e+00, v7;
	_ =	sdelay $0x1  }
0x1bf: {  	v0 =	vmul.f32 v46, v43;
	v7 =	vadd.f32 v8, v7;
	_ =	sdelay $0x1  }
0x1c0: {  	v47 =	vadd.s32 $0x1, v38;
	v0 =	vadd.f32 v0, v7  }
0x1c1: {  	v48 =	vpop (erf)  }
0x1c2: {  	v49 =	vadd.s32 $0x1, v39;
	v0 =	vmul.f32 v0, v48;
	_ =	sdelay $0x1  }
0x1c3: {  	v50 =	vadd.s32 $0x1, v2;
	[tilespmem:$0x6CB0] =	vst v0  }
0x1c4: {  	v7 =	vld.idx.msk [tilespmem:v47+s3+$0x0], $0xffff;
	_ =	sdelay $0x1  }
0x1c5: {  	v9 =	vld.idx.msk [tilespmem:v49+s3+$0x0], $0xffff;
	_ =	sdelay $0x1  }
0x1c6: {  	v0 =	vld.idx.msk [tilespmem:v50+s3+$0x0], $0xffff  }
0x1c7: {  	v7 =	vmul.f32 v7, v40;
	_ =	sdelay $0x1  }
0x1c8: {  	v9 =	vmul.f32 v9, v41;
	v7 =	vadd.f32 $0.0e+00, v7;
	_ =	sdelay $0x1  }
0x1c9: {  	v0 =	vmul.f32 v0, v43;
	v7 =	vadd.f32 v9, v7;
	_ =	sdelay $0x1  }
0x1ca: {  	v3 =	vadd.s32 $0x2, v38;
	v0 =	vadd.f32 v0, v7;
	_ =	sdelay $0x1  }
0x1cb: {  	v51 =	vld [tilespmem:$0x66C0];
	v1 =	vadd.s32 $0x2, v39;
	v0 =	vmul.f32 v0, v48  }
0x1cc: {  	v52 =	vld [tilespmem:$0x68C0]  }
0x1cd: {  	v53 =	vld [tilespmem:$0x6AC0];
	v2 =	vadd.s32 $0x2, v2;
	[tilespmem:$0x6EB0] =	vst v0  }
0x1ce: {  	v3 =	vld.idx.msk [tilespmem:v3+s3+$0x0], $0xffff;
	_ =	sdelay $0x1  }
0x1cf: {  	v7 =	vadd.f32 $9.999999930e-09, v51;
	v1 =	vld.idx.msk [tilespmem:v1+s3+$0x0], $0xffff  }
0x1d0: {  	v0 =	vadd.f32 $9.999999930e-09, v52  }
0x1d1: {  	(erf) = vrcp.f32 v7;
	v2 =	vld.idx.msk [tilespmem:v2+s3+$0x0], $0xffff  }
0x1d2: {  	v54 =	vld [tilespmem:$0x60C0];
	v55 =	vadd.f32 $9.999999930e-09, v53;
	(erf) = vrcp.f32 v0;
	v3 =	vmul.f32 v3, v40;
	_ =	sdelay $0x1  }
0x1d3: {  	v56 =	vld [tilespmem:$0x62C0];
	(erf) = vrcp.f32 v55;
	v1 =	vmul.f32 v1, v41;
	v3 =	vadd.f32 $0.0e+00, v3;
	_ =	sdelay $0x1  }
0x1d4: {  	v59 =	vld [tilespmem:$0x64C0];
	v58 =	vmul.f32 v2, v43;
	v57 =	vadd.f32 v1, v3  }
0x1d5: {  	v60 =	vmul.u32 $0x3, v54  }
0x1d6: {  	v0 =	vadd.f32 v58, v57  }
0x1d7: {  	v61 =	vmul.u32 $0x3, v56  }
0x1d8: {  	v62 =	vpop (erf);
	v0 =	vmul.f32 v0, v48  }
0x1d9: {  	v2 =	vmul.u32 $0x3, v59;
	v63 =	vpop (erf)  }
0x1da: {  	v12 =	vadd.f32 v63, v62;
	[tilespmem:$0x70B0] =	vst v0  }
0x1db: {  	v13 =	vpop (erf);
	v14 =	vld.idx.msk [tilespmem:v60+s3+$0x0], $0xffff  }
0x1dc: {  	v0 =	vadd.f32 v13, v12  }
0x1dd: {  	v15 =	vld.idx.msk [tilespmem:v61+s3+$0x0], $0xffff  }
0x1de: {  	(erf) = vrcp.f32 v0  }
0x1df: {  	v16 =	vld.idx.msk [tilespmem:v2+s3+$0x0], $0xffff  }
0x1e0: {  	v7 =	vmul.f32 v14, v62;
	_ =	sdelay $0x1  }
0x1e1: {  	v8 =	vmul.f32 v15, v63;
	v7 =	vadd.f32 $0.0e+00, v7;
	_ =	sdelay $0x1  }
0x1e2: {  	v0 =	vmul.f32 v16, v13;
	v7 =	vadd.f32 v8, v7;
	_ =	sdelay $0x1  }
0x1e3: {  	v17 =	vadd.s32 $0x1, v60;
	v0 =	vadd.f32 v0, v7  }
0x1e4: {  	v18 =	vpop (erf)  }
0x1e5: {  	v19 =	vadd.s32 $0x1, v61;
	v0 =	vmul.f32 v0, v18;
	_ =	sdelay $0x1  }
0x1e6: {  	v20 =	vadd.s32 $0x1, v2;
	[tilespmem:$0x6CC0] =	vst v0  }
0x1e7: {  	v7 =	vld.idx.msk [tilespmem:v17+s3+$0x0], $0xffff;
	_ =	sdelay $0x1  }
0x1e8: {  	v9 =	vld.idx.msk [tilespmem:v19+s3+$0x0], $0xffff;
	_ =	sdelay $0x1  }
0x1e9: {  	v0 =	vld.idx.msk [tilespmem:v20+s3+$0x0], $0xffff  }
0x1ea: {  	v7 =	vmul.f32 v7, v62;
	_ =	sdelay $0x1  }
0x1eb: {  	v9 =	vmul.f32 v9, v63;
	v7 =	vadd.f32 $0.0e+00, v7;
	_ =	sdelay $0x1  }
0x1ec: {  	v0 =	vmul.f32 v0, v13;
	v7 =	vadd.f32 v9, v7;
	_ =	sdelay $0x1  }
0x1ed: {  	v3 =	vadd.s32 $0x2, v60;
	v0 =	vadd.f32 v0, v7;
	_ =	sdelay $0x1  }
0x1ee: {  	v1 =	vadd.s32 $0x2, v61;
	v0 =	vmul.f32 v0, v18;
	_ =	sdelay $0x1  }
0x1ef: {  	v21 =	vadd.s32 $0x2, v2;
	[tilespmem:$0x6EC0] =	vst v0  }
0x1f0: {  	v22 =	vld.idx.msk [tilespmem:v3+s3+$0x0], $0xffff;
	_ =	sdelay $0x1  }
0x1f1: {  	v1 =	vld.idx.msk [tilespmem:v1+s3+$0x0], $0xffff;
	_ =	sdelay $0x1  }
0x1f2: {  	v0 =	vld.idx.msk [tilespmem:v21+s3+$0x0], $0xffff  }
0x1f3: {  	v2 =	vmul.f32 v22, v62;
	_ =	sdelay $0x1  }
0x1f4: {  	v1 =	vmul.f32 v1, v63;
	v2 =	vadd.f32 $0.0e+00, v2;
	_ =	sdelay $0x1  }
0x1f5: {  	v0 =	vmul.f32 v0, v13;
	v1 =	vadd.f32 v1, v2;
	_ =	sdelay $0x1  }
0x1f6: {  	v0 =	vadd.f32 v0, v1;
	_ =	sdelay $0x1  }
0x1f7: {  	v23 =	vld [tilespmem:$0x60D0];
	v0 =	vmul.f32 v0, v18  }
0x1f8: {  	v24 =	vld [tilespmem:$0x62D0]  }
0x1f9: {  	v25 =	vld [tilespmem:$0x64D0];
	[tilespmem:$0x70C0] =	vst v0  }
0x1fa: {  	v3 =	vld [tilespmem:$0x66D0]  }
0x1fb: {  	v26 =	vld [tilespmem:$0x68D0];
	_ =	sdelay $0x1  }
0x1fc: {  	v27 =	vld [tilespmem:$0x6AD0];
	_ =	sdelay $0x1  }
0x1fd: {  	v3 =	vadd.f32 $9.999999930e-09, v3  }
0x1fe: {  	v4 =	vadd.f32 $9.999999930e-09, v26  }
0x1ff: {  	(erf) = vrcp.f32 v3  }
0x200: {  	v28 =	vadd.f32 $9.999999930e-09, v27;
	(erf) = vrcp.f32 v4;
	_ =	sdelay $0x1  }
0x201: {  	(erf) = vrcp.f32 v28;
	_ =	sdelay $0x2  }
0x202: {  	v1 =	vmul.u32 $0x3, v23;
	_ =	sdelay $0x1  }
0x203: {  	v2 =	vmul.u32 $0x3, v24  }
0x204: {  	v29 =	vpop (erf)  }
0x205: {  	v0 =	vmul.u32 $0x3, v25;
	v4 =	vpop (erf)  }
0x206: {  	v30 =	vadd.f32 v4, v29  }
0x207: {  	v32 =	vld.idx.msk [tilespmem:v1+s3+$0x0], $0xffff;
	v31 =	vpop (erf)  }
0x208: {  	v5 =	vadd.f32 v31, v30  }
0x209: {  	v33 =	vld.idx.msk [tilespmem:v2+s3+$0x0], $0xffff  }
0x20a: {  	(erf) = vrcp.f32 v5  }
0x20b: {  	v34 =	vld.idx.msk [tilespmem:v0+s3+$0x0], $0xffff  }
0x20c: {  	v7 =	vmul.f32 v32, v29;
	_ =	sdelay $0x1  }
0x20d: {  	v8 =	vmul.f32 v33, v4;
	v7 =	vadd.f32 $0.0e+00, v7;
	_ =	sdelay $0x1  }
0x20e: {  	v7 =	vadd.f32 v8, v7;
	v5 =	vmul.f32 v34, v31;
	_ =	sdelay $0x1  }
0x20f: {  	v35 =	vadd.s32 $0x1, v1;
	v5 =	vadd.f32 v5, v7  }
0x210: {  	v36 =	vpop (erf)  }
0x211: {  	v37 =	vadd.s32 $0x1, v2;
	v5 =	vmul.f32 v5, v36;
	_ =	sdelay $0x1  }
0x212: {  	v38 =	vadd.s32 $0x1, v0;
	[tilespmem:$0x6CD0] =	vst v5  }
0x213: {  	v7 =	vld.idx.msk [tilespmem:v35+s3+$0x0], $0xffff;
	_ =	sdelay $0x1  }
0x214: {  	v9 =	vld.idx.msk [tilespmem:v37+s3+$0x0], $0xffff;
	_ =	sdelay $0x1  }
0x215: {  	v5 =	vld.idx.msk [tilespmem:v38+s3+$0x0], $0xffff  }
0x216: {  	v7 =	vmul.f32 v7, v29;
	_ =	sdelay $0x1  }
0x217: {  	v9 =	vmul.f32 v9, v4;
	v7 =	vadd.f32 $0.0e+00, v7;
	_ =	sdelay $0x1  }
0x218: {  	v5 =	vmul.f32 v5, v31;
	v7 =	vadd.f32 v9, v7;
	_ =	sdelay $0x1  }
0x219: {  	v1 =	vadd.s32 $0x2, v1;
	v5 =	vadd.f32 v5, v7;
	_ =	sdelay $0x1  }
0x21a: {  	v2 =	vadd.s32 $0x2, v2;
	v39 =	vld [tilespmem:$0x66E0];
	v5 =	vmul.f32 v5, v36  }
0x21b: {  	v40 =	vld [tilespmem:$0x68E0]  }
0x21c: {  	v41 =	vld [tilespmem:$0x6AE0];
	v0 =	vadd.s32 $0x2, v0;
	[tilespmem:$0x6ED0] =	vst v5  }
0x21d: {  	v1 =	vld.idx.msk [tilespmem:v1+s3+$0x0], $0xffff;
	_ =	sdelay $0x1  }
0x21e: {  	v7 =	vadd.f32 $9.999999930e-09, v39;
	v2 =	vld.idx.msk [tilespmem:v2+s3+$0x0], $0xffff  }
0x21f: {  	v5 =	vadd.f32 $9.999999930e-09, v40  }
0x220: {  	(erf) = vrcp.f32 v7;
	v0 =	vld.idx.msk [tilespmem:v0+s3+$0x0], $0xffff  }
0x221: {  	v42 =	vld [tilespmem:$0x60E0];
	v43 =	vadd.f32 $9.999999930e-09, v41;
	(erf) = vrcp.f32 v5;
	v1 =	vmul.f32 v1, v29;
	_ =	sdelay $0x1  }
0x222: {  	v44 =	vld [tilespmem:$0x62E0];
	(erf) = vrcp.f32 v43;
	v2 =	vmul.f32 v2, v4;
	v1 =	vadd.f32 $0.0e+00, v1;
	_ =	sdelay $0x1  }
0x223: {  	v45 =	vld [tilespmem:$0x64E0];
	v0 =	vmul.f32 v0, v31;
	v1 =	vadd.f32 v2, v1  }
0x224: {  	v3 =	vmul.u32 $0x3, v42  }
0x225: {  	v0 =	vadd.f32 v0, v1  }
0x226: {  	v46 =	vmul.u32 $0x3, v44  }
0x227: {  	v47 =	vpop (erf);
	v0 =	vmul.f32 v0, v36  }
0x228: {  	v2 =	vmul.u32 $0x3, v45;
	v48 =	vpop (erf)  }
0x229: {  	v49 =	vadd.f32 v48, v47;
	[tilespmem:$0x70D0] =	vst v0  }
0x22a: {  	v50 =	vpop (erf);
	v51 =	vld.idx.msk [tilespmem:v3+s3+$0x0], $0xffff  }
0x22b: {  	v0 =	vadd.f32 v50, v49  }
0x22c: {  	v52 =	vld.idx.msk [tilespmem:v46+s3+$0x0], $0xffff  }
0x22d: {  	(erf) = vrcp.f32 v0  }
0x22e: {  	v53 =	vld.idx.msk [tilespmem:v2+s3+$0x0], $0xffff  }
0x22f: {  	v7 =	vmul.f32 v51, v47;
	_ =	sdelay $0x1  }
0x230: {  	v8 =	vmul.f32 v52, v48;
	v7 =	vadd.f32 $0.0e+00, v7;
	_ =	sdelay $0x1  }
0x231: {  	v0 =	vmul.f32 v53, v50;
	v7 =	vadd.f32 v8, v7;
	_ =	sdelay $0x1  }
0x232: {  	v54 =	vadd.s32 $0x1, v3;
	v0 =	vadd.f32 v0, v7  }
0x233: {  	v55 =	vpop (erf)  }
0x234: {  	v56 =	vadd.s32 $0x1, v46;
	v0 =	vmul.f32 v0, v55;
	_ =	sdelay $0x1  }
0x235: {  	v57 =	vadd.s32 $0x1, v2;
	[tilespmem:$0x6CE0] =	vst v0  }
0x236: {  	v7 =	vld.idx.msk [tilespmem:v54+s3+$0x0], $0xffff;
	_ =	sdelay $0x1  }
0x237: {  	v9 =	vld.idx.msk [tilespmem:v56+s3+$0x0], $0xffff;
	_ =	sdelay $0x1  }
0x238: {  	v0 =	vld.idx.msk [tilespmem:v57+s3+$0x0], $0xffff  }
0x239: {  	v7 =	vmul.f32 v7, v47;
	_ =	sdelay $0x1  }
0x23a: {  	v9 =	vmul.f32 v9, v48;
	v7 =	vadd.f32 $0.0e+00, v7;
	_ =	sdelay $0x1  }
0x23b: {  	v0 =	vmul.f32 v0, v50;
	v7 =	vadd.f32 v9, v7;
	_ =	sdelay $0x1  }
0x23c: {  	v3 =	vadd.s32 $0x2, v3;
	v0 =	vadd.f32 v0, v7;
	_ =	sdelay $0x1  }
0x23d: {  	v58 =	vld [tilespmem:$0x66F0];
	v1 =	vadd.s32 $0x2, v46;
	v0 =	vmul.f32 v0, v55  }
0x23e: {  	v59 =	vld [tilespmem:$0x68F0]  }
0x23f: {  	v60 =	vld [tilespmem:$0x6AF0];
	v2 =	vadd.s32 $0x2, v2;
	[tilespmem:$0x6EE0] =	vst v0  }
0x240: {  	v3 =	vld.idx.msk [tilespmem:v3+s3+$0x0], $0xffff;
	_ =	sdelay $0x1  }
0x241: {  	v7 =	vadd.f32 $9.999999930e-09, v58;
	v1 =	vld.idx.msk [tilespmem:v1+s3+$0x0], $0xffff  }
0x242: {  	v0 =	vadd.f32 $9.999999930e-09, v59  }
0x243: {  	(erf) = vrcp.f32 v7;
	v2 =	vld.idx.msk [tilespmem:v2+s3+$0x0], $0xffff  }
0x244: {  	v61 =	vld [tilespmem:$0x60F0];
	v62 =	vadd.f32 $9.999999930e-09, v60;
	(erf) = vrcp.f32 v0;
	v3 =	vmul.f32 v3, v47;
	_ =	sdelay $0x1  }
0x245: {  	v63 =	vld [tilespmem:$0x62F0];
	(erf) = vrcp.f32 v62;
	v1 =	vmul.f32 v1, v48;
	v3 =	vadd.f32 $0.0e+00, v3;
	_ =	sdelay $0x1  }
0x246: {  	v11 =	vld [tilespmem:$0x64F0];
	v10 =	vmul.f32 v2, v50;
	v9 =	vadd.f32 v1, v3  }
0x247: {  	v12 =	vmul.u32 $0x3, v61  }
0x248: {  	v0 =	vadd.f32 v10, v9  }
0x249: {  	v13 =	vmul.u32 $0x3, v63  }
0x24a: {  	v14 =	vpop (erf);
	v0 =	vmul.f32 v0, v55  }
0x24b: {  	v2 =	vmul.u32 $0x3, v11;
	v15 =	vpop (erf)  }
0x24c: {  	v16 =	vadd.f32 v15, v14;
	[tilespmem:$0x70E0] =	vst v0  }
0x24d: {  	v17 =	vpop (erf);
	v18 =	vld.idx.msk [tilespmem:v12+s3+$0x0], $0xffff  }
0x24e: {  	v0 =	vadd.f32 v17, v16  }
0x24f: {  	v19 =	vld.idx.msk [tilespmem:v13+s3+$0x0], $0xffff  }
0x250: {  	(erf) = vrcp.f32 v0  }
0x251: {  	v20 =	vld.idx.msk [tilespmem:v2+s3+$0x0], $0xffff  }
0x252: {  	v7 =	vmul.f32 v18, v14;
	_ =	sdelay $0x1  }
0x253: {  	v8 =	vmul.f32 v19, v15;
	v7 =	vadd.f32 $0.0e+00, v7;
	_ =	sdelay $0x1  }
0x254: {  	v0 =	vmul.f32 v20, v17;
	v7 =	vadd.f32 v8, v7;
	_ =	sdelay $0x1  }
0x255: {  	v21 =	vadd.s32 $0x1, v12;
	v0 =	vadd.f32 v0, v7  }
0x256: {  	v22 =	vpop (erf)  }
0x257: {  	v23 =	vadd.s32 $0x1, v13;
	v0 =	vmul.f32 v0, v22;
	_ =	sdelay $0x1  }
0x258: {  	v24 =	vadd.s32 $0x1, v2;
	[tilespmem:$0x6CF0] =	vst v0  }
0x259: {  	v7 =	vld.idx.msk [tilespmem:v21+s3+$0x0], $0xffff;
	_ =	sdelay $0x1  }
0x25a: {  	v9 =	vld.idx.msk [tilespmem:v23+s3+$0x0], $0xffff;
	_ =	sdelay $0x1  }
0x25b: {  	v0 =	vld.idx.msk [tilespmem:v24+s3+$0x0], $0xffff  }
0x25c: {  	v7 =	vmul.f32 v7, v14;
	_ =	sdelay $0x1  }
0x25d: {  	v9 =	vmul.f32 v9, v15;
	v7 =	vadd.f32 $0.0e+00, v7;
	_ =	sdelay $0x1  }
0x25e: {  	v0 =	vmul.f32 v0, v17;
	v7 =	vadd.f32 v9, v7;
	_ =	sdelay $0x1  }
0x25f: {  	v3 =	vadd.s32 $0x2, v12;
	v0 =	vadd.f32 v0, v7;
	_ =	sdelay $0x1  }
0x260: {  	v25 =	vld [tilespmem:$0x6700];
	v1 =	vadd.s32 $0x2, v13;
	v0 =	vmul.f32 v0, v22  }
0x261: {  	v26 =	vld [tilespmem:$0x6900]  }
0x262: {  	v27 =	vld [tilespmem:$0x6B00];
	v2 =	vadd.s32 $0x2, v2;
	[tilespmem:$0x6EF0] =	vst v0  }
0x263: {  	v3 =	vld.idx.msk [tilespmem:v3+s3+$0x0], $0xffff;
	_ =	sdelay $0x1  }
0x264: {  	v7 =	vadd.f32 $9.999999930e-09, v25;
	v1 =	vld.idx.msk [tilespmem:v1+s3+$0x0], $0xffff  }
0x265: {  	v0 =	vadd.f32 $9.999999930e-09, v26  }
0x266: {  	(erf) = vrcp.f32 v7;
	v2 =	vld.idx.msk [tilespmem:v2+s3+$0x0], $0xffff  }
0x267: {  	v28 =	vld [tilespmem:$0x6100];
	v29 =	vadd.f32 $9.999999930e-09, v27;
	(erf) = vrcp.f32 v0;
	v3 =	vmul.f32 v3, v14;
	_ =	sdelay $0x1  }
0x268: {  	v30 =	vld [tilespmem:$0x6300];
	(erf) = vrcp.f32 v29;
	v1 =	vmul.f32 v1, v15;
	v3 =	vadd.f32 $0.0e+00, v3;
	_ =	sdelay $0x1  }
0x269: {  	v33 =	vld [tilespmem:$0x6500];
	v32 =	vmul.f32 v2, v17;
	v31 =	vadd.f32 v1, v3  }
0x26a: {  	v34 =	vmul.u32 $0x3, v28  }
0x26b: {  	v0 =	vadd.f32 v32, v31  }
0x26c: {  	v35 =	vmul.u32 $0x3, v30  }
0x26d: {  	v36 =	vpop (erf);
	v0 =	vmul.f32 v0, v22  }
0x26e: {  	v2 =	vmul.u32 $0x3, v33;
	v37 =	vpop (erf)  }
0x26f: {  	v38 =	vadd.f32 v37, v36;
	[tilespmem:$0x70F0] =	vst v0  }
0x270: {  	v39 =	vpop (erf);
	v40 =	vld.idx.msk [tilespmem:v34+s3+$0x0], $0xffff  }
0x271: {  	v0 =	vadd.f32 v39, v38  }
0x272: {  	v41 =	vld.idx.msk [tilespmem:v35+s3+$0x0], $0xffff  }
0x273: {  	(erf) = vrcp.f32 v0  }
0x274: {  	v42 =	vld.idx.msk [tilespmem:v2+s3+$0x0], $0xffff  }
0x275: {  	v7 =	vmul.f32 v40, v36;
	_ =	sdelay $0x1  }
0x276: {  	v8 =	vmul.f32 v41, v37;
	v7 =	vadd.f32 $0.0e+00, v7;
	_ =	sdelay $0x1  }
0x277: {  	v0 =	vmul.f32 v42, v39;
	v7 =	vadd.f32 v8, v7;
	_ =	sdelay $0x1  }
0x278: {  	v43 =	vadd.s32 $0x1, v34;
	v0 =	vadd.f32 v0, v7  }
0x279: {  	v44 =	vpop (erf)  }
0x27a: {  	v45 =	vadd.s32 $0x1, v35;
	v0 =	vmul.f32 v0, v44;
	_ =	sdelay $0x1  }
0x27b: {  	v46 =	vadd.s32 $0x1, v2;
	[tilespmem:$0x6D00] =	vst v0  }
0x27c: {  	v7 =	vld.idx.msk [tilespmem:v43+s3+$0x0], $0xffff;
	_ =	sdelay $0x1  }
0x27d: {  	v9 =	vld.idx.msk [tilespmem:v45+s3+$0x0], $0xffff;
	_ =	sdelay $0x1  }
0x27e: {  	v0 =	vld.idx.msk [tilespmem:v46+s3+$0x0], $0xffff  }
0x27f: {  	v7 =	vmul.f32 v7, v36;
	_ =	sdelay $0x1  }
0x280: {  	v9 =	vmul.f32 v9, v37;
	v7 =	vadd.f32 $0.0e+00, v7;
	_ =	sdelay $0x1  }
0x281: {  	v0 =	vmul.f32 v0, v39;
	v7 =	vadd.f32 v9, v7;
	_ =	sdelay $0x1  }
0x282: {  	v3 =	vadd.s32 $0x2, v34;
	v0 =	vadd.f32 v0, v7;
	_ =	sdelay $0x1  }
0x283: {  	v47 =	vld [tilespmem:$0x6710];
	v1 =	vadd.s32 $0x2, v35;
	v0 =	vmul.f32 v0, v44  }
0x284: {  	v48 =	vld [tilespmem:$0x6910]  }
0x285: {  	v49 =	vld [tilespmem:$0x6B10];
	v2 =	vadd.s32 $0x2, v2;
	[tilespmem:$0x6F00] =	vst v0  }
0x286: {  	v3 =	vld.idx.msk [tilespmem:v3+s3+$0x0], $0xffff;
	_ =	sdelay $0x1  }
0x287: {  	v7 =	vadd.f32 $9.999999930e-09, v47;
	v1 =	vld.idx.msk [tilespmem:v1+s3+$0x0], $0xffff  }
0x288: {  	v0 =	vadd.f32 $9.999999930e-09, v48  }
0x289: {  	(erf) = vrcp.f32 v7;
	v2 =	vld.idx.msk [tilespmem:v2+s3+$0x0], $0xffff  }
0x28a: {  	v51 =	vadd.f32 $9.999999930e-09, v49;
	v50 =	vld [tilespmem:$0x6110];
	(erf) = vrcp.f32 v0;
	v3 =	vmul.f32 v3, v36;
	_ =	sdelay $0x1  }
0x28b: {  	v52 =	vld [tilespmem:$0x6310];
	(erf) = vrcp.f32 v51;
	v1 =	vmul.f32 v1, v37;
	v3 =	vadd.f32 $0.0e+00, v3;
	_ =	sdelay $0x1  }
0x28c: {  	v55 =	vld [tilespmem:$0x6510];
	v54 =	vmul.f32 v2, v39;
	v53 =	vadd.f32 v1, v3  }
0x28d: {  	v56 =	vmul.u32 $0x3, v50  }
0x28e: {  	v0 =	vadd.f32 v54, v53  }
0x28f: {  	v57 =	vmul.u32 $0x3, v52  }
0x290: {  	v58 =	vpop (erf);
	v0 =	vmul.f32 v0, v44  }
0x291: {  	v2 =	vmul.u32 $0x3, v55;
	v59 =	vpop (erf)  }
0x292: {  	v60 =	vadd.f32 v59, v58;
	[tilespmem:$0x7100] =	vst v0  }
0x293: {  	v61 =	vpop (erf);
	v62 =	vld.idx.msk [tilespmem:v56+s3+$0x0], $0xffff  }
0x294: {  	v0 =	vadd.f32 v61, v60  }
0x295: {  	v63 =	vld.idx.msk [tilespmem:v57+s3+$0x0], $0xffff  }
0x296: {  	(erf) = vrcp.f32 v0  }
0x297: {  	v12 =	vld.idx.msk [tilespmem:v2+s3+$0x0], $0xffff  }
0x298: {  	v7 =	vmul.f32 v62, v58;
	_ =	sdelay $0x1  }
0x299: {  	v8 =	vmul.f32 v63, v59;
	v7 =	vadd.f32 $0.0e+00, v7;
	_ =	sdelay $0x1  }
0x29a: {  	v0 =	vmul.f32 v12, v61;
	v7 =	vadd.f32 v8, v7;
	_ =	sdelay $0x1  }
0x29b: {  	v13 =	vadd.s32 $0x1, v56;
	v0 =	vadd.f32 v0, v7  }
0x29c: {  	v14 =	vpop (erf)  }
0x29d: {  	v15 =	vadd.s32 $0x1, v57;
	v0 =	vmul.f32 v0, v14;
	_ =	sdelay $0x1  }
0x29e: {  	v16 =	vadd.s32 $0x1, v2;
	[tilespmem:$0x6D10] =	vst v0  }
0x29f: {  	v7 =	vld.idx.msk [tilespmem:v13+s3+$0x0], $0xffff;
	_ =	sdelay $0x1  }
0x2a0: {  	v9 =	vld.idx.msk [tilespmem:v15+s3+$0x0], $0xffff;
	_ =	sdelay $0x1  }
0x2a1: {  	v0 =	vld.idx.msk [tilespmem:v16+s3+$0x0], $0xffff  }
0x2a2: {  	v7 =	vmul.f32 v7, v58;
	_ =	sdelay $0x1  }
0x2a3: {  	v9 =	vmul.f32 v9, v59;
	v7 =	vadd.f32 $0.0e+00, v7;
	_ =	sdelay $0x1  }
0x2a4: {  	v0 =	vmul.f32 v0, v61;
	v7 =	vadd.f32 v9, v7;
	_ =	sdelay $0x1  }
0x2a5: {  	v3 =	vadd.s32 $0x2, v56;
	v0 =	vadd.f32 v0, v7;
	_ =	sdelay $0x1  }
0x2a6: {  	v17 =	vld [tilespmem:$0x6720];
	v1 =	vadd.s32 $0x2, v57;
	v0 =	vmul.f32 v0, v14  }
0x2a7: {  	v18 =	vld [tilespmem:$0x6920]  }
0x2a8: {  	v19 =	vld [tilespmem:$0x6B20];
	v2 =	vadd.s32 $0x2, v2;
	[tilespmem:$0x6F10] =	vst v0  }
0x2a9: {  	v3 =	vld.idx.msk [tilespmem:v3+s3+$0x0], $0xffff;
	_ =	sdelay $0x1  }
0x2aa: {  	v7 =	vadd.f32 $9.999999930e-09, v17;
	v1 =	vld.idx.msk [tilespmem:v1+s3+$0x0], $0xffff  }
0x2ab: {  	v0 =	vadd.f32 $9.999999930e-09, v18  }
0x2ac: {  	(erf) = vrcp.f32 v7;
	v2 =	vld.idx.msk [tilespmem:v2+s3+$0x0], $0xffff  }
0x2ad: {  	v20 =	vld [tilespmem:$0x6120];
	v21 =	vadd.f32 $9.999999930e-09, v19;
	(erf) = vrcp.f32 v0;
	v3 =	vmul.f32 v3, v58;
	_ =	sdelay $0x1  }
0x2ae: {  	v22 =	vld [tilespmem:$0x6320];
	(erf) = vrcp.f32 v21;
	v1 =	vmul.f32 v1, v59;
	v3 =	vadd.f32 $0.0e+00, v3;
	_ =	sdelay $0x1  }
0x2af: {  	v25 =	vld [tilespmem:$0x6520];
	v24 =	vmul.f32 v2, v61;
	v23 =	vadd.f32 v1, v3  }
0x2b0: {  	v26 =	vmul.u32 $0x3, v20  }
0x2b1: {  	v0 =	vadd.f32 v24, v23  }
0x2b2: {  	v27 =	vmul.u32 $0x3, v22  }
0x2b3: {  	v28 =	vpop (erf);
	v0 =	vmul.f32 v0, v14  }
0x2b4: {  	v2 =	vmul.u32 $0x3, v25;
	v29 =	vpop (erf)  }
0x2b5: {  	v30 =	vadd.f32 v29, v28;
	[tilespmem:$0x7110] =	vst v0  }
0x2b6: {  	v31 =	vpop (erf);
	v32 =	vld.idx.msk [tilespmem:v26+s3+$0x0], $0xffff  }
0x2b7: {  	v0 =	vadd.f32 v31, v30  }
0x2b8: {  	v33 =	vld.idx.msk [tilespmem:v27+s3+$0x0], $0xffff  }
0x2b9: {  	(erf) = vrcp.f32 v0  }
0x2ba: {  	v34 =	vld.idx.msk [tilespmem:v2+s3+$0x0], $0xffff  }
0x2bb: {  	v7 =	vmul.f32 v32, v28;
	_ =	sdelay $0x1  }
0x2bc: {  	v8 =	vmul.f32 v33, v29;
	v7 =	vadd.f32 $0.0e+00, v7;
	_ =	sdelay $0x1  }
0x2bd: {  	v0 =	vmul.f32 v34, v31;
	v7 =	vadd.f32 v8, v7;
	_ =	sdelay $0x1  }
0x2be: {  	v35 =	vadd.s32 $0x1, v26;
	v0 =	vadd.f32 v0, v7  }
0x2bf: {  	v36 =	vpop (erf)  }
0x2c0: {  	v37 =	vadd.s32 $0x1, v27;
	v0 =	vmul.f32 v0, v36;
	_ =	sdelay $0x1  }
0x2c1: {  	v38 =	vadd.s32 $0x1, v2;
	[tilespmem:$0x6D20] =	vst v0  }
0x2c2: {  	v7 =	vld.idx.msk [tilespmem:v35+s3+$0x0], $0xffff;
	_ =	sdelay $0x1  }
0x2c3: {  	v9 =	vld.idx.msk [tilespmem:v37+s3+$0x0], $0xffff;
	_ =	sdelay $0x1  }
0x2c4: {  	v0 =	vld.idx.msk [tilespmem:v38+s3+$0x0], $0xffff  }
0x2c5: {  	v7 =	vmul.f32 v7, v28;
	_ =	sdelay $0x1  }
0x2c6: {  	v9 =	vmul.f32 v9, v29;
	v7 =	vadd.f32 $0.0e+00, v7;
	_ =	sdelay $0x1  }
0x2c7: {  	v0 =	vmul.f32 v0, v31;
	v7 =	vadd.f32 v9, v7;
	_ =	sdelay $0x1  }
0x2c8: {  	v3 =	vadd.s32 $0x2, v26;
	v0 =	vadd.f32 v0, v7;
	_ =	sdelay $0x1  }
0x2c9: {  	v39 =	vld [tilespmem:$0x6730];
	v1 =	vadd.s32 $0x2, v27;
	v0 =	vmul.f32 v0, v36  }
0x2ca: {  	v40 =	vld [tilespmem:$0x6930]  }
0x2cb: {  	v41 =	vld [tilespmem:$0x6B30];
	v2 =	vadd.s32 $0x2, v2;
	[tilespmem:$0x6F20] =	vst v0  }
0x2cc: {  	v3 =	vld.idx.msk [tilespmem:v3+s3+$0x0], $0xffff;
	_ =	sdelay $0x1  }
0x2cd: {  	v7 =	vadd.f32 $9.999999930e-09, v39;
	v1 =	vld.idx.msk [tilespmem:v1+s3+$0x0], $0xffff  }
0x2ce: {  	v0 =	vadd.f32 $9.999999930e-09, v40  }
0x2cf: {  	(erf) = vrcp.f32 v7;
	v2 =	vld.idx.msk [tilespmem:v2+s3+$0x0], $0xffff  }
0x2d0: {  	v42 =	vld [tilespmem:$0x6130];
	v43 =	vadd.f32 $9.999999930e-09, v41;
	(erf) = vrcp.f32 v0;
	v3 =	vmul.f32 v3, v28;
	_ =	sdelay $0x1  }
0x2d1: {  	v44 =	vld [tilespmem:$0x6330];
	(erf) = vrcp.f32 v43;
	v1 =	vmul.f32 v1, v29;
	v3 =	vadd.f32 $0.0e+00, v3;
	_ =	sdelay $0x1  }
0x2d2: {  	v47 =	vld [tilespmem:$0x6530];
	v46 =	vmul.f32 v2, v31;
	v45 =	vadd.f32 v1, v3  }
0x2d3: {  	v48 =	vmul.u32 $0x3, v42  }
0x2d4: {  	v0 =	vadd.f32 v46, v45  }
0x2d5: {  	v49 =	vmul.u32 $0x3, v44  }
0x2d6: {  	v50 =	vpop (erf);
	v0 =	vmul.f32 v0, v36  }
0x2d7: {  	v2 =	vmul.u32 $0x3, v47;
	v51 =	vpop (erf)  }
0x2d8: {  	v52 =	vadd.f32 v51, v50;
	[tilespmem:$0x7120] =	vst v0  }
0x2d9: {  	v53 =	vpop (erf);
	v54 =	vld.idx.msk [tilespmem:v48+s3+$0x0], $0xffff  }
0x2da: {  	v0 =	vadd.f32 v53, v52  }
0x2db: {  	v55 =	vld.idx.msk [tilespmem:v49+s3+$0x0], $0xffff  }
0x2dc: {  	(erf) = vrcp.f32 v0  }
0x2dd: {  	v56 =	vld.idx.msk [tilespmem:v2+s3+$0x0], $0xffff  }
0x2de: {  	v7 =	vmul.f32 v54, v50;
	_ =	sdelay $0x1  }
0x2df: {  	v8 =	vmul.f32 v55, v51;
	v7 =	vadd.f32 $0.0e+00, v7;
	_ =	sdelay $0x1  }
0x2e0: {  	v0 =	vmul.f32 v56, v53;
	v7 =	vadd.f32 v8, v7;
	_ =	sdelay $0x1  }
0x2e1: {  	v57 =	vadd.s32 $0x1, v48;
	v0 =	vadd.f32 v0, v7  }
0x2e2: {  	v58 =	vpop (erf)  }
0x2e3: {  	v59 =	vadd.s32 $0x1, v49;
	v0 =	vmul.f32 v0, v58;
	_ =	sdelay $0x1  }
0x2e4: {  	v60 =	vadd.s32 $0x1, v2;
	[tilespmem:$0x6D30] =	vst v0  }
0x2e5: {  	v7 =	vld.idx.msk [tilespmem:v57+s3+$0x0], $0xffff;
	_ =	sdelay $0x1  }
0x2e6: {  	v9 =	vld.idx.msk [tilespmem:v59+s3+$0x0], $0xffff;
	_ =	sdelay $0x1  }
0x2e7: {  	v0 =	vld.idx.msk [tilespmem:v60+s3+$0x0], $0xffff  }
0x2e8: {  	v7 =	vmul.f32 v7, v50;
	_ =	sdelay $0x1  }
0x2e9: {  	v9 =	vmul.f32 v9, v51;
	v7 =	vadd.f32 $0.0e+00, v7;
	_ =	sdelay $0x1  }
0x2ea: {  	v0 =	vmul.f32 v0, v53;
	v7 =	vadd.f32 v9, v7;
	_ =	sdelay $0x1  }
0x2eb: {  	v3 =	vadd.s32 $0x2, v48;
	v0 =	vadd.f32 v0, v7;
	_ =	sdelay $0x1  }
0x2ec: {  	v61 =	vld [tilespmem:$0x6740];
	v1 =	vadd.s32 $0x2, v49;
	v0 =	vmul.f32 v0, v58  }
0x2ed: {  	v62 =	vld [tilespmem:$0x6940]  }
0x2ee: {  	v63 =	vld [tilespmem:$0x6B40];
	v2 =	vadd.s32 $0x2, v2;
	[tilespmem:$0x6F30] =	vst v0  }
0x2ef: {  	v3 =	vld.idx.msk [tilespmem:v3+s3+$0x0], $0xffff;
	_ =	sdelay $0x1  }
0x2f0: {  	v7 =	vadd.f32 $9.999999930e-09, v61;
	v1 =	vld.idx.msk [tilespmem:v1+s3+$0x0], $0xffff  }
0x2f1: {  	v0 =	vadd.f32 $9.999999930e-09, v62  }
0x2f2: {  	(erf) = vrcp.f32 v7;
	v2 =	vld.idx.msk [tilespmem:v2+s3+$0x0], $0xffff  }
0x2f3: {  	v12 =	vld [tilespmem:$0x6140];
	v13 =	vadd.f32 $9.999999930e-09, v63;
	(erf) = vrcp.f32 v0;
	v3 =	vmul.f32 v3, v50;
	_ =	sdelay $0x1  }
0x2f4: {  	v14 =	vld [tilespmem:$0x6340];
	(erf) = vrcp.f32 v13;
	v1 =	vmul.f32 v1, v51;
	v3 =	vadd.f32 $0.0e+00, v3;
	_ =	sdelay $0x1  }
0x2f5: {  	v17 =	vld [tilespmem:$0x6540];
	v16 =	vmul.f32 v2, v53;
	v15 =	vadd.f32 v1, v3  }
0x2f6: {  	v18 =	vmul.u32 $0x3, v12  }
0x2f7: {  	v0 =	vadd.f32 v16, v15  }
0x2f8: {  	v19 =	vmul.u32 $0x3, v14  }
0x2f9: {  	v20 =	vpop (erf);
	v0 =	vmul.f32 v0, v58  }
0x2fa: {  	v2 =	vmul.u32 $0x3, v17;
	v21 =	vpop (erf)  }
0x2fb: {  	v22 =	vadd.f32 v21, v20;
	[tilespmem:$0x7130] =	vst v0  }
0x2fc: {  	v23 =	vpop (erf);
	v24 =	vld.idx.msk [tilespmem:v18+s3+$0x0], $0xffff  }
0x2fd: {  	v0 =	vadd.f32 v23, v22  }
0x2fe: {  	v25 =	vld.idx.msk [tilespmem:v19+s3+$0x0], $0xffff  }
0x2ff: {  	(erf) = vrcp.f32 v0  }
0x300: {  	v26 =	vld.idx.msk [tilespmem:v2+s3+$0x0], $0xffff  }
0x301: {  	v7 =	vmul.f32 v24, v20;
	_ =	sdelay $0x1  }
0x302: {  	v8 =	vmul.f32 v25, v21;
	v7 =	vadd.f32 $0.0e+00, v7;
	_ =	sdelay $0x1  }
0x303: {  	v0 =	vmul.f32 v26, v23;
	v7 =	vadd.f32 v8, v7;
	_ =	sdelay $0x1  }
0x304: {  	v27 =	vadd.s32 $0x1, v18;
	v0 =	vadd.f32 v0, v7  }
0x305: {  	v28 =	vpop (erf)  }
0x306: {  	v29 =	vadd.s32 $0x1, v19;
	v0 =	vmul.f32 v0, v28;
	_ =	sdelay $0x1  }
0x307: {  	v30 =	vadd.s32 $0x1, v2;
	[tilespmem:$0x6D40] =	vst v0  }
0x308: {  	v7 =	vld.idx.msk [tilespmem:v27+s3+$0x0], $0xffff;
	_ =	sdelay $0x1  }
0x309: {  	v9 =	vld.idx.msk [tilespmem:v29+s3+$0x0], $0xffff;
	_ =	sdelay $0x1  }
0x30a: {  	v0 =	vld.idx.msk [tilespmem:v30+s3+$0x0], $0xffff  }
0x30b: {  	v7 =	vmul.f32 v7, v20;
	_ =	sdelay $0x1  }
0x30c: {  	v9 =	vmul.f32 v9, v21;
	v7 =	vadd.f32 $0.0e+00, v7;
	_ =	sdelay $0x1  }
0x30d: {  	v0 =	vmul.f32 v0, v23;
	v7 =	vadd.f32 v9, v7;
	_ =	sdelay $0x1  }
0x30e: {  	v3 =	vadd.s32 $0x2, v18;
	v0 =	vadd.f32 v0, v7;
	_ =	sdelay $0x1  }
0x30f: {  	v31 =	vld [tilespmem:$0x6750];
	v1 =	vadd.s32 $0x2, v19;
	v0 =	vmul.f32 v0, v28  }
0x310: {  	v32 =	vld [tilespmem:$0x6950]  }
0x311: {  	v33 =	vld [tilespmem:$0x6B50];
	v2 =	vadd.s32 $0x2, v2;
	[tilespmem:$0x6F40] =	vst v0  }
0x312: {  	v3 =	vld.idx.msk [tilespmem:v3+s3+$0x0], $0xffff;
	_ =	sdelay $0x1  }
0x313: {  	v7 =	vadd.f32 $9.999999930e-09, v31;
	v1 =	vld.idx.msk [tilespmem:v1+s3+$0x0], $0xffff  }
0x314: {  	v0 =	vadd.f32 $9.999999930e-09, v32  }
0x315: {  	(erf) = vrcp.f32 v7;
	v2 =	vld.idx.msk [tilespmem:v2+s3+$0x0], $0xffff  }
0x316: {  	v34 =	vld [tilespmem:$0x6150];
	v35 =	vadd.f32 $9.999999930e-09, v33;
	(erf) = vrcp.f32 v0;
	v3 =	vmul.f32 v3, v20;
	_ =	sdelay $0x1  }
0x317: {  	v36 =	vld [tilespmem:$0x6350];
	(erf) = vrcp.f32 v35;
	v1 =	vmul.f32 v1, v21;
	v3 =	vadd.f32 $0.0e+00, v3;
	_ =	sdelay $0x1  }
0x318: {  	v39 =	vld [tilespmem:$0x6550];
	v38 =	vmul.f32 v2, v23;
	v37 =	vadd.f32 v1, v3  }
0x319: {  	v40 =	vmul.u32 $0x3, v34  }
0x31a: {  	v0 =	vadd.f32 v38, v37  }
0x31b: {  	v41 =	vmul.u32 $0x3, v36  }
0x31c: {  	v42 =	vpop (erf);
	v0 =	vmul.f32 v0, v28  }
0x31d: {  	v2 =	vmul.u32 $0x3, v39;
	v43 =	vpop (erf)  }
0x31e: {  	v44 =	vadd.f32 v43, v42;
	[tilespmem:$0x7140] =	vst v0  }
0x31f: {  	v45 =	vpop (erf);
	v46 =	vld.idx.msk [tilespmem:v40+s3+$0x0], $0xffff  }
0x320: {  	v0 =	vadd.f32 v45, v44  }
0x321: {  	v47 =	vld.idx.msk [tilespmem:v41+s3+$0x0], $0xffff  }
0x322: {  	(erf) = vrcp.f32 v0  }
0x323: {  	v48 =	vld.idx.msk [tilespmem:v2+s3+$0x0], $0xffff  }
0x324: {  	v7 =	vmul.f32 v46, v42;
	_ =	sdelay $0x1  }
0x325: {  	v8 =	vmul.f32 v47, v43;
	v7 =	vadd.f32 $0.0e+00, v7;
	_ =	sdelay $0x1  }
0x326: {  	v0 =	vmul.f32 v48, v45;
	v7 =	vadd.f32 v8, v7;
	_ =	sdelay $0x1  }
0x327: {  	v49 =	vadd.s32 $0x1, v40;
	v0 =	vadd.f32 v0, v7  }
0x328: {  	v50 =	vpop (erf)  }
0x329: {  	v51 =	vadd.s32 $0x1, v41;
	v0 =	vmul.f32 v0, v50;
	_ =	sdelay $0x1  }
0x32a: {  	v52 =	vadd.s32 $0x1, v2;
	[tilespmem:$0x6D50] =	vst v0  }
0x32b: {  	v7 =	vld.idx.msk [tilespmem:v49+s3+$0x0], $0xffff;
	_ =	sdelay $0x1  }
0x32c: {  	v9 =	vld.idx.msk [tilespmem:v51+s3+$0x0], $0xffff;
	_ =	sdelay $0x1  }
0x32d: {  	v0 =	vld.idx.msk [tilespmem:v52+s3+$0x0], $0xffff  }
0x32e: {  	v7 =	vmul.f32 v7, v42;
	_ =	sdelay $0x1  }
0x32f: {  	v9 =	vmul.f32 v9, v43;
	v7 =	vadd.f32 $0.0e+00, v7;
	_ =	sdelay $0x1  }
0x330: {  	v0 =	vmul.f32 v0, v45;
	v7 =	vadd.f32 v9, v7;
	_ =	sdelay $0x1  }
0x331: {  	v3 =	vadd.s32 $0x2, v40;
	v0 =	vadd.f32 v0, v7;
	_ =	sdelay $0x1  }
0x332: {  	v53 =	vld [tilespmem:$0x6760];
	v1 =	vadd.s32 $0x2, v41;
	v0 =	vmul.f32 v0, v50  }
0x333: {  	v54 =	vld [tilespmem:$0x6960]  }
0x334: {  	v55 =	vld [tilespmem:$0x6B60];
	v2 =	vadd.s32 $0x2, v2;
	[tilespmem:$0x6F50] =	vst v0  }
0x335: {  	v3 =	vld.idx.msk [tilespmem:v3+s3+$0x0], $0xffff;
	_ =	sdelay $0x1  }
0x336: {  	v7 =	vadd.f32 $9.999999930e-09, v53;
	v1 =	vld.idx.msk [tilespmem:v1+s3+$0x0], $0xffff  }
0x337: {  	v0 =	vadd.f32 $9.999999930e-09, v54  }
0x338: {  	(erf) = vrcp.f32 v7;
	v2 =	vld.idx.msk [tilespmem:v2+s3+$0x0], $0xffff  }
0x339: {  	v56 =	vld [tilespmem:$0x6160];
	v57 =	vadd.f32 $9.999999930e-09, v55;
	(erf) = vrcp.f32 v0;
	v3 =	vmul.f32 v3, v42;
	_ =	sdelay $0x1  }
0x33a: {  	v58 =	vld [tilespmem:$0x6360];
	(erf) = vrcp.f32 v57;
	v1 =	vmul.f32 v1, v43;
	v3 =	vadd.f32 $0.0e+00, v3;
	_ =	sdelay $0x1  }
0x33b: {  	v61 =	vld [tilespmem:$0x6560];
	v60 =	vmul.f32 v2, v45;
	v59 =	vadd.f32 v1, v3  }
0x33c: {  	v62 =	vmul.u32 $0x3, v56  }
0x33d: {  	v0 =	vadd.f32 v60, v59  }
0x33e: {  	v63 =	vmul.u32 $0x3, v58  }
0x33f: {  	v12 =	vpop (erf);
	v0 =	vmul.f32 v0, v50  }
0x340: {  	v2 =	vmul.u32 $0x3, v61;
	v13 =	vpop (erf)  }
0x341: {  	v14 =	vadd.f32 v13, v12;
	[tilespmem:$0x7150] =	vst v0  }
0x342: {  	v15 =	vpop (erf);
	v16 =	vld.idx.msk [tilespmem:v62+s3+$0x0], $0xffff  }
0x343: {  	v0 =	vadd.f32 v15, v14  }
0x344: {  	v17 =	vld.idx.msk [tilespmem:v63+s3+$0x0], $0xffff  }
0x345: {  	(erf) = vrcp.f32 v0  }
0x346: {  	v18 =	vld.idx.msk [tilespmem:v2+s3+$0x0], $0xffff  }
0x347: {  	v7 =	vmul.f32 v16, v12;
	_ =	sdelay $0x1  }
0x348: {  	v8 =	vmul.f32 v17, v13;
	v7 =	vadd.f32 $0.0e+00, v7;
	_ =	sdelay $0x1  }
0x349: {  	v0 =	vmul.f32 v18, v15;
	v7 =	vadd.f32 v8, v7;
	_ =	sdelay $0x1  }
0x34a: {  	v19 =	vadd.s32 $0x1, v62;
	v0 =	vadd.f32 v0, v7  }
0x34b: {  	v20 =	vpop (erf)  }
0x34c: {  	v21 =	vadd.s32 $0x1, v63;
	v0 =	vmul.f32 v0, v20;
	_ =	sdelay $0x1  }
0x34d: {  	v22 =	vadd.s32 $0x1, v2;
	[tilespmem:$0x6D60] =	vst v0  }
0x34e: {  	v7 =	vld.idx.msk [tilespmem:v19+s3+$0x0], $0xffff;
	_ =	sdelay $0x1  }
0x34f: {  	v9 =	vld.idx.msk [tilespmem:v21+s3+$0x0], $0xffff;
	_ =	sdelay $0x1  }
0x350: {  	v0 =	vld.idx.msk [tilespmem:v22+s3+$0x0], $0xffff  }
0x351: {  	v7 =	vmul.f32 v7, v12;
	_ =	sdelay $0x1  }
0x352: {  	v9 =	vmul.f32 v9, v13;
	v7 =	vadd.f32 $0.0e+00, v7;
	_ =	sdelay $0x1  }
0x353: {  	v0 =	vmul.f32 v0, v15;
	v7 =	vadd.f32 v9, v7;
	_ =	sdelay $0x1  }
0x354: {  	v3 =	vadd.s32 $0x2, v62;
	v0 =	vadd.f32 v0, v7;
	_ =	sdelay $0x1  }
0x355: {  	v23 =	vld [tilespmem:$0x6770];
	v1 =	vadd.s32 $0x2, v63;
	v0 =	vmul.f32 v0, v20  }
0x356: {  	v24 =	vld [tilespmem:$0x6970]  }
0x357: {  	v25 =	vld [tilespmem:$0x6B70];
	v2 =	vadd.s32 $0x2, v2;
	[tilespmem:$0x6F60] =	vst v0  }
0x358: {  	v3 =	vld.idx.msk [tilespmem:v3+s3+$0x0], $0xffff;
	_ =	sdelay $0x1  }
0x359: {  	v7 =	vadd.f32 $9.999999930e-09, v23;
	v1 =	vld.idx.msk [tilespmem:v1+s3+$0x0], $0xffff  }
0x35a: {  	v0 =	vadd.f32 $9.999999930e-09, v24  }
0x35b: {  	(erf) = vrcp.f32 v7;
	v2 =	vld.idx.msk [tilespmem:v2+s3+$0x0], $0xffff  }
0x35c: {  	v26 =	vld [tilespmem:$0x6170];
	v27 =	vadd.f32 $9.999999930e-09, v25;
	(erf) = vrcp.f32 v0;
	v3 =	vmul.f32 v3, v12;
	_ =	sdelay $0x1  }
0x35d: {  	v28 =	vld [tilespmem:$0x6370];
	(erf) = vrcp.f32 v27;
	v1 =	vmul.f32 v1, v13;
	v3 =	vadd.f32 $0.0e+00, v3;
	_ =	sdelay $0x1  }
0x35e: {  	v31 =	vld [tilespmem:$0x6570];
	v30 =	vmul.f32 v2, v15;
	v29 =	vadd.f32 v1, v3  }
0x35f: {  	v32 =	vmul.u32 $0x3, v26  }
0x360: {  	v0 =	vadd.f32 v30, v29  }
0x361: {  	v33 =	vmul.u32 $0x3, v28  }
0x362: {  	v34 =	vpop (erf);
	v0 =	vmul.f32 v0, v20  }
0x363: {  	v2 =	vmul.u32 $0x3, v31;
	v35 =	vpop (erf)  }
0x364: {  	v36 =	vadd.f32 v35, v34;
	[tilespmem:$0x7160] =	vst v0  }
0x365: {  	v37 =	vpop (erf);
	v38 =	vld.idx.msk [tilespmem:v32+s3+$0x0], $0xffff  }
0x366: {  	v0 =	vadd.f32 v37, v36  }
0x367: {  	v39 =	vld.idx.msk [tilespmem:v33+s3+$0x0], $0xffff  }
0x368: {  	(erf) = vrcp.f32 v0  }
0x369: {  	v40 =	vld.idx.msk [tilespmem:v2+s3+$0x0], $0xffff  }
0x36a: {  	v7 =	vmul.f32 v38, v34;
	_ =	sdelay $0x1  }
0x36b: {  	v8 =	vmul.f32 v39, v35;
	v7 =	vadd.f32 $0.0e+00, v7;
	_ =	sdelay $0x1  }
0x36c: {  	v0 =	vmul.f32 v40, v37;
	v7 =	vadd.f32 v8, v7;
	_ =	sdelay $0x1  }
0x36d: {  	v41 =	vadd.s32 $0x1, v32;
	v0 =	vadd.f32 v0, v7  }
0x36e: {  	v42 =	vpop (erf)  }
0x36f: {  	v43 =	vadd.s32 $0x1, v33;
	v0 =	vmul.f32 v0, v42;
	_ =	sdelay $0x1  }
0x370: {  	v44 =	vadd.s32 $0x1, v2;
	[tilespmem:$0x6D70] =	vst v0  }
0x371: {  	v7 =	vld.idx.msk [tilespmem:v41+s3+$0x0], $0xffff;
	_ =	sdelay $0x1  }
0x372: {  	v9 =	vld.idx.msk [tilespmem:v43+s3+$0x0], $0xffff;
	_ =	sdelay $0x1  }
0x373: {  	v0 =	vld.idx.msk [tilespmem:v44+s3+$0x0], $0xffff  }
0x374: {  	v7 =	vmul.f32 v7, v34;
	_ =	sdelay $0x1  }
0x375: {  	v9 =	vmul.f32 v9, v35;
	v7 =	vadd.f32 $0.0e+00, v7;
	_ =	sdelay $0x1  }
0x376: {  	v0 =	vmul.f32 v0, v37;
	v7 =	vadd.f32 v9, v7;
	_ =	sdelay $0x1  }
0x377: {  	v3 =	vadd.s32 $0x2, v32;
	v0 =	vadd.f32 v0, v7;
	_ =	sdelay $0x1  }
0x378: {  	v45 =	vld [tilespmem:$0x6780];
	v1 =	vadd.s32 $0x2, v33;
	v0 =	vmul.f32 v0, v42  }
0x379: {  	v46 =	vld [tilespmem:$0x6980]  }
0x37a: {  	v47 =	vld [tilespmem:$0x6B80];
	v2 =	vadd.s32 $0x2, v2;
	[tilespmem:$0x6F70] =	vst v0  }
0x37b: {  	v3 =	vld.idx.msk [tilespmem:v3+s3+$0x0], $0xffff;
	_ =	sdelay $0x1  }
0x37c: {  	v7 =	vadd.f32 $9.999999930e-09, v45;
	v1 =	vld.idx.msk [tilespmem:v1+s3+$0x0], $0xffff  }
0x37d: {  	v0 =	vadd.f32 $9.999999930e-09, v46  }
0x37e: {  	(erf) = vrcp.f32 v7;
	v2 =	vld.idx.msk [tilespmem:v2+s3+$0x0], $0xffff  }
0x37f: {  	v48 =	vld [tilespmem:$0x6180];
	v49 =	vadd.f32 $9.999999930e-09, v47;
	(erf) = vrcp.f32 v0;
	v3 =	vmul.f32 v3, v34;
	_ =	sdelay $0x1  }
0x380: {  	v50 =	vld [tilespmem:$0x6380];
	(erf) = vrcp.f32 v49;
	v1 =	vmul.f32 v1, v35;
	v3 =	vadd.f32 $0.0e+00, v3;
	_ =	sdelay $0x1  }
0x381: {  	v53 =	vld [tilespmem:$0x6580];
	v52 =	vmul.f32 v2, v37;
	v51 =	vadd.f32 v1, v3  }
0x382: {  	v54 =	vmul.u32 $0x3, v48  }
0x383: {  	v0 =	vadd.f32 v52, v51  }
0x384: {  	v55 =	vmul.u32 $0x3, v50  }
0x385: {  	v56 =	vpop (erf);
	v0 =	vmul.f32 v0, v42  }
0x386: {  	v2 =	vmul.u32 $0x3, v53;
	v57 =	vpop (erf)  }
0x387: {  	v58 =	vadd.f32 v57, v56;
	[tilespmem:$0x7170] =	vst v0  }
0x388: {  	v59 =	vpop (erf);
	v60 =	vld.idx.msk [tilespmem:v54+s3+$0x0], $0xffff  }
0x389: {  	v0 =	vadd.f32 v59, v58  }
0x38a: {  	v61 =	vld.idx.msk [tilespmem:v55+s3+$0x0], $0xffff  }
0x38b: {  	(erf) = vrcp.f32 v0  }
0x38c: {  	v62 =	vld.idx.msk [tilespmem:v2+s3+$0x0], $0xffff  }
0x38d: {  	v7 =	vmul.f32 v60, v56;
	_ =	sdelay $0x1  }
0x38e: {  	v8 =	vmul.f32 v61, v57;
	v7 =	vadd.f32 $0.0e+00, v7;
	_ =	sdelay $0x1  }
0x38f: {  	v0 =	vmul.f32 v62, v59;
	v7 =	vadd.f32 v8, v7;
	_ =	sdelay $0x1  }
0x390: {  	v63 =	vadd.s32 $0x1, v54;
	v0 =	vadd.f32 v0, v7  }
0x391: {  	v12 =	vpop (erf)  }
0x392: {  	v13 =	vadd.s32 $0x1, v55;
	v0 =	vmul.f32 v0, v12;
	_ =	sdelay $0x1  }
0x393: {  	v14 =	vadd.s32 $0x1, v2;
	[tilespmem:$0x6D80] =	vst v0  }
0x394: {  	v7 =	vld.idx.msk [tilespmem:v63+s3+$0x0], $0xffff;
	_ =	sdelay $0x1  }
0x395: {  	v9 =	vld.idx.msk [tilespmem:v13+s3+$0x0], $0xffff;
	_ =	sdelay $0x1  }
0x396: {  	v0 =	vld.idx.msk [tilespmem:v14+s3+$0x0], $0xffff  }
0x397: {  	v7 =	vmul.f32 v7, v56;
	_ =	sdelay $0x1  }
0x398: {  	v9 =	vmul.f32 v9, v57;
	v7 =	vadd.f32 $0.0e+00, v7;
	_ =	sdelay $0x1  }
0x399: {  	v0 =	vmul.f32 v0, v59;
	v7 =	vadd.f32 v9, v7;
	_ =	sdelay $0x1  }
0x39a: {  	v3 =	vadd.s32 $0x2, v54;
	v0 =	vadd.f32 v0, v7;
	_ =	sdelay $0x1  }
0x39b: {  	v15 =	vld [tilespmem:$0x6790];
	v1 =	vadd.s32 $0x2, v55;
	v0 =	vmul.f32 v0, v12  }
0x39c: {  	v16 =	vld [tilespmem:$0x6990]  }
0x39d: {  	v17 =	vld [tilespmem:$0x6B90];
	v2 =	vadd.s32 $0x2, v2;
	[tilespmem:$0x6F80] =	vst v0  }
0x39e: {  	v3 =	vld.idx.msk [tilespmem:v3+s3+$0x0], $0xffff;
	_ =	sdelay $0x1  }
0x39f: {  	v7 =	vadd.f32 $9.999999930e-09, v15;
	v1 =	vld.idx.msk [tilespmem:v1+s3+$0x0], $0xffff  }
0x3a0: {  	v0 =	vadd.f32 $9.999999930e-09, v16  }
0x3a1: {  	(erf) = vrcp.f32 v7;
	v2 =	vld.idx.msk [tilespmem:v2+s3+$0x0], $0xffff  }
0x3a2: {  	v18 =	vld [tilespmem:$0x6190];
	v19 =	vadd.f32 $9.999999930e-09, v17;
	(erf) = vrcp.f32 v0;
	v3 =	vmul.f32 v3, v56;
	_ =	sdelay $0x1  }
0x3a3: {  	v20 =	vld [tilespmem:$0x6390];
	(erf) = vrcp.f32 v19;
	v1 =	vmul.f32 v1, v57;
	v3 =	vadd.f32 $0.0e+00, v3;
	_ =	sdelay $0x1  }
0x3a4: {  	v23 =	vld [tilespmem:$0x6590];
	v22 =	vmul.f32 v2, v59;
	v21 =	vadd.f32 v1, v3  }
0x3a5: {  	v24 =	vmul.u32 $0x3, v18  }
0x3a6: {  	v0 =	vadd.f32 v22, v21  }
0x3a7: {  	v25 =	vmul.u32 $0x3, v20  }
0x3a8: {  	v26 =	vpop (erf);
	v0 =	vmul.f32 v0, v12  }
0x3a9: {  	v2 =	vmul.u32 $0x3, v23;
	v27 =	vpop (erf)  }
0x3aa: {  	v28 =	vadd.f32 v27, v26;
	[tilespmem:$0x7180] =	vst v0  }
0x3ab: {  	v29 =	vpop (erf);
	v30 =	vld.idx.msk [tilespmem:v24+s3+$0x0], $0xffff  }
0x3ac: {  	v0 =	vadd.f32 v29, v28  }
0x3ad: {  	v31 =	vld.idx.msk [tilespmem:v25+s3+$0x0], $0xffff  }
0x3ae: {  	(erf) = vrcp.f32 v0  }
0x3af: {  	v32 =	vld.idx.msk [tilespmem:v2+s3+$0x0], $0xffff  }
0x3b0: {  	v7 =	vmul.f32 v30, v26;
	_ =	sdelay $0x1  }
0x3b1: {  	v8 =	vmul.f32 v31, v27;
	v7 =	vadd.f32 $0.0e+00, v7;
	_ =	sdelay $0x1  }
0x3b2: {  	v0 =	vmul.f32 v32, v29;
	v7 =	vadd.f32 v8, v7;
	_ =	sdelay $0x1  }
0x3b3: {  	v33 =	vadd.s32 $0x1, v24;
	v0 =	vadd.f32 v0, v7  }
0x3b4: {  	v34 =	vpop (erf)  }
0x3b5: {  	v35 =	vadd.s32 $0x1, v25;
	v0 =	vmul.f32 v0, v34;
	_ =	sdelay $0x1  }
0x3b6: {  	v36 =	vadd.s32 $0x1, v2;
	[tilespmem:$0x6D90] =	vst v0  }
0x3b7: {  	v7 =	vld.idx.msk [tilespmem:v33+s3+$0x0], $0xffff;
	_ =	sdelay $0x1  }
0x3b8: {  	v9 =	vld.idx.msk [tilespmem:v35+s3+$0x0], $0xffff;
	_ =	sdelay $0x1  }
0x3b9: {  	v0 =	vld.idx.msk [tilespmem:v36+s3+$0x0], $0xffff  }
0x3ba: {  	v7 =	vmul.f32 v7, v26;
	_ =	sdelay $0x1  }
0x3bb: {  	v9 =	vmul.f32 v9, v27;
	v7 =	vadd.f32 $0.0e+00, v7;
	_ =	sdelay $0x1  }
0x3bc: {  	v0 =	vmul.f32 v0, v29;
	v7 =	vadd.f32 v9, v7;
	_ =	sdelay $0x1  }
0x3bd: {  	v3 =	vadd.s32 $0x2, v24;
	v0 =	vadd.f32 v0, v7;
	_ =	sdelay $0x1  }
0x3be: {  	v37 =	vld [tilespmem:$0x67A0];
	v1 =	vadd.s32 $0x2, v25;
	v0 =	vmul.f32 v0, v34  }
0x3bf: {  	v38 =	vld [tilespmem:$0x69A0]  }
0x3c0: {  	v39 =	vld [tilespmem:$0x6BA0];
	v2 =	vadd.s32 $0x2, v2;
	[tilespmem:$0x6F90] =	vst v0  }
0x3c1: {  	v3 =	vld.idx.msk [tilespmem:v3+s3+$0x0], $0xffff;
	_ =	sdelay $0x1  }
0x3c2: {  	v7 =	vadd.f32 $9.999999930e-09, v37;
	v1 =	vld.idx.msk [tilespmem:v1+s3+$0x0], $0xffff  }
0x3c3: {  	v0 =	vadd.f32 $9.999999930e-09, v38  }
0x3c4: {  	(erf) = vrcp.f32 v7;
	v2 =	vld.idx.msk [tilespmem:v2+s3+$0x0], $0xffff  }
0x3c5: {  	v40 =	vld [tilespmem:$0x61A0];
	v41 =	vadd.f32 $9.999999930e-09, v39;
	(erf) = vrcp.f32 v0;
	v3 =	vmul.f32 v3, v26;
	_ =	sdelay $0x1  }
0x3c6: {  	v42 =	vld [tilespmem:$0x63A0];
	(erf) = vrcp.f32 v41;
	v1 =	vmul.f32 v1, v27;
	v3 =	vadd.f32 $0.0e+00, v3;
	_ =	sdelay $0x1  }
0x3c7: {  	v45 =	vld [tilespmem:$0x65A0];
	v44 =	vmul.f32 v2, v29;
	v43 =	vadd.f32 v1, v3  }
0x3c8: {  	v46 =	vmul.u32 $0x3, v40  }
0x3c9: {  	v0 =	vadd.f32 v44, v43  }
0x3ca: {  	v47 =	vmul.u32 $0x3, v42  }
0x3cb: {  	v48 =	vpop (erf);
	v0 =	vmul.f32 v0, v34  }
0x3cc: {  	v2 =	vmul.u32 $0x3, v45;
	v49 =	vpop (erf)  }
0x3cd: {  	v50 =	vadd.f32 v49, v48;
	[tilespmem:$0x7190] =	vst v0  }
0x3ce: {  	v51 =	vpop (erf);
	v52 =	vld.idx.msk [tilespmem:v46+s3+$0x0], $0xffff  }
0x3cf: {  	v0 =	vadd.f32 v51, v50  }
0x3d0: {  	v53 =	vld.idx.msk [tilespmem:v47+s3+$0x0], $0xffff  }
0x3d1: {  	(erf) = vrcp.f32 v0  }
0x3d2: {  	v54 =	vld.idx.msk [tilespmem:v2+s3+$0x0], $0xffff  }
0x3d3: {  	v7 =	vmul.f32 v52, v48;
	_ =	sdelay $0x1  }
0x3d4: {  	v8 =	vmul.f32 v53, v49;
	v7 =	vadd.f32 $0.0e+00, v7;
	_ =	sdelay $0x1  }
0x3d5: {  	v0 =	vmul.f32 v54, v51;
	v7 =	vadd.f32 v8, v7;
	_ =	sdelay $0x1  }
0x3d6: {  	v55 =	vadd.s32 $0x1, v46;
	v0 =	vadd.f32 v0, v7  }
0x3d7: {  	v56 =	vpop (erf)  }
0x3d8: {  	v57 =	vadd.s32 $0x1, v47;
	v0 =	vmul.f32 v0, v56;
	_ =	sdelay $0x1  }
0x3d9: {  	v58 =	vadd.s32 $0x1, v2;
	[tilespmem:$0x6DA0] =	vst v0  }
0x3da: {  	v7 =	vld.idx.msk [tilespmem:v55+s3+$0x0], $0xffff;
	_ =	sdelay $0x1  }
0x3db: {  	v9 =	vld.idx.msk [tilespmem:v57+s3+$0x0], $0xffff;
	_ =	sdelay $0x1  }
0x3dc: {  	v0 =	vld.idx.msk [tilespmem:v58+s3+$0x0], $0xffff  }
0x3dd: {  	v7 =	vmul.f32 v7, v48;
	_ =	sdelay $0x1  }
0x3de: {  	v9 =	vmul.f32 v9, v49;
	v7 =	vadd.f32 $0.0e+00, v7;
	_ =	sdelay $0x1  }
0x3df: {  	v0 =	vmul.f32 v0, v51;
	v7 =	vadd.f32 v9, v7;
	_ =	sdelay $0x1  }
0x3e0: {  	v3 =	vadd.s32 $0x2, v46;
	v0 =	vadd.f32 v0, v7;
	_ =	sdelay $0x1  }
0x3e1: {  	v59 =	vld [tilespmem:$0x67B0];
	v1 =	vadd.s32 $0x2, v47;
	v0 =	vmul.f32 v0, v56  }
0x3e2: {  	v60 =	vld [tilespmem:$0x69B0]  }
0x3e3: {  	v61 =	vld [tilespmem:$0x6BB0];
	v2 =	vadd.s32 $0x2, v2;
	[tilespmem:$0x6FA0] =	vst v0  }
0x3e4: {  	v3 =	vld.idx.msk [tilespmem:v3+s3+$0x0], $0xffff;
	_ =	sdelay $0x1  }
0x3e5: {  	v7 =	vadd.f32 $9.999999930e-09, v59;
	v1 =	vld.idx.msk [tilespmem:v1+s3+$0x0], $0xffff  }
0x3e6: {  	v0 =	vadd.f32 $9.999999930e-09, v60  }
0x3e7: {  	(erf) = vrcp.f32 v7;
	v2 =	vld.idx.msk [tilespmem:v2+s3+$0x0], $0xffff  }
0x3e8: {  	v62 =	vld [tilespmem:$0x61B0];
	v63 =	vadd.f32 $9.999999930e-09, v61;
	(erf) = vrcp.f32 v0;
	v3 =	vmul.f32 v3, v48;
	_ =	sdelay $0x1  }
0x3e9: {  	v9 =	vld [tilespmem:$0x63B0];
	(erf) = vrcp.f32 v63;
	v1 =	vmul.f32 v1, v49;
	v3 =	vadd.f32 $0.0e+00, v3;
	_ =	sdelay $0x1  }
0x3ea: {  	v12 =	vld [tilespmem:$0x65B0];
	v11 =	vmul.f32 v2, v51;
	v10 =	vadd.f32 v1, v3  }
0x3eb: {  	v13 =	vmul.u32 $0x3, v62  }
0x3ec: {  	v0 =	vadd.f32 v11, v10  }
0x3ed: {  	v14 =	vmul.u32 $0x3, v9  }
0x3ee: {  	v15 =	vpop (erf);
	v0 =	vmul.f32 v0, v56  }
0x3ef: {  	v2 =	vmul.u32 $0x3, v12;
	v16 =	vpop (erf)  }
0x3f0: {  	v17 =	vadd.f32 v16, v15;
	[tilespmem:$0x71A0] =	vst v0  }
0x3f1: {  	v18 =	vpop (erf);
	v19 =	vld.idx.msk [tilespmem:v13+s3+$0x0], $0xffff  }
0x3f2: {  	v0 =	vadd.f32 v18, v17  }
0x3f3: {  	v20 =	vld.idx.msk [tilespmem:v14+s3+$0x0], $0xffff  }
0x3f4: {  	(erf) = vrcp.f32 v0  }
0x3f5: {  	v21 =	vld.idx.msk [tilespmem:v2+s3+$0x0], $0xffff  }
0x3f6: {  	v7 =	vmul.f32 v19, v15;
	_ =	sdelay $0x1  }
0x3f7: {  	v8 =	vmul.f32 v20, v16;
	v7 =	vadd.f32 $0.0e+00, v7;
	_ =	sdelay $0x1  }
0x3f8: {  	v0 =	vmul.f32 v21, v18;
	v7 =	vadd.f32 v8, v7;
	_ =	sdelay $0x1  }
0x3f9: {  	v22 =	vadd.s32 $0x1, v13;
	v0 =	vadd.f32 v0, v7  }
0x3fa: {  	v23 =	vpop (erf)  }
0x3fb: {  	v24 =	vadd.s32 $0x1, v14;
	v0 =	vmul.f32 v0, v23;
	_ =	sdelay $0x1  }
0x3fc: {  	v25 =	vadd.s32 $0x1, v2;
	[tilespmem:$0x6DB0] =	vst v0  }
0x3fd: {  	v7 =	vld.idx.msk [tilespmem:v22+s3+$0x0], $0xffff;
	_ =	sdelay $0x1  }
0x3fe: {  	v9 =	vld.idx.msk [tilespmem:v24+s3+$0x0], $0xffff;
	_ =	sdelay $0x1  }
0x3ff: {  	v0 =	vld.idx.msk [tilespmem:v25+s3+$0x0], $0xffff  }
0x400: {  	v7 =	vmul.f32 v7, v15;
	_ =	sdelay $0x1  }
0x401: {  	v9 =	vmul.f32 v9, v16;
	v7 =	vadd.f32 $0.0e+00, v7;
	_ =	sdelay $0x1  }
0x402: {  	v0 =	vmul.f32 v0, v18;
	v7 =	vadd.f32 v9, v7;
	_ =	sdelay $0x1  }
0x403: {  	v3 =	vadd.s32 $0x2, v13;
	v0 =	vadd.f32 v0, v7;
	_ =	sdelay $0x1  }
0x404: {  	v26 =	vld [tilespmem:$0x67C0];
	v1 =	vadd.s32 $0x2, v14;
	v0 =	vmul.f32 v0, v23  }
0x405: {  	v27 =	vld [tilespmem:$0x69C0]  }
0x406: {  	v28 =	vld [tilespmem:$0x6BC0];
	v2 =	vadd.s32 $0x2, v2;
	[tilespmem:$0x6FB0] =	vst v0  }
0x407: {  	v3 =	vld.idx.msk [tilespmem:v3+s3+$0x0], $0xffff;
	_ =	sdelay $0x1  }
0x408: {  	v7 =	vadd.f32 $9.999999930e-09, v26;
	v1 =	vld.idx.msk [tilespmem:v1+s3+$0x0], $0xffff  }
0x409: {  	v0 =	vadd.f32 $9.999999930e-09, v27  }
0x40a: {  	(erf) = vrcp.f32 v7;
	v2 =	vld.idx.msk [tilespmem:v2+s3+$0x0], $0xffff  }
0x40b: {  	v30 =	vadd.f32 $9.999999930e-09, v28;
	v29 =	vld [tilespmem:$0x61C0];
	(erf) = vrcp.f32 v0;
	v3 =	vmul.f32 v3, v15;
	_ =	sdelay $0x1  }
0x40c: {  	v31 =	vld [tilespmem:$0x63C0];
	(erf) = vrcp.f32 v30;
	v1 =	vmul.f32 v1, v16;
	v3 =	vadd.f32 $0.0e+00, v3;
	_ =	sdelay $0x1  }
0x40d: {  	v34 =	vld [tilespmem:$0x65C0];
	v33 =	vmul.f32 v2, v18;
	v32 =	vadd.f32 v1, v3  }
0x40e: {  	v35 =	vmul.u32 $0x3, v29  }
0x40f: {  	v0 =	vadd.f32 v33, v32  }
0x410: {  	v36 =	vmul.u32 $0x3, v31  }
0x411: {  	v37 =	vpop (erf);
	v0 =	vmul.f32 v0, v23  }
0x412: {  	v2 =	vmul.u32 $0x3, v34;
	v38 =	vpop (erf)  }
0x413: {  	v39 =	vadd.f32 v38, v37;
	[tilespmem:$0x71B0] =	vst v0  }
0x414: {  	v40 =	vpop (erf);
	v41 =	vld.idx.msk [tilespmem:v35+s3+$0x0], $0xffff  }
0x415: {  	v0 =	vadd.f32 v40, v39  }
0x416: {  	v42 =	vld.idx.msk [tilespmem:v36+s3+$0x0], $0xffff  }
0x417: {  	(erf) = vrcp.f32 v0  }
0x418: {  	v43 =	vld.idx.msk [tilespmem:v2+s3+$0x0], $0xffff  }
0x419: {  	v7 =	vmul.f32 v41, v37;
	_ =	sdelay $0x1  }
0x41a: {  	v8 =	vmul.f32 v42, v38;
	v7 =	vadd.f32 $0.0e+00, v7;
	_ =	sdelay $0x1  }
0x41b: {  	v0 =	vmul.f32 v43, v40;
	v7 =	vadd.f32 v8, v7;
	_ =	sdelay $0x1  }
0x41c: {  	v44 =	vadd.s32 $0x1, v35;
	v0 =	vadd.f32 v0, v7  }
0x41d: {  	v45 =	vpop (erf)  }
0x41e: {  	v46 =	vadd.s32 $0x1, v36;
	v0 =	vmul.f32 v0, v45;
	_ =	sdelay $0x1  }
0x41f: {  	v47 =	vadd.s32 $0x1, v2;
	[tilespmem:$0x6DC0] =	vst v0  }
0x420: {  	v7 =	vld.idx.msk [tilespmem:v44+s3+$0x0], $0xffff;
	_ =	sdelay $0x1  }
0x421: {  	v9 =	vld.idx.msk [tilespmem:v46+s3+$0x0], $0xffff;
	_ =	sdelay $0x1  }
0x422: {  	v0 =	vld.idx.msk [tilespmem:v47+s3+$0x0], $0xffff  }
0x423: {  	v7 =	vmul.f32 v7, v37;
	_ =	sdelay $0x1  }
0x424: {  	v9 =	vmul.f32 v9, v38;
	v7 =	vadd.f32 $0.0e+00, v7;
	_ =	sdelay $0x1  }
0x425: {  	v0 =	vmul.f32 v0, v40;
	v7 =	vadd.f32 v9, v7;
	_ =	sdelay $0x1  }
0x426: {  	v3 =	vadd.s32 $0x2, v35;
	v0 =	vadd.f32 v0, v7;
	_ =	sdelay $0x1  }
0x427: {  	v48 =	vld [tilespmem:$0x67D0];
	v1 =	vadd.s32 $0x2, v36;
	v0 =	vmul.f32 v0, v45  }
0x428: {  	v49 =	vld [tilespmem:$0x69D0]  }
0x429: {  	v50 =	vld [tilespmem:$0x6BD0];
	v2 =	vadd.s32 $0x2, v2;
	[tilespmem:$0x6FC0] =	vst v0  }
0x42a: {  	v3 =	vld.idx.msk [tilespmem:v3+s3+$0x0], $0xffff;
	_ =	sdelay $0x1  }
0x42b: {  	v7 =	vadd.f32 $9.999999930e-09, v48;
	v1 =	vld.idx.msk [tilespmem:v1+s3+$0x0], $0xffff  }
0x42c: {  	v0 =	vadd.f32 $9.999999930e-09, v49  }
0x42d: {  	(erf) = vrcp.f32 v7;
	v2 =	vld.idx.msk [tilespmem:v2+s3+$0x0], $0xffff  }
0x42e: {  	v52 =	vadd.f32 $9.999999930e-09, v50;
	v51 =	vld [tilespmem:$0x61D0];
	(erf) = vrcp.f32 v0;
	v3 =	vmul.f32 v3, v37;
	_ =	sdelay $0x1  }
0x42f: {  	v53 =	vld [tilespmem:$0x63D0];
	(erf) = vrcp.f32 v52;
	v1 =	vmul.f32 v1, v38;
	v3 =	vadd.f32 $0.0e+00, v3;
	_ =	sdelay $0x1  }
0x430: {  	v56 =	vld [tilespmem:$0x65D0];
	v55 =	vmul.f32 v2, v40;
	v54 =	vadd.f32 v1, v3  }
0x431: {  	v57 =	vmul.u32 $0x3, v51  }
0x432: {  	v0 =	vadd.f32 v55, v54  }
0x433: {  	v58 =	vmul.u32 $0x3, v53  }
0x434: {  	v59 =	vpop (erf);
	v0 =	vmul.f32 v0, v45  }
0x435: {  	v2 =	vmul.u32 $0x3, v56;
	v60 =	vpop (erf)  }
0x436: {  	v61 =	vadd.f32 v60, v59;
	[tilespmem:$0x71C0] =	vst v0  }
0x437: {  	v62 =	vpop (erf);
	v63 =	vld.idx.msk [tilespmem:v57+s3+$0x0], $0xffff  }
0x438: {  	v0 =	vadd.f32 v62, v61  }
0x439: {  	v12 =	vld.idx.msk [tilespmem:v58+s3+$0x0], $0xffff  }
0x43a: {  	(erf) = vrcp.f32 v0  }
0x43b: {  	v13 =	vld.idx.msk [tilespmem:v2+s3+$0x0], $0xffff  }
0x43c: {  	v7 =	vmul.f32 v63, v59;
	_ =	sdelay $0x1  }
0x43d: {  	v8 =	vmul.f32 v12, v60;
	v7 =	vadd.f32 $0.0e+00, v7;
	_ =	sdelay $0x1  }
0x43e: {  	v0 =	vmul.f32 v13, v62;
	v7 =	vadd.f32 v8, v7;
	_ =	sdelay $0x1  }
0x43f: {  	v14 =	vadd.s32 $0x1, v57;
	v0 =	vadd.f32 v0, v7  }
0x440: {  	v15 =	vpop (erf)  }
0x441: {  	v16 =	vadd.s32 $0x1, v58;
	v0 =	vmul.f32 v0, v15;
	_ =	sdelay $0x1  }
0x442: {  	v17 =	vadd.s32 $0x1, v2;
	[tilespmem:$0x6DD0] =	vst v0  }
0x443: {  	v7 =	vld.idx.msk [tilespmem:v14+s3+$0x0], $0xffff;
	_ =	sdelay $0x1  }
0x444: {  	v9 =	vld.idx.msk [tilespmem:v16+s3+$0x0], $0xffff;
	_ =	sdelay $0x1  }
0x445: {  	v0 =	vld.idx.msk [tilespmem:v17+s3+$0x0], $0xffff  }
0x446: {  	v7 =	vmul.f32 v7, v59;
	_ =	sdelay $0x1  }
0x447: {  	v9 =	vmul.f32 v9, v60;
	v7 =	vadd.f32 $0.0e+00, v7;
	_ =	sdelay $0x1  }
0x448: {  	v0 =	vmul.f32 v0, v62;
	v7 =	vadd.f32 v9, v7;
	_ =	sdelay $0x1  }
0x449: {  	v3 =	vadd.s32 $0x2, v57;
	v0 =	vadd.f32 v0, v7;
	_ =	sdelay $0x1  }
0x44a: {  	v18 =	vld [tilespmem:$0x67E0];
	v1 =	vadd.s32 $0x2, v58;
	v0 =	vmul.f32 v0, v15  }
0x44b: {  	v19 =	vld [tilespmem:$0x69E0]  }
0x44c: {  	v20 =	vld [tilespmem:$0x6BE0];
	v2 =	vadd.s32 $0x2, v2;
	[tilespmem:$0x6FD0] =	vst v0  }
0x44d: {  	v3 =	vld.idx.msk [tilespmem:v3+s3+$0x0], $0xffff;
	_ =	sdelay $0x1  }
0x44e: {  	v7 =	vadd.f32 $9.999999930e-09, v18;
	v1 =	vld.idx.msk [tilespmem:v1+s3+$0x0], $0xffff  }
0x44f: {  	v0 =	vadd.f32 $9.999999930e-09, v19  }
0x450: {  	(erf) = vrcp.f32 v7;
	v2 =	vld.idx.msk [tilespmem:v2+s3+$0x0], $0xffff  }
0x451: {  	v21 =	vld [tilespmem:$0x61E0];
	v22 =	vadd.f32 $9.999999930e-09, v20;
	(erf) = vrcp.f32 v0;
	v3 =	vmul.f32 v3, v59;
	_ =	sdelay $0x1  }
0x452: {  	v23 =	vld [tilespmem:$0x63E0];
	(erf) = vrcp.f32 v22;
	v1 =	vmul.f32 v1, v60;
	v3 =	vadd.f32 $0.0e+00, v3;
	_ =	sdelay $0x1  }
0x453: {  	v26 =	vld [tilespmem:$0x65E0];
	v25 =	vmul.f32 v2, v62;
	v24 =	vadd.f32 v1, v3  }
0x454: {  	v27 =	vmul.u32 $0x3, v21  }
0x455: {  	v0 =	vadd.f32 v25, v24  }
0x456: {  	v28 =	vmul.u32 $0x3, v23  }
0x457: {  	v29 =	vpop (erf);
	v0 =	vmul.f32 v0, v15  }
0x458: {  	v2 =	vmul.u32 $0x3, v26;
	v30 =	vpop (erf)  }
0x459: {  	v31 =	vadd.f32 v30, v29;
	[tilespmem:$0x71D0] =	vst v0  }
0x45a: {  	v32 =	vpop (erf);
	v33 =	vld.idx.msk [tilespmem:v27+s3+$0x0], $0xffff  }
0x45b: {  	v0 =	vadd.f32 v32, v31  }
0x45c: {  	v34 =	vld.idx.msk [tilespmem:v28+s3+$0x0], $0xffff  }
0x45d: {  	(erf) = vrcp.f32 v0  }
0x45e: {  	v35 =	vld.idx.msk [tilespmem:v2+s3+$0x0], $0xffff  }
0x45f: {  	v7 =	vmul.f32 v33, v29;
	_ =	sdelay $0x1  }
0x460: {  	v8 =	vmul.f32 v34, v30;
	v7 =	vadd.f32 $0.0e+00, v7;
	_ =	sdelay $0x1  }
0x461: {  	v0 =	vmul.f32 v35, v32;
	v7 =	vadd.f32 v8, v7;
	_ =	sdelay $0x1  }
0x462: {  	v36 =	vadd.s32 $0x1, v27;
	v0 =	vadd.f32 v0, v7  }
0x463: {  	v37 =	vpop (erf)  }
0x464: {  	v38 =	vadd.s32 $0x1, v28;
	v0 =	vmul.f32 v0, v37;
	_ =	sdelay $0x1  }
0x465: {  	v39 =	vadd.s32 $0x1, v2;
	[tilespmem:$0x6DE0] =	vst v0  }
0x466: {  	v7 =	vld.idx.msk [tilespmem:v36+s3+$0x0], $0xffff;
	_ =	sdelay $0x1  }
0x467: {  	v9 =	vld.idx.msk [tilespmem:v38+s3+$0x0], $0xffff;
	_ =	sdelay $0x1  }
0x468: {  	v0 =	vld.idx.msk [tilespmem:v39+s3+$0x0], $0xffff  }
0x469: {  	v7 =	vmul.f32 v7, v29;
	_ =	sdelay $0x1  }
0x46a: {  	v9 =	vmul.f32 v9, v30;
	v7 =	vadd.f32 $0.0e+00, v7;
	_ =	sdelay $0x1  }
0x46b: {  	v0 =	vmul.f32 v0, v32;
	v7 =	vadd.f32 v9, v7;
	_ =	sdelay $0x1  }
0x46c: {  	v3 =	vadd.s32 $0x2, v27;
	v0 =	vadd.f32 v0, v7;
	_ =	sdelay $0x1  }
0x46d: {  	v40 =	vld [tilespmem:$0x67F0];
	v1 =	vadd.s32 $0x2, v28;
	v0 =	vmul.f32 v0, v37  }
0x46e: {  	v41 =	vld [tilespmem:$0x69F0]  }
0x46f: {  	v42 =	vld [tilespmem:$0x6BF0];
	v2 =	vadd.s32 $0x2, v2;
	[tilespmem:$0x6FE0] =	vst v0  }
0x470: {  	v3 =	vld.idx.msk [tilespmem:v3+s3+$0x0], $0xffff;
	_ =	sdelay $0x1  }
0x471: {  	v7 =	vadd.f32 $9.999999930e-09, v40;
	v1 =	vld.idx.msk [tilespmem:v1+s3+$0x0], $0xffff  }
0x472: {  	v0 =	vadd.f32 $9.999999930e-09, v41  }
0x473: {  	(erf) = vrcp.f32 v7;
	v2 =	vld.idx.msk [tilespmem:v2+s3+$0x0], $0xffff  }
0x474: {  	v43 =	vld [tilespmem:$0x61F0];
	v44 =	vadd.f32 $9.999999930e-09, v42;
	(erf) = vrcp.f32 v0;
	v3 =	vmul.f32 v3, v29;
	_ =	sdelay $0x1  }
0x475: {  	v45 =	vld [tilespmem:$0x63F0];
	(erf) = vrcp.f32 v44;
	v1 =	vmul.f32 v1, v30;
	v3 =	vadd.f32 $0.0e+00, v3;
	_ =	sdelay $0x1  }
0x476: {  	v48 =	vld [tilespmem:$0x65F0];
	v47 =	vmul.f32 v2, v32;
	v46 =	vadd.f32 v1, v3  }
0x477: {  	v49 =	vmul.u32 $0x3, v43  }
0x478: {  	v0 =	vadd.f32 v47, v46  }
0x479: {  	v50 =	vmul.u32 $0x3, v45  }
0x47a: {  	v51 =	vpop (erf);
	v0 =	vmul.f32 v0, v37  }
0x47b: {  	v2 =	vmul.u32 $0x3, v48;
	v52 =	vpop (erf)  }
0x47c: {  	v53 =	vadd.f32 v52, v51;
	[tilespmem:$0x71E0] =	vst v0  }
0x47d: {  	v54 =	vpop (erf);
	v55 =	vld.idx.msk [tilespmem:v49+s3+$0x0], $0xffff  }
0x47e: {  	v0 =	vadd.f32 v54, v53  }
0x47f: {  	v56 =	vld.idx.msk [tilespmem:v50+s3+$0x0], $0xffff  }
0x480: {  	(erf) = vrcp.f32 v0  }
0x481: {  	v57 =	vld.idx.msk [tilespmem:v2+s3+$0x0], $0xffff  }
0x482: {  	v7 =	vmul.f32 v55, v51;
	_ =	sdelay $0x1  }
0x483: {  	v8 =	vmul.f32 v56, v52;
	v7 =	vadd.f32 $0.0e+00, v7;
	_ =	sdelay $0x1  }
0x484: {  	v0 =	vmul.f32 v57, v54;
	v7 =	vadd.f32 v8, v7;
	_ =	sdelay $0x1  }
0x485: {  	v58 =	vadd.s32 $0x1, v49;
	v0 =	vadd.f32 v0, v7  }
0x486: {  	v59 =	vpop (erf)  }
0x487: {  	v60 =	vadd.s32 $0x1, v50;
	v0 =	vmul.f32 v0, v59;
	_ =	sdelay $0x1  }
0x488: {  	v61 =	vadd.s32 $0x1, v2;
	[tilespmem:$0x6DF0] =	vst v0  }
0x489: {  	v7 =	vld.idx.msk [tilespmem:v58+s3+$0x0], $0xffff;
	_ =	sdelay $0x1  }
0x48a: {  	v9 =	vld.idx.msk [tilespmem:v60+s3+$0x0], $0xffff;
	_ =	sdelay $0x1  }
0x48b: {  	v0 =	vld.idx.msk [tilespmem:v61+s3+$0x0], $0xffff  }
0x48c: {  	v7 =	vmul.f32 v7, v51;
	_ =	sdelay $0x1  }
0x48d: {  	v9 =	vmul.f32 v9, v52;
	v7 =	vadd.f32 $0.0e+00, v7;
	_ =	sdelay $0x1  }
0x48e: {  	v0 =	vmul.f32 v0, v54;
	v7 =	vadd.f32 v9, v7;
	_ =	sdelay $0x1  }
0x48f: {  	v3 =	vadd.s32 $0x2, v49;
	v0 =	vadd.f32 v0, v7;
	_ =	sdelay $0x1  }
0x490: {  	v1 =	vadd.s32 $0x2, v50;
	v0 =	vmul.f32 v0, v59;
	_ =	sdelay $0x1  }
0x491: {  	v62 =	vadd.s32 $0x2, v2;
	[tilespmem:$0x6FF0] =	vst v0  }
0x492: {  	v63 =	vld.idx.msk [tilespmem:v3+s3+$0x0], $0xffff;
	_ =	sdelay $0x1  }
0x493: {  	v1 =	vld.idx.msk [tilespmem:v1+s3+$0x0], $0xffff;
	_ =	sdelay $0x1  }
0x494: {  	v0 =	vld.idx.msk [tilespmem:v62+s3+$0x0], $0xffff  }
0x495: {  	v2 =	vmul.f32 v63, v51;
	_ =	sdelay $0x1  }
0x496: {  	v1 =	vmul.f32 v1, v52;
	v2 =	vadd.f32 $0.0e+00, v2;
	_ =	sdelay $0x1  }
0x497: {  	v0 =	vmul.f32 v0, v54;
	v1 =	vadd.f32 v1, v2;
	_ =	sdelay $0x1  }
0x498: {  	v0 =	vadd.f32 v0, v1;
	_ =	sdelay $0x1  }
0x499: {  	v0 =	vmul.f32 v0, v59;
	_ =	sdelay $0x1  }
0x49a: {  	[tilespmem:$0x71F0] =	vst v0  }
0x49b: {  	[hbm4b:s10+s3] =	stream.linear.scatter [tilespmem:s21], [sflag:$0x1], $0x200, $0x38;
	[tilespmem:$0x7200] =	vst v63  }
0x49c: {  	_ =	swait.ge [sflag:s14], $0x200  }
0x49d: {  	[sflag:s14] =	ssyncset.done $0x0  }
0x49e: {  	[sflag:s14] =	ssyncadd.s32 $0xFFFFFE00  }
0x49f: {  	[hbm4b:s11+s3] =	stream.linear.scatter [tilespmem:s22], [sflag:$0x1], $0x200, $0x38;
	[tilespmem:$0x7200] =	vst v63  }
0x4a0: {  	_ =	swait.ge [sflag:s14], $0x200  }
0x4a1: {  	p0 =	sne.s32 s13, $0x1;
	[sflag:s14] =	ssyncset.done $0x0  }
.Ltmp0:
0x4a2: {  	[sflag:s14] =	ssyncadd.s32 $0xFFFFFE00;
	(pc) =	sbr.rel @p0 .LBB2_1-.Ltmp0, $4  }
0x4a3: {  	[hbm4b:s12+s3] =	stream.linear.scatter [tilespmem:s23], [sflag:$0x1], $0x200, $0x38;
	[tilespmem:$0x7200] =	vst v63  }
0x4a4: {  	_ =	swait.ge [sflag:s14], $0x200  }
0x4a5: {  	[sflag:s14] =	ssyncset.done $0x0  }
0x4a6: {  	s13 =	sadd.s32 $0xFFFFFFFF, s13;
	[sflag:s14] =	ssyncadd.s32 $0xFFFFFE00  }
0x4a7: {  	_ =	sfence.sel $0x180000  }
0x4a8: {  	[bflag:$0x0] =	sbarrier.arrive $0xFFFF  }
0x4a9: {  	p0 =	sne.s32 s1, $0x0;
	_ =	strace $0x90000047  }
0x4aa: {  	s0 =	sadd.s32 @!p0 $0x100000, s0;
	[bflag:$0x2] =	sbarrier.arrive $0xFFFF  }
0x4ab: {  	[sflag:s0] =	ssyncadd.tile.s32 @!p0 $0x1;
	_ =	shalt  }
.Lfunc_end2:
_tile_overlayer_lowered:
.L_overlay_start_2:
0x4ac: {  	(tag) =	ssettag $0x2  }
0x4ad: {  	s0 =	rddreg [dreg:$0x0];
	s2 =	stileid.u32  }
0x4ae: {  	s1 =	rddreg [dreg:$0x1];
	p0 =	sne.s32 s2, $0x0  }
0x4af: {  	s3 =	rddreg [dreg:$0x2];
	[bflag:$0x3] =	sbarrier.arrive $0xFFFF;
	s2 =	simm.s32 @!p0 $0x1C01  }
0x4b0: {  	[timem:s3], [sflag:s2] =	dma.local @!p0 [hbm:s0], s1  }
0x4b1: {  	s0 =	simm.s32 @!p0 $0x1  }
0x4b2: {  	_ =	swait.ge @!p0 [sflag:s0], s1  }
0x4b3: {  	s1 =	ssub.s32 @!p0 $0x0, s1;
	[sflag:s0] =	ssyncset.done @!p0 $0x0  }
0x4b4: {  	[sflag:s0] =	ssyncadd.s32 @!p0 s1  }
0x4b5: {  	[bflag:$0x3] =	sbarrier.arrive $0xFFFF  }
0x4b6: {  	_ =	shalt  }

</sc_bundles>
